<compile_context>
chip_gen: v7x
topology: tpu7x:2x2x1
jax: 0.10.2.dev20260603
libtpu: 0.0.44.dev20260713+nightly
codegen_flags: <defaults>
</compile_context>

<pallas_src>
import functools

import jax
import jax.numpy as jnp
from jax import lax
from jax.experimental import pallas as pl
from jax.experimental.pallas import tpu as pltpu
from jax.experimental.pallas import tpu_sc as plsc

_N = 10000
_E = 320000
_D = 128
_H = 64

_NSUB = 16
_EPT = _E // _NSUB
_C = 80
_NCH = _EPT // _C
_RN = 3344
_NRANGE = 3
_AROWS = _RN + 8
_JUNK = _RN
_ZPT = 208

_NBLK = 1000
_EBLK = 2000


def _node_prep_body(x_ref, wsg, wdg, wdu, wsu, bsg, bdg, bdu, bsu,
                    s_ref, du_ref, xu_ref):
    x = x_ref[...]
    dims = (((1,), (1,)), ((), ()))
    sg = lax.dot_general(x, wsg[...], dims, preferred_element_type=jnp.float32) + bsg[...]
    dg = lax.dot_general(x, wdg[...], dims, preferred_element_type=jnp.float32) + bdg[...]
    du = lax.dot_general(x, wdu[...], dims, preferred_element_type=jnp.float32) + bdu[...]
    su = lax.dot_general(x, wsu[...], dims, preferred_element_type=jnp.float32) + bsu[...]
    s_ref[...] = sg
    du_ref[0] = jnp.concatenate([dg[:, :_H], du[:, :_H]], axis=1)
    du_ref[1] = jnp.concatenate([dg[:, _H:], du[:, _H:]], axis=1)
    xu_ref[...] = su


def _edge_prep_body(ef_ref, weg, beg, eg_ref):
    dims = (((1,), (1,)), ((), ()))
    eg = lax.dot_general(ef_ref[...], weg[...], dims,
                         preferred_element_type=jnp.float32) + beg[...]
    eg_ref[0] = eg[:, :_H]
    eg_ref[1] = eg[:, _H:]


def _sc_edge_body(scat, ducat, eeg, ii_hbm, jjc_hbm, iic_hbm,
                  y_out, msig_out, ab_out, stats_out,
                  ii0, ii1, jj0, jj1, is0, is1, sg0, sg1, dd0, dd1,
                  ee0, ee1, yy0, yy1, mf0, mf1, stat_b, ab_sh,
                  isem0, isem1, gsem0, gsem1, osem0, osem1):
    c = lax.axis_index("c")
    s = lax.axis_index("s")
    ch = c * _H
    II = (ii0, ii1)
    JJ = (jj0, jj1)
    IS = (is0, is1)
    SG = (sg0, sg1)
    DD = (dd0, dd1)
    EE = (ee0, ee1)
    YY = (yy0, yy1)
    MF = (mf0, mf1)
    ISEM = (isem0, isem1)
    GSEM = (gsem0, gsem1)
    OSEM = (osem0, osem1)

    zero16 = jnp.zeros((16,), jnp.float32)
    base0 = s * _EPT

    def zero_mf0():
        def zr(r, carry):
            for q in range(_D // 16):
                mf0[r, pl.ds(q * 16, 16)] = zero16
            return carry
        lax.fori_loop(0, _C, zr, 0)

    def zero_acc():
        off = s * _ZPT
        pltpu.sync_copy(mf0, ab_sh.at[pl.ds(off, _C)])
        pltpu.sync_copy(mf0, ab_sh.at[pl.ds(off + _C, _C)])
        pltpu.sync_copy(mf0.at[pl.ds(0, _ZPT - 2 * _C)],
                        ab_sh.at[pl.ds(off + 2 * _C, _ZPT - 2 * _C)])

        @pl.when(s == _NSUB - 1)
        def _():
            pltpu.sync_copy(mf0.at[pl.ds(0, _AROWS - _NSUB * _ZPT)],
                            ab_sh.at[pl.ds(_NSUB * _ZPT,
                                           _AROWS - _NSUB * _ZPT)])

    def flush(rng):
        obase = c * _RN
        pltpu.sync_copy(ab_sh.at[pl.ds(s * _ZPT, _ZPT)],
                        ab_out.at[pl.ds(obase + s * _ZPT, _ZPT)])

        @pl.when(s == _NSUB - 1)
        def _():
            pltpu.sync_copy(
                ab_sh.at[pl.ds(_NSUB * _ZPT, _RN - _NSUB * _ZPT)],
                ab_out.at[pl.ds(obase + _NSUB * _ZPT, _RN - _NSUB * _ZPT)])

    zero_mf0()
    for rr in range(8):
        for q in range(_H // 16):
            stat_b[rr, pl.ds(q * 16, 16)] = zero16
    zero_acc()
    plsc.subcore_barrier()

    def in_issue(k, b):
        base = base0 + k * _C
        pltpu.async_copy(ii_hbm.at[pl.ds(base, _C)], II[b], ISEM[b])
        pltpu.async_copy(jjc_hbm.at[pl.ds(c * _E + base, _C)], JJ[b], ISEM[b])
        pltpu.async_copy(eeg.at[pl.ds(c * _E + base, _C)], EE[b], ISEM[b])

    def in_wait(k, b):
        base = base0 + k * _C
        pltpu.make_async_copy(ii_hbm.at[pl.ds(base, _C)], II[b], ISEM[b]).wait()
        pltpu.make_async_copy(jjc_hbm.at[pl.ds(c * _E + base, _C)], JJ[b],
                              ISEM[b]).wait()
        pltpu.make_async_copy(eeg.at[pl.ds(c * _E + base, _C)], EE[b],
                              ISEM[b]).wait()

    def clamp(b):
        for t in range(_C // 16):
            sl = pl.ds(t * 16, 16)
            v = II[b][sl]
            IS[b][sl] = jnp.where(v < _RN, v, _JUNK)

    _GH = _C // 2

    def g_issue(b):
        for h in range(2):
            hs = pl.ds(h * _GH, _GH)
            pltpu.async_copy(scat.at[II[b].at[hs]], SG[b].at[hs], GSEM[b])
            pltpu.async_copy(ducat.at[JJ[b].at[hs]], DD[b].at[hs], GSEM[b])

    def g_wait(b):
        for h in range(2):
            hs = pl.ds(h * _GH, _GH)
            pltpu.make_async_copy(scat.at[II[b].at[hs]], SG[b].at[hs],
                                  GSEM[b]).wait()
            pltpu.make_async_copy(ducat.at[JJ[b].at[hs]], DD[b].at[hs],
                                  GSEM[b]).wait()

    def out_issue(k, b):
        base = base0 + k * _C
        pltpu.async_copy(YY[b], y_out.at[pl.ds(c * _E + base, _C)], OSEM[b])
        pltpu.async_copy(MF[b], msig_out.at[pl.ds(c * _E + base, _C)], OSEM[b])

    def out_drain(k, b):
        base = base0 + k * _C
        pltpu.make_async_copy(YY[b], y_out.at[pl.ds(c * _E + base, _C)],
                              OSEM[b]).wait()
        pltpu.make_async_copy(MF[b], msig_out.at[pl.ds(c * _E + base, _C)],
                              OSEM[b]).wait()

    def compute(b):
        def row(r, rcarry):
            for q in range(_H // 16):
                sl = pl.ds(q * 16, 16)
                yv = (SG[b][r, pl.ds(ch + q * 16, 16)] + DD[b][r, sl]
                      + EE[b][r, sl])
                YY[b][r, sl] = yv
                sig = 1.0 / (1.0 + jnp.exp(-yv))
                MF[b][r, sl] = DD[b][r, pl.ds(_H + q * 16, 16)] * sig
                MF[b][r, pl.ds(_H + q * 16, 16)] = sig
                stat_b[0, sl] = stat_b[0, sl] + yv
                stat_b[1, sl] = stat_b[1, sl] + yv * yv
            return rcarry
        lax.fori_loop(0, _C, row, 0)

    in_issue(0, 0)
    in_wait(0, 0)
    clamp(0)
    g_issue(0)
    in_issue(1, 1)

    def body1(k2, carry):
        k0 = 2 * k2
        k1 = k0 + 1

        @pl.when(k0 >= 1)
        def _():
            out_drain(k0 - 1, 1)

        in_wait(k1, 1)
        clamp(1)
        g_issue(1)
        g_wait(0)
        compute(0)
        ds0 = pltpu.async_copy(MF[0], ab_sh.at[IS[0]], GSEM[0], add=True)
        out_issue(k0, 0)

        @pl.when(k0 + 2 < _NCH)
        def _():
            in_issue(k0 + 2, 0)

        out_drain(k0, 0)
        ds0.wait()

        @pl.when(k1 + 1 < _NCH)
        def _():
            in_wait(k1 + 1, 0)
            clamp(0)
            g_issue(0)

        g_wait(1)
        compute(1)
        ds1 = pltpu.async_copy(MF[1], ab_sh.at[IS[1]], GSEM[1], add=True)
        out_issue(k1, 1)

        @pl.when(k1 + 2 < _NCH)
        def _():
            in_issue(k1 + 2, 1)

        ds1.wait()
        return carry

    lax.fori_loop(0, _NCH // 2, body1, 0)
    out_drain(_NCH - 1, (_NCH - 1) % 2)

    pltpu.sync_copy(stat_b, stats_out.at[pl.ds((c * _NSUB + s) * 8, 8)])
    plsc.subcore_barrier()
    flush(0)


def _sc_relay_body(msig_hbm, iic_hbm,
                   ab_out, is0, is1, mf0, mf1, zb, ab_sh,
                   isem0, isem1, osem0, osem1):
    c = lax.axis_index("c")
    s = lax.axis_index("s")
    IS = (is0, is1)
    MF = (mf0, mf1)
    ISEM = (isem0, isem1)
    OSEM = (osem0, osem1)

    zero16 = jnp.zeros((16,), jnp.float32)
    base0 = s * _EPT

    def zr(r, carry):
        for q in range(_D // 16):
            zb[r, pl.ds(q * 16, 16)] = zero16
        return carry

    lax.fori_loop(0, _C, zr, 0)

    def zero_acc():
        off = s * _ZPT
        pltpu.sync_copy(zb, ab_sh.at[pl.ds(off, _C)])
        pltpu.sync_copy(zb, ab_sh.at[pl.ds(off + _C, _C)])
        pltpu.sync_copy(zb.at[pl.ds(0, _ZPT - 2 * _C)],
                        ab_sh.at[pl.ds(off + 2 * _C, _ZPT - 2 * _C)])

        @pl.when(s == _NSUB - 1)
        def _():
            pltpu.sync_copy(zb.at[pl.ds(0, _AROWS - _NSUB * _ZPT)],
                            ab_sh.at[pl.ds(_NSUB * _ZPT,
                                           _AROWS - _NSUB * _ZPT)])

    def flush(rng):
        obase = (c * (_NRANGE - 1) + rng - 1) * _RN
        pltpu.sync_copy(ab_sh.at[pl.ds(s * _ZPT, _ZPT)],
                        ab_out.at[pl.ds(obase + s * _ZPT, _ZPT)])

        @pl.when(s == _NSUB - 1)
        def _():
            pltpu.sync_copy(
                ab_sh.at[pl.ds(_NSUB * _ZPT, _RN - _NSUB * _ZPT)],
                ab_out.at[pl.ds(obase + _NSUB * _ZPT, _RN - _NSUB * _ZPT)])

    zero_acc()
    plsc.subcore_barrier()

    for rng in range(1, _NRANGE):
        ibase = (rng - 1) * _E

        def rin_issue(k, b):
            base = base0 + k * _C
            pltpu.async_copy(iic_hbm.at[pl.ds(ibase + base, _C)], IS[b],
                             ISEM[b])
            pltpu.async_copy(msig_hbm.at[pl.ds(c * _E + base, _C)], MF[b],
                             ISEM[b])

        def rin_wait(k, b):
            base = base0 + k * _C
            pltpu.make_async_copy(iic_hbm.at[pl.ds(ibase + base, _C)], IS[b],
                                  ISEM[b]).wait()
            pltpu.make_async_copy(msig_hbm.at[pl.ds(c * _E + base, _C)], MF[b],
                                  ISEM[b]).wait()

        rin_issue(0, 0)
        rin_issue(1, 1)

        def body2(k2, carry):
            k0 = 2 * k2
            k1 = k0 + 1
            rin_wait(k0, 0)
            d0 = pltpu.async_copy(MF[0], ab_sh.at[IS[0]], OSEM[0], add=True)
            rin_wait(k1, 1)
            d1 = pltpu.async_copy(MF[1], ab_sh.at[IS[1]], OSEM[1], add=True)
            d0.wait()

            @pl.when(k0 + 2 < _NCH)
            def _():
                rin_issue(k0 + 2, 0)

            d1.wait()

            @pl.when(k1 + 2 < _NCH)
            def _():
                rin_issue(k1 + 2, 1)
            return carry

        lax.fori_loop(0, _NCH // 2, body2, 0)
        plsc.subcore_barrier()
        flush(rng)
        if rng < _NRANGE - 1:
            plsc.subcore_barrier()
            zero_acc()
            plsc.subcore_barrier()


def _node_fin1_body(a_ref, b_ref, xu_ref, xpre_ref, nstats_ref, acc):
    i = pl.program_id(0)

    @pl.when(i == 0)
    def _():
        acc[...] = jnp.zeros((2, _D), jnp.float32)

    xp = xu_ref[...] + a_ref[...] / (b_ref[...] + 1e-6)
    xpre_ref[...] = xp
    acc[0:1, :] = acc[0:1, :] + jnp.sum(xp, axis=0, keepdims=True)
    acc[1:2, :] = acc[1:2, :] + jnp.sum(xp * xp, axis=0, keepdims=True)
    nstats_ref[...] = acc[...]


def _node_fin2_body(xpre_ref, nf_ref, nstats_ref, gamma_ref, beta_ref, out_ref):
    mean = nstats_ref[0:1, :] / _N
    var = nstats_ref[1:2, :] / _N - mean * mean
    xp = xpre_ref[...]
    xn = (xp - mean) * lax.rsqrt(var + 1e-5) * gamma_ref[...] + beta_ref[...]
    out_ref[...] = nf_ref[...] + xn * jax.nn.sigmoid(xn)


def _edge_fin_body(y_ref, ef_ref, stats_ref, gamma_ref, beta_ref, out_ref):
    st = stats_ref[...].reshape(2, _NSUB, 8, _H)
    sums = jnp.sum(st, axis=1)
    halves = []
    for cc in range(2):
        mean = (sums[cc, 0, :] / _E).reshape(1, _H)
        var = (sums[cc, 1, :] / _E).reshape(1, _H) - mean * mean
        yv = y_ref[cc]
        g = gamma_ref[:, cc * _H:(cc + 1) * _H]
        bt = beta_ref[:, cc * _H:(cc + 1) * _H]
        yn = (yv - mean) * lax.rsqrt(var + 1e-5) * g + bt
        halves.append(yn * jax.nn.sigmoid(yn))
    out_ref[...] = ef_ref[...] + jnp.concatenate(halves, axis=1)


@jax.jit
def kernel(node_feats, edge_feats, edge_index, W_sg, b_sg, W_dg, b_dg,
           W_eg, b_eg, W_su, b_su, W_du, b_du, gamma_n, beta_n,
           gamma_e, beta_e):
    f32 = jnp.float32
    b_sg2 = b_sg.reshape(1, _D)
    b_dg2 = b_dg.reshape(1, _D)
    b_du2 = b_du.reshape(1, _D)
    b_su2 = b_su.reshape(1, _D)
    b_eg2 = b_eg.reshape(1, _D)

    n_grid = _N // _NBLK
    s_tab, du_tab, xu_tab = pl.pallas_call(
        _node_prep_body,
        grid=(n_grid,),
        in_specs=[
            pl.BlockSpec((_NBLK, _D), lambda i: (i, 0)),
            pl.BlockSpec((_D, _D), lambda i: (0, 0)),
            pl.BlockSpec((_D, _D), lambda i: (0, 0)),
            pl.BlockSpec((_D, _D), lambda i: (0, 0)),
            pl.BlockSpec((_D, _D), lambda i: (0, 0)),
            pl.BlockSpec((1, _D), lambda i: (0, 0)),
            pl.BlockSpec((1, _D), lambda i: (0, 0)),
            pl.BlockSpec((1, _D), lambda i: (0, 0)),
            pl.BlockSpec((1, _D), lambda i: (0, 0)),
        ],
        out_specs=[
            pl.BlockSpec((_NBLK, _D), lambda i: (i, 0)),
            pl.BlockSpec((2, _NBLK, _D), lambda i: (0, i, 0)),
            pl.BlockSpec((_NBLK, _D), lambda i: (i, 0)),
        ],
        out_shape=[
            jax.ShapeDtypeStruct((_N, _D), f32),
            jax.ShapeDtypeStruct((2, _N, _D), f32),
            jax.ShapeDtypeStruct((_N, _D), f32),
        ],
    )(node_feats, W_sg, W_dg, W_du, W_su, b_sg2, b_dg2, b_du2, b_su2)

    e_grid = _E // _EBLK
    eg_tab = pl.pallas_call(
        _edge_prep_body,
        grid=(e_grid,),
        in_specs=[
            pl.BlockSpec((_EBLK, _D), lambda i: (i, 0)),
            pl.BlockSpec((_D, _D), lambda i: (0, 0)),
            pl.BlockSpec((1, _D), lambda i: (0, 0)),
        ],
        out_specs=[pl.BlockSpec((2, _EBLK, _H), lambda i: (0, i, 0))],
        out_shape=[jax.ShapeDtypeStruct((2, _E, _H), f32)],
    )(edge_feats, W_eg, b_eg2)[0]

    scat = s_tab
    ducat = du_tab.reshape(2 * _N, _D)
    eeg = eg_tab.reshape(2 * _E, _H)
    idx_i = edge_index[0]
    idx_j = edge_index[1]
    jjcat = jnp.concatenate([idx_j, idx_j + _N])
    iic = []
    for rng in range(1, _NRANGE):
        lo = rng * _RN
        inr = jnp.logical_and(idx_i >= lo, idx_i < lo + _RN)
        iic.append(jnp.where(inr, idx_i - lo, _JUNK))
    iicat = jnp.concatenate(iic)

    mesh = plsc.VectorSubcoreMesh(core_axis_name="c", subcore_axis_name="s")
    sc_edge = functools.partial(
        pl.kernel,
        mesh=mesh,
        compiler_params=pltpu.CompilerParams(needs_layout_passes=False),
        out_type=[
            jax.ShapeDtypeStruct((2 * _E, _H), f32),
            jax.ShapeDtypeStruct((2 * _E, _D), f32),
            jax.ShapeDtypeStruct((2 * _RN, _D), f32),
            jax.ShapeDtypeStruct((2 * _NSUB * 8, _H), f32),
        ],
        scratch_types=(
            [pltpu.VMEM((_C,), jnp.int32)] * 6
            + [pltpu.VMEM((_C, _D), f32)] * 4
            + [pltpu.VMEM((_C, _H), f32)] * 4
            + [pltpu.VMEM((_C, _D), f32)] * 2
            + [pltpu.VMEM((8, _H), f32)]
            + [pltpu.VMEM_SHARED((_AROWS, _D), f32)]
            + [pltpu.SemaphoreType.DMA] * 6
        ),
    )(_sc_edge_body)
    y_flat, msig, ab0_flat, sc_stats = sc_edge(
        scat, ducat, eeg, idx_i, jjcat, iicat)

    sc_relay = functools.partial(
        pl.kernel,
        mesh=mesh,
        compiler_params=pltpu.CompilerParams(needs_layout_passes=False),
        out_type=[
            jax.ShapeDtypeStruct((2 * (_NRANGE - 1) * _RN, _D), f32),
        ],
        scratch_types=(
            [pltpu.VMEM((_C,), jnp.int32)] * 2
            + [pltpu.VMEM((_C, _D), f32)] * 3
            + [pltpu.VMEM_SHARED((_AROWS, _D), f32)]
            + [pltpu.SemaphoreType.DMA] * 4
        ),
    )(_sc_relay_body)
    ab12_flat = sc_relay(msig, iicat)[0]

    ab0 = ab0_flat.reshape(2, _RN, _D)
    ab12 = ab12_flat.reshape(2, (_NRANGE - 1) * _RN, _D)
    ab = jnp.concatenate([ab0, ab12], axis=1)[:, :_N, :]
    a_tab = jnp.concatenate([ab[0, :, :_H], ab[1, :, :_H]], axis=1)
    b_tab = jnp.concatenate([ab[0, :, _H:], ab[1, :, _H:]], axis=1)
    y_tab = y_flat.reshape(2, _E, _H)

    xpre, nstats = pl.pallas_call(
        _node_fin1_body,
        grid=(n_grid,),
        in_specs=[
            pl.BlockSpec((_NBLK, _D), lambda i: (i, 0)),
            pl.BlockSpec((_NBLK, _D), lambda i: (i, 0)),
            pl.BlockSpec((_NBLK, _D), lambda i: (i, 0)),
        ],
        out_specs=[
            pl.BlockSpec((_NBLK, _D), lambda i: (i, 0)),
            pl.BlockSpec((2, _D), lambda i: (0, 0)),
        ],
        out_shape=[
            jax.ShapeDtypeStruct((_N, _D), f32),
            jax.ShapeDtypeStruct((2, _D), f32),
        ],
        scratch_shapes=[pltpu.VMEM((2, _D), f32)],
    )(a_tab, b_tab, xu_tab)

    x_out = pl.pallas_call(
        _node_fin2_body,
        grid=(n_grid,),
        in_specs=[
            pl.BlockSpec((_NBLK, _D), lambda i: (i, 0)),
            pl.BlockSpec((_NBLK, _D), lambda i: (i, 0)),
            pl.BlockSpec((2, _D), lambda i: (0, 0)),
            pl.BlockSpec((1, _D), lambda i: (0, 0)),
            pl.BlockSpec((1, _D), lambda i: (0, 0)),
        ],
        out_specs=pl.BlockSpec((_NBLK, _D), lambda i: (i, 0)),
        out_shape=jax.ShapeDtypeStruct((_N, _D), f32),
    )(xpre, node_feats, nstats, gamma_n.reshape(1, _D), beta_n.reshape(1, _D))

    y_out = pl.pallas_call(
        _edge_fin_body,
        grid=(e_grid,),
        in_specs=[
            pl.BlockSpec((2, _EBLK, _H), lambda i: (0, i, 0)),
            pl.BlockSpec((_EBLK, _D), lambda i: (i, 0)),
            pl.BlockSpec((2 * _NSUB * 8, _H), lambda i: (0, 0)),
            pl.BlockSpec((1, _D), lambda i: (0, 0)),
            pl.BlockSpec((1, _D), lambda i: (0, 0)),
        ],
        out_specs=pl.BlockSpec((_EBLK, _D), lambda i: (i, 0)),
        out_shape=jax.ShapeDtypeStruct((_E, _D), f32),
    )(y_tab, edge_feats, sc_stats, gamma_e.reshape(1, _D), beta_e.reshape(1, _D))

    return (x_out, y_out)

# --- scband reference (transcript-rebuilt; emitter-appended) ---
"""Pipeline reference for scband-edge-gated-graph-conv-13511967113851 (READ-ONLY COPY).

The authoritative reference and input builder live on the scoring server;
editing this copy changes nothing except your own understanding.
"""

import jax, jax.numpy as jnp
import numpy as np

N = 10000
E = 320000
D = 128


def _linear(x, W, b):
    return x @ W.T + b


def _batchnorm(x, gamma, beta):
    mean = jnp.mean(x, axis=0)
    var = jnp.var(x, axis=0)
    return gamma * (x - mean) / jnp.sqrt(var + 1e-5) + beta


def setup_inputs(seed: int = 0) -> dict:
    key = jax.random.key(seed)
    ks = jax.random.split(key, 16)
    inp = {}
    inp["node_feats"] = jax.random.normal(ks[0], (N, D), dtype=jnp.float32)
    inp["edge_feats"] = jax.random.normal(ks[1], (E, D), dtype=jnp.float32)
    inp["edge_index"] = jax.random.randint(ks[2], (2, E), 0, N, dtype=jnp.int32)
    scale = 1.0 / np.sqrt(D)
    names = ["sg", "dg", "eg", "su", "du"]
    for i, nm in enumerate(names):
        kw = jax.random.fold_in(ks[3], i)
        kb = jax.random.fold_in(ks[4], i)
        inp["W_" + nm] = jax.random.uniform(kw, (D, D), minval=-scale, maxval=scale, dtype=jnp.float32)
        inp["b_" + nm] = jax.random.uniform(kb, (D,), minval=-scale, maxval=scale, dtype=jnp.float32)
    inp["gamma_n"] = jnp.ones((D,), dtype=jnp.float32)
    inp["beta_n"] = jnp.zeros((D,), dtype=jnp.float32)
    inp["gamma_e"] = jnp.ones((D,), dtype=jnp.float32)
    inp["beta_e"] = jnp.zeros((D,), dtype=jnp.float32)
    return inp


def reference(node_feats, edge_feats, edge_index, W_sg, b_sg, W_dg, b_dg, W_eg, b_eg, W_su, b_su, W_du, b_du, gamma_n, beta_n, gamma_e, beta_e):
    idx_i = edge_index[0]
    idx_j = edge_index[1]
    e_src = _linear(node_feats, W_sg, b_sg)[idx_i]
    e_dst = _linear(node_feats, W_dg, b_dg)[idx_j]
    y = e_src + e_dst + _linear(edge_feats, W_eg, b_eg)
    sigma = jax.nn.sigmoid(y)
    bh = _linear(node_feats, W_du, b_du)[idx_j]
    m = bh * sigma
    sum_sigma_h = jax.ops.segment_sum(m, idx_i, num_segments=N)
    sum_sigma = jax.ops.segment_sum(sigma, idx_i, num_segments=N)
    h = sum_sigma_h / (sum_sigma + 1e-6)
    x = _linear(node_feats, W_su, b_su) + h
    x = jax.nn.silu(_batchnorm(x, gamma_n, beta_n))
    y_out = jax.nn.silu(_batchnorm(y, gamma_e, beta_e))
    x = node_feats + x
    y_out = edge_feats + y_out
    return (x, y_out)

if __name__ == "__main__":
    import jax
    _d = setup_inputs()
    print(jax.jit(kernel)(*tuple(_d.values())))

</pallas_src>

<mosaic_0001>
#map = affine_map<(d0, d1) -> (0, 0)>
#map1 = affine_map<(d0, d1) -> (0)>
module attributes {stable_mosaic.version = 14 : i64} {
  func.func @_sc_relay_body(%arg0: i32, %arg1: i32, %arg2: memref<640000x128xf32, #tpu.memory_space<hbm>>, %arg3: memref<640000xi32, #tpu.memory_space<hbm>>, %arg4: memref<13376x128xf32, #tpu.memory_space<hbm>>, %arg5: memref<80xi32, #tpu.memory_space<vmem>>, %arg6: memref<80xi32, #tpu.memory_space<vmem>>, %arg7: memref<80x128xf32, #tpu.memory_space<vmem>>, %arg8: memref<80x128xf32, #tpu.memory_space<vmem>>, %arg9: memref<80x128xf32, #tpu.memory_space<vmem>>, %arg10: memref<3352x128xf32, #tpu.memory_space<vmem_shared>>, %arg11: memref<!tpu.dma_semaphore, #tpu.memory_space<semaphore_mem>>, %arg12: memref<!tpu.dma_semaphore, #tpu.memory_space<semaphore_mem>>, %arg13: memref<!tpu.dma_semaphore, #tpu.memory_space<semaphore_mem>>, %arg14: memref<!tpu.dma_semaphore, #tpu.memory_space<semaphore_mem>>) attributes {dimension_semantics = [#tpu.dimension_semantics<core_parallel>, #tpu.dimension_semantics<subcore_parallel>], iteration_bounds = array<i64: 2, 16>, scalar_prefetch = 0 : i64, scratch_operands = 10 : i64, tpu.core_type = #tpu.core_type<sc_vector_subcore>, window_params = [{transform_indices = #map}, {transform_indices = #map1}, {transform_indices = #map}]} {
    %broadcast_in_dim3A = arith.constant 0.000000e+00 : f32
    %broadcast_in_dim3A_0 = vector.broadcast %broadcast_in_dim3A : f32 to vector<16xf32>
    %mul3A = arith.constant 20000 : i32
    %mul3A_1 = arith.muli %arg1, %mul3A : i32
    %scan3A = arith.constant 0 : i32
    %scan3A_2 = arith.constant 0 : i32
    %scan3A_3 = arith.constant 80 : i32
    %scan3A_4 = arith.addi %scan3A_2, %scan3A_3 : i32
    %scan3A_5 = arith.constant 1 : i32
    scf.for %scan3A_127 = %scan3A_2 to %scan3A_4 step %scan3A_5  : i32 {
      %swap3A = arith.index_cast %scan3A_127 : i32 to index
      %swap3A_128 = arith.constant 0 : index
      %swap3A_129 = tpu.vector_load %arg9[%swap3A, %swap3A_128] {strides = array<i32>} : memref<80x128xf32, #tpu.memory_space<vmem>>, vector<16xf32>,
      tpu.vector_store %arg9[%swap3A, %swap3A_128], %broadcast_in_dim3A_0 {strides = array<i32>} : memref<80x128xf32, #tpu.memory_space<vmem>>, vector<16xf32>,
      %swap3A_130 = arith.index_cast %scan3A_127 : i32 to index
      %swap3A_131 = arith.constant 16 : index
      %swap3A_132 = tpu.vector_load %arg9[%swap3A_130, %swap3A_131] {strides = array<i32>} : memref<80x128xf32, #tpu.memory_space<vmem>>, vector<16xf32>,
      tpu.vector_store %arg9[%swap3A_130, %swap3A_131], %broadcast_in_dim3A_0 {strides = array<i32>} : memref<80x128xf32, #tpu.memory_space<vmem>>, vector<16xf32>,
      %swap3A_133 = arith.index_cast %scan3A_127 : i32 to index
      %swap3A_134 = arith.constant 32 : index
      %swap3A_135 = tpu.vector_load %arg9[%swap3A_133, %swap3A_134] {strides = array<i32>} : memref<80x128xf32, #tpu.memory_space<vmem>>, vector<16xf32>,
      tpu.vector_store %arg9[%swap3A_133, %swap3A_134], %broadcast_in_dim3A_0 {strides = array<i32>} : memref<80x128xf32, #tpu.memory_space<vmem>>, vector<16xf32>,
      %swap3A_136 = arith.index_cast %scan3A_127 : i32 to index
      %swap3A_137 = arith.constant 48 : index
      %swap3A_138 = tpu.vector_load %arg9[%swap3A_136, %swap3A_137] {strides = array<i32>} : memref<80x128xf32, #tpu.memory_space<vmem>>, vector<16xf32>,
      tpu.vector_store %arg9[%swap3A_136, %swap3A_137], %broadcast_in_dim3A_0 {strides = array<i32>} : memref<80x128xf32, #tpu.memory_space<vmem>>, vector<16xf32>,
      %swap3A_139 = arith.index_cast %scan3A_127 : i32 to index
      %swap3A_140 = arith.constant 64 : index
      %swap3A_141 = tpu.vector_load %arg9[%swap3A_139, %swap3A_140] {strides = array<i32>} : memref<80x128xf32, #tpu.memory_space<vmem>>, vector<16xf32>,
      tpu.vector_store %arg9[%swap3A_139, %swap3A_140], %broadcast_in_dim3A_0 {strides = array<i32>} : memref<80x128xf32, #tpu.memory_space<vmem>>, vector<16xf32>,
      %swap3A_142 = arith.index_cast %scan3A_127 : i32 to index
      %swap3A_143 = arith.constant 80 : index
      %swap3A_144 = tpu.vector_load %arg9[%swap3A_142, %swap3A_143] {strides = array<i32>} : memref<80x128xf32, #tpu.memory_space<vmem>>, vector<16xf32>,
      tpu.vector_store %arg9[%swap3A_142, %swap3A_143], %broadcast_in_dim3A_0 {strides = array<i32>} : memref<80x128xf32, #tpu.memory_space<vmem>>, vector<16xf32>,
      %swap3A_145 = arith.index_cast %scan3A_127 : i32 to index
      %swap3A_146 = arith.constant 96 : index
      %swap3A_147 = tpu.vector_load %arg9[%swap3A_145, %swap3A_146] {strides = array<i32>} : memref<80x128xf32, #tpu.memory_space<vmem>>, vector<16xf32>,
      tpu.vector_store %arg9[%swap3A_145, %swap3A_146], %broadcast_in_dim3A_0 {strides = array<i32>} : memref<80x128xf32, #tpu.memory_space<vmem>>, vector<16xf32>,
      %swap3A_148 = arith.index_cast %scan3A_127 : i32 to index
      %swap3A_149 = arith.constant 112 : index
      %swap3A_150 = tpu.vector_load %arg9[%swap3A_148, %swap3A_149] {strides = array<i32>} : memref<80x128xf32, #tpu.memory_space<vmem>>, vector<16xf32>,
      tpu.vector_store %arg9[%swap3A_148, %swap3A_149], %broadcast_in_dim3A_0 {strides = array<i32>} : memref<80x128xf32, #tpu.memory_space<vmem>>, vector<16xf32>,
    }
    %scan3A_6 = arith.constant 80 : i32
    %mul3A_7 = arith.constant 208 : i32
    %mul3A_8 = arith.muli %arg1, %mul3A_7 : i32
    "tpu.region"() ({
      %run_scoped3A = tpu.sem_alloc : memref<!tpu.dma_semaphore, #tpu.memory_space<semaphore_mem>>
      %dma_start3A_127 = arith.constant 0 : i32
      %dma_start3A_128 = tpu.memref_slice %arg10[%mul3A_8, %dma_start3A_127] : memref<3352x128xf32, #tpu.memory_space<vmem_shared>> -> memref<80x128xf32, #tpu.memory_space<vmem_shared>>
      %dma_start3A_129 = arith.constant 0 : i32
      %dma_start3A_130 = tpu.memref_slice %arg10[%mul3A_8, %dma_start3A_129] : memref<3352x128xf32, #tpu.memory_space<vmem_shared>> -> memref<80x128xf32, #tpu.memory_space<vmem_shared>>
      tpu.enqueue_dma source(%arg9 : memref<80x128xf32, #tpu.memory_space<vmem>>) target(%dma_start3A_130 : memref<80x128xf32, #tpu.memory_space<vmem_shared>>) target_semaphore(%run_scoped3A : memref<!tpu.dma_semaphore, #tpu.memory_space<semaphore_mem>>)
      %dma_wait3A = arith.constant 0 : i32
      %dma_wait3A_131 = tpu.memref_slice %arg10[%mul3A_8, %dma_wait3A] : memref<3352x128xf32, #tpu.memory_space<vmem_shared>> -> memref<80x128xf32, #tpu.memory_space<vmem_shared>>
      %dma_wait3A_132 = arith.constant 0 : i32
      %dma_wait3A_133 = tpu.memref_slice %arg10[%mul3A_8, %dma_wait3A_132] : memref<3352x128xf32, #tpu.memory_space<vmem_shared>> -> memref<80x128xf32, #tpu.memory_space<vmem_shared>>
      tpu.wait_dma2 semaphore(%run_scoped3A : memref<!tpu.dma_semaphore, #tpu.memory_space<semaphore_mem>>) src(%arg9 : memref<80x128xf32, #tpu.memory_space<vmem>>) dst(%dma_wait3A_133 : memref<80x128xf32, #tpu.memory_space<vmem_shared>>)
      tpu.yield
    }) : () -> ()
    %add3A = arith.constant 80 : i32
    %add3A_9 = arith.addi %mul3A_8, %add3A : i32
    "tpu.region"() ({
      %run_scoped3A = tpu.sem_alloc : memref<!tpu.dma_semaphore, #tpu.memory_space<semaphore_mem>>
      %dma_start3A_127 = arith.constant 0 : i32
      %dma_start3A_128 = tpu.memref_slice %arg10[%add3A_9, %dma_start3A_127] : memref<3352x128xf32, #tpu.memory_space<vmem_shared>> -> memref<80x128xf32, #tpu.memory_space<vmem_shared>>
      %dma_start3A_129 = arith.constant 0 : i32
      %dma_start3A_130 = tpu.memref_slice %arg10[%add3A_9, %dma_start3A_129] : memref<3352x128xf32, #tpu.memory_space<vmem_shared>> -> memref<80x128xf32, #tpu.memory_space<vmem_shared>>
      tpu.enqueue_dma source(%arg9 : memref<80x128xf32, #tpu.memory_space<vmem>>) target(%dma_start3A_130 : memref<80x128xf32, #tpu.memory_space<vmem_shared>>) target_semaphore(%run_scoped3A : memref<!tpu.dma_semaphore, #tpu.memory_space<semaphore_mem>>)
      %dma_wait3A = arith.constant 0 : i32
      %dma_wait3A_131 = tpu.memref_slice %arg10[%add3A_9, %dma_wait3A] : memref<3352x128xf32, #tpu.memory_space<vmem_shared>> -> memref<80x128xf32, #tpu.memory_space<vmem_shared>>
      %dma_wait3A_132 = arith.constant 0 : i32
      %dma_wait3A_133 = tpu.memref_slice %arg10[%add3A_9, %dma_wait3A_132] : memref<3352x128xf32, #tpu.memory_space<vmem_shared>> -> memref<80x128xf32, #tpu.memory_space<vmem_shared>>
      tpu.wait_dma2 semaphore(%run_scoped3A : memref<!tpu.dma_semaphore, #tpu.memory_space<semaphore_mem>>) src(%arg9 : memref<80x128xf32, #tpu.memory_space<vmem>>) dst(%dma_wait3A_133 : memref<80x128xf32, #tpu.memory_space<vmem_shared>>)
      tpu.yield
    }) : () -> ()
    %add3A_10 = arith.constant 160 : i32
    %add3A_11 = arith.addi %mul3A_8, %add3A_10 : i32
    "tpu.region"() ({
      %run_scoped3A = tpu.sem_alloc : memref<!tpu.dma_semaphore, #tpu.memory_space<semaphore_mem>>
      %dma_start3A_127 = arith.constant 0 : i32
      %dma_start3A_128 = arith.constant 0 : i32
      %dma_start3A_129 = tpu.memref_slice %arg9[%dma_start3A_127, %dma_start3A_128] : memref<80x128xf32, #tpu.memory_space<vmem>> -> memref<48x128xf32, #tpu.memory_space<vmem>>
      %dma_start3A_130 = arith.constant 0 : i32
      %dma_start3A_131 = tpu.memref_slice %arg10[%add3A_11, %dma_start3A_130] : memref<3352x128xf32, #tpu.memory_space<vmem_shared>> -> memref<48x128xf32, #tpu.memory_space<vmem_shared>>
      %dma_start3A_132 = arith.constant 0 : i32
      %dma_start3A_133 = tpu.memref_slice %arg10[%add3A_11, %dma_start3A_132] : memref<3352x128xf32, #tpu.memory_space<vmem_shared>> -> memref<48x128xf32, #tpu.memory_space<vmem_shared>>
      %dma_start3A_134 = arith.constant 0 : i32
      %dma_start3A_135 = arith.constant 0 : i32
      %dma_start3A_136 = tpu.memref_slice %arg9[%dma_start3A_134, %dma_start3A_135] : memref<80x128xf32, #tpu.memory_space<vmem>> -> memref<48x128xf32, #tpu.memory_space<vmem>>
      tpu.enqueue_dma source(%dma_start3A_136 : memref<48x128xf32, #tpu.memory_space<vmem>>) target(%dma_start3A_133 : memref<48x128xf32, #tpu.memory_space<vmem_shared>>) target_semaphore(%run_scoped3A : memref<!tpu.dma_semaphore, #tpu.memory_space<semaphore_mem>>)
      %dma_wait3A = arith.constant 0 : i32
      %dma_wait3A_137 = arith.constant 0 : i32
      %dma_wait3A_138 = tpu.memref_slice %arg9[%dma_wait3A, %dma_wait3A_137] : memref<80x128xf32, #tpu.memory_space<vmem>> -> memref<48x128xf32, #tpu.memory_space<vmem>>
      %dma_wait3A_139 = arith.constant 0 : i32
      %dma_wait3A_140 = tpu.memref_slice %arg10[%add3A_11, %dma_wait3A_139] : memref<3352x128xf32, #tpu.memory_space<vmem_shared>> -> memref<48x128xf32, #tpu.memory_space<vmem_shared>>
      %dma_wait3A_141 = arith.constant 0 : i32
      %dma_wait3A_142 = tpu.memref_slice %arg10[%add3A_11, %dma_wait3A_141] : memref<3352x128xf32, #tpu.memory_space<vmem_shared>> -> memref<48x128xf32, #tpu.memory_space<vmem_shared>>
      %dma_wait3A_143 = arith.constant 0 : i32
      %dma_wait3A_144 = arith.constant 0 : i32
      %dma_wait3A_145 = tpu.memref_slice %arg9[%dma_wait3A_143, %dma_wait3A_144] : memref<80x128xf32, #tpu.memory_space<vmem>> -> memref<48x128xf32, #tpu.memory_space<vmem>>
      tpu.wait_dma2 semaphore(%run_scoped3A : memref<!tpu.dma_semaphore, #tpu.memory_space<semaphore_mem>>) src(%dma_wait3A_145 : memref<48x128xf32, #tpu.memory_space<vmem>>) dst(%dma_wait3A_142 : memref<48x128xf32, #tpu.memory_space<vmem_shared>>)
      tpu.yield
    }) : () -> ()
    %eq3A = arith.constant 15 : i32
    %eq3A_12 = arith.cmpi eq, %arg1, %eq3A : i32
    %convert_element_type3A = arith.extui %eq3A_12 : i1 to i32
    %cond3A = arith.constant 0 : i32
    %cond3A_13 = arith.cmpi ne, %convert_element_type3A, %cond3A : i32
    scf.if %cond3A_13 {
      "tpu.region"() ({
        %run_scoped3A = tpu.sem_alloc : memref<!tpu.dma_semaphore, #tpu.memory_space<semaphore_mem>>
        %dma_start3A_127 = arith.constant 0 : i32
        %dma_start3A_128 = arith.constant 0 : i32
        %dma_start3A_129 = tpu.memref_slice %arg9[%dma_start3A_127, %dma_start3A_128] : memref<80x128xf32, #tpu.memory_space<vmem>> -> memref<24x128xf32, #tpu.memory_space<vmem>>
        %dma_start3A_130 = arith.constant 3328 : i32
        %dma_start3A_131 = arith.constant 0 : i32
        %dma_start3A_132 = tpu.memref_slice %arg10[%dma_start3A_130, %dma_start3A_131] : memref<3352x128xf32, #tpu.memory_space<vmem_shared>> -> memref<24x128xf32, #tpu.memory_space<vmem_shared>>
        %dma_start3A_133 = arith.constant 3328 : i32
        %dma_start3A_134 = arith.constant 0 : i32
        %dma_start3A_135 = tpu.memref_slice %arg10[%dma_start3A_133, %dma_start3A_134] : memref<3352x128xf32, #tpu.memory_space<vmem_shared>> -> memref<24x128xf32, #tpu.memory_space<vmem_shared>>
        %dma_start3A_136 = arith.constant 0 : i32
        %dma_start3A_137 = arith.constant 0 : i32
        %dma_start3A_138 = tpu.memref_slice %arg9[%dma_start3A_136, %dma_start3A_137] : memref<80x128xf32, #tpu.memory_space<vmem>> -> memref<24x128xf32, #tpu.memory_space<vmem>>
        tpu.enqueue_dma source(%dma_start3A_138 : memref<24x128xf32, #tpu.memory_space<vmem>>) target(%dma_start3A_135 : memref<24x128xf32, #tpu.memory_space<vmem_shared>>) target_semaphore(%run_scoped3A : memref<!tpu.dma_semaphore, #tpu.memory_space<semaphore_mem>>)
        %dma_wait3A = arith.constant 0 : i32
        %dma_wait3A_139 = arith.constant 0 : i32
        %dma_wait3A_140 = tpu.memref_slice %arg9[%dma_wait3A, %dma_wait3A_139] : memref<80x128xf32, #tpu.memory_space<vmem>> -> memref<24x128xf32, #tpu.memory_space<vmem>>
        %dma_wait3A_141 = arith.constant 3328 : i32
        %dma_wait3A_142 = arith.constant 0 : i32
        %dma_wait3A_143 = tpu.memref_slice %arg10[%dma_wait3A_141, %dma_wait3A_142] : memref<3352x128xf32, #tpu.memory_space<vmem_shared>> -> memref<24x128xf32, #tpu.memory_space<vmem_shared>>
        %dma_wait3A_144 = arith.constant 3328 : i32
        %dma_wait3A_145 = arith.constant 0 : i32
        %dma_wait3A_146 = tpu.memref_slice %arg10[%dma_wait3A_144, %dma_wait3A_145] : memref<3352x128xf32, #tpu.memory_space<vmem_shared>> -> memref<24x128xf32, #tpu.memory_space<vmem_shared>>
        %dma_wait3A_147 = arith.constant 0 : i32
        %dma_wait3A_148 = arith.constant 0 : i32
        %dma_wait3A_149 = tpu.memref_slice %arg9[%dma_wait3A_147, %dma_wait3A_148] : memref<80x128xf32, #tpu.memory_space<vmem>> -> memref<24x128xf32, #tpu.memory_space<vmem>>
        tpu.wait_dma2 semaphore(%run_scoped3A : memref<!tpu.dma_semaphore, #tpu.memory_space<semaphore_mem>>) src(%dma_wait3A_149 : memref<24x128xf32, #tpu.memory_space<vmem>>) dst(%dma_wait3A_146 : memref<24x128xf32, #tpu.memory_space<vmem_shared>>)
        tpu.yield
      }) : () -> ()
    } else {
    }
    %barrier3A = arith.constant 0 : index
    tpu.barrier barrier_id(%barrier3A)
    %add3A_14 = arith.constant 0 : i32
    %add3A_15 = arith.addi %mul3A_1, %add3A_14 : i32
    %add3A_16 = arith.constant 0 : i32
    %add3A_17 = arith.addi %add3A_16, %add3A_15 : i32
    %dma_start3A = tpu.memref_slice %arg3[%add3A_17] : memref<640000xi32, #tpu.memory_space<hbm>> -> memref<80xi32, #tpu.memory_space<hbm>>
    %dma_start3A_18 = tpu.memref_slice %arg3[%add3A_17] : memref<640000xi32, #tpu.memory_space<hbm>> -> memref<80xi32, #tpu.memory_space<hbm>>
    tpu.enqueue_dma source(%dma_start3A_18 : memref<80xi32, #tpu.memory_space<hbm>>) target(%arg5 : memref<80xi32, #tpu.memory_space<vmem>>) target_semaphore(%arg11 : memref<!tpu.dma_semaphore, #tpu.memory_space<semaphore_mem>>)
    %mul3A_19 = arith.constant 320000 : i32
    %mul3A_20 = arith.muli %arg0, %mul3A_19 : i32
    %add3A_21 = arith.addi %mul3A_20, %add3A_15 : i32
    %dma_start3A_22 = arith.constant 0 : i32
    %dma_start3A_23 = tpu.memref_slice %arg2[%add3A_21, %dma_start3A_22] : memref<640000x128xf32, #tpu.memory_space<hbm>> -> memref<80x128xf32, #tpu.memory_space<hbm>>
    %dma_start3A_24 = arith.constant 0 : i32
    %dma_start3A_25 = tpu.memref_slice %arg2[%add3A_21, %dma_start3A_24] : memref<640000x128xf32, #tpu.memory_space<hbm>> -> memref<80x128xf32, #tpu.memory_space<hbm>>
    tpu.enqueue_dma source(%dma_start3A_25 : memref<80x128xf32, #tpu.memory_space<hbm>>) target(%arg7 : memref<80x128xf32, #tpu.memory_space<vmem>>) target_semaphore(%arg11 : memref<!tpu.dma_semaphore, #tpu.memory_space<semaphore_mem>>)
    %add3A_26 = arith.constant 80 : i32
    %add3A_27 = arith.addi %mul3A_1, %add3A_26 : i32
    %add3A_28 = arith.constant 0 : i32
    %add3A_29 = arith.addi %add3A_28, %add3A_27 : i32
    %dma_start3A_30 = tpu.memref_slice %arg3[%add3A_29] : memref<640000xi32, #tpu.memory_space<hbm>> -> memref<80xi32, #tpu.memory_space<hbm>>
    %dma_start3A_31 = tpu.memref_slice %arg3[%add3A_29] : memref<640000xi32, #tpu.memory_space<hbm>> -> memref<80xi32, #tpu.memory_space<hbm>>
    tpu.enqueue_dma source(%dma_start3A_31 : memref<80xi32, #tpu.memory_space<hbm>>) target(%arg6 : memref<80xi32, #tpu.memory_space<vmem>>) target_semaphore(%arg12 : memref<!tpu.dma_semaphore, #tpu.memory_space<semaphore_mem>>)
    %mul3A_32 = arith.constant 320000 : i32
    %mul3A_33 = arith.muli %arg0, %mul3A_32 : i32
    %add3A_34 = arith.addi %mul3A_33, %add3A_27 : i32
    %dma_start3A_35 = arith.constant 0 : i32
    %dma_start3A_36 = tpu.memref_slice %arg2[%add3A_34, %dma_start3A_35] : memref<640000x128xf32, #tpu.memory_space<hbm>> -> memref<80x128xf32, #tpu.memory_space<hbm>>
    %dma_start3A_37 = arith.constant 0 : i32
    %dma_start3A_38 = tpu.memref_slice %arg2[%add3A_34, %dma_start3A_37] : memref<640000x128xf32, #tpu.memory_space<hbm>> -> memref<80x128xf32, #tpu.memory_space<hbm>>
    tpu.enqueue_dma source(%dma_start3A_38 : memref<80x128xf32, #tpu.memory_space<hbm>>) target(%arg8 : memref<80x128xf32, #tpu.memory_space<vmem>>) target_semaphore(%arg12 : memref<!tpu.dma_semaphore, #tpu.memory_space<semaphore_mem>>)
    %scan3A_39 = arith.constant 0 : i32
    %scan3A_40 = arith.constant 0 : i32
    %scan3A_41 = arith.constant 125 : i32
    %scan3A_42 = arith.addi %scan3A_40, %scan3A_41 : i32
    %scan3A_43 = arith.constant 1 : i32
    scf.for %scan3A_127 = %scan3A_40 to %scan3A_42 step %scan3A_43  : i32 {
      %mul3A_128 = arith.constant 2 : i32
      %mul3A_129 = arith.muli %mul3A_128, %scan3A_127 : i32
      %add3A_130 = arith.constant 1 : i32
      %add3A_131 = arith.addi %mul3A_129, %add3A_130 : i32
      %mul3A_132 = arith.constant 80 : i32
      %mul3A_133 = arith.muli %mul3A_129, %mul3A_132 : i32
      %add3A_134 = arith.addi %mul3A_1, %mul3A_133 : i32
      %add3A_135 = arith.constant 0 : i32
      %add3A_136 = arith.addi %add3A_135, %add3A_134 : i32
      %dma_wait3A = tpu.memref_slice %arg3[%add3A_136] : memref<640000xi32, #tpu.memory_space<hbm>> -> memref<80xi32, #tpu.memory_space<hbm>>
      %dma_wait3A_137 = tpu.memref_slice %arg3[%add3A_136] : memref<640000xi32, #tpu.memory_space<hbm>> -> memref<80xi32, #tpu.memory_space<hbm>>
      tpu.wait_dma2 semaphore(%arg11 : memref<!tpu.dma_semaphore, #tpu.memory_space<semaphore_mem>>) src(%dma_wait3A_137 : memref<80xi32, #tpu.memory_space<hbm>>) dst(%arg5 : memref<80xi32, #tpu.memory_space<vmem>>)
      %mul3A_138 = arith.constant 320000 : i32
      %mul3A_139 = arith.muli %arg0, %mul3A_138 : i32
      %add3A_140 = arith.addi %mul3A_139, %add3A_134 : i32
      %dma_wait3A_141 = arith.constant 0 : i32
      %dma_wait3A_142 = tpu.memref_slice %arg2[%add3A_140, %dma_wait3A_141] : memref<640000x128xf32, #tpu.memory_space<hbm>> -> memref<80x128xf32, #tpu.memory_space<hbm>>
      %dma_wait3A_143 = arith.constant 0 : i32
      %dma_wait3A_144 = tpu.memref_slice %arg2[%add3A_140, %dma_wait3A_143] : memref<640000x128xf32, #tpu.memory_space<hbm>> -> memref<80x128xf32, #tpu.memory_space<hbm>>
      tpu.wait_dma2 semaphore(%arg11 : memref<!tpu.dma_semaphore, #tpu.memory_space<semaphore_mem>>) src(%dma_wait3A_144 : memref<80x128xf32, #tpu.memory_space<hbm>>) dst(%arg7 : memref<80x128xf32, #tpu.memory_space<vmem>>)
      %dma_start3A_145 = arith.constant 0 : i32
      %dma_start3A_146 = arith.constant 0 : i32
      %dma_start3A_147 = tpu.memref_slice %arg10[%dma_start3A_145, %dma_start3A_146] : memref<3352x128xf32, #tpu.memory_space<vmem_shared>> -> memref<3352x128xf32, #tpu.memory_space<vmem_shared>>
      tpu.enqueue_indirect_dma source(%arg7 : memref<80x128xf32, #tpu.memory_space<vmem>>) target(%dma_start3A_147 : memref<3352x128xf32, #tpu.memory_space<vmem_shared>>) offsets(%arg5 : memref<80xi32, #tpu.memory_space<vmem>>) semaphore(%arg13 : memref<!tpu.dma_semaphore, #tpu.memory_space<semaphore_mem>>) {add = true}
      %mul3A_148 = arith.constant 80 : i32
      %mul3A_149 = arith.muli %add3A_131, %mul3A_148 : i32
      %add3A_150 = arith.addi %mul3A_1, %mul3A_149 : i32
      %add3A_151 = arith.constant 0 : i32
      %add3A_152 = arith.addi %add3A_151, %add3A_150 : i32
      %dma_wait3A_153 = tpu.memref_slice %arg3[%add3A_152] : memref<640000xi32, #tpu.memory_space<hbm>> -> memref<80xi32, #tpu.memory_space<hbm>>
      %dma_wait3A_154 = tpu.memref_slice %arg3[%add3A_152] : memref<640000xi32, #tpu.memory_space<hbm>> -> memref<80xi32, #tpu.memory_space<hbm>>
      tpu.wait_dma2 semaphore(%arg12 : memref<!tpu.dma_semaphore, #tpu.memory_space<semaphore_mem>>) src(%dma_wait3A_154 : memref<80xi32, #tpu.memory_space<hbm>>) dst(%arg6 : memref<80xi32, #tpu.memory_space<vmem>>)
      %mul3A_155 = arith.constant 320000 : i32
      %mul3A_156 = arith.muli %arg0, %mul3A_155 : i32
      %add3A_157 = arith.addi %mul3A_156, %add3A_150 : i32
      %dma_wait3A_158 = arith.constant 0 : i32
      %dma_wait3A_159 = tpu.memref_slice %arg2[%add3A_157, %dma_wait3A_158] : memref<640000x128xf32, #tpu.memory_space<hbm>> -> memref<80x128xf32, #tpu.memory_space<hbm>>
      %dma_wait3A_160 = arith.constant 0 : i32
      %dma_wait3A_161 = tpu.memref_slice %arg2[%add3A_157, %dma_wait3A_160] : memref<640000x128xf32, #tpu.memory_space<hbm>> -> memref<80x128xf32, #tpu.memory_space<hbm>>
      tpu.wait_dma2 semaphore(%arg12 : memref<!tpu.dma_semaphore, #tpu.memory_space<semaphore_mem>>) src(%dma_wait3A_161 : memref<80x128xf32, #tpu.memory_space<hbm>>) dst(%arg8 : memref<80x128xf32, #tpu.memory_space<vmem>>)
      %dma_start3A_162 = arith.constant 0 : i32
      %dma_start3A_163 = arith.constant 0 : i32
      %dma_start3A_164 = tpu.memref_slice %arg10[%dma_start3A_162, %dma_start3A_163] : memref<3352x128xf32, #tpu.memory_space<vmem_shared>> -> memref<3352x128xf32, #tpu.memory_space<vmem_shared>>
      tpu.enqueue_indirect_dma source(%arg8 : memref<80x128xf32, #tpu.memory_space<vmem>>) target(%dma_start3A_164 : memref<3352x128xf32, #tpu.memory_space<vmem_shared>>) offsets(%arg6 : memref<80xi32, #tpu.memory_space<vmem>>) semaphore(%arg14 : memref<!tpu.dma_semaphore, #tpu.memory_space<semaphore_mem>>) {add = true}
      %dma_wait3A_165 = arith.constant 0 : i32
      %dma_wait3A_166 = arith.constant 0 : i32
      %dma_wait3A_167 = tpu.memref_slice %arg10[%dma_wait3A_165, %dma_wait3A_166] : memref<3352x128xf32, #tpu.memory_space<vmem_shared>> -> memref<3352x128xf32, #tpu.memory_space<vmem_shared>>
      tpu.wait_indirect_dma semaphore(%arg13 : memref<!tpu.dma_semaphore, #tpu.memory_space<semaphore_mem>>) src(%arg7 : memref<80x128xf32, #tpu.memory_space<vmem>>) dst(%dma_wait3A_167 : memref<3352x128xf32, #tpu.memory_space<vmem_shared>>)
      %add3A_168 = arith.constant 2 : i32
      %add3A_169 = arith.addi %mul3A_129, %add3A_168 : i32
      %lt3A = arith.constant 250 : i32
      %lt3A_170 = arith.cmpi slt, %add3A_169, %lt3A : i32
      %convert_element_type3A_171 = arith.extui %lt3A_170 : i1 to i32
      %cond3A_172 = arith.constant 0 : i32
      %cond3A_173 = arith.cmpi ne, %convert_element_type3A_171, %cond3A_172 : i32
      scf.if %cond3A_173 {
        %add3A_184 = arith.constant 2 : i32
        %add3A_185 = arith.addi %mul3A_129, %add3A_184 : i32
        %mul3A_186 = arith.constant 80 : i32
        %mul3A_187 = arith.muli %add3A_185, %mul3A_186 : i32
        %add3A_188 = arith.addi %mul3A_1, %mul3A_187 : i32
        %add3A_189 = arith.constant 0 : i32
        %add3A_190 = arith.addi %add3A_189, %add3A_188 : i32
        %dma_start3A_191 = tpu.memref_slice %arg3[%add3A_190] : memref<640000xi32, #tpu.memory_space<hbm>> -> memref<80xi32, #tpu.memory_space<hbm>>
        %dma_start3A_192 = tpu.memref_slice %arg3[%add3A_190] : memref<640000xi32, #tpu.memory_space<hbm>> -> memref<80xi32, #tpu.memory_space<hbm>>
        tpu.enqueue_dma source(%dma_start3A_192 : memref<80xi32, #tpu.memory_space<hbm>>) target(%arg5 : memref<80xi32, #tpu.memory_space<vmem>>) target_semaphore(%arg11 : memref<!tpu.dma_semaphore, #tpu.memory_space<semaphore_mem>>)
        %mul3A_193 = arith.constant 320000 : i32
        %mul3A_194 = arith.muli %arg0, %mul3A_193 : i32
        %add3A_195 = arith.addi %mul3A_194, %add3A_188 : i32
        %dma_start3A_196 = arith.constant 0 : i32
        %dma_start3A_197 = tpu.memref_slice %arg2[%add3A_195, %dma_start3A_196] : memref<640000x128xf32, #tpu.memory_space<hbm>> -> memref<80x128xf32, #tpu.memory_space<hbm>>
        %dma_start3A_198 = arith.constant 0 : i32
        %dma_start3A_199 = tpu.memref_slice %arg2[%add3A_195, %dma_start3A_198] : memref<640000x128xf32, #tpu.memory_space<hbm>> -> memref<80x128xf32, #tpu.memory_space<hbm>>
        tpu.enqueue_dma source(%dma_start3A_199 : memref<80x128xf32, #tpu.memory_space<hbm>>) target(%arg7 : memref<80x128xf32, #tpu.memory_space<vmem>>) target_semaphore(%arg11 : memref<!tpu.dma_semaphore, #tpu.memory_space<semaphore_mem>>)
      } else {
      }
      %dma_wait3A_174 = arith.constant 0 : i32
      %dma_wait3A_175 = arith.constant 0 : i32
      %dma_wait3A_176 = tpu.memref_slice %arg10[%dma_wait3A_174, %dma_wait3A_175] : memref<3352x128xf32, #tpu.memory_space<vmem_shared>> -> memref<3352x128xf32, #tpu.memory_space<vmem_shared>>
      tpu.wait_indirect_dma semaphore(%arg14 : memref<!tpu.dma_semaphore, #tpu.memory_space<semaphore_mem>>) src(%arg8 : memref<80x128xf32, #tpu.memory_space<vmem>>) dst(%dma_wait3A_176 : memref<3352x128xf32, #tpu.memory_space<vmem_shared>>)
      %add3A_177 = arith.constant 2 : i32
      %add3A_178 = arith.addi %add3A_131, %add3A_177 : i32
      %lt3A_179 = arith.constant 250 : i32
      %lt3A_180 = arith.cmpi slt, %add3A_178, %lt3A_179 : i32
      %convert_element_type3A_181 = arith.extui %lt3A_180 : i1 to i32
      %cond3A_182 = arith.constant 0 : i32
      %cond3A_183 = arith.cmpi ne, %convert_element_type3A_181, %cond3A_182 : i32
      scf.if %cond3A_183 {
        %add3A_184 = arith.constant 2 : i32
        %add3A_185 = arith.addi %add3A_131, %add3A_184 : i32
        %mul3A_186 = arith.constant 80 : i32
        %mul3A_187 = arith.muli %add3A_185, %mul3A_186 : i32
        %add3A_188 = arith.addi %mul3A_1, %mul3A_187 : i32
        %add3A_189 = arith.constant 0 : i32
        %add3A_190 = arith.addi %add3A_189, %add3A_188 : i32
        %dma_start3A_191 = tpu.memref_slice %arg3[%add3A_190] : memref<640000xi32, #tpu.memory_space<hbm>> -> memref<80xi32, #tpu.memory_space<hbm>>
        %dma_start3A_192 = tpu.memref_slice %arg3[%add3A_190] : memref<640000xi32, #tpu.memory_space<hbm>> -> memref<80xi32, #tpu.memory_space<hbm>>
        tpu.enqueue_dma source(%dma_start3A_192 : memref<80xi32, #tpu.memory_space<hbm>>) target(%arg6 : memref<80xi32, #tpu.memory_space<vmem>>) target_semaphore(%arg12 : memref<!tpu.dma_semaphore, #tpu.memory_space<semaphore_mem>>)
        %mul3A_193 = arith.constant 320000 : i32
        %mul3A_194 = arith.muli %arg0, %mul3A_193 : i32
        %add3A_195 = arith.addi %mul3A_194, %add3A_188 : i32
        %dma_start3A_196 = arith.constant 0 : i32
        %dma_start3A_197 = tpu.memref_slice %arg2[%add3A_195, %dma_start3A_196] : memref<640000x128xf32, #tpu.memory_space<hbm>> -> memref<80x128xf32, #tpu.memory_space<hbm>>
        %dma_start3A_198 = arith.constant 0 : i32
        %dma_start3A_199 = tpu.memref_slice %arg2[%add3A_195, %dma_start3A_198] : memref<640000x128xf32, #tpu.memory_space<hbm>> -> memref<80x128xf32, #tpu.memory_space<hbm>>
        tpu.enqueue_dma source(%dma_start3A_199 : memref<80x128xf32, #tpu.memory_space<hbm>>) target(%arg8 : memref<80x128xf32, #tpu.memory_space<vmem>>) target_semaphore(%arg12 : memref<!tpu.dma_semaphore, #tpu.memory_space<semaphore_mem>>)
      } else {
      }
    }
    %scan3A_44 = arith.constant 125 : i32
    %barrier3A_45 = arith.constant 0 : index
    tpu.barrier barrier_id(%barrier3A_45)
    %mul3A_46 = arith.constant 2 : i32
    %mul3A_47 = arith.muli %arg0, %mul3A_46 : i32
    %add3A_48 = arith.constant 1 : i32
    %add3A_49 = arith.addi %mul3A_47, %add3A_48 : i32
    %sub3A = arith.constant 1 : i32
    %sub3A_50 = arith.subi %add3A_49, %sub3A : i32
    %mul3A_51 = arith.constant 3344 : i32
    %mul3A_52 = arith.muli %sub3A_50, %mul3A_51 : i32
    %mul3A_53 = arith.constant 208 : i32
    %mul3A_54 = arith.muli %arg1, %mul3A_53 : i32
    %mul3A_55 = arith.constant 208 : i32
    %mul3A_56 = arith.muli %arg1, %mul3A_55 : i32
    %add3A_57 = arith.addi %mul3A_52, %mul3A_56 : i32
    "tpu.region"() ({
      %run_scoped3A = tpu.sem_alloc : memref<!tpu.dma_semaphore, #tpu.memory_space<semaphore_mem>>
      %dma_start3A_127 = arith.constant 0 : i32
      %dma_start3A_128 = tpu.memref_slice %arg4[%add3A_57, %dma_start3A_127] : memref<13376x128xf32, #tpu.memory_space<hbm>> -> memref<208x128xf32, #tpu.memory_space<hbm>>
      %dma_start3A_129 = arith.constant 0 : i32
      %dma_start3A_130 = tpu.memref_slice %arg10[%mul3A_54, %dma_start3A_129] : memref<3352x128xf32, #tpu.memory_space<vmem_shared>> -> memref<208x128xf32, #tpu.memory_space<vmem_shared>>
      tpu.enqueue_dma source(%dma_start3A_130 : memref<208x128xf32, #tpu.memory_space<vmem_shared>>) target(%dma_start3A_128 : memref<208x128xf32, #tpu.memory_space<hbm>>) target_semaphore(%run_scoped3A : memref<!tpu.dma_semaphore, #tpu.memory_space<semaphore_mem>>)
      %dma_wait3A = arith.constant 0 : i32
      %dma_wait3A_131 = tpu.memref_slice %arg4[%add3A_57, %dma_wait3A] : memref<13376x128xf32, #tpu.memory_space<hbm>> -> memref<208x128xf32, #tpu.memory_space<hbm>>
      %dma_wait3A_132 = arith.constant 0 : i32
      %dma_wait3A_133 = tpu.memref_slice %arg10[%mul3A_54, %dma_wait3A_132] : memref<3352x128xf32, #tpu.memory_space<vmem_shared>> -> memref<208x128xf32, #tpu.memory_space<vmem_shared>>
      tpu.wait_dma2 semaphore(%run_scoped3A : memref<!tpu.dma_semaphore, #tpu.memory_space<semaphore_mem>>) src(%dma_wait3A_133 : memref<208x128xf32, #tpu.memory_space<vmem_shared>>) dst(%dma_wait3A_131 : memref<208x128xf32, #tpu.memory_space<hbm>>)
      tpu.yield
    }) : () -> ()
    %eq3A_58 = arith.constant 15 : i32
    %eq3A_59 = arith.cmpi eq, %arg1, %eq3A_58 : i32
    %convert_element_type3A_60 = arith.extui %eq3A_59 : i1 to i32
    %cond3A_61 = arith.constant 0 : i32
    %cond3A_62 = arith.cmpi ne, %convert_element_type3A_60, %cond3A_61 : i32
    scf.if %cond3A_62 {
      %add3A_127 = arith.constant 3328 : i32
      %add3A_128 = arith.addi %mul3A_52, %add3A_127 : i32
      "tpu.region"() ({
        %run_scoped3A = tpu.sem_alloc : memref<!tpu.dma_semaphore, #tpu.memory_space<semaphore_mem>>
        %dma_start3A_129 = arith.constant 0 : i32
        %dma_start3A_130 = tpu.memref_slice %arg4[%add3A_128, %dma_start3A_129] : memref<13376x128xf32, #tpu.memory_space<hbm>> -> memref<16x128xf32, #tpu.memory_space<hbm>>
        %dma_start3A_131 = arith.constant 3328 : i32
        %dma_start3A_132 = arith.constant 0 : i32
        %dma_start3A_133 = tpu.memref_slice %arg10[%dma_start3A_131, %dma_start3A_132] : memref<3352x128xf32, #tpu.memory_space<vmem_shared>> -> memref<16x128xf32, #tpu.memory_space<vmem_shared>>
        tpu.enqueue_dma source(%dma_start3A_133 : memref<16x128xf32, #tpu.memory_space<vmem_shared>>) target(%dma_start3A_130 : memref<16x128xf32, #tpu.memory_space<hbm>>) target_semaphore(%run_scoped3A : memref<!tpu.dma_semaphore, #tpu.memory_space<semaphore_mem>>)
        %dma_wait3A = arith.constant 0 : i32
        %dma_wait3A_134 = tpu.memref_slice %arg4[%add3A_128, %dma_wait3A] : memref<13376x128xf32, #tpu.memory_space<hbm>> -> memref<16x128xf32, #tpu.memory_space<hbm>>
        %dma_wait3A_135 = arith.constant 3328 : i32
        %dma_wait3A_136 = arith.constant 0 : i32
        %dma_wait3A_137 = tpu.memref_slice %arg10[%dma_wait3A_135, %dma_wait3A_136] : memref<3352x128xf32, #tpu.memory_space<vmem_shared>> -> memref<16x128xf32, #tpu.memory_space<vmem_shared>>
        tpu.wait_dma2 semaphore(%run_scoped3A : memref<!tpu.dma_semaphore, #tpu.memory_space<semaphore_mem>>) src(%dma_wait3A_137 : memref<16x128xf32, #tpu.memory_space<vmem_shared>>) dst(%dma_wait3A_134 : memref<16x128xf32, #tpu.memory_space<hbm>>)
        tpu.yield
      }) : () -> ()
    } else {
    }
    %barrier3A_63 = arith.constant 0 : index
    tpu.barrier barrier_id(%barrier3A_63)
    %mul3A_64 = arith.constant 208 : i32
    %mul3A_65 = arith.muli %arg1, %mul3A_64 : i32
    "tpu.region"() ({
      %run_scoped3A = tpu.sem_alloc : memref<!tpu.dma_semaphore, #tpu.memory_space<semaphore_mem>>
      %dma_start3A_127 = arith.constant 0 : i32
      %dma_start3A_128 = tpu.memref_slice %arg10[%mul3A_65, %dma_start3A_127] : memref<3352x128xf32, #tpu.memory_space<vmem_shared>> -> memref<80x128xf32, #tpu.memory_space<vmem_shared>>
      %dma_start3A_129 = arith.constant 0 : i32
      %dma_start3A_130 = tpu.memref_slice %arg10[%mul3A_65, %dma_start3A_129] : memref<3352x128xf32, #tpu.memory_space<vmem_shared>> -> memref<80x128xf32, #tpu.memory_space<vmem_shared>>
      tpu.enqueue_dma source(%arg9 : memref<80x128xf32, #tpu.memory_space<vmem>>) target(%dma_start3A_130 : memref<80x128xf32, #tpu.memory_space<vmem_shared>>) target_semaphore(%run_scoped3A : memref<!tpu.dma_semaphore, #tpu.memory_space<semaphore_mem>>)
      %dma_wait3A = arith.constant 0 : i32
      %dma_wait3A_131 = tpu.memref_slice %arg10[%mul3A_65, %dma_wait3A] : memref<3352x128xf32, #tpu.memory_space<vmem_shared>> -> memref<80x128xf32, #tpu.memory_space<vmem_shared>>
      %dma_wait3A_132 = arith.constant 0 : i32
      %dma_wait3A_133 = tpu.memref_slice %arg10[%mul3A_65, %dma_wait3A_132] : memref<3352x128xf32, #tpu.memory_space<vmem_shared>> -> memref<80x128xf32, #tpu.memory_space<vmem_shared>>
      tpu.wait_dma2 semaphore(%run_scoped3A : memref<!tpu.dma_semaphore, #tpu.memory_space<semaphore_mem>>) src(%arg9 : memref<80x128xf32, #tpu.memory_space<vmem>>) dst(%dma_wait3A_133 : memref<80x128xf32, #tpu.memory_space<vmem_shared>>)
      tpu.yield
    }) : () -> ()
    %add3A_66 = arith.constant 80 : i32
    %add3A_67 = arith.addi %mul3A_65, %add3A_66 : i32
    "tpu.region"() ({
      %run_scoped3A = tpu.sem_alloc : memref<!tpu.dma_semaphore, #tpu.memory_space<semaphore_mem>>
      %dma_start3A_127 = arith.constant 0 : i32
      %dma_start3A_128 = tpu.memref_slice %arg10[%add3A_67, %dma_start3A_127] : memref<3352x128xf32, #tpu.memory_space<vmem_shared>> -> memref<80x128xf32, #tpu.memory_space<vmem_shared>>
      %dma_start3A_129 = arith.constant 0 : i32
      %dma_start3A_130 = tpu.memref_slice %arg10[%add3A_67, %dma_start3A_129] : memref<3352x128xf32, #tpu.memory_space<vmem_shared>> -> memref<80x128xf32, #tpu.memory_space<vmem_shared>>
      tpu.enqueue_dma source(%arg9 : memref<80x128xf32, #tpu.memory_space<vmem>>) target(%dma_start3A_130 : memref<80x128xf32, #tpu.memory_space<vmem_shared>>) target_semaphore(%run_scoped3A : memref<!tpu.dma_semaphore, #tpu.memory_space<semaphore_mem>>)
      %dma_wait3A = arith.constant 0 : i32
      %dma_wait3A_131 = tpu.memref_slice %arg10[%add3A_67, %dma_wait3A] : memref<3352x128xf32, #tpu.memory_space<vmem_shared>> -> memref<80x128xf32, #tpu.memory_space<vmem_shared>>
      %dma_wait3A_132 = arith.constant 0 : i32
      %dma_wait3A_133 = tpu.memref_slice %arg10[%add3A_67, %dma_wait3A_132] : memref<3352x128xf32, #tpu.memory_space<vmem_shared>> -> memref<80x128xf32, #tpu.memory_space<vmem_shared>>
      tpu.wait_dma2 semaphore(%run_scoped3A : memref<!tpu.dma_semaphore, #tpu.memory_space<semaphore_mem>>) src(%arg9 : memref<80x128xf32, #tpu.memory_space<vmem>>) dst(%dma_wait3A_133 : memref<80x128xf32, #tpu.memory_space<vmem_shared>>)
      tpu.yield
    }) : () -> ()
    %add3A_68 = arith.constant 160 : i32
    %add3A_69 = arith.addi %mul3A_65, %add3A_68 : i32
    "tpu.region"() ({
      %run_scoped3A = tpu.sem_alloc : memref<!tpu.dma_semaphore, #tpu.memory_space<semaphore_mem>>
      %dma_start3A_127 = arith.constant 0 : i32
      %dma_start3A_128 = arith.constant 0 : i32
      %dma_start3A_129 = tpu.memref_slice %arg9[%dma_start3A_127, %dma_start3A_128] : memref<80x128xf32, #tpu.memory_space<vmem>> -> memref<48x128xf32, #tpu.memory_space<vmem>>
      %dma_start3A_130 = arith.constant 0 : i32
      %dma_start3A_131 = tpu.memref_slice %arg10[%add3A_69, %dma_start3A_130] : memref<3352x128xf32, #tpu.memory_space<vmem_shared>> -> memref<48x128xf32, #tpu.memory_space<vmem_shared>>
      %dma_start3A_132 = arith.constant 0 : i32
      %dma_start3A_133 = tpu.memref_slice %arg10[%add3A_69, %dma_start3A_132] : memref<3352x128xf32, #tpu.memory_space<vmem_shared>> -> memref<48x128xf32, #tpu.memory_space<vmem_shared>>
      %dma_start3A_134 = arith.constant 0 : i32
      %dma_start3A_135 = arith.constant 0 : i32
      %dma_start3A_136 = tpu.memref_slice %arg9[%dma_start3A_134, %dma_start3A_135] : memref<80x128xf32, #tpu.memory_space<vmem>> -> memref<48x128xf32, #tpu.memory_space<vmem>>
      tpu.enqueue_dma source(%dma_start3A_136 : memref<48x128xf32, #tpu.memory_space<vmem>>) target(%dma_start3A_133 : memref<48x128xf32, #tpu.memory_space<vmem_shared>>) target_semaphore(%run_scoped3A : memref<!tpu.dma_semaphore, #tpu.memory_space<semaphore_mem>>)
      %dma_wait3A = arith.constant 0 : i32
      %dma_wait3A_137 = arith.constant 0 : i32
      %dma_wait3A_138 = tpu.memref_slice %arg9[%dma_wait3A, %dma_wait3A_137] : memref<80x128xf32, #tpu.memory_space<vmem>> -> memref<48x128xf32, #tpu.memory_space<vmem>>
      %dma_wait3A_139 = arith.constant 0 : i32
      %dma_wait3A_140 = tpu.memref_slice %arg10[%add3A_69, %dma_wait3A_139] : memref<3352x128xf32, #tpu.memory_space<vmem_shared>> -> memref<48x128xf32, #tpu.memory_space<vmem_shared>>
      %dma_wait3A_141 = arith.constant 0 : i32
      %dma_wait3A_142 = tpu.memref_slice %arg10[%add3A_69, %dma_wait3A_141] : memref<3352x128xf32, #tpu.memory_space<vmem_shared>> -> memref<48x128xf32, #tpu.memory_space<vmem_shared>>
      %dma_wait3A_143 = arith.constant 0 : i32
      %dma_wait3A_144 = arith.constant 0 : i32
      %dma_wait3A_145 = tpu.memref_slice %arg9[%dma_wait3A_143, %dma_wait3A_144] : memref<80x128xf32, #tpu.memory_space<vmem>> -> memref<48x128xf32, #tpu.memory_space<vmem>>
      tpu.wait_dma2 semaphore(%run_scoped3A : memref<!tpu.dma_semaphore, #tpu.memory_space<semaphore_mem>>) src(%dma_wait3A_145 : memref<48x128xf32, #tpu.memory_space<vmem>>) dst(%dma_wait3A_142 : memref<48x128xf32, #tpu.memory_space<vmem_shared>>)
      tpu.yield
    }) : () -> ()
    %eq3A_70 = arith.constant 15 : i32
    %eq3A_71 = arith.cmpi eq, %arg1, %eq3A_70 : i32
    %convert_element_type3A_72 = arith.extui %eq3A_71 : i1 to i32
    %cond3A_73 = arith.constant 0 : i32
    %cond3A_74 = arith.cmpi ne, %convert_element_type3A_72, %cond3A_73 : i32
    scf.if %cond3A_74 {
      "tpu.region"() ({
        %run_scoped3A = tpu.sem_alloc : memref<!tpu.dma_semaphore, #tpu.memory_space<semaphore_mem>>
        %dma_start3A_127 = arith.constant 0 : i32
        %dma_start3A_128 = arith.constant 0 : i32
        %dma_start3A_129 = tpu.memref_slice %arg9[%dma_start3A_127, %dma_start3A_128] : memref<80x128xf32, #tpu.memory_space<vmem>> -> memref<24x128xf32, #tpu.memory_space<vmem>>
        %dma_start3A_130 = arith.constant 3328 : i32
        %dma_start3A_131 = arith.constant 0 : i32
        %dma_start3A_132 = tpu.memref_slice %arg10[%dma_start3A_130, %dma_start3A_131] : memref<3352x128xf32, #tpu.memory_space<vmem_shared>> -> memref<24x128xf32, #tpu.memory_space<vmem_shared>>
        %dma_start3A_133 = arith.constant 3328 : i32
        %dma_start3A_134 = arith.constant 0 : i32
        %dma_start3A_135 = tpu.memref_slice %arg10[%dma_start3A_133, %dma_start3A_134] : memref<3352x128xf32, #tpu.memory_space<vmem_shared>> -> memref<24x128xf32, #tpu.memory_space<vmem_shared>>
        %dma_start3A_136 = arith.constant 0 : i32
        %dma_start3A_137 = arith.constant 0 : i32
        %dma_start3A_138 = tpu.memref_slice %arg9[%dma_start3A_136, %dma_start3A_137] : memref<80x128xf32, #tpu.memory_space<vmem>> -> memref<24x128xf32, #tpu.memory_space<vmem>>
        tpu.enqueue_dma source(%dma_start3A_138 : memref<24x128xf32, #tpu.memory_space<vmem>>) target(%dma_start3A_135 : memref<24x128xf32, #tpu.memory_space<vmem_shared>>) target_semaphore(%run_scoped3A : memref<!tpu.dma_semaphore, #tpu.memory_space<semaphore_mem>>)
        %dma_wait3A = arith.constant 0 : i32
        %dma_wait3A_139 = arith.constant 0 : i32
        %dma_wait3A_140 = tpu.memref_slice %arg9[%dma_wait3A, %dma_wait3A_139] : memref<80x128xf32, #tpu.memory_space<vmem>> -> memref<24x128xf32, #tpu.memory_space<vmem>>
        %dma_wait3A_141 = arith.constant 3328 : i32
        %dma_wait3A_142 = arith.constant 0 : i32
        %dma_wait3A_143 = tpu.memref_slice %arg10[%dma_wait3A_141, %dma_wait3A_142] : memref<3352x128xf32, #tpu.memory_space<vmem_shared>> -> memref<24x128xf32, #tpu.memory_space<vmem_shared>>
        %dma_wait3A_144 = arith.constant 3328 : i32
        %dma_wait3A_145 = arith.constant 0 : i32
        %dma_wait3A_146 = tpu.memref_slice %arg10[%dma_wait3A_144, %dma_wait3A_145] : memref<3352x128xf32, #tpu.memory_space<vmem_shared>> -> memref<24x128xf32, #tpu.memory_space<vmem_shared>>
        %dma_wait3A_147 = arith.constant 0 : i32
        %dma_wait3A_148 = arith.constant 0 : i32
        %dma_wait3A_149 = tpu.memref_slice %arg9[%dma_wait3A_147, %dma_wait3A_148] : memref<80x128xf32, #tpu.memory_space<vmem>> -> memref<24x128xf32, #tpu.memory_space<vmem>>
        tpu.wait_dma2 semaphore(%run_scoped3A : memref<!tpu.dma_semaphore, #tpu.memory_space<semaphore_mem>>) src(%dma_wait3A_149 : memref<24x128xf32, #tpu.memory_space<vmem>>) dst(%dma_wait3A_146 : memref<24x128xf32, #tpu.memory_space<vmem_shared>>)
        tpu.yield
      }) : () -> ()
    } else {
    }
    %barrier3A_75 = arith.constant 0 : index
    tpu.barrier barrier_id(%barrier3A_75)
    %add3A_76 = arith.constant 0 : i32
    %add3A_77 = arith.addi %mul3A_1, %add3A_76 : i32
    %add3A_78 = arith.constant 320000 : i32
    %add3A_79 = arith.addi %add3A_78, %add3A_77 : i32
    %dma_start3A_80 = tpu.memref_slice %arg3[%add3A_79] : memref<640000xi32, #tpu.memory_space<hbm>> -> memref<80xi32, #tpu.memory_space<hbm>>
    %dma_start3A_81 = tpu.memref_slice %arg3[%add3A_79] : memref<640000xi32, #tpu.memory_space<hbm>> -> memref<80xi32, #tpu.memory_space<hbm>>
    tpu.enqueue_dma source(%dma_start3A_81 : memref<80xi32, #tpu.memory_space<hbm>>) target(%arg5 : memref<80xi32, #tpu.memory_space<vmem>>) target_semaphore(%arg11 : memref<!tpu.dma_semaphore, #tpu.memory_space<semaphore_mem>>)
    %mul3A_82 = arith.constant 320000 : i32
    %mul3A_83 = arith.muli %arg0, %mul3A_82 : i32
    %add3A_84 = arith.addi %mul3A_83, %add3A_77 : i32
    %dma_start3A_85 = arith.constant 0 : i32
    %dma_start3A_86 = tpu.memref_slice %arg2[%add3A_84, %dma_start3A_85] : memref<640000x128xf32, #tpu.memory_space<hbm>> -> memref<80x128xf32, #tpu.memory_space<hbm>>
    %dma_start3A_87 = arith.constant 0 : i32
    %dma_start3A_88 = tpu.memref_slice %arg2[%add3A_84, %dma_start3A_87] : memref<640000x128xf32, #tpu.memory_space<hbm>> -> memref<80x128xf32, #tpu.memory_space<hbm>>
    tpu.enqueue_dma source(%dma_start3A_88 : memref<80x128xf32, #tpu.memory_space<hbm>>) target(%arg7 : memref<80x128xf32, #tpu.memory_space<vmem>>) target_semaphore(%arg11 : memref<!tpu.dma_semaphore, #tpu.memory_space<semaphore_mem>>)
    %add3A_89 = arith.constant 80 : i32
    %add3A_90 = arith.addi %mul3A_1, %add3A_89 : i32
    %add3A_91 = arith.constant 320000 : i32
    %add3A_92 = arith.addi %add3A_91, %add3A_90 : i32
    %dma_start3A_93 = tpu.memref_slice %arg3[%add3A_92] : memref<640000xi32, #tpu.memory_space<hbm>> -> memref<80xi32, #tpu.memory_space<hbm>>
    %dma_start3A_94 = tpu.memref_slice %arg3[%add3A_92] : memref<640000xi32, #tpu.memory_space<hbm>> -> memref<80xi32, #tpu.memory_space<hbm>>
    tpu.enqueue_dma source(%dma_start3A_94 : memref<80xi32, #tpu.memory_space<hbm>>) target(%arg6 : memref<80xi32, #tpu.memory_space<vmem>>) target_semaphore(%arg12 : memref<!tpu.dma_semaphore, #tpu.memory_space<semaphore_mem>>)
    %mul3A_95 = arith.constant 320000 : i32
    %mul3A_96 = arith.muli %arg0, %mul3A_95 : i32
    %add3A_97 = arith.addi %mul3A_96, %add3A_90 : i32
    %dma_start3A_98 = arith.constant 0 : i32
    %dma_start3A_99 = tpu.memref_slice %arg2[%add3A_97, %dma_start3A_98] : memref<640000x128xf32, #tpu.memory_space<hbm>> -> memref<80x128xf32, #tpu.memory_space<hbm>>
    %dma_start3A_100 = arith.constant 0 : i32
    %dma_start3A_101 = tpu.memref_slice %arg2[%add3A_97, %dma_start3A_100] : memref<640000x128xf32, #tpu.memory_space<hbm>> -> memref<80x128xf32, #tpu.memory_space<hbm>>
    tpu.enqueue_dma source(%dma_start3A_101 : memref<80x128xf32, #tpu.memory_space<hbm>>) target(%arg8 : memref<80x128xf32, #tpu.memory_space<vmem>>) target_semaphore(%arg12 : memref<!tpu.dma_semaphore, #tpu.memory_space<semaphore_mem>>)
    %scan3A_102 = arith.constant 0 : i32
    %scan3A_103 = arith.constant 0 : i32
    %scan3A_104 = arith.constant 125 : i32
    %scan3A_105 = arith.addi %scan3A_103, %scan3A_104 : i32
    %scan3A_106 = arith.constant 1 : i32
    scf.for %scan3A_127 = %scan3A_103 to %scan3A_105 step %scan3A_106  : i32 {
      %mul3A_128 = arith.constant 2 : i32
      %mul3A_129 = arith.muli %mul3A_128, %scan3A_127 : i32
      %add3A_130 = arith.constant 1 : i32
      %add3A_131 = arith.addi %mul3A_129, %add3A_130 : i32
      %mul3A_132 = arith.constant 80 : i32
      %mul3A_133 = arith.muli %mul3A_129, %mul3A_132 : i32
      %add3A_134 = arith.addi %mul3A_1, %mul3A_133 : i32
      %add3A_135 = arith.constant 320000 : i32
      %add3A_136 = arith.addi %add3A_135, %add3A_134 : i32
      %dma_wait3A = tpu.memref_slice %arg3[%add3A_136] : memref<640000xi32, #tpu.memory_space<hbm>> -> memref<80xi32, #tpu.memory_space<hbm>>
      %dma_wait3A_137 = tpu.memref_slice %arg3[%add3A_136] : memref<640000xi32, #tpu.memory_space<hbm>> -> memref<80xi32, #tpu.memory_space<hbm>>
      tpu.wait_dma2 semaphore(%arg11 : memref<!tpu.dma_semaphore, #tpu.memory_space<semaphore_mem>>) src(%dma_wait3A_137 : memref<80xi32, #tpu.memory_space<hbm>>) dst(%arg5 : memref<80xi32, #tpu.memory_space<vmem>>)
      %mul3A_138 = arith.constant 320000 : i32
      %mul3A_139 = arith.muli %arg0, %mul3A_138 : i32
      %add3A_140 = arith.addi %mul3A_139, %add3A_134 : i32
      %dma_wait3A_141 = arith.constant 0 : i32
      %dma_wait3A_142 = tpu.memref_slice %arg2[%add3A_140, %dma_wait3A_141] : memref<640000x128xf32, #tpu.memory_space<hbm>> -> memref<80x128xf32, #tpu.memory_space<hbm>>
      %dma_wait3A_143 = arith.constant 0 : i32
      %dma_wait3A_144 = tpu.memref_slice %arg2[%add3A_140, %dma_wait3A_143] : memref<640000x128xf32, #tpu.memory_space<hbm>> -> memref<80x128xf32, #tpu.memory_space<hbm>>
      tpu.wait_dma2 semaphore(%arg11 : memref<!tpu.dma_semaphore, #tpu.memory_space<semaphore_mem>>) src(%dma_wait3A_144 : memref<80x128xf32, #tpu.memory_space<hbm>>) dst(%arg7 : memref<80x128xf32, #tpu.memory_space<vmem>>)
      %dma_start3A_145 = arith.constant 0 : i32
      %dma_start3A_146 = arith.constant 0 : i32
      %dma_start3A_147 = tpu.memref_slice %arg10[%dma_start3A_145, %dma_start3A_146] : memref<3352x128xf32, #tpu.memory_space<vmem_shared>> -> memref<3352x128xf32, #tpu.memory_space<vmem_shared>>
      tpu.enqueue_indirect_dma source(%arg7 : memref<80x128xf32, #tpu.memory_space<vmem>>) target(%dma_start3A_147 : memref<3352x128xf32, #tpu.memory_space<vmem_shared>>) offsets(%arg5 : memref<80xi32, #tpu.memory_space<vmem>>) semaphore(%arg13 : memref<!tpu.dma_semaphore, #tpu.memory_space<semaphore_mem>>) {add = true}
      %mul3A_148 = arith.constant 80 : i32
      %mul3A_149 = arith.muli %add3A_131, %mul3A_148 : i32
      %add3A_150 = arith.addi %mul3A_1, %mul3A_149 : i32
      %add3A_151 = arith.constant 320000 : i32
      %add3A_152 = arith.addi %add3A_151, %add3A_150 : i32
      %dma_wait3A_153 = tpu.memref_slice %arg3[%add3A_152] : memref<640000xi32, #tpu.memory_space<hbm>> -> memref<80xi32, #tpu.memory_space<hbm>>
      %dma_wait3A_154 = tpu.memref_slice %arg3[%add3A_152] : memref<640000xi32, #tpu.memory_space<hbm>> -> memref<80xi32, #tpu.memory_space<hbm>>
      tpu.wait_dma2 semaphore(%arg12 : memref<!tpu.dma_semaphore, #tpu.memory_space<semaphore_mem>>) src(%dma_wait3A_154 : memref<80xi32, #tpu.memory_space<hbm>>) dst(%arg6 : memref<80xi32, #tpu.memory_space<vmem>>)
      %mul3A_155 = arith.constant 320000 : i32
      %mul3A_156 = arith.muli %arg0, %mul3A_155 : i32
      %add3A_157 = arith.addi %mul3A_156, %add3A_150 : i32
      %dma_wait3A_158 = arith.constant 0 : i32
      %dma_wait3A_159 = tpu.memref_slice %arg2[%add3A_157, %dma_wait3A_158] : memref<640000x128xf32, #tpu.memory_space<hbm>> -> memref<80x128xf32, #tpu.memory_space<hbm>>
      %dma_wait3A_160 = arith.constant 0 : i32
      %dma_wait3A_161 = tpu.memref_slice %arg2[%add3A_157, %dma_wait3A_160] : memref<640000x128xf32, #tpu.memory_space<hbm>> -> memref<80x128xf32, #tpu.memory_space<hbm>>
      tpu.wait_dma2 semaphore(%arg12 : memref<!tpu.dma_semaphore, #tpu.memory_space<semaphore_mem>>) src(%dma_wait3A_161 : memref<80x128xf32, #tpu.memory_space<hbm>>) dst(%arg8 : memref<80x128xf32, #tpu.memory_space<vmem>>)
      %dma_start3A_162 = arith.constant 0 : i32
      %dma_start3A_163 = arith.constant 0 : i32
      %dma_start3A_164 = tpu.memref_slice %arg10[%dma_start3A_162, %dma_start3A_163] : memref<3352x128xf32, #tpu.memory_space<vmem_shared>> -> memref<3352x128xf32, #tpu.memory_space<vmem_shared>>
      tpu.enqueue_indirect_dma source(%arg8 : memref<80x128xf32, #tpu.memory_space<vmem>>) target(%dma_start3A_164 : memref<3352x128xf32, #tpu.memory_space<vmem_shared>>) offsets(%arg6 : memref<80xi32, #tpu.memory_space<vmem>>) semaphore(%arg14 : memref<!tpu.dma_semaphore, #tpu.memory_space<semaphore_mem>>) {add = true}
      %dma_wait3A_165 = arith.constant 0 : i32
      %dma_wait3A_166 = arith.constant 0 : i32
      %dma_wait3A_167 = tpu.memref_slice %arg10[%dma_wait3A_165, %dma_wait3A_166] : memref<3352x128xf32, #tpu.memory_space<vmem_shared>> -> memref<3352x128xf32, #tpu.memory_space<vmem_shared>>
      tpu.wait_indirect_dma semaphore(%arg13 : memref<!tpu.dma_semaphore, #tpu.memory_space<semaphore_mem>>) src(%arg7 : memref<80x128xf32, #tpu.memory_space<vmem>>) dst(%dma_wait3A_167 : memref<3352x128xf32, #tpu.memory_space<vmem_shared>>)
      %add3A_168 = arith.constant 2 : i32
      %add3A_169 = arith.addi %mul3A_129, %add3A_168 : i32
      %lt3A = arith.constant 250 : i32
      %lt3A_170 = arith.cmpi slt, %add3A_169, %lt3A : i32
      %convert_element_type3A_171 = arith.extui %lt3A_170 : i1 to i32
      %cond3A_172 = arith.constant 0 : i32
      %cond3A_173 = arith.cmpi ne, %convert_element_type3A_171, %cond3A_172 : i32
      scf.if %cond3A_173 {
        %add3A_184 = arith.constant 2 : i32
        %add3A_185 = arith.addi %mul3A_129, %add3A_184 : i32
        %mul3A_186 = arith.constant 80 : i32
        %mul3A_187 = arith.muli %add3A_185, %mul3A_186 : i32
        %add3A_188 = arith.addi %mul3A_1, %mul3A_187 : i32
        %add3A_189 = arith.constant 320000 : i32
        %add3A_190 = arith.addi %add3A_189, %add3A_188 : i32
        %dma_start3A_191 = tpu.memref_slice %arg3[%add3A_190] : memref<640000xi32, #tpu.memory_space<hbm>> -> memref<80xi32, #tpu.memory_space<hbm>>
        %dma_start3A_192 = tpu.memref_slice %arg3[%add3A_190] : memref<640000xi32, #tpu.memory_space<hbm>> -> memref<80xi32, #tpu.memory_space<hbm>>
        tpu.enqueue_dma source(%dma_start3A_192 : memref<80xi32, #tpu.memory_space<hbm>>) target(%arg5 : memref<80xi32, #tpu.memory_space<vmem>>) target_semaphore(%arg11 : memref<!tpu.dma_semaphore, #tpu.memory_space<semaphore_mem>>)
        %mul3A_193 = arith.constant 320000 : i32
        %mul3A_194 = arith.muli %arg0, %mul3A_193 : i32
        %add3A_195 = arith.addi %mul3A_194, %add3A_188 : i32
        %dma_start3A_196 = arith.constant 0 : i32
        %dma_start3A_197 = tpu.memref_slice %arg2[%add3A_195, %dma_start3A_196] : memref<640000x128xf32, #tpu.memory_space<hbm>> -> memref<80x128xf32, #tpu.memory_space<hbm>>
        %dma_start3A_198 = arith.constant 0 : i32
        %dma_start3A_199 = tpu.memref_slice %arg2[%add3A_195, %dma_start3A_198] : memref<640000x128xf32, #tpu.memory_space<hbm>> -> memref<80x128xf32, #tpu.memory_space<hbm>>
        tpu.enqueue_dma source(%dma_start3A_199 : memref<80x128xf32, #tpu.memory_space<hbm>>) target(%arg7 : memref<80x128xf32, #tpu.memory_space<vmem>>) target_semaphore(%arg11 : memref<!tpu.dma_semaphore, #tpu.memory_space<semaphore_mem>>)
      } else {
      }
      %dma_wait3A_174 = arith.constant 0 : i32
      %dma_wait3A_175 = arith.constant 0 : i32
      %dma_wait3A_176 = tpu.memref_slice %arg10[%dma_wait3A_174, %dma_wait3A_175] : memref<3352x128xf32, #tpu.memory_space<vmem_shared>> -> memref<3352x128xf32, #tpu.memory_space<vmem_shared>>
      tpu.wait_indirect_dma semaphore(%arg14 : memref<!tpu.dma_semaphore, #tpu.memory_space<semaphore_mem>>) src(%arg8 : memref<80x128xf32, #tpu.memory_space<vmem>>) dst(%dma_wait3A_176 : memref<3352x128xf32, #tpu.memory_space<vmem_shared>>)
      %add3A_177 = arith.constant 2 : i32
      %add3A_178 = arith.addi %add3A_131, %add3A_177 : i32
      %lt3A_179 = arith.constant 250 : i32
      %lt3A_180 = arith.cmpi slt, %add3A_178, %lt3A_179 : i32
      %convert_element_type3A_181 = arith.extui %lt3A_180 : i1 to i32
      %cond3A_182 = arith.constant 0 : i32
      %cond3A_183 = arith.cmpi ne, %convert_element_type3A_181, %cond3A_182 : i32
      scf.if %cond3A_183 {
        %add3A_184 = arith.constant 2 : i32
        %add3A_185 = arith.addi %add3A_131, %add3A_184 : i32
        %mul3A_186 = arith.constant 80 : i32
        %mul3A_187 = arith.muli %add3A_185, %mul3A_186 : i32
        %add3A_188 = arith.addi %mul3A_1, %mul3A_187 : i32
        %add3A_189 = arith.constant 320000 : i32
        %add3A_190 = arith.addi %add3A_189, %add3A_188 : i32
        %dma_start3A_191 = tpu.memref_slice %arg3[%add3A_190] : memref<640000xi32, #tpu.memory_space<hbm>> -> memref<80xi32, #tpu.memory_space<hbm>>
        %dma_start3A_192 = tpu.memref_slice %arg3[%add3A_190] : memref<640000xi32, #tpu.memory_space<hbm>> -> memref<80xi32, #tpu.memory_space<hbm>>
        tpu.enqueue_dma source(%dma_start3A_192 : memref<80xi32, #tpu.memory_space<hbm>>) target(%arg6 : memref<80xi32, #tpu.memory_space<vmem>>) target_semaphore(%arg12 : memref<!tpu.dma_semaphore, #tpu.memory_space<semaphore_mem>>)
        %mul3A_193 = arith.constant 320000 : i32
        %mul3A_194 = arith.muli %arg0, %mul3A_193 : i32
        %add3A_195 = arith.addi %mul3A_194, %add3A_188 : i32
        %dma_start3A_196 = arith.constant 0 : i32
        %dma_start3A_197 = tpu.memref_slice %arg2[%add3A_195, %dma_start3A_196] : memref<640000x128xf32, #tpu.memory_space<hbm>> -> memref<80x128xf32, #tpu.memory_space<hbm>>
        %dma_start3A_198 = arith.constant 0 : i32
        %dma_start3A_199 = tpu.memref_slice %arg2[%add3A_195, %dma_start3A_198] : memref<640000x128xf32, #tpu.memory_space<hbm>> -> memref<80x128xf32, #tpu.memory_space<hbm>>
        tpu.enqueue_dma source(%dma_start3A_199 : memref<80x128xf32, #tpu.memory_space<hbm>>) target(%arg8 : memref<80x128xf32, #tpu.memory_space<vmem>>) target_semaphore(%arg12 : memref<!tpu.dma_semaphore, #tpu.memory_space<semaphore_mem>>)
      } else {
      }
    }
    %scan3A_107 = arith.constant 125 : i32
    %barrier3A_108 = arith.constant 0 : index
    tpu.barrier barrier_id(%barrier3A_108)
    %mul3A_109 = arith.constant 2 : i32
    %mul3A_110 = arith.muli %arg0, %mul3A_109 : i32
    %add3A_111 = arith.constant 2 : i32
    %add3A_112 = arith.addi %mul3A_110, %add3A_111 : i32
    %sub3A_113 = arith.constant 1 : i32
    %sub3A_114 = arith.subi %add3A_112, %sub3A_113 : i32
    %mul3A_115 = arith.constant 3344 : i32
    %mul3A_116 = arith.muli %sub3A_114, %mul3A_115 : i32
    %mul3A_117 = arith.constant 208 : i32
    %mul3A_118 = arith.muli %arg1, %mul3A_117 : i32
    %mul3A_119 = arith.constant 208 : i32
    %mul3A_120 = arith.muli %arg1, %mul3A_119 : i32
    %add3A_121 = arith.addi %mul3A_116, %mul3A_120 : i32
    "tpu.region"() ({
      %run_scoped3A = tpu.sem_alloc : memref<!tpu.dma_semaphore, #tpu.memory_space<semaphore_mem>>
      %dma_start3A_127 = arith.constant 0 : i32
      %dma_start3A_128 = tpu.memref_slice %arg4[%add3A_121, %dma_start3A_127] : memref<13376x128xf32, #tpu.memory_space<hbm>> -> memref<208x128xf32, #tpu.memory_space<hbm>>
      %dma_start3A_129 = arith.constant 0 : i32
      %dma_start3A_130 = tpu.memref_slice %arg10[%mul3A_118, %dma_start3A_129] : memref<3352x128xf32, #tpu.memory_space<vmem_shared>> -> memref<208x128xf32, #tpu.memory_space<vmem_shared>>
      tpu.enqueue_dma source(%dma_start3A_130 : memref<208x128xf32, #tpu.memory_space<vmem_shared>>) target(%dma_start3A_128 : memref<208x128xf32, #tpu.memory_space<hbm>>) target_semaphore(%run_scoped3A : memref<!tpu.dma_semaphore, #tpu.memory_space<semaphore_mem>>)
      %dma_wait3A = arith.constant 0 : i32
      %dma_wait3A_131 = tpu.memref_slice %arg4[%add3A_121, %dma_wait3A] : memref<13376x128xf32, #tpu.memory_space<hbm>> -> memref<208x128xf32, #tpu.memory_space<hbm>>
      %dma_wait3A_132 = arith.constant 0 : i32
      %dma_wait3A_133 = tpu.memref_slice %arg10[%mul3A_118, %dma_wait3A_132] : memref<3352x128xf32, #tpu.memory_space<vmem_shared>> -> memref<208x128xf32, #tpu.memory_space<vmem_shared>>
      tpu.wait_dma2 semaphore(%run_scoped3A : memref<!tpu.dma_semaphore, #tpu.memory_space<semaphore_mem>>) src(%dma_wait3A_133 : memref<208x128xf32, #tpu.memory_space<vmem_shared>>) dst(%dma_wait3A_131 : memref<208x128xf32, #tpu.memory_space<hbm>>)
      tpu.yield
    }) : () -> ()
    %eq3A_122 = arith.constant 15 : i32
    %eq3A_123 = arith.cmpi eq, %arg1, %eq3A_122 : i32
    %convert_element_type3A_124 = arith.extui %eq3A_123 : i1 to i32
    %cond3A_125 = arith.constant 0 : i32
    %cond3A_126 = arith.cmpi ne, %convert_element_type3A_124, %cond3A_125 : i32
    scf.if %cond3A_126 {
      %add3A_127 = arith.constant 3328 : i32
      %add3A_128 = arith.addi %mul3A_116, %add3A_127 : i32
      "tpu.region"() ({
        %run_scoped3A = tpu.sem_alloc : memref<!tpu.dma_semaphore, #tpu.memory_space<semaphore_mem>>
        %dma_start3A_129 = arith.constant 0 : i32
        %dma_start3A_130 = tpu.memref_slice %arg4[%add3A_128, %dma_start3A_129] : memref<13376x128xf32, #tpu.memory_space<hbm>> -> memref<16x128xf32, #tpu.memory_space<hbm>>
        %dma_start3A_131 = arith.constant 3328 : i32
        %dma_start3A_132 = arith.constant 0 : i32
        %dma_start3A_133 = tpu.memref_slice %arg10[%dma_start3A_131, %dma_start3A_132] : memref<3352x128xf32, #tpu.memory_space<vmem_shared>> -> memref<16x128xf32, #tpu.memory_space<vmem_shared>>
        tpu.enqueue_dma source(%dma_start3A_133 : memref<16x128xf32, #tpu.memory_space<vmem_shared>>) target(%dma_start3A_130 : memref<16x128xf32, #tpu.memory_space<hbm>>) target_semaphore(%run_scoped3A : memref<!tpu.dma_semaphore, #tpu.memory_space<semaphore_mem>>)
        %dma_wait3A = arith.constant 0 : i32
        %dma_wait3A_134 = tpu.memref_slice %arg4[%add3A_128, %dma_wait3A] : memref<13376x128xf32, #tpu.memory_space<hbm>> -> memref<16x128xf32, #tpu.memory_space<hbm>>
        %dma_wait3A_135 = arith.constant 3328 : i32
        %dma_wait3A_136 = arith.constant 0 : i32
        %dma_wait3A_137 = tpu.memref_slice %arg10[%dma_wait3A_135, %dma_wait3A_136] : memref<3352x128xf32, #tpu.memory_space<vmem_shared>> -> memref<16x128xf32, #tpu.memory_space<vmem_shared>>
        tpu.wait_dma2 semaphore(%run_scoped3A : memref<!tpu.dma_semaphore, #tpu.memory_space<semaphore_mem>>) src(%dma_wait3A_137 : memref<16x128xf32, #tpu.memory_space<vmem_shared>>) dst(%dma_wait3A_134 : memref<16x128xf32, #tpu.memory_space<hbm>>)
        tpu.yield
      }) : () -> ()
    } else {
    }
    return
  }
}

#map = affine_map<(d0, d1) -> (0, 0)>
#map1 = affine_map<(d0, d1) -> (0)>
module attributes {stable_mosaic.version = 14 : i64} {
  func.func @_sc_edge_body(%arg0: i32, %arg1: i32, %arg2: memref<10000x128xf32, #tpu.memory_space<hbm>>, %arg3: memref<20000x128xf32, #tpu.memory_space<hbm>>, %arg4: memref<640000x64xf32, #tpu.memory_space<hbm>>, %arg5: memref<320000xi32, #tpu.memory_space<hbm>>, %arg6: memref<640000xi32, #tpu.memory_space<hbm>>, %arg7: memref<640000xi32, #tpu.memory_space<hbm>>, %arg8: memref<640000x64xf32, #tpu.memory_space<hbm>>, %arg9: memref<640000x128xf32, #tpu.memory_space<hbm>>, %arg10: memref<6688x128xf32, #tpu.memory_space<hbm>>, %arg11: memref<256x64xf32, #tpu.memory_space<hbm>>, %arg12: memref<80xi32, #tpu.memory_space<vmem>>, %arg13: memref<80xi32, #tpu.memory_space<vmem>>, %arg14: memref<80xi32, #tpu.memory_space<vmem>>, %arg15: memref<80xi32, #tpu.memory_space<vmem>>, %arg16: memref<80xi32, #tpu.memory_space<vmem>>, %arg17: memref<80xi32, #tpu.memory_space<vmem>>, %arg18: memref<80x128xf32, #tpu.memory_space<vmem>>, %arg19: memref<80x128xf32, #tpu.memory_space<vmem>>, %arg20: memref<80x128xf32, #tpu.memory_space<vmem>>, %arg21: memref<80x128xf32, #tpu.memory_space<vmem>>, %arg22: memref<80x64xf32, #tpu.memory_space<vmem>>, %arg23: memref<80x64xf32, #tpu.memory_space<vmem>>, %arg24: memref<80x64xf32, #tpu.memory_space<vmem>>, %arg25: memref<80x64xf32, #tpu.memory_space<vmem>>, %arg26: memref<80x128xf32, #tpu.memory_space<vmem>>, %arg27: memref<80x128xf32, #tpu.memory_space<vmem>>, %arg28: memref<8x64xf32, #tpu.memory_space<vmem>>, %arg29: memref<3352x128xf32, #tpu.memory_space<vmem_shared>>, %arg30: memref<!tpu.dma_semaphore, #tpu.memory_space<semaphore_mem>>, %arg31: memref<!tpu.dma_semaphore, #tpu.memory_space<semaphore_mem>>, %arg32: memref<!tpu.dma_semaphore, #tpu.memory_space<semaphore_mem>>, %arg33: memref<!tpu.dma_semaphore, #tpu.memory_space<semaphore_mem>>, %arg34: memref<!tpu.dma_semaphore, #tpu.memory_space<semaphore_mem>>, %arg35: memref<!tpu.dma_semaphore, #tpu.memory_space<semaphore_mem>>) attributes {dimension_semantics = [#tpu.dimension_semantics<core_parallel>, #tpu.dimension_semantics<subcore_parallel>], iteration_bounds = array<i64: 2, 16>, scalar_prefetch = 0 : i64, scratch_operands = 24 : i64, tpu.core_type = #tpu.core_type<sc_vector_subcore>, window_params = [{transform_indices = #map}, {transform_indices = #map}, {transform_indices = #map}, {transform_indices = #map1}, {transform_indices = #map1}, {transform_indices = #map1}, {transform_indices = #map}, {transform_indices = #map}, {transform_indices = #map}, {transform_indices = #map}]} {
    %mul3A = arith.constant 64 : i32
    %mul3A_0 = arith.muli %arg0, %mul3A : i32
    %broadcast_in_dim3A = arith.constant 0.000000e+00 : f32
    %broadcast_in_dim3A_1 = vector.broadcast %broadcast_in_dim3A : f32 to vector<16xf32>
    %mul3A_2 = arith.constant 20000 : i32
    %mul3A_3 = arith.muli %arg1, %mul3A_2 : i32
    %scan3A = arith.constant 0 : i32
    %scan3A_4 = arith.constant 0 : i32
    %scan3A_5 = arith.constant 80 : i32
    %scan3A_6 = arith.addi %scan3A_4, %scan3A_5 : i32
    %scan3A_7 = arith.constant 1 : i32
    scf.for %scan3A_307 = %scan3A_4 to %scan3A_6 step %scan3A_7  : i32 {
      %swap3A_308 = arith.index_cast %scan3A_307 : i32 to index
      %swap3A_309 = arith.constant 0 : index
      %swap3A_310 = tpu.vector_load %arg26[%swap3A_308, %swap3A_309] {strides = array<i32>} : memref<80x128xf32, #tpu.memory_space<vmem>>, vector<16xf32>,
      tpu.vector_store %arg26[%swap3A_308, %swap3A_309], %broadcast_in_dim3A_1 {strides = array<i32>} : memref<80x128xf32, #tpu.memory_space<vmem>>, vector<16xf32>,
      %swap3A_311 = arith.index_cast %scan3A_307 : i32 to index
      %swap3A_312 = arith.constant 16 : index
      %swap3A_313 = tpu.vector_load %arg26[%swap3A_311, %swap3A_312] {strides = array<i32>} : memref<80x128xf32, #tpu.memory_space<vmem>>, vector<16xf32>,
      tpu.vector_store %arg26[%swap3A_311, %swap3A_312], %broadcast_in_dim3A_1 {strides = array<i32>} : memref<80x128xf32, #tpu.memory_space<vmem>>, vector<16xf32>,
      %swap3A_314 = arith.index_cast %scan3A_307 : i32 to index
      %swap3A_315 = arith.constant 32 : index
      %swap3A_316 = tpu.vector_load %arg26[%swap3A_314, %swap3A_315] {strides = array<i32>} : memref<80x128xf32, #tpu.memory_space<vmem>>, vector<16xf32>,
      tpu.vector_store %arg26[%swap3A_314, %swap3A_315], %broadcast_in_dim3A_1 {strides = array<i32>} : memref<80x128xf32, #tpu.memory_space<vmem>>, vector<16xf32>,
      %swap3A_317 = arith.index_cast %scan3A_307 : i32 to index
      %swap3A_318 = arith.constant 48 : index
      %swap3A_319 = tpu.vector_load %arg26[%swap3A_317, %swap3A_318] {strides = array<i32>} : memref<80x128xf32, #tpu.memory_space<vmem>>, vector<16xf32>,
      tpu.vector_store %arg26[%swap3A_317, %swap3A_318], %broadcast_in_dim3A_1 {strides = array<i32>} : memref<80x128xf32, #tpu.memory_space<vmem>>, vector<16xf32>,
      %swap3A_320 = arith.index_cast %scan3A_307 : i32 to index
      %swap3A_321 = arith.constant 64 : index
      %swap3A_322 = tpu.vector_load %arg26[%swap3A_320, %swap3A_321] {strides = array<i32>} : memref<80x128xf32, #tpu.memory_space<vmem>>, vector<16xf32>,
      tpu.vector_store %arg26[%swap3A_320, %swap3A_321], %broadcast_in_dim3A_1 {strides = array<i32>} : memref<80x128xf32, #tpu.memory_space<vmem>>, vector<16xf32>,
      %swap3A_323 = arith.index_cast %scan3A_307 : i32 to index
      %swap3A_324 = arith.constant 80 : index
      %swap3A_325 = tpu.vector_load %arg26[%swap3A_323, %swap3A_324] {strides = array<i32>} : memref<80x128xf32, #tpu.memory_space<vmem>>, vector<16xf32>,
      tpu.vector_store %arg26[%swap3A_323, %swap3A_324], %broadcast_in_dim3A_1 {strides = array<i32>} : memref<80x128xf32, #tpu.memory_space<vmem>>, vector<16xf32>,
      %swap3A_326 = arith.index_cast %scan3A_307 : i32 to index
      %swap3A_327 = arith.constant 96 : index
      %swap3A_328 = tpu.vector_load %arg26[%swap3A_326, %swap3A_327] {strides = array<i32>} : memref<80x128xf32, #tpu.memory_space<vmem>>, vector<16xf32>,
      tpu.vector_store %arg26[%swap3A_326, %swap3A_327], %broadcast_in_dim3A_1 {strides = array<i32>} : memref<80x128xf32, #tpu.memory_space<vmem>>, vector<16xf32>,
      %swap3A_329 = arith.index_cast %scan3A_307 : i32 to index
      %swap3A_330 = arith.constant 112 : index
      %swap3A_331 = tpu.vector_load %arg26[%swap3A_329, %swap3A_330] {strides = array<i32>} : memref<80x128xf32, #tpu.memory_space<vmem>>, vector<16xf32>,
      tpu.vector_store %arg26[%swap3A_329, %swap3A_330], %broadcast_in_dim3A_1 {strides = array<i32>} : memref<80x128xf32, #tpu.memory_space<vmem>>, vector<16xf32>,
    }
    %scan3A_8 = arith.constant 80 : i32
    %swap3A = arith.constant 0 : i32
    %swap3A_9 = arith.index_cast %swap3A : i32 to index
    %swap3A_10 = arith.constant 0 : index
    %swap3A_11 = tpu.vector_load %arg28[%swap3A_9, %swap3A_10] {strides = array<i32>} : memref<8x64xf32, #tpu.memory_space<vmem>>, vector<16xf32>,
    tpu.vector_store %arg28[%swap3A_9, %swap3A_10], %broadcast_in_dim3A_1 {strides = array<i32>} : memref<8x64xf32, #tpu.memory_space<vmem>>, vector<16xf32>,
    %swap3A_12 = arith.constant 0 : i32
    %swap3A_13 = arith.index_cast %swap3A_12 : i32 to index
    %swap3A_14 = arith.constant 16 : index
    %swap3A_15 = tpu.vector_load %arg28[%swap3A_13, %swap3A_14] {strides = array<i32>} : memref<8x64xf32, #tpu.memory_space<vmem>>, vector<16xf32>,
    tpu.vector_store %arg28[%swap3A_13, %swap3A_14], %broadcast_in_dim3A_1 {strides = array<i32>} : memref<8x64xf32, #tpu.memory_space<vmem>>, vector<16xf32>,
    %swap3A_16 = arith.constant 0 : i32
    %swap3A_17 = arith.index_cast %swap3A_16 : i32 to index
    %swap3A_18 = arith.constant 32 : index
    %swap3A_19 = tpu.vector_load %arg28[%swap3A_17, %swap3A_18] {strides = array<i32>} : memref<8x64xf32, #tpu.memory_space<vmem>>, vector<16xf32>,
    tpu.vector_store %arg28[%swap3A_17, %swap3A_18], %broadcast_in_dim3A_1 {strides = array<i32>} : memref<8x64xf32, #tpu.memory_space<vmem>>, vector<16xf32>,
    %swap3A_20 = arith.constant 0 : i32
    %swap3A_21 = arith.index_cast %swap3A_20 : i32 to index
    %swap3A_22 = arith.constant 48 : index
    %swap3A_23 = tpu.vector_load %arg28[%swap3A_21, %swap3A_22] {strides = array<i32>} : memref<8x64xf32, #tpu.memory_space<vmem>>, vector<16xf32>,
    tpu.vector_store %arg28[%swap3A_21, %swap3A_22], %broadcast_in_dim3A_1 {strides = array<i32>} : memref<8x64xf32, #tpu.memory_space<vmem>>, vector<16xf32>,
    %swap3A_24 = arith.constant 1 : i32
    %swap3A_25 = arith.index_cast %swap3A_24 : i32 to index
    %swap3A_26 = arith.constant 0 : index
    %swap3A_27 = tpu.vector_load %arg28[%swap3A_25, %swap3A_26] {strides = array<i32>} : memref<8x64xf32, #tpu.memory_space<vmem>>, vector<16xf32>,
    tpu.vector_store %arg28[%swap3A_25, %swap3A_26], %broadcast_in_dim3A_1 {strides = array<i32>} : memref<8x64xf32, #tpu.memory_space<vmem>>, vector<16xf32>,
    %swap3A_28 = arith.constant 1 : i32
    %swap3A_29 = arith.index_cast %swap3A_28 : i32 to index
    %swap3A_30 = arith.constant 16 : index
    %swap3A_31 = tpu.vector_load %arg28[%swap3A_29, %swap3A_30] {strides = array<i32>} : memref<8x64xf32, #tpu.memory_space<vmem>>, vector<16xf32>,
    tpu.vector_store %arg28[%swap3A_29, %swap3A_30], %broadcast_in_dim3A_1 {strides = array<i32>} : memref<8x64xf32, #tpu.memory_space<vmem>>, vector<16xf32>,
    %swap3A_32 = arith.constant 1 : i32
    %swap3A_33 = arith.index_cast %swap3A_32 : i32 to index
    %swap3A_34 = arith.constant 32 : index
    %swap3A_35 = tpu.vector_load %arg28[%swap3A_33, %swap3A_34] {strides = array<i32>} : memref<8x64xf32, #tpu.memory_space<vmem>>, vector<16xf32>,
    tpu.vector_store %arg28[%swap3A_33, %swap3A_34], %broadcast_in_dim3A_1 {strides = array<i32>} : memref<8x64xf32, #tpu.memory_space<vmem>>, vector<16xf32>,
    %swap3A_36 = arith.constant 1 : i32
    %swap3A_37 = arith.index_cast %swap3A_36 : i32 to index
    %swap3A_38 = arith.constant 48 : index
    %swap3A_39 = tpu.vector_load %arg28[%swap3A_37, %swap3A_38] {strides = array<i32>} : memref<8x64xf32, #tpu.memory_space<vmem>>, vector<16xf32>,
    tpu.vector_store %arg28[%swap3A_37, %swap3A_38], %broadcast_in_dim3A_1 {strides = array<i32>} : memref<8x64xf32, #tpu.memory_space<vmem>>, vector<16xf32>,
    %swap3A_40 = arith.constant 2 : i32
    %swap3A_41 = arith.index_cast %swap3A_40 : i32 to index
    %swap3A_42 = arith.constant 0 : index
    %swap3A_43 = tpu.vector_load %arg28[%swap3A_41, %swap3A_42] {strides = array<i32>} : memref<8x64xf32, #tpu.memory_space<vmem>>, vector<16xf32>,
    tpu.vector_store %arg28[%swap3A_41, %swap3A_42], %broadcast_in_dim3A_1 {strides = array<i32>} : memref<8x64xf32, #tpu.memory_space<vmem>>, vector<16xf32>,
    %swap3A_44 = arith.constant 2 : i32
    %swap3A_45 = arith.index_cast %swap3A_44 : i32 to index
    %swap3A_46 = arith.constant 16 : index
    %swap3A_47 = tpu.vector_load %arg28[%swap3A_45, %swap3A_46] {strides = array<i32>} : memref<8x64xf32, #tpu.memory_space<vmem>>, vector<16xf32>,
    tpu.vector_store %arg28[%swap3A_45, %swap3A_46], %broadcast_in_dim3A_1 {strides = array<i32>} : memref<8x64xf32, #tpu.memory_space<vmem>>, vector<16xf32>,
    %swap3A_48 = arith.constant 2 : i32
    %swap3A_49 = arith.index_cast %swap3A_48 : i32 to index
    %swap3A_50 = arith.constant 32 : index
    %swap3A_51 = tpu.vector_load %arg28[%swap3A_49, %swap3A_50] {strides = array<i32>} : memref<8x64xf32, #tpu.memory_space<vmem>>, vector<16xf32>,
    tpu.vector_store %arg28[%swap3A_49, %swap3A_50], %broadcast_in_dim3A_1 {strides = array<i32>} : memref<8x64xf32, #tpu.memory_space<vmem>>, vector<16xf32>,
    %swap3A_52 = arith.constant 2 : i32
    %swap3A_53 = arith.index_cast %swap3A_52 : i32 to index
    %swap3A_54 = arith.constant 48 : index
    %swap3A_55 = tpu.vector_load %arg28[%swap3A_53, %swap3A_54] {strides = array<i32>} : memref<8x64xf32, #tpu.memory_space<vmem>>, vector<16xf32>,
    tpu.vector_store %arg28[%swap3A_53, %swap3A_54], %broadcast_in_dim3A_1 {strides = array<i32>} : memref<8x64xf32, #tpu.memory_space<vmem>>, vector<16xf32>,
    %swap3A_56 = arith.constant 3 : i32
    %swap3A_57 = arith.index_cast %swap3A_56 : i32 to index
    %swap3A_58 = arith.constant 0 : index
    %swap3A_59 = tpu.vector_load %arg28[%swap3A_57, %swap3A_58] {strides = array<i32>} : memref<8x64xf32, #tpu.memory_space<vmem>>, vector<16xf32>,
    tpu.vector_store %arg28[%swap3A_57, %swap3A_58], %broadcast_in_dim3A_1 {strides = array<i32>} : memref<8x64xf32, #tpu.memory_space<vmem>>, vector<16xf32>,
    %swap3A_60 = arith.constant 3 : i32
    %swap3A_61 = arith.index_cast %swap3A_60 : i32 to index
    %swap3A_62 = arith.constant 16 : index
    %swap3A_63 = tpu.vector_load %arg28[%swap3A_61, %swap3A_62] {strides = array<i32>} : memref<8x64xf32, #tpu.memory_space<vmem>>, vector<16xf32>,
    tpu.vector_store %arg28[%swap3A_61, %swap3A_62], %broadcast_in_dim3A_1 {strides = array<i32>} : memref<8x64xf32, #tpu.memory_space<vmem>>, vector<16xf32>,
    %swap3A_64 = arith.constant 3 : i32
    %swap3A_65 = arith.index_cast %swap3A_64 : i32 to index
    %swap3A_66 = arith.constant 32 : index
    %swap3A_67 = tpu.vector_load %arg28[%swap3A_65, %swap3A_66] {strides = array<i32>} : memref<8x64xf32, #tpu.memory_space<vmem>>, vector<16xf32>,
    tpu.vector_store %arg28[%swap3A_65, %swap3A_66], %broadcast_in_dim3A_1 {strides = array<i32>} : memref<8x64xf32, #tpu.memory_space<vmem>>, vector<16xf32>,
    %swap3A_68 = arith.constant 3 : i32
    %swap3A_69 = arith.index_cast %swap3A_68 : i32 to index
    %swap3A_70 = arith.constant 48 : index
    %swap3A_71 = tpu.vector_load %arg28[%swap3A_69, %swap3A_70] {strides = array<i32>} : memref<8x64xf32, #tpu.memory_space<vmem>>, vector<16xf32>,
    tpu.vector_store %arg28[%swap3A_69, %swap3A_70], %broadcast_in_dim3A_1 {strides = array<i32>} : memref<8x64xf32, #tpu.memory_space<vmem>>, vector<16xf32>,
    %swap3A_72 = arith.constant 4 : i32
    %swap3A_73 = arith.index_cast %swap3A_72 : i32 to index
    %swap3A_74 = arith.constant 0 : index
    %swap3A_75 = tpu.vector_load %arg28[%swap3A_73, %swap3A_74] {strides = array<i32>} : memref<8x64xf32, #tpu.memory_space<vmem>>, vector<16xf32>,
    tpu.vector_store %arg28[%swap3A_73, %swap3A_74], %broadcast_in_dim3A_1 {strides = array<i32>} : memref<8x64xf32, #tpu.memory_space<vmem>>, vector<16xf32>,
    %swap3A_76 = arith.constant 4 : i32
    %swap3A_77 = arith.index_cast %swap3A_76 : i32 to index
    %swap3A_78 = arith.constant 16 : index
    %swap3A_79 = tpu.vector_load %arg28[%swap3A_77, %swap3A_78] {strides = array<i32>} : memref<8x64xf32, #tpu.memory_space<vmem>>, vector<16xf32>,
    tpu.vector_store %arg28[%swap3A_77, %swap3A_78], %broadcast_in_dim3A_1 {strides = array<i32>} : memref<8x64xf32, #tpu.memory_space<vmem>>, vector<16xf32>,
    %swap3A_80 = arith.constant 4 : i32
    %swap3A_81 = arith.index_cast %swap3A_80 : i32 to index
    %swap3A_82 = arith.constant 32 : index
    %swap3A_83 = tpu.vector_load %arg28[%swap3A_81, %swap3A_82] {strides = array<i32>} : memref<8x64xf32, #tpu.memory_space<vmem>>, vector<16xf32>,
    tpu.vector_store %arg28[%swap3A_81, %swap3A_82], %broadcast_in_dim3A_1 {strides = array<i32>} : memref<8x64xf32, #tpu.memory_space<vmem>>, vector<16xf32>,
    %swap3A_84 = arith.constant 4 : i32
    %swap3A_85 = arith.index_cast %swap3A_84 : i32 to index
    %swap3A_86 = arith.constant 48 : index
    %swap3A_87 = tpu.vector_load %arg28[%swap3A_85, %swap3A_86] {strides = array<i32>} : memref<8x64xf32, #tpu.memory_space<vmem>>, vector<16xf32>,
    tpu.vector_store %arg28[%swap3A_85, %swap3A_86], %broadcast_in_dim3A_1 {strides = array<i32>} : memref<8x64xf32, #tpu.memory_space<vmem>>, vector<16xf32>,
    %swap3A_88 = arith.constant 5 : i32
    %swap3A_89 = arith.index_cast %swap3A_88 : i32 to index
    %swap3A_90 = arith.constant 0 : index
    %swap3A_91 = tpu.vector_load %arg28[%swap3A_89, %swap3A_90] {strides = array<i32>} : memref<8x64xf32, #tpu.memory_space<vmem>>, vector<16xf32>,
    tpu.vector_store %arg28[%swap3A_89, %swap3A_90], %broadcast_in_dim3A_1 {strides = array<i32>} : memref<8x64xf32, #tpu.memory_space<vmem>>, vector<16xf32>,
    %swap3A_92 = arith.constant 5 : i32
    %swap3A_93 = arith.index_cast %swap3A_92 : i32 to index
    %swap3A_94 = arith.constant 16 : index
    %swap3A_95 = tpu.vector_load %arg28[%swap3A_93, %swap3A_94] {strides = array<i32>} : memref<8x64xf32, #tpu.memory_space<vmem>>, vector<16xf32>,
    tpu.vector_store %arg28[%swap3A_93, %swap3A_94], %broadcast_in_dim3A_1 {strides = array<i32>} : memref<8x64xf32, #tpu.memory_space<vmem>>, vector<16xf32>,
    %swap3A_96 = arith.constant 5 : i32
    %swap3A_97 = arith.index_cast %swap3A_96 : i32 to index
    %swap3A_98 = arith.constant 32 : index
    %swap3A_99 = tpu.vector_load %arg28[%swap3A_97, %swap3A_98] {strides = array<i32>} : memref<8x64xf32, #tpu.memory_space<vmem>>, vector<16xf32>,
    tpu.vector_store %arg28[%swap3A_97, %swap3A_98], %broadcast_in_dim3A_1 {strides = array<i32>} : memref<8x64xf32, #tpu.memory_space<vmem>>, vector<16xf32>,
    %swap3A_100 = arith.constant 5 : i32
    %swap3A_101 = arith.index_cast %swap3A_100 : i32 to index
    %swap3A_102 = arith.constant 48 : index
    %swap3A_103 = tpu.vector_load %arg28[%swap3A_101, %swap3A_102] {strides = array<i32>} : memref<8x64xf32, #tpu.memory_space<vmem>>, vector<16xf32>,
    tpu.vector_store %arg28[%swap3A_101, %swap3A_102], %broadcast_in_dim3A_1 {strides = array<i32>} : memref<8x64xf32, #tpu.memory_space<vmem>>, vector<16xf32>,
    %swap3A_104 = arith.constant 6 : i32
    %swap3A_105 = arith.index_cast %swap3A_104 : i32 to index
    %swap3A_106 = arith.constant 0 : index
    %swap3A_107 = tpu.vector_load %arg28[%swap3A_105, %swap3A_106] {strides = array<i32>} : memref<8x64xf32, #tpu.memory_space<vmem>>, vector<16xf32>,
    tpu.vector_store %arg28[%swap3A_105, %swap3A_106], %broadcast_in_dim3A_1 {strides = array<i32>} : memref<8x64xf32, #tpu.memory_space<vmem>>, vector<16xf32>,
    %swap3A_108 = arith.constant 6 : i32
    %swap3A_109 = arith.index_cast %swap3A_108 : i32 to index
    %swap3A_110 = arith.constant 16 : index
    %swap3A_111 = tpu.vector_load %arg28[%swap3A_109, %swap3A_110] {strides = array<i32>} : memref<8x64xf32, #tpu.memory_space<vmem>>, vector<16xf32>,
    tpu.vector_store %arg28[%swap3A_109, %swap3A_110], %broadcast_in_dim3A_1 {strides = array<i32>} : memref<8x64xf32, #tpu.memory_space<vmem>>, vector<16xf32>,
    %swap3A_112 = arith.constant 6 : i32
    %swap3A_113 = arith.index_cast %swap3A_112 : i32 to index
    %swap3A_114 = arith.constant 32 : index
    %swap3A_115 = tpu.vector_load %arg28[%swap3A_113, %swap3A_114] {strides = array<i32>} : memref<8x64xf32, #tpu.memory_space<vmem>>, vector<16xf32>,
    tpu.vector_store %arg28[%swap3A_113, %swap3A_114], %broadcast_in_dim3A_1 {strides = array<i32>} : memref<8x64xf32, #tpu.memory_space<vmem>>, vector<16xf32>,
    %swap3A_116 = arith.constant 6 : i32
    %swap3A_117 = arith.index_cast %swap3A_116 : i32 to index
    %swap3A_118 = arith.constant 48 : index
    %swap3A_119 = tpu.vector_load %arg28[%swap3A_117, %swap3A_118] {strides = array<i32>} : memref<8x64xf32, #tpu.memory_space<vmem>>, vector<16xf32>,
    tpu.vector_store %arg28[%swap3A_117, %swap3A_118], %broadcast_in_dim3A_1 {strides = array<i32>} : memref<8x64xf32, #tpu.memory_space<vmem>>, vector<16xf32>,
    %swap3A_120 = arith.constant 7 : i32
    %swap3A_121 = arith.index_cast %swap3A_120 : i32 to index
    %swap3A_122 = arith.constant 0 : index
    %swap3A_123 = tpu.vector_load %arg28[%swap3A_121, %swap3A_122] {strides = array<i32>} : memref<8x64xf32, #tpu.memory_space<vmem>>, vector<16xf32>,
    tpu.vector_store %arg28[%swap3A_121, %swap3A_122], %broadcast_in_dim3A_1 {strides = array<i32>} : memref<8x64xf32, #tpu.memory_space<vmem>>, vector<16xf32>,
    %swap3A_124 = arith.constant 7 : i32
    %swap3A_125 = arith.index_cast %swap3A_124 : i32 to index
    %swap3A_126 = arith.constant 16 : index
    %swap3A_127 = tpu.vector_load %arg28[%swap3A_125, %swap3A_126] {strides = array<i32>} : memref<8x64xf32, #tpu.memory_space<vmem>>, vector<16xf32>,
    tpu.vector_store %arg28[%swap3A_125, %swap3A_126], %broadcast_in_dim3A_1 {strides = array<i32>} : memref<8x64xf32, #tpu.memory_space<vmem>>, vector<16xf32>,
    %swap3A_128 = arith.constant 7 : i32
    %swap3A_129 = arith.index_cast %swap3A_128 : i32 to index
    %swap3A_130 = arith.constant 32 : index
    %swap3A_131 = tpu.vector_load %arg28[%swap3A_129, %swap3A_130] {strides = array<i32>} : memref<8x64xf32, #tpu.memory_space<vmem>>, vector<16xf32>,
    tpu.vector_store %arg28[%swap3A_129, %swap3A_130], %broadcast_in_dim3A_1 {strides = array<i32>} : memref<8x64xf32, #tpu.memory_space<vmem>>, vector<16xf32>,
    %swap3A_132 = arith.constant 7 : i32
    %swap3A_133 = arith.index_cast %swap3A_132 : i32 to index
    %swap3A_134 = arith.constant 48 : index
    %swap3A_135 = tpu.vector_load %arg28[%swap3A_133, %swap3A_134] {strides = array<i32>} : memref<8x64xf32, #tpu.memory_space<vmem>>, vector<16xf32>,
    tpu.vector_store %arg28[%swap3A_133, %swap3A_134], %broadcast_in_dim3A_1 {strides = array<i32>} : memref<8x64xf32, #tpu.memory_space<vmem>>, vector<16xf32>,
    %mul3A_136 = arith.constant 208 : i32
    %mul3A_137 = arith.muli %arg1, %mul3A_136 : i32
    "tpu.region"() ({
      %run_scoped3A = tpu.sem_alloc : memref<!tpu.dma_semaphore, #tpu.memory_space<semaphore_mem>>
      %dma_start3A_307 = arith.constant 0 : i32
      %dma_start3A_308 = tpu.memref_slice %arg29[%mul3A_137, %dma_start3A_307] : memref<3352x128xf32, #tpu.memory_space<vmem_shared>> -> memref<80x128xf32, #tpu.memory_space<vmem_shared>>
      %dma_start3A_309 = arith.constant 0 : i32
      %dma_start3A_310 = tpu.memref_slice %arg29[%mul3A_137, %dma_start3A_309] : memref<3352x128xf32, #tpu.memory_space<vmem_shared>> -> memref<80x128xf32, #tpu.memory_space<vmem_shared>>
      tpu.enqueue_dma source(%arg26 : memref<80x128xf32, #tpu.memory_space<vmem>>) target(%dma_start3A_310 : memref<80x128xf32, #tpu.memory_space<vmem_shared>>) target_semaphore(%run_scoped3A : memref<!tpu.dma_semaphore, #tpu.memory_space<semaphore_mem>>)
      %dma_wait3A_311 = arith.constant 0 : i32
      %dma_wait3A_312 = tpu.memref_slice %arg29[%mul3A_137, %dma_wait3A_311] : memref<3352x128xf32, #tpu.memory_space<vmem_shared>> -> memref<80x128xf32, #tpu.memory_space<vmem_shared>>
      %dma_wait3A_313 = arith.constant 0 : i32
      %dma_wait3A_314 = tpu.memref_slice %arg29[%mul3A_137, %dma_wait3A_313] : memref<3352x128xf32, #tpu.memory_space<vmem_shared>> -> memref<80x128xf32, #tpu.memory_space<vmem_shared>>
      tpu.wait_dma2 semaphore(%run_scoped3A : memref<!tpu.dma_semaphore, #tpu.memory_space<semaphore_mem>>) src(%arg26 : memref<80x128xf32, #tpu.memory_space<vmem>>) dst(%dma_wait3A_314 : memref<80x128xf32, #tpu.memory_space<vmem_shared>>)
      tpu.yield
    }) : () -> ()
    %add3A = arith.constant 80 : i32
    %add3A_138 = arith.addi %mul3A_137, %add3A : i32
    "tpu.region"() ({
      %run_scoped3A = tpu.sem_alloc : memref<!tpu.dma_semaphore, #tpu.memory_space<semaphore_mem>>
      %dma_start3A_307 = arith.constant 0 : i32
      %dma_start3A_308 = tpu.memref_slice %arg29[%add3A_138, %dma_start3A_307] : memref<3352x128xf32, #tpu.memory_space<vmem_shared>> -> memref<80x128xf32, #tpu.memory_space<vmem_shared>>
      %dma_start3A_309 = arith.constant 0 : i32
      %dma_start3A_310 = tpu.memref_slice %arg29[%add3A_138, %dma_start3A_309] : memref<3352x128xf32, #tpu.memory_space<vmem_shared>> -> memref<80x128xf32, #tpu.memory_space<vmem_shared>>
      tpu.enqueue_dma source(%arg26 : memref<80x128xf32, #tpu.memory_space<vmem>>) target(%dma_start3A_310 : memref<80x128xf32, #tpu.memory_space<vmem_shared>>) target_semaphore(%run_scoped3A : memref<!tpu.dma_semaphore, #tpu.memory_space<semaphore_mem>>)
      %dma_wait3A_311 = arith.constant 0 : i32
      %dma_wait3A_312 = tpu.memref_slice %arg29[%add3A_138, %dma_wait3A_311] : memref<3352x128xf32, #tpu.memory_space<vmem_shared>> -> memref<80x128xf32, #tpu.memory_space<vmem_shared>>
      %dma_wait3A_313 = arith.constant 0 : i32
      %dma_wait3A_314 = tpu.memref_slice %arg29[%add3A_138, %dma_wait3A_313] : memref<3352x128xf32, #tpu.memory_space<vmem_shared>> -> memref<80x128xf32, #tpu.memory_space<vmem_shared>>
      tpu.wait_dma2 semaphore(%run_scoped3A : memref<!tpu.dma_semaphore, #tpu.memory_space<semaphore_mem>>) src(%arg26 : memref<80x128xf32, #tpu.memory_space<vmem>>) dst(%dma_wait3A_314 : memref<80x128xf32, #tpu.memory_space<vmem_shared>>)
      tpu.yield
    }) : () -> ()
    %add3A_139 = arith.constant 160 : i32
    %add3A_140 = arith.addi %mul3A_137, %add3A_139 : i32
    "tpu.region"() ({
      %run_scoped3A = tpu.sem_alloc : memref<!tpu.dma_semaphore, #tpu.memory_space<semaphore_mem>>
      %dma_start3A_307 = arith.constant 0 : i32
      %dma_start3A_308 = arith.constant 0 : i32
      %dma_start3A_309 = tpu.memref_slice %arg26[%dma_start3A_307, %dma_start3A_308] : memref<80x128xf32, #tpu.memory_space<vmem>> -> memref<48x128xf32, #tpu.memory_space<vmem>>
      %dma_start3A_310 = arith.constant 0 : i32
      %dma_start3A_311 = tpu.memref_slice %arg29[%add3A_140, %dma_start3A_310] : memref<3352x128xf32, #tpu.memory_space<vmem_shared>> -> memref<48x128xf32, #tpu.memory_space<vmem_shared>>
      %dma_start3A_312 = arith.constant 0 : i32
      %dma_start3A_313 = tpu.memref_slice %arg29[%add3A_140, %dma_start3A_312] : memref<3352x128xf32, #tpu.memory_space<vmem_shared>> -> memref<48x128xf32, #tpu.memory_space<vmem_shared>>
      %dma_start3A_314 = arith.constant 0 : i32
      %dma_start3A_315 = arith.constant 0 : i32
      %dma_start3A_316 = tpu.memref_slice %arg26[%dma_start3A_314, %dma_start3A_315] : memref<80x128xf32, #tpu.memory_space<vmem>> -> memref<48x128xf32, #tpu.memory_space<vmem>>
      tpu.enqueue_dma source(%dma_start3A_316 : memref<48x128xf32, #tpu.memory_space<vmem>>) target(%dma_start3A_313 : memref<48x128xf32, #tpu.memory_space<vmem_shared>>) target_semaphore(%run_scoped3A : memref<!tpu.dma_semaphore, #tpu.memory_space<semaphore_mem>>)
      %dma_wait3A_317 = arith.constant 0 : i32
      %dma_wait3A_318 = arith.constant 0 : i32
      %dma_wait3A_319 = tpu.memref_slice %arg26[%dma_wait3A_317, %dma_wait3A_318] : memref<80x128xf32, #tpu.memory_space<vmem>> -> memref<48x128xf32, #tpu.memory_space<vmem>>
      %dma_wait3A_320 = arith.constant 0 : i32
      %dma_wait3A_321 = tpu.memref_slice %arg29[%add3A_140, %dma_wait3A_320] : memref<3352x128xf32, #tpu.memory_space<vmem_shared>> -> memref<48x128xf32, #tpu.memory_space<vmem_shared>>
      %dma_wait3A_322 = arith.constant 0 : i32
      %dma_wait3A_323 = tpu.memref_slice %arg29[%add3A_140, %dma_wait3A_322] : memref<3352x128xf32, #tpu.memory_space<vmem_shared>> -> memref<48x128xf32, #tpu.memory_space<vmem_shared>>
      %dma_wait3A_324 = arith.constant 0 : i32
      %dma_wait3A_325 = arith.constant 0 : i32
      %dma_wait3A_326 = tpu.memref_slice %arg26[%dma_wait3A_324, %dma_wait3A_325] : memref<80x128xf32, #tpu.memory_space<vmem>> -> memref<48x128xf32, #tpu.memory_space<vmem>>
      tpu.wait_dma2 semaphore(%run_scoped3A : memref<!tpu.dma_semaphore, #tpu.memory_space<semaphore_mem>>) src(%dma_wait3A_326 : memref<48x128xf32, #tpu.memory_space<vmem>>) dst(%dma_wait3A_323 : memref<48x128xf32, #tpu.memory_space<vmem_shared>>)
      tpu.yield
    }) : () -> ()
    %eq3A = arith.constant 15 : i32
    %eq3A_141 = arith.cmpi eq, %arg1, %eq3A : i32
    %convert_element_type3A = arith.extui %eq3A_141 : i1 to i32
    %cond3A = arith.constant 0 : i32
    %cond3A_142 = arith.cmpi ne, %convert_element_type3A, %cond3A : i32
    scf.if %cond3A_142 {
      "tpu.region"() ({
        %run_scoped3A = tpu.sem_alloc : memref<!tpu.dma_semaphore, #tpu.memory_space<semaphore_mem>>
        %dma_start3A_307 = arith.constant 0 : i32
        %dma_start3A_308 = arith.constant 0 : i32
        %dma_start3A_309 = tpu.memref_slice %arg26[%dma_start3A_307, %dma_start3A_308] : memref<80x128xf32, #tpu.memory_space<vmem>> -> memref<24x128xf32, #tpu.memory_space<vmem>>
        %dma_start3A_310 = arith.constant 3328 : i32
        %dma_start3A_311 = arith.constant 0 : i32
        %dma_start3A_312 = tpu.memref_slice %arg29[%dma_start3A_310, %dma_start3A_311] : memref<3352x128xf32, #tpu.memory_space<vmem_shared>> -> memref<24x128xf32, #tpu.memory_space<vmem_shared>>
        %dma_start3A_313 = arith.constant 3328 : i32
        %dma_start3A_314 = arith.constant 0 : i32
        %dma_start3A_315 = tpu.memref_slice %arg29[%dma_start3A_313, %dma_start3A_314] : memref<3352x128xf32, #tpu.memory_space<vmem_shared>> -> memref<24x128xf32, #tpu.memory_space<vmem_shared>>
        %dma_start3A_316 = arith.constant 0 : i32
        %dma_start3A_317 = arith.constant 0 : i32
        %dma_start3A_318 = tpu.memref_slice %arg26[%dma_start3A_316, %dma_start3A_317] : memref<80x128xf32, #tpu.memory_space<vmem>> -> memref<24x128xf32, #tpu.memory_space<vmem>>
        tpu.enqueue_dma source(%dma_start3A_318 : memref<24x128xf32, #tpu.memory_space<vmem>>) target(%dma_start3A_315 : memref<24x128xf32, #tpu.memory_space<vmem_shared>>) target_semaphore(%run_scoped3A : memref<!tpu.dma_semaphore, #tpu.memory_space<semaphore_mem>>)
        %dma_wait3A_319 = arith.constant 0 : i32
        %dma_wait3A_320 = arith.constant 0 : i32
        %dma_wait3A_321 = tpu.memref_slice %arg26[%dma_wait3A_319, %dma_wait3A_320] : memref<80x128xf32, #tpu.memory_space<vmem>> -> memref<24x128xf32, #tpu.memory_space<vmem>>
        %dma_wait3A_322 = arith.constant 3328 : i32
        %dma_wait3A_323 = arith.constant 0 : i32
        %dma_wait3A_324 = tpu.memref_slice %arg29[%dma_wait3A_322, %dma_wait3A_323] : memref<3352x128xf32, #tpu.memory_space<vmem_shared>> -> memref<24x128xf32, #tpu.memory_space<vmem_shared>>
        %dma_wait3A_325 = arith.constant 3328 : i32
        %dma_wait3A_326 = arith.constant 0 : i32
        %dma_wait3A_327 = tpu.memref_slice %arg29[%dma_wait3A_325, %dma_wait3A_326] : memref<3352x128xf32, #tpu.memory_space<vmem_shared>> -> memref<24x128xf32, #tpu.memory_space<vmem_shared>>
        %dma_wait3A_328 = arith.constant 0 : i32
        %dma_wait3A_329 = arith.constant 0 : i32
        %dma_wait3A_330 = tpu.memref_slice %arg26[%dma_wait3A_328, %dma_wait3A_329] : memref<80x128xf32, #tpu.memory_space<vmem>> -> memref<24x128xf32, #tpu.memory_space<vmem>>
        tpu.wait_dma2 semaphore(%run_scoped3A : memref<!tpu.dma_semaphore, #tpu.memory_space<semaphore_mem>>) src(%dma_wait3A_330 : memref<24x128xf32, #tpu.memory_space<vmem>>) dst(%dma_wait3A_327 : memref<24x128xf32, #tpu.memory_space<vmem_shared>>)
        tpu.yield
      }) : () -> ()
    } else {
    }
    %barrier3A = arith.constant 0 : index
    tpu.barrier barrier_id(%barrier3A)
    %add3A_143 = arith.constant 0 : i32
    %add3A_144 = arith.addi %mul3A_3, %add3A_143 : i32
    %dma_start3A = tpu.memref_slice %arg5[%add3A_144] : memref<320000xi32, #tpu.memory_space<hbm>> -> memref<80xi32, #tpu.memory_space<hbm>>
    %dma_start3A_145 = tpu.memref_slice %arg5[%add3A_144] : memref<320000xi32, #tpu.memory_space<hbm>> -> memref<80xi32, #tpu.memory_space<hbm>>
    tpu.enqueue_dma source(%dma_start3A_145 : memref<80xi32, #tpu.memory_space<hbm>>) target(%arg12 : memref<80xi32, #tpu.memory_space<vmem>>) target_semaphore(%arg30 : memref<!tpu.dma_semaphore, #tpu.memory_space<semaphore_mem>>)
    %mul3A_146 = arith.constant 320000 : i32
    %mul3A_147 = arith.muli %arg0, %mul3A_146 : i32
    %add3A_148 = arith.addi %mul3A_147, %add3A_144 : i32
    %dma_start3A_149 = tpu.memref_slice %arg6[%add3A_148] : memref<640000xi32, #tpu.memory_space<hbm>> -> memref<80xi32, #tpu.memory_space<hbm>>
    %dma_start3A_150 = tpu.memref_slice %arg6[%add3A_148] : memref<640000xi32, #tpu.memory_space<hbm>> -> memref<80xi32, #tpu.memory_space<hbm>>
    tpu.enqueue_dma source(%dma_start3A_150 : memref<80xi32, #tpu.memory_space<hbm>>) target(%arg14 : memref<80xi32, #tpu.memory_space<vmem>>) target_semaphore(%arg30 : memref<!tpu.dma_semaphore, #tpu.memory_space<semaphore_mem>>)
    %mul3A_151 = arith.constant 320000 : i32
    %mul3A_152 = arith.muli %arg0, %mul3A_151 : i32
    %add3A_153 = arith.addi %mul3A_152, %add3A_144 : i32
    %dma_start3A_154 = arith.constant 0 : i32
    %dma_start3A_155 = tpu.memref_slice %arg4[%add3A_153, %dma_start3A_154] : memref<640000x64xf32, #tpu.memory_space<hbm>> -> memref<80x64xf32, #tpu.memory_space<hbm>>
    %dma_start3A_156 = arith.constant 0 : i32
    %dma_start3A_157 = tpu.memref_slice %arg4[%add3A_153, %dma_start3A_156] : memref<640000x64xf32, #tpu.memory_space<hbm>> -> memref<80x64xf32, #tpu.memory_space<hbm>>
    tpu.enqueue_dma source(%dma_start3A_157 : memref<80x64xf32, #tpu.memory_space<hbm>>) target(%arg22 : memref<80x64xf32, #tpu.memory_space<vmem>>) target_semaphore(%arg30 : memref<!tpu.dma_semaphore, #tpu.memory_space<semaphore_mem>>)
    %add3A_158 = arith.constant 0 : i32
    %add3A_159 = arith.addi %mul3A_3, %add3A_158 : i32
    %dma_wait3A = tpu.memref_slice %arg5[%add3A_159] : memref<320000xi32, #tpu.memory_space<hbm>> -> memref<80xi32, #tpu.memory_space<hbm>>
    %dma_wait3A_160 = tpu.memref_slice %arg5[%add3A_159] : memref<320000xi32, #tpu.memory_space<hbm>> -> memref<80xi32, #tpu.memory_space<hbm>>
    tpu.wait_dma2 semaphore(%arg30 : memref<!tpu.dma_semaphore, #tpu.memory_space<semaphore_mem>>) src(%dma_wait3A_160 : memref<80xi32, #tpu.memory_space<hbm>>) dst(%arg12 : memref<80xi32, #tpu.memory_space<vmem>>)
    %mul3A_161 = arith.constant 320000 : i32
    %mul3A_162 = arith.muli %arg0, %mul3A_161 : i32
    %add3A_163 = arith.addi %mul3A_162, %add3A_159 : i32
    %dma_wait3A_164 = tpu.memref_slice %arg6[%add3A_163] : memref<640000xi32, #tpu.memory_space<hbm>> -> memref<80xi32, #tpu.memory_space<hbm>>
    %dma_wait3A_165 = tpu.memref_slice %arg6[%add3A_163] : memref<640000xi32, #tpu.memory_space<hbm>> -> memref<80xi32, #tpu.memory_space<hbm>>
    tpu.wait_dma2 semaphore(%arg30 : memref<!tpu.dma_semaphore, #tpu.memory_space<semaphore_mem>>) src(%dma_wait3A_165 : memref<80xi32, #tpu.memory_space<hbm>>) dst(%arg14 : memref<80xi32, #tpu.memory_space<vmem>>)
    %mul3A_166 = arith.constant 320000 : i32
    %mul3A_167 = arith.muli %arg0, %mul3A_166 : i32
    %add3A_168 = arith.addi %mul3A_167, %add3A_159 : i32
    %dma_wait3A_169 = arith.constant 0 : i32
    %dma_wait3A_170 = tpu.memref_slice %arg4[%add3A_168, %dma_wait3A_169] : memref<640000x64xf32, #tpu.memory_space<hbm>> -> memref<80x64xf32, #tpu.memory_space<hbm>>
    %dma_wait3A_171 = arith.constant 0 : i32
    %dma_wait3A_172 = tpu.memref_slice %arg4[%add3A_168, %dma_wait3A_171] : memref<640000x64xf32, #tpu.memory_space<hbm>> -> memref<80x64xf32, #tpu.memory_space<hbm>>
    tpu.wait_dma2 semaphore(%arg30 : memref<!tpu.dma_semaphore, #tpu.memory_space<semaphore_mem>>) src(%dma_wait3A_172 : memref<80x64xf32, #tpu.memory_space<hbm>>) dst(%arg22 : memref<80x64xf32, #tpu.memory_space<vmem>>)
    %get3A = arith.constant 0 : index
    %get3A_173 = tpu.vector_load %arg12[%get3A] {strides = array<i32>} : memref<80xi32, #tpu.memory_space<vmem>>, vector<16xi32>,
    %lt3A = arith.constant 3344 : i32
    %lt3A_174 = vector.broadcast %lt3A : i32 to vector<16xi32>
    %lt3A_175 = arith.cmpi slt, %get3A_173, %lt3A_174 : vector<16xi32>
    %jit3A = arith.constant 3344 : i32
    %broadcast_in_dim3A_176 = vector.broadcast %jit3A : i32 to vector<16xi32>
    %select_n3A = arith.select %lt3A_175, %get3A_173, %broadcast_in_dim3A_176 : vector<16xi1>, vector<16xi32>
    %swap3A_177 = arith.constant 0 : index
    %swap3A_178 = tpu.vector_load %arg16[%swap3A_177] {strides = array<i32>} : memref<80xi32, #tpu.memory_space<vmem>>, vector<16xi32>,
    tpu.vector_store %arg16[%swap3A_177], %select_n3A {strides = array<i32>} : memref<80xi32, #tpu.memory_space<vmem>>, vector<16xi32>,
    %get3A_179 = arith.constant 16 : index
    %get3A_180 = tpu.vector_load %arg12[%get3A_179] {strides = array<i32>} : memref<80xi32, #tpu.memory_space<vmem>>, vector<16xi32>,
    %lt3A_181 = arith.constant 3344 : i32
    %lt3A_182 = vector.broadcast %lt3A_181 : i32 to vector<16xi32>
    %lt3A_183 = arith.cmpi slt, %get3A_180, %lt3A_182 : vector<16xi32>
    %jit3A_184 = arith.constant 3344 : i32
    %broadcast_in_dim3A_185 = vector.broadcast %jit3A_184 : i32 to vector<16xi32>
    %select_n3A_186 = arith.select %lt3A_183, %get3A_180, %broadcast_in_dim3A_185 : vector<16xi1>, vector<16xi32>
    %swap3A_187 = arith.constant 16 : index
    %swap3A_188 = tpu.vector_load %arg16[%swap3A_187] {strides = array<i32>} : memref<80xi32, #tpu.memory_space<vmem>>, vector<16xi32>,
    tpu.vector_store %arg16[%swap3A_187], %select_n3A_186 {strides = array<i32>} : memref<80xi32, #tpu.memory_space<vmem>>, vector<16xi32>,
    %get3A_189 = arith.constant 32 : index
    %get3A_190 = tpu.vector_load %arg12[%get3A_189] {strides = array<i32>} : memref<80xi32, #tpu.memory_space<vmem>>, vector<16xi32>,
    %lt3A_191 = arith.constant 3344 : i32
    %lt3A_192 = vector.broadcast %lt3A_191 : i32 to vector<16xi32>
    %lt3A_193 = arith.cmpi slt, %get3A_190, %lt3A_192 : vector<16xi32>
    %jit3A_194 = arith.constant 3344 : i32
    %broadcast_in_dim3A_195 = vector.broadcast %jit3A_194 : i32 to vector<16xi32>
    %select_n3A_196 = arith.select %lt3A_193, %get3A_190, %broadcast_in_dim3A_195 : vector<16xi1>, vector<16xi32>
    %swap3A_197 = arith.constant 32 : index
    %swap3A_198 = tpu.vector_load %arg16[%swap3A_197] {strides = array<i32>} : memref<80xi32, #tpu.memory_space<vmem>>, vector<16xi32>,
    tpu.vector_store %arg16[%swap3A_197], %select_n3A_196 {strides = array<i32>} : memref<80xi32, #tpu.memory_space<vmem>>, vector<16xi32>,
    %get3A_199 = arith.constant 48 : index
    %get3A_200 = tpu.vector_load %arg12[%get3A_199] {strides = array<i32>} : memref<80xi32, #tpu.memory_space<vmem>>, vector<16xi32>,
    %lt3A_201 = arith.constant 3344 : i32
    %lt3A_202 = vector.broadcast %lt3A_201 : i32 to vector<16xi32>
    %lt3A_203 = arith.cmpi slt, %get3A_200, %lt3A_202 : vector<16xi32>
    %jit3A_204 = arith.constant 3344 : i32
    %broadcast_in_dim3A_205 = vector.broadcast %jit3A_204 : i32 to vector<16xi32>
    %select_n3A_206 = arith.select %lt3A_203, %get3A_200, %broadcast_in_dim3A_205 : vector<16xi1>, vector<16xi32>
    %swap3A_207 = arith.constant 48 : index
    %swap3A_208 = tpu.vector_load %arg16[%swap3A_207] {strides = array<i32>} : memref<80xi32, #tpu.memory_space<vmem>>, vector<16xi32>,
    tpu.vector_store %arg16[%swap3A_207], %select_n3A_206 {strides = array<i32>} : memref<80xi32, #tpu.memory_space<vmem>>, vector<16xi32>,
    %get3A_209 = arith.constant 64 : index
    %get3A_210 = tpu.vector_load %arg12[%get3A_209] {strides = array<i32>} : memref<80xi32, #tpu.memory_space<vmem>>, vector<16xi32>,
    %lt3A_211 = arith.constant 3344 : i32
    %lt3A_212 = vector.broadcast %lt3A_211 : i32 to vector<16xi32>
    %lt3A_213 = arith.cmpi slt, %get3A_210, %lt3A_212 : vector<16xi32>
    %jit3A_214 = arith.constant 3344 : i32
    %broadcast_in_dim3A_215 = vector.broadcast %jit3A_214 : i32 to vector<16xi32>
    %select_n3A_216 = arith.select %lt3A_213, %get3A_210, %broadcast_in_dim3A_215 : vector<16xi1>, vector<16xi32>
    %swap3A_217 = arith.constant 64 : index
    %swap3A_218 = tpu.vector_load %arg16[%swap3A_217] {strides = array<i32>} : memref<80xi32, #tpu.memory_space<vmem>>, vector<16xi32>,
    tpu.vector_store %arg16[%swap3A_217], %select_n3A_216 {strides = array<i32>} : memref<80xi32, #tpu.memory_space<vmem>>, vector<16xi32>,
    %dma_start3A_219 = arith.constant 0 : i32
    %dma_start3A_220 = arith.constant 0 : i32
    %dma_start3A_221 = tpu.memref_slice %arg18[%dma_start3A_219, %dma_start3A_220] : memref<80x128xf32, #tpu.memory_space<vmem>> -> memref<40x128xf32, #tpu.memory_space<vmem>>
    %dma_start3A_222 = arith.constant 0 : i32
    %dma_start3A_223 = tpu.memref_slice %arg12[%dma_start3A_222] : memref<80xi32, #tpu.memory_space<vmem>> -> memref<40xi32, #tpu.memory_space<vmem>>
    %dma_start3A_224 = arith.constant 0 : i32
    %dma_start3A_225 = arith.constant 0 : i32
    %dma_start3A_226 = tpu.memref_slice %arg2[%dma_start3A_224, %dma_start3A_225] : memref<10000x128xf32, #tpu.memory_space<hbm>> -> memref<10000x128xf32, #tpu.memory_space<hbm>>
    tpu.enqueue_indirect_dma source(%dma_start3A_226 : memref<10000x128xf32, #tpu.memory_space<hbm>>) target(%dma_start3A_221 : memref<40x128xf32, #tpu.memory_space<vmem>>) offsets(%dma_start3A_223 : memref<40xi32, #tpu.memory_space<vmem>>) semaphore(%arg32 : memref<!tpu.dma_semaphore, #tpu.memory_space<semaphore_mem>>)
    %dma_start3A_227 = arith.constant 0 : i32
    %dma_start3A_228 = arith.constant 0 : i32
    %dma_start3A_229 = tpu.memref_slice %arg20[%dma_start3A_227, %dma_start3A_228] : memref<80x128xf32, #tpu.memory_space<vmem>> -> memref<40x128xf32, #tpu.memory_space<vmem>>
    %dma_start3A_230 = arith.constant 0 : i32
    %dma_start3A_231 = tpu.memref_slice %arg14[%dma_start3A_230] : memref<80xi32, #tpu.memory_space<vmem>> -> memref<40xi32, #tpu.memory_space<vmem>>
    %dma_start3A_232 = arith.constant 0 : i32
    %dma_start3A_233 = arith.constant 0 : i32
    %dma_start3A_234 = tpu.memref_slice %arg3[%dma_start3A_232, %dma_start3A_233] : memref<20000x128xf32, #tpu.memory_space<hbm>> -> memref<20000x128xf32, #tpu.memory_space<hbm>>
    tpu.enqueue_indirect_dma source(%dma_start3A_234 : memref<20000x128xf32, #tpu.memory_space<hbm>>) target(%dma_start3A_229 : memref<40x128xf32, #tpu.memory_space<vmem>>) offsets(%dma_start3A_231 : memref<40xi32, #tpu.memory_space<vmem>>) semaphore(%arg32 : memref<!tpu.dma_semaphore, #tpu.memory_space<semaphore_mem>>)
    %dma_start3A_235 = arith.constant 40 : i32
    %dma_start3A_236 = arith.constant 0 : i32
    %dma_start3A_237 = tpu.memref_slice %arg18[%dma_start3A_235, %dma_start3A_236] : memref<80x128xf32, #tpu.memory_space<vmem>> -> memref<40x128xf32, #tpu.memory_space<vmem>>
    %dma_start3A_238 = arith.constant 40 : i32
    %dma_start3A_239 = tpu.memref_slice %arg12[%dma_start3A_238] : memref<80xi32, #tpu.memory_space<vmem>> -> memref<40xi32, #tpu.memory_space<vmem>>
    %dma_start3A_240 = arith.constant 0 : i32
    %dma_start3A_241 = arith.constant 0 : i32
    %dma_start3A_242 = tpu.memref_slice %arg2[%dma_start3A_240, %dma_start3A_241] : memref<10000x128xf32, #tpu.memory_space<hbm>> -> memref<10000x128xf32, #tpu.memory_space<hbm>>
    tpu.enqueue_indirect_dma source(%dma_start3A_242 : memref<10000x128xf32, #tpu.memory_space<hbm>>) target(%dma_start3A_237 : memref<40x128xf32, #tpu.memory_space<vmem>>) offsets(%dma_start3A_239 : memref<40xi32, #tpu.memory_space<vmem>>) semaphore(%arg32 : memref<!tpu.dma_semaphore, #tpu.memory_space<semaphore_mem>>)
    %dma_start3A_243 = arith.constant 40 : i32
    %dma_start3A_244 = arith.constant 0 : i32
    %dma_start3A_245 = tpu.memref_slice %arg20[%dma_start3A_243, %dma_start3A_244] : memref<80x128xf32, #tpu.memory_space<vmem>> -> memref<40x128xf32, #tpu.memory_space<vmem>>
    %dma_start3A_246 = arith.constant 40 : i32
    %dma_start3A_247 = tpu.memref_slice %arg14[%dma_start3A_246] : memref<80xi32, #tpu.memory_space<vmem>> -> memref<40xi32, #tpu.memory_space<vmem>>
    %dma_start3A_248 = arith.constant 0 : i32
    %dma_start3A_249 = arith.constant 0 : i32
    %dma_start3A_250 = tpu.memref_slice %arg3[%dma_start3A_248, %dma_start3A_249] : memref<20000x128xf32, #tpu.memory_space<hbm>> -> memref<20000x128xf32, #tpu.memory_space<hbm>>
    tpu.enqueue_indirect_dma source(%dma_start3A_250 : memref<20000x128xf32, #tpu.memory_space<hbm>>) target(%dma_start3A_245 : memref<40x128xf32, #tpu.memory_space<vmem>>) offsets(%dma_start3A_247 : memref<40xi32, #tpu.memory_space<vmem>>) semaphore(%arg32 : memref<!tpu.dma_semaphore, #tpu.memory_space<semaphore_mem>>)
    %add3A_251 = arith.constant 80 : i32
    %add3A_252 = arith.addi %mul3A_3, %add3A_251 : i32
    %dma_start3A_253 = tpu.memref_slice %arg5[%add3A_252] : memref<320000xi32, #tpu.memory_space<hbm>> -> memref<80xi32, #tpu.memory_space<hbm>>
    %dma_start3A_254 = tpu.memref_slice %arg5[%add3A_252] : memref<320000xi32, #tpu.memory_space<hbm>> -> memref<80xi32, #tpu.memory_space<hbm>>
    tpu.enqueue_dma source(%dma_start3A_254 : memref<80xi32, #tpu.memory_space<hbm>>) target(%arg13 : memref<80xi32, #tpu.memory_space<vmem>>) target_semaphore(%arg31 : memref<!tpu.dma_semaphore, #tpu.memory_space<semaphore_mem>>)
    %mul3A_255 = arith.constant 320000 : i32
    %mul3A_256 = arith.muli %arg0, %mul3A_255 : i32
    %add3A_257 = arith.addi %mul3A_256, %add3A_252 : i32
    %dma_start3A_258 = tpu.memref_slice %arg6[%add3A_257] : memref<640000xi32, #tpu.memory_space<hbm>> -> memref<80xi32, #tpu.memory_space<hbm>>
    %dma_start3A_259 = tpu.memref_slice %arg6[%add3A_257] : memref<640000xi32, #tpu.memory_space<hbm>> -> memref<80xi32, #tpu.memory_space<hbm>>
    tpu.enqueue_dma source(%dma_start3A_259 : memref<80xi32, #tpu.memory_space<hbm>>) target(%arg15 : memref<80xi32, #tpu.memory_space<vmem>>) target_semaphore(%arg31 : memref<!tpu.dma_semaphore, #tpu.memory_space<semaphore_mem>>)
    %mul3A_260 = arith.constant 320000 : i32
    %mul3A_261 = arith.muli %arg0, %mul3A_260 : i32
    %add3A_262 = arith.addi %mul3A_261, %add3A_252 : i32
    %dma_start3A_263 = arith.constant 0 : i32
    %dma_start3A_264 = tpu.memref_slice %arg4[%add3A_262, %dma_start3A_263] : memref<640000x64xf32, #tpu.memory_space<hbm>> -> memref<80x64xf32, #tpu.memory_space<hbm>>
    %dma_start3A_265 = arith.constant 0 : i32
    %dma_start3A_266 = tpu.memref_slice %arg4[%add3A_262, %dma_start3A_265] : memref<640000x64xf32, #tpu.memory_space<hbm>> -> memref<80x64xf32, #tpu.memory_space<hbm>>
    tpu.enqueue_dma source(%dma_start3A_266 : memref<80x64xf32, #tpu.memory_space<hbm>>) target(%arg23 : memref<80x64xf32, #tpu.memory_space<vmem>>) target_semaphore(%arg31 : memref<!tpu.dma_semaphore, #tpu.memory_space<semaphore_mem>>)
    %scan3A_267 = arith.constant 0 : i32
    %scan3A_268 = arith.constant 0 : i32
    %scan3A_269 = arith.constant 125 : i32
    %scan3A_270 = arith.addi %scan3A_268, %scan3A_269 : i32
    %scan3A_271 = arith.constant 1 : i32
    scf.for %scan3A_307 = %scan3A_268 to %scan3A_270 step %scan3A_271  : i32 {
      %mul3A_308 = arith.constant 2 : i32
      %mul3A_309 = arith.muli %mul3A_308, %scan3A_307 : i32
      %add3A_310 = arith.constant 1 : i32
      %add3A_311 = arith.addi %mul3A_309, %add3A_310 : i32
      %ge3A = arith.constant 1 : i32
      %ge3A_312 = arith.cmpi sge, %mul3A_309, %ge3A : i32
      %convert_element_type3A_313 = arith.extui %ge3A_312 : i1 to i32
      %cond3A_314 = arith.constant 0 : i32
      %cond3A_315 = arith.cmpi ne, %convert_element_type3A_313, %cond3A_314 : i32
      scf.if %cond3A_315 {
        %sub3A = arith.constant 1 : i32
        %sub3A_575 = arith.subi %mul3A_309, %sub3A : i32
        %mul3A_576 = arith.constant 80 : i32
        %mul3A_577 = arith.muli %sub3A_575, %mul3A_576 : i32
        %add3A_578 = arith.addi %mul3A_3, %mul3A_577 : i32
        %mul3A_579 = arith.constant 320000 : i32
        %mul3A_580 = arith.muli %arg0, %mul3A_579 : i32
        %add3A_581 = arith.addi %mul3A_580, %add3A_578 : i32
        %dma_wait3A_582 = arith.constant 0 : i32
        %dma_wait3A_583 = tpu.memref_slice %arg8[%add3A_581, %dma_wait3A_582] : memref<640000x64xf32, #tpu.memory_space<hbm>> -> memref<80x64xf32, #tpu.memory_space<hbm>>
        %dma_wait3A_584 = arith.constant 0 : i32
        %dma_wait3A_585 = tpu.memref_slice %arg8[%add3A_581, %dma_wait3A_584] : memref<640000x64xf32, #tpu.memory_space<hbm>> -> memref<80x64xf32, #tpu.memory_space<hbm>>
        tpu.wait_dma2 semaphore(%arg35 : memref<!tpu.dma_semaphore, #tpu.memory_space<semaphore_mem>>) src(%arg25 : memref<80x64xf32, #tpu.memory_space<vmem>>) dst(%dma_wait3A_585 : memref<80x64xf32, #tpu.memory_space<hbm>>)
        %mul3A_586 = arith.constant 320000 : i32
        %mul3A_587 = arith.muli %arg0, %mul3A_586 : i32
        %add3A_588 = arith.addi %mul3A_587, %add3A_578 : i32
        %dma_wait3A_589 = arith.constant 0 : i32
        %dma_wait3A_590 = tpu.memref_slice %arg9[%add3A_588, %dma_wait3A_589] : memref<640000x128xf32, #tpu.memory_space<hbm>> -> memref<80x128xf32, #tpu.memory_space<hbm>>
        %dma_wait3A_591 = arith.constant 0 : i32
        %dma_wait3A_592 = tpu.memref_slice %arg9[%add3A_588, %dma_wait3A_591] : memref<640000x128xf32, #tpu.memory_space<hbm>> -> memref<80x128xf32, #tpu.memory_space<hbm>>
        tpu.wait_dma2 semaphore(%arg35 : memref<!tpu.dma_semaphore, #tpu.memory_space<semaphore_mem>>) src(%arg27 : memref<80x128xf32, #tpu.memory_space<vmem>>) dst(%dma_wait3A_592 : memref<80x128xf32, #tpu.memory_space<hbm>>)
      } else {
      }
      %mul3A_316 = arith.constant 80 : i32
      %mul3A_317 = arith.muli %add3A_311, %mul3A_316 : i32
      %add3A_318 = arith.addi %mul3A_3, %mul3A_317 : i32
      %dma_wait3A_319 = tpu.memref_slice %arg5[%add3A_318] : memref<320000xi32, #tpu.memory_space<hbm>> -> memref<80xi32, #tpu.memory_space<hbm>>
      %dma_wait3A_320 = tpu.memref_slice %arg5[%add3A_318] : memref<320000xi32, #tpu.memory_space<hbm>> -> memref<80xi32, #tpu.memory_space<hbm>>
      tpu.wait_dma2 semaphore(%arg31 : memref<!tpu.dma_semaphore, #tpu.memory_space<semaphore_mem>>) src(%dma_wait3A_320 : memref<80xi32, #tpu.memory_space<hbm>>) dst(%arg13 : memref<80xi32, #tpu.memory_space<vmem>>)
      %mul3A_321 = arith.constant 320000 : i32
      %mul3A_322 = arith.muli %arg0, %mul3A_321 : i32
      %add3A_323 = arith.addi %mul3A_322, %add3A_318 : i32
      %dma_wait3A_324 = tpu.memref_slice %arg6[%add3A_323] : memref<640000xi32, #tpu.memory_space<hbm>> -> memref<80xi32, #tpu.memory_space<hbm>>
      %dma_wait3A_325 = tpu.memref_slice %arg6[%add3A_323] : memref<640000xi32, #tpu.memory_space<hbm>> -> memref<80xi32, #tpu.memory_space<hbm>>
      tpu.wait_dma2 semaphore(%arg31 : memref<!tpu.dma_semaphore, #tpu.memory_space<semaphore_mem>>) src(%dma_wait3A_325 : memref<80xi32, #tpu.memory_space<hbm>>) dst(%arg15 : memref<80xi32, #tpu.memory_space<vmem>>)
      %mul3A_326 = arith.constant 320000 : i32
      %mul3A_327 = arith.muli %arg0, %mul3A_326 : i32
      %add3A_328 = arith.addi %mul3A_327, %add3A_318 : i32
      %dma_wait3A_329 = arith.constant 0 : i32
      %dma_wait3A_330 = tpu.memref_slice %arg4[%add3A_328, %dma_wait3A_329] : memref<640000x64xf32, #tpu.memory_space<hbm>> -> memref<80x64xf32, #tpu.memory_space<hbm>>
      %dma_wait3A_331 = arith.constant 0 : i32
      %dma_wait3A_332 = tpu.memref_slice %arg4[%add3A_328, %dma_wait3A_331] : memref<640000x64xf32, #tpu.memory_space<hbm>> -> memref<80x64xf32, #tpu.memory_space<hbm>>
      tpu.wait_dma2 semaphore(%arg31 : memref<!tpu.dma_semaphore, #tpu.memory_space<semaphore_mem>>) src(%dma_wait3A_332 : memref<80x64xf32, #tpu.memory_space<hbm>>) dst(%arg23 : memref<80x64xf32, #tpu.memory_space<vmem>>)
      %get3A_333 = arith.constant 0 : index
      %get3A_334 = tpu.vector_load %arg13[%get3A_333] {strides = array<i32>} : memref<80xi32, #tpu.memory_space<vmem>>, vector<16xi32>,
      %lt3A_335 = arith.constant 3344 : i32
      %lt3A_336 = vector.broadcast %lt3A_335 : i32 to vector<16xi32>
      %lt3A_337 = arith.cmpi slt, %get3A_334, %lt3A_336 : vector<16xi32>
      %jit3A_338 = arith.constant 3344 : i32
      %broadcast_in_dim3A_339 = vector.broadcast %jit3A_338 : i32 to vector<16xi32>
      %select_n3A_340 = arith.select %lt3A_337, %get3A_334, %broadcast_in_dim3A_339 : vector<16xi1>, vector<16xi32>
      %swap3A_341 = arith.constant 0 : index
      %swap3A_342 = tpu.vector_load %arg17[%swap3A_341] {strides = array<i32>} : memref<80xi32, #tpu.memory_space<vmem>>, vector<16xi32>,
      tpu.vector_store %arg17[%swap3A_341], %select_n3A_340 {strides = array<i32>} : memref<80xi32, #tpu.memory_space<vmem>>, vector<16xi32>,
      %get3A_343 = arith.constant 16 : index
      %get3A_344 = tpu.vector_load %arg13[%get3A_343] {strides = array<i32>} : memref<80xi32, #tpu.memory_space<vmem>>, vector<16xi32>,
      %lt3A_345 = arith.constant 3344 : i32
      %lt3A_346 = vector.broadcast %lt3A_345 : i32 to vector<16xi32>
      %lt3A_347 = arith.cmpi slt, %get3A_344, %lt3A_346 : vector<16xi32>
      %jit3A_348 = arith.constant 3344 : i32
      %broadcast_in_dim3A_349 = vector.broadcast %jit3A_348 : i32 to vector<16xi32>
      %select_n3A_350 = arith.select %lt3A_347, %get3A_344, %broadcast_in_dim3A_349 : vector<16xi1>, vector<16xi32>
      %swap3A_351 = arith.constant 16 : index
      %swap3A_352 = tpu.vector_load %arg17[%swap3A_351] {strides = array<i32>} : memref<80xi32, #tpu.memory_space<vmem>>, vector<16xi32>,
      tpu.vector_store %arg17[%swap3A_351], %select_n3A_350 {strides = array<i32>} : memref<80xi32, #tpu.memory_space<vmem>>, vector<16xi32>,
      %get3A_353 = arith.constant 32 : index
      %get3A_354 = tpu.vector_load %arg13[%get3A_353] {strides = array<i32>} : memref<80xi32, #tpu.memory_space<vmem>>, vector<16xi32>,
      %lt3A_355 = arith.constant 3344 : i32
      %lt3A_356 = vector.broadcast %lt3A_355 : i32 to vector<16xi32>
      %lt3A_357 = arith.cmpi slt, %get3A_354, %lt3A_356 : vector<16xi32>
      %jit3A_358 = arith.constant 3344 : i32
      %broadcast_in_dim3A_359 = vector.broadcast %jit3A_358 : i32 to vector<16xi32>
      %select_n3A_360 = arith.select %lt3A_357, %get3A_354, %broadcast_in_dim3A_359 : vector<16xi1>, vector<16xi32>
      %swap3A_361 = arith.constant 32 : index
      %swap3A_362 = tpu.vector_load %arg17[%swap3A_361] {strides = array<i32>} : memref<80xi32, #tpu.memory_space<vmem>>, vector<16xi32>,
      tpu.vector_store %arg17[%swap3A_361], %select_n3A_360 {strides = array<i32>} : memref<80xi32, #tpu.memory_space<vmem>>, vector<16xi32>,
      %get3A_363 = arith.constant 48 : index
      %get3A_364 = tpu.vector_load %arg13[%get3A_363] {strides = array<i32>} : memref<80xi32, #tpu.memory_space<vmem>>, vector<16xi32>,
      %lt3A_365 = arith.constant 3344 : i32
      %lt3A_366 = vector.broadcast %lt3A_365 : i32 to vector<16xi32>
      %lt3A_367 = arith.cmpi slt, %get3A_364, %lt3A_366 : vector<16xi32>
      %jit3A_368 = arith.constant 3344 : i32
      %broadcast_in_dim3A_369 = vector.broadcast %jit3A_368 : i32 to vector<16xi32>
      %select_n3A_370 = arith.select %lt3A_367, %get3A_364, %broadcast_in_dim3A_369 : vector<16xi1>, vector<16xi32>
      %swap3A_371 = arith.constant 48 : index
      %swap3A_372 = tpu.vector_load %arg17[%swap3A_371] {strides = array<i32>} : memref<80xi32, #tpu.memory_space<vmem>>, vector<16xi32>,
      tpu.vector_store %arg17[%swap3A_371], %select_n3A_370 {strides = array<i32>} : memref<80xi32, #tpu.memory_space<vmem>>, vector<16xi32>,
      %get3A_373 = arith.constant 64 : index
      %get3A_374 = tpu.vector_load %arg13[%get3A_373] {strides = array<i32>} : memref<80xi32, #tpu.memory_space<vmem>>, vector<16xi32>,
      %lt3A_375 = arith.constant 3344 : i32
      %lt3A_376 = vector.broadcast %lt3A_375 : i32 to vector<16xi32>
      %lt3A_377 = arith.cmpi slt, %get3A_374, %lt3A_376 : vector<16xi32>
      %jit3A_378 = arith.constant 3344 : i32
      %broadcast_in_dim3A_379 = vector.broadcast %jit3A_378 : i32 to vector<16xi32>
      %select_n3A_380 = arith.select %lt3A_377, %get3A_374, %broadcast_in_dim3A_379 : vector<16xi1>, vector<16xi32>
      %swap3A_381 = arith.constant 64 : index
      %swap3A_382 = tpu.vector_load %arg17[%swap3A_381] {strides = array<i32>} : memref<80xi32, #tpu.memory_space<vmem>>, vector<16xi32>,
      tpu.vector_store %arg17[%swap3A_381], %select_n3A_380 {strides = array<i32>} : memref<80xi32, #tpu.memory_space<vmem>>, vector<16xi32>,
      %dma_start3A_383 = arith.constant 0 : i32
      %dma_start3A_384 = arith.constant 0 : i32
      %dma_start3A_385 = tpu.memref_slice %arg19[%dma_start3A_383, %dma_start3A_384] : memref<80x128xf32, #tpu.memory_space<vmem>> -> memref<40x128xf32, #tpu.memory_space<vmem>>
      %dma_start3A_386 = arith.constant 0 : i32
      %dma_start3A_387 = tpu.memref_slice %arg13[%dma_start3A_386] : memref<80xi32, #tpu.memory_space<vmem>> -> memref<40xi32, #tpu.memory_space<vmem>>
      %dma_start3A_388 = arith.constant 0 : i32
      %dma_start3A_389 = arith.constant 0 : i32
      %dma_start3A_390 = tpu.memref_slice %arg2[%dma_start3A_388, %dma_start3A_389] : memref<10000x128xf32, #tpu.memory_space<hbm>> -> memref<10000x128xf32, #tpu.memory_space<hbm>>
      tpu.enqueue_indirect_dma source(%dma_start3A_390 : memref<10000x128xf32, #tpu.memory_space<hbm>>) target(%dma_start3A_385 : memref<40x128xf32, #tpu.memory_space<vmem>>) offsets(%dma_start3A_387 : memref<40xi32, #tpu.memory_space<vmem>>) semaphore(%arg33 : memref<!tpu.dma_semaphore, #tpu.memory_space<semaphore_mem>>)
      %dma_start3A_391 = arith.constant 0 : i32
      %dma_start3A_392 = arith.constant 0 : i32
      %dma_start3A_393 = tpu.memref_slice %arg21[%dma_start3A_391, %dma_start3A_392] : memref<80x128xf32, #tpu.memory_space<vmem>> -> memref<40x128xf32, #tpu.memory_space<vmem>>
      %dma_start3A_394 = arith.constant 0 : i32
      %dma_start3A_395 = tpu.memref_slice %arg15[%dma_start3A_394] : memref<80xi32, #tpu.memory_space<vmem>> -> memref<40xi32, #tpu.memory_space<vmem>>
      %dma_start3A_396 = arith.constant 0 : i32
      %dma_start3A_397 = arith.constant 0 : i32
      %dma_start3A_398 = tpu.memref_slice %arg3[%dma_start3A_396, %dma_start3A_397] : memref<20000x128xf32, #tpu.memory_space<hbm>> -> memref<20000x128xf32, #tpu.memory_space<hbm>>
      tpu.enqueue_indirect_dma source(%dma_start3A_398 : memref<20000x128xf32, #tpu.memory_space<hbm>>) target(%dma_start3A_393 : memref<40x128xf32, #tpu.memory_space<vmem>>) offsets(%dma_start3A_395 : memref<40xi32, #tpu.memory_space<vmem>>) semaphore(%arg33 : memref<!tpu.dma_semaphore, #tpu.memory_space<semaphore_mem>>)
      %dma_start3A_399 = arith.constant 40 : i32
      %dma_start3A_400 = arith.constant 0 : i32
      %dma_start3A_401 = tpu.memref_slice %arg19[%dma_start3A_399, %dma_start3A_400] : memref<80x128xf32, #tpu.memory_space<vmem>> -> memref<40x128xf32, #tpu.memory_space<vmem>>
      %dma_start3A_402 = arith.constant 40 : i32
      %dma_start3A_403 = tpu.memref_slice %arg13[%dma_start3A_402] : memref<80xi32, #tpu.memory_space<vmem>> -> memref<40xi32, #tpu.memory_space<vmem>>
      %dma_start3A_404 = arith.constant 0 : i32
      %dma_start3A_405 = arith.constant 0 : i32
      %dma_start3A_406 = tpu.memref_slice %arg2[%dma_start3A_404, %dma_start3A_405] : memref<10000x128xf32, #tpu.memory_space<hbm>> -> memref<10000x128xf32, #tpu.memory_space<hbm>>
      tpu.enqueue_indirect_dma source(%dma_start3A_406 : memref<10000x128xf32, #tpu.memory_space<hbm>>) target(%dma_start3A_401 : memref<40x128xf32, #tpu.memory_space<vmem>>) offsets(%dma_start3A_403 : memref<40xi32, #tpu.memory_space<vmem>>) semaphore(%arg33 : memref<!tpu.dma_semaphore, #tpu.memory_space<semaphore_mem>>)
      %dma_start3A_407 = arith.constant 40 : i32
      %dma_start3A_408 = arith.constant 0 : i32
      %dma_start3A_409 = tpu.memref_slice %arg21[%dma_start3A_407, %dma_start3A_408] : memref<80x128xf32, #tpu.memory_space<vmem>> -> memref<40x128xf32, #tpu.memory_space<vmem>>
      %dma_start3A_410 = arith.constant 40 : i32
      %dma_start3A_411 = tpu.memref_slice %arg15[%dma_start3A_410] : memref<80xi32, #tpu.memory_space<vmem>> -> memref<40xi32, #tpu.memory_space<vmem>>
      %dma_start3A_412 = arith.constant 0 : i32
      %dma_start3A_413 = arith.constant 0 : i32
      %dma_start3A_414 = tpu.memref_slice %arg3[%dma_start3A_412, %dma_start3A_413] : memref<20000x128xf32, #tpu.memory_space<hbm>> -> memref<20000x128xf32, #tpu.memory_space<hbm>>
      tpu.enqueue_indirect_dma source(%dma_start3A_414 : memref<20000x128xf32, #tpu.memory_space<hbm>>) target(%dma_start3A_409 : memref<40x128xf32, #tpu.memory_space<vmem>>) offsets(%dma_start3A_411 : memref<40xi32, #tpu.memory_space<vmem>>) semaphore(%arg33 : memref<!tpu.dma_semaphore, #tpu.memory_space<semaphore_mem>>)
      %dma_wait3A_415 = arith.constant 0 : i32
      %dma_wait3A_416 = arith.constant 0 : i32
      %dma_wait3A_417 = tpu.memref_slice %arg18[%dma_wait3A_415, %dma_wait3A_416] : memref<80x128xf32, #tpu.memory_space<vmem>> -> memref<40x128xf32, #tpu.memory_space<vmem>>
      %dma_wait3A_418 = arith.constant 0 : i32
      %dma_wait3A_419 = tpu.memref_slice %arg12[%dma_wait3A_418] : memref<80xi32, #tpu.memory_space<vmem>> -> memref<40xi32, #tpu.memory_space<vmem>>
      %dma_wait3A_420 = arith.constant 0 : i32
      %dma_wait3A_421 = arith.constant 0 : i32
      %dma_wait3A_422 = tpu.memref_slice %arg2[%dma_wait3A_420, %dma_wait3A_421] : memref<10000x128xf32, #tpu.memory_space<hbm>> -> memref<10000x128xf32, #tpu.memory_space<hbm>>
      tpu.wait_indirect_dma semaphore(%arg32 : memref<!tpu.dma_semaphore, #tpu.memory_space<semaphore_mem>>) src(%dma_wait3A_422 : memref<10000x128xf32, #tpu.memory_space<hbm>>) dst(%dma_wait3A_417 : memref<40x128xf32, #tpu.memory_space<vmem>>)
      %dma_wait3A_423 = arith.constant 0 : i32
      %dma_wait3A_424 = arith.constant 0 : i32
      %dma_wait3A_425 = tpu.memref_slice %arg20[%dma_wait3A_423, %dma_wait3A_424] : memref<80x128xf32, #tpu.memory_space<vmem>> -> memref<40x128xf32, #tpu.memory_space<vmem>>
      %dma_wait3A_426 = arith.constant 0 : i32
      %dma_wait3A_427 = tpu.memref_slice %arg14[%dma_wait3A_426] : memref<80xi32, #tpu.memory_space<vmem>> -> memref<40xi32, #tpu.memory_space<vmem>>
      %dma_wait3A_428 = arith.constant 0 : i32
      %dma_wait3A_429 = arith.constant 0 : i32
      %dma_wait3A_430 = tpu.memref_slice %arg3[%dma_wait3A_428, %dma_wait3A_429] : memref<20000x128xf32, #tpu.memory_space<hbm>> -> memref<20000x128xf32, #tpu.memory_space<hbm>>
      tpu.wait_indirect_dma semaphore(%arg32 : memref<!tpu.dma_semaphore, #tpu.memory_space<semaphore_mem>>) src(%dma_wait3A_430 : memref<20000x128xf32, #tpu.memory_space<hbm>>) dst(%dma_wait3A_425 : memref<40x128xf32, #tpu.memory_space<vmem>>)
      %dma_wait3A_431 = arith.constant 40 : i32
      %dma_wait3A_432 = arith.constant 0 : i32
      %dma_wait3A_433 = tpu.memref_slice %arg18[%dma_wait3A_431, %dma_wait3A_432] : memref<80x128xf32, #tpu.memory_space<vmem>> -> memref<40x128xf32, #tpu.memory_space<vmem>>
      %dma_wait3A_434 = arith.constant 40 : i32
      %dma_wait3A_435 = tpu.memref_slice %arg12[%dma_wait3A_434] : memref<80xi32, #tpu.memory_space<vmem>> -> memref<40xi32, #tpu.memory_space<vmem>>
      %dma_wait3A_436 = arith.constant 0 : i32
      %dma_wait3A_437 = arith.constant 0 : i32
      %dma_wait3A_438 = tpu.memref_slice %arg2[%dma_wait3A_436, %dma_wait3A_437] : memref<10000x128xf32, #tpu.memory_space<hbm>> -> memref<10000x128xf32, #tpu.memory_space<hbm>>
      tpu.wait_indirect_dma semaphore(%arg32 : memref<!tpu.dma_semaphore, #tpu.memory_space<semaphore_mem>>) src(%dma_wait3A_438 : memref<10000x128xf32, #tpu.memory_space<hbm>>) dst(%dma_wait3A_433 : memref<40x128xf32, #tpu.memory_space<vmem>>)
      %dma_wait3A_439 = arith.constant 40 : i32
      %dma_wait3A_440 = arith.constant 0 : i32
      %dma_wait3A_441 = tpu.memref_slice %arg20[%dma_wait3A_439, %dma_wait3A_440] : memref<80x128xf32, #tpu.memory_space<vmem>> -> memref<40x128xf32, #tpu.memory_space<vmem>>
      %dma_wait3A_442 = arith.constant 40 : i32
      %dma_wait3A_443 = tpu.memref_slice %arg14[%dma_wait3A_442] : memref<80xi32, #tpu.memory_space<vmem>> -> memref<40xi32, #tpu.memory_space<vmem>>
      %dma_wait3A_444 = arith.constant 0 : i32
      %dma_wait3A_445 = arith.constant 0 : i32
      %dma_wait3A_446 = tpu.memref_slice %arg3[%dma_wait3A_444, %dma_wait3A_445] : memref<20000x128xf32, #tpu.memory_space<hbm>> -> memref<20000x128xf32, #tpu.memory_space<hbm>>
      tpu.wait_indirect_dma semaphore(%arg32 : memref<!tpu.dma_semaphore, #tpu.memory_space<semaphore_mem>>) src(%dma_wait3A_446 : memref<20000x128xf32, #tpu.memory_space<hbm>>) dst(%dma_wait3A_441 : memref<40x128xf32, #tpu.memory_space<vmem>>)
      %scan3A_447 = arith.constant 0 : i32
      %scan3A_448 = arith.constant 0 : i32
      %scan3A_449 = arith.constant 80 : i32
      %scan3A_450 = arith.addi %scan3A_448, %scan3A_449 : i32
      %scan3A_451 = arith.constant 1 : i32
      scf.for %scan3A_575 = %scan3A_448 to %scan3A_450 step %scan3A_451  : i32 {
        %add3A_576 = arith.constant 0 : i32
        %add3A_577 = arith.addi %mul3A_0, %add3A_576 : i32
        %get3A_578 = arith.index_cast %scan3A_575 : i32 to index
        %get3A_579 = arith.index_cast %add3A_577 : i32 to index
        %get3A_580 = tpu.vector_load %arg18[%get3A_578, %get3A_579] {strides = array<i32>} : memref<80x128xf32, #tpu.memory_space<vmem>>, vector<16xf32>,
        %get3A_581 = arith.index_cast %scan3A_575 : i32 to index
        %get3A_582 = arith.constant 0 : index
        %get3A_583 = tpu.vector_load %arg20[%get3A_581, %get3A_582] {strides = array<i32>} : memref<80x128xf32, #tpu.memory_space<vmem>>, vector<16xf32>,
        %add3A_584 = arith.addf %get3A_580, %get3A_583 : vector<16xf32>
        %get3A_585 = arith.index_cast %scan3A_575 : i32 to index
        %get3A_586 = arith.constant 0 : index
        %get3A_587 = tpu.vector_load %arg22[%get3A_585, %get3A_586] {strides = array<i32>} : memref<80x64xf32, #tpu.memory_space<vmem>>, vector<16xf32>,
        %add3A_588 = arith.addf %add3A_584, %get3A_587 : vector<16xf32>
        %swap3A_589 = arith.index_cast %scan3A_575 : i32 to index
        %swap3A_590 = arith.constant 0 : index
        %swap3A_591 = tpu.vector_load %arg24[%swap3A_589, %swap3A_590] {strides = array<i32>} : memref<80x64xf32, #tpu.memory_space<vmem>>, vector<16xf32>,
        tpu.vector_store %arg24[%swap3A_589, %swap3A_590], %add3A_588 {strides = array<i32>} : memref<80x64xf32, #tpu.memory_space<vmem>>, vector<16xf32>,
        %neg3A = arith.constant 0.000000e+00 : f32
        %neg3A_592 = vector.broadcast %neg3A : f32 to vector<16xf32>
        %neg3A_593 = arith.subf %neg3A_592, %add3A_588 : vector<16xf32>
        %exp3A = math.exp %neg3A_593 : vector<16xf32>
        %add3A_594 = arith.constant 1.000000e+00 : f32
        %add3A_595 = vector.broadcast %add3A_594 : f32 to vector<16xf32>
        %add3A_596 = arith.addf %add3A_595, %exp3A : vector<16xf32>
        %div3A = arith.constant 1.000000e+00 : f32
        %div3A_597 = vector.broadcast %div3A : f32 to vector<16xf32>
        %div3A_598 = arith.divf %div3A_597, %add3A_596 : vector<16xf32>
        %get3A_599 = arith.index_cast %scan3A_575 : i32 to index
        %get3A_600 = arith.constant 64 : index
        %get3A_601 = tpu.vector_load %arg20[%get3A_599, %get3A_600] {strides = array<i32>} : memref<80x128xf32, #tpu.memory_space<vmem>>, vector<16xf32>,
        %mul3A_602 = arith.mulf %get3A_601, %div3A_598 : vector<16xf32>
        %swap3A_603 = arith.index_cast %scan3A_575 : i32 to index
        %swap3A_604 = arith.constant 0 : index
        %swap3A_605 = tpu.vector_load %arg26[%swap3A_603, %swap3A_604] {strides = array<i32>} : memref<80x128xf32, #tpu.memory_space<vmem>>, vector<16xf32>,
        tpu.vector_store %arg26[%swap3A_603, %swap3A_604], %mul3A_602 {strides = array<i32>} : memref<80x128xf32, #tpu.memory_space<vmem>>, vector<16xf32>,
        %swap3A_606 = arith.index_cast %scan3A_575 : i32 to index
        %swap3A_607 = arith.constant 64 : index
        %swap3A_608 = tpu.vector_load %arg26[%swap3A_606, %swap3A_607] {strides = array<i32>} : memref<80x128xf32, #tpu.memory_space<vmem>>, vector<16xf32>,
        tpu.vector_store %arg26[%swap3A_606, %swap3A_607], %div3A_598 {strides = array<i32>} : memref<80x128xf32, #tpu.memory_space<vmem>>, vector<16xf32>,
        %get3A_609 = arith.constant 0 : i32
        %get3A_610 = arith.index_cast %get3A_609 : i32 to index
        %get3A_611 = arith.constant 0 : index
        %get3A_612 = tpu.vector_load %arg28[%get3A_610, %get3A_611] {strides = array<i32>} : memref<8x64xf32, #tpu.memory_space<vmem>>, vector<16xf32>,
        %add3A_613 = arith.addf %get3A_612, %add3A_588 : vector<16xf32>
        %swap3A_614 = arith.constant 0 : i32
        %swap3A_615 = arith.index_cast %swap3A_614 : i32 to index
        %swap3A_616 = arith.constant 0 : index
        %swap3A_617 = tpu.vector_load %arg28[%swap3A_615, %swap3A_616] {strides = array<i32>} : memref<8x64xf32, #tpu.memory_space<vmem>>, vector<16xf32>,
        tpu.vector_store %arg28[%swap3A_615, %swap3A_616], %add3A_613 {strides = array<i32>} : memref<8x64xf32, #tpu.memory_space<vmem>>, vector<16xf32>,
        %get3A_618 = arith.constant 1 : i32
        %get3A_619 = arith.index_cast %get3A_618 : i32 to index
        %get3A_620 = arith.constant 0 : index
        %get3A_621 = tpu.vector_load %arg28[%get3A_619, %get3A_620] {strides = array<i32>} : memref<8x64xf32, #tpu.memory_space<vmem>>, vector<16xf32>,
        %mul3A_622 = arith.mulf %add3A_588, %add3A_588 : vector<16xf32>
        %add3A_623 = arith.addf %get3A_621, %mul3A_622 : vector<16xf32>
        %swap3A_624 = arith.constant 1 : i32
        %swap3A_625 = arith.index_cast %swap3A_624 : i32 to index
        %swap3A_626 = arith.constant 0 : index
        %swap3A_627 = tpu.vector_load %arg28[%swap3A_625, %swap3A_626] {strides = array<i32>} : memref<8x64xf32, #tpu.memory_space<vmem>>, vector<16xf32>,
        tpu.vector_store %arg28[%swap3A_625, %swap3A_626], %add3A_623 {strides = array<i32>} : memref<8x64xf32, #tpu.memory_space<vmem>>, vector<16xf32>,
        %add3A_628 = arith.constant 16 : i32
        %add3A_629 = arith.addi %mul3A_0, %add3A_628 : i32
        %get3A_630 = arith.index_cast %scan3A_575 : i32 to index
        %get3A_631 = arith.index_cast %add3A_629 : i32 to index
        %get3A_632 = tpu.vector_load %arg18[%get3A_630, %get3A_631] {strides = array<i32>} : memref<80x128xf32, #tpu.memory_space<vmem>>, vector<16xf32>,
        %get3A_633 = arith.index_cast %scan3A_575 : i32 to index
        %get3A_634 = arith.constant 16 : index
        %get3A_635 = tpu.vector_load %arg20[%get3A_633, %get3A_634] {strides = array<i32>} : memref<80x128xf32, #tpu.memory_space<vmem>>, vector<16xf32>,
        %add3A_636 = arith.addf %get3A_632, %get3A_635 : vector<16xf32>
        %get3A_637 = arith.index_cast %scan3A_575 : i32 to index
        %get3A_638 = arith.constant 16 : index
        %get3A_639 = tpu.vector_load %arg22[%get3A_637, %get3A_638] {strides = array<i32>} : memref<80x64xf32, #tpu.memory_space<vmem>>, vector<16xf32>,
        %add3A_640 = arith.addf %add3A_636, %get3A_639 : vector<16xf32>
        %swap3A_641 = arith.index_cast %scan3A_575 : i32 to index
        %swap3A_642 = arith.constant 16 : index
        %swap3A_643 = tpu.vector_load %arg24[%swap3A_641, %swap3A_642] {strides = array<i32>} : memref<80x64xf32, #tpu.memory_space<vmem>>, vector<16xf32>,
        tpu.vector_store %arg24[%swap3A_641, %swap3A_642], %add3A_640 {strides = array<i32>} : memref<80x64xf32, #tpu.memory_space<vmem>>, vector<16xf32>,
        %neg3A_644 = arith.constant 0.000000e+00 : f32
        %neg3A_645 = vector.broadcast %neg3A_644 : f32 to vector<16xf32>
        %neg3A_646 = arith.subf %neg3A_645, %add3A_640 : vector<16xf32>
        %exp3A_647 = math.exp %neg3A_646 : vector<16xf32>
        %add3A_648 = arith.constant 1.000000e+00 : f32
        %add3A_649 = vector.broadcast %add3A_648 : f32 to vector<16xf32>
        %add3A_650 = arith.addf %add3A_649, %exp3A_647 : vector<16xf32>
        %div3A_651 = arith.constant 1.000000e+00 : f32
        %div3A_652 = vector.broadcast %div3A_651 : f32 to vector<16xf32>
        %div3A_653 = arith.divf %div3A_652, %add3A_650 : vector<16xf32>
        %get3A_654 = arith.index_cast %scan3A_575 : i32 to index
        %get3A_655 = arith.constant 80 : index
        %get3A_656 = tpu.vector_load %arg20[%get3A_654, %get3A_655] {strides = array<i32>} : memref<80x128xf32, #tpu.memory_space<vmem>>, vector<16xf32>,
        %mul3A_657 = arith.mulf %get3A_656, %div3A_653 : vector<16xf32>
        %swap3A_658 = arith.index_cast %scan3A_575 : i32 to index
        %swap3A_659 = arith.constant 16 : index
        %swap3A_660 = tpu.vector_load %arg26[%swap3A_658, %swap3A_659] {strides = array<i32>} : memref<80x128xf32, #tpu.memory_space<vmem>>, vector<16xf32>,
        tpu.vector_store %arg26[%swap3A_658, %swap3A_659], %mul3A_657 {strides = array<i32>} : memref<80x128xf32, #tpu.memory_space<vmem>>, vector<16xf32>,
        %swap3A_661 = arith.index_cast %scan3A_575 : i32 to index
        %swap3A_662 = arith.constant 80 : index
        %swap3A_663 = tpu.vector_load %arg26[%swap3A_661, %swap3A_662] {strides = array<i32>} : memref<80x128xf32, #tpu.memory_space<vmem>>, vector<16xf32>,
        tpu.vector_store %arg26[%swap3A_661, %swap3A_662], %div3A_653 {strides = array<i32>} : memref<80x128xf32, #tpu.memory_space<vmem>>, vector<16xf32>,
        %get3A_664 = arith.constant 0 : i32
        %get3A_665 = arith.index_cast %get3A_664 : i32 to index
        %get3A_666 = arith.constant 16 : index
        %get3A_667 = tpu.vector_load %arg28[%get3A_665, %get3A_666] {strides = array<i32>} : memref<8x64xf32, #tpu.memory_space<vmem>>, vector<16xf32>,
        %add3A_668 = arith.addf %get3A_667, %add3A_640 : vector<16xf32>
        %swap3A_669 = arith.constant 0 : i32
        %swap3A_670 = arith.index_cast %swap3A_669 : i32 to index
        %swap3A_671 = arith.constant 16 : index
        %swap3A_672 = tpu.vector_load %arg28[%swap3A_670, %swap3A_671] {strides = array<i32>} : memref<8x64xf32, #tpu.memory_space<vmem>>, vector<16xf32>,
        tpu.vector_store %arg28[%swap3A_670, %swap3A_671], %add3A_668 {strides = array<i32>} : memref<8x64xf32, #tpu.memory_space<vmem>>, vector<16xf32>,
        %get3A_673 = arith.constant 1 : i32
        %get3A_674 = arith.index_cast %get3A_673 : i32 to index
        %get3A_675 = arith.constant 16 : index
        %get3A_676 = tpu.vector_load %arg28[%get3A_674, %get3A_675] {strides = array<i32>} : memref<8x64xf32, #tpu.memory_space<vmem>>, vector<16xf32>,
        %mul3A_677 = arith.mulf %add3A_640, %add3A_640 : vector<16xf32>
        %add3A_678 = arith.addf %get3A_676, %mul3A_677 : vector<16xf32>
        %swap3A_679 = arith.constant 1 : i32
        %swap3A_680 = arith.index_cast %swap3A_679 : i32 to index
        %swap3A_681 = arith.constant 16 : index
        %swap3A_682 = tpu.vector_load %arg28[%swap3A_680, %swap3A_681] {strides = array<i32>} : memref<8x64xf32, #tpu.memory_space<vmem>>, vector<16xf32>,
        tpu.vector_store %arg28[%swap3A_680, %swap3A_681], %add3A_678 {strides = array<i32>} : memref<8x64xf32, #tpu.memory_space<vmem>>, vector<16xf32>,
        %add3A_683 = arith.constant 32 : i32
        %add3A_684 = arith.addi %mul3A_0, %add3A_683 : i32
        %get3A_685 = arith.index_cast %scan3A_575 : i32 to index
        %get3A_686 = arith.index_cast %add3A_684 : i32 to index
        %get3A_687 = tpu.vector_load %arg18[%get3A_685, %get3A_686] {strides = array<i32>} : memref<80x128xf32, #tpu.memory_space<vmem>>, vector<16xf32>,
        %get3A_688 = arith.index_cast %scan3A_575 : i32 to index
        %get3A_689 = arith.constant 32 : index
        %get3A_690 = tpu.vector_load %arg20[%get3A_688, %get3A_689] {strides = array<i32>} : memref<80x128xf32, #tpu.memory_space<vmem>>, vector<16xf32>,
        %add3A_691 = arith.addf %get3A_687, %get3A_690 : vector<16xf32>
        %get3A_692 = arith.index_cast %scan3A_575 : i32 to index
        %get3A_693 = arith.constant 32 : index
        %get3A_694 = tpu.vector_load %arg22[%get3A_692, %get3A_693] {strides = array<i32>} : memref<80x64xf32, #tpu.memory_space<vmem>>, vector<16xf32>,
        %add3A_695 = arith.addf %add3A_691, %get3A_694 : vector<16xf32>
        %swap3A_696 = arith.index_cast %scan3A_575 : i32 to index
        %swap3A_697 = arith.constant 32 : index
        %swap3A_698 = tpu.vector_load %arg24[%swap3A_696, %swap3A_697] {strides = array<i32>} : memref<80x64xf32, #tpu.memory_space<vmem>>, vector<16xf32>,
        tpu.vector_store %arg24[%swap3A_696, %swap3A_697], %add3A_695 {strides = array<i32>} : memref<80x64xf32, #tpu.memory_space<vmem>>, vector<16xf32>,
        %neg3A_699 = arith.constant 0.000000e+00 : f32
        %neg3A_700 = vector.broadcast %neg3A_699 : f32 to vector<16xf32>
        %neg3A_701 = arith.subf %neg3A_700, %add3A_695 : vector<16xf32>
        %exp3A_702 = math.exp %neg3A_701 : vector<16xf32>
        %add3A_703 = arith.constant 1.000000e+00 : f32
        %add3A_704 = vector.broadcast %add3A_703 : f32 to vector<16xf32>
        %add3A_705 = arith.addf %add3A_704, %exp3A_702 : vector<16xf32>
        %div3A_706 = arith.constant 1.000000e+00 : f32
        %div3A_707 = vector.broadcast %div3A_706 : f32 to vector<16xf32>
        %div3A_708 = arith.divf %div3A_707, %add3A_705 : vector<16xf32>
        %get3A_709 = arith.index_cast %scan3A_575 : i32 to index
        %get3A_710 = arith.constant 96 : index
        %get3A_711 = tpu.vector_load %arg20[%get3A_709, %get3A_710] {strides = array<i32>} : memref<80x128xf32, #tpu.memory_space<vmem>>, vector<16xf32>,
        %mul3A_712 = arith.mulf %get3A_711, %div3A_708 : vector<16xf32>
        %swap3A_713 = arith.index_cast %scan3A_575 : i32 to index
        %swap3A_714 = arith.constant 32 : index
        %swap3A_715 = tpu.vector_load %arg26[%swap3A_713, %swap3A_714] {strides = array<i32>} : memref<80x128xf32, #tpu.memory_space<vmem>>, vector<16xf32>,
        tpu.vector_store %arg26[%swap3A_713, %swap3A_714], %mul3A_712 {strides = array<i32>} : memref<80x128xf32, #tpu.memory_space<vmem>>, vector<16xf32>,
        %swap3A_716 = arith.index_cast %scan3A_575 : i32 to index
        %swap3A_717 = arith.constant 96 : index
        %swap3A_718 = tpu.vector_load %arg26[%swap3A_716, %swap3A_717] {strides = array<i32>} : memref<80x128xf32, #tpu.memory_space<vmem>>, vector<16xf32>,
        tpu.vector_store %arg26[%swap3A_716, %swap3A_717], %div3A_708 {strides = array<i32>} : memref<80x128xf32, #tpu.memory_space<vmem>>, vector<16xf32>,
        %get3A_719 = arith.constant 0 : i32
        %get3A_720 = arith.index_cast %get3A_719 : i32 to index
        %get3A_721 = arith.constant 32 : index
        %get3A_722 = tpu.vector_load %arg28[%get3A_720, %get3A_721] {strides = array<i32>} : memref<8x64xf32, #tpu.memory_space<vmem>>, vector<16xf32>,
        %add3A_723 = arith.addf %get3A_722, %add3A_695 : vector<16xf32>
        %swap3A_724 = arith.constant 0 : i32
        %swap3A_725 = arith.index_cast %swap3A_724 : i32 to index
        %swap3A_726 = arith.constant 32 : index
        %swap3A_727 = tpu.vector_load %arg28[%swap3A_725, %swap3A_726] {strides = array<i32>} : memref<8x64xf32, #tpu.memory_space<vmem>>, vector<16xf32>,
        tpu.vector_store %arg28[%swap3A_725, %swap3A_726], %add3A_723 {strides = array<i32>} : memref<8x64xf32, #tpu.memory_space<vmem>>, vector<16xf32>,
        %get3A_728 = arith.constant 1 : i32
        %get3A_729 = arith.index_cast %get3A_728 : i32 to index
        %get3A_730 = arith.constant 32 : index
        %get3A_731 = tpu.vector_load %arg28[%get3A_729, %get3A_730] {strides = array<i32>} : memref<8x64xf32, #tpu.memory_space<vmem>>, vector<16xf32>,
        %mul3A_732 = arith.mulf %add3A_695, %add3A_695 : vector<16xf32>
        %add3A_733 = arith.addf %get3A_731, %mul3A_732 : vector<16xf32>
        %swap3A_734 = arith.constant 1 : i32
        %swap3A_735 = arith.index_cast %swap3A_734 : i32 to index
        %swap3A_736 = arith.constant 32 : index
        %swap3A_737 = tpu.vector_load %arg28[%swap3A_735, %swap3A_736] {strides = array<i32>} : memref<8x64xf32, #tpu.memory_space<vmem>>, vector<16xf32>,
        tpu.vector_store %arg28[%swap3A_735, %swap3A_736], %add3A_733 {strides = array<i32>} : memref<8x64xf32, #tpu.memory_space<vmem>>, vector<16xf32>,
        %add3A_738 = arith.constant 48 : i32
        %add3A_739 = arith.addi %mul3A_0, %add3A_738 : i32
        %get3A_740 = arith.index_cast %scan3A_575 : i32 to index
        %get3A_741 = arith.index_cast %add3A_739 : i32 to index
        %get3A_742 = tpu.vector_load %arg18[%get3A_740, %get3A_741] {strides = array<i32>} : memref<80x128xf32, #tpu.memory_space<vmem>>, vector<16xf32>,
        %get3A_743 = arith.index_cast %scan3A_575 : i32 to index
        %get3A_744 = arith.constant 48 : index
        %get3A_745 = tpu.vector_load %arg20[%get3A_743, %get3A_744] {strides = array<i32>} : memref<80x128xf32, #tpu.memory_space<vmem>>, vector<16xf32>,
        %add3A_746 = arith.addf %get3A_742, %get3A_745 : vector<16xf32>
        %get3A_747 = arith.index_cast %scan3A_575 : i32 to index
        %get3A_748 = arith.constant 48 : index
        %get3A_749 = tpu.vector_load %arg22[%get3A_747, %get3A_748] {strides = array<i32>} : memref<80x64xf32, #tpu.memory_space<vmem>>, vector<16xf32>,
        %add3A_750 = arith.addf %add3A_746, %get3A_749 : vector<16xf32>
        %swap3A_751 = arith.index_cast %scan3A_575 : i32 to index
        %swap3A_752 = arith.constant 48 : index
        %swap3A_753 = tpu.vector_load %arg24[%swap3A_751, %swap3A_752] {strides = array<i32>} : memref<80x64xf32, #tpu.memory_space<vmem>>, vector<16xf32>,
        tpu.vector_store %arg24[%swap3A_751, %swap3A_752], %add3A_750 {strides = array<i32>} : memref<80x64xf32, #tpu.memory_space<vmem>>, vector<16xf32>,
        %neg3A_754 = arith.constant 0.000000e+00 : f32
        %neg3A_755 = vector.broadcast %neg3A_754 : f32 to vector<16xf32>
        %neg3A_756 = arith.subf %neg3A_755, %add3A_750 : vector<16xf32>
        %exp3A_757 = math.exp %neg3A_756 : vector<16xf32>
        %add3A_758 = arith.constant 1.000000e+00 : f32
        %add3A_759 = vector.broadcast %add3A_758 : f32 to vector<16xf32>
        %add3A_760 = arith.addf %add3A_759, %exp3A_757 : vector<16xf32>
        %div3A_761 = arith.constant 1.000000e+00 : f32
        %div3A_762 = vector.broadcast %div3A_761 : f32 to vector<16xf32>
        %div3A_763 = arith.divf %div3A_762, %add3A_760 : vector<16xf32>
        %get3A_764 = arith.index_cast %scan3A_575 : i32 to index
        %get3A_765 = arith.constant 112 : index
        %get3A_766 = tpu.vector_load %arg20[%get3A_764, %get3A_765] {strides = array<i32>} : memref<80x128xf32, #tpu.memory_space<vmem>>, vector<16xf32>,
        %mul3A_767 = arith.mulf %get3A_766, %div3A_763 : vector<16xf32>
        %swap3A_768 = arith.index_cast %scan3A_575 : i32 to index
        %swap3A_769 = arith.constant 48 : index
        %swap3A_770 = tpu.vector_load %arg26[%swap3A_768, %swap3A_769] {strides = array<i32>} : memref<80x128xf32, #tpu.memory_space<vmem>>, vector<16xf32>,
        tpu.vector_store %arg26[%swap3A_768, %swap3A_769], %mul3A_767 {strides = array<i32>} : memref<80x128xf32, #tpu.memory_space<vmem>>, vector<16xf32>,
        %swap3A_771 = arith.index_cast %scan3A_575 : i32 to index
        %swap3A_772 = arith.constant 112 : index
        %swap3A_773 = tpu.vector_load %arg26[%swap3A_771, %swap3A_772] {strides = array<i32>} : memref<80x128xf32, #tpu.memory_space<vmem>>, vector<16xf32>,
        tpu.vector_store %arg26[%swap3A_771, %swap3A_772], %div3A_763 {strides = array<i32>} : memref<80x128xf32, #tpu.memory_space<vmem>>, vector<16xf32>,
        %get3A_774 = arith.constant 0 : i32
        %get3A_775 = arith.index_cast %get3A_774 : i32 to index
        %get3A_776 = arith.constant 48 : index
        %get3A_777 = tpu.vector_load %arg28[%get3A_775, %get3A_776] {strides = array<i32>} : memref<8x64xf32, #tpu.memory_space<vmem>>, vector<16xf32>,
        %add3A_778 = arith.addf %get3A_777, %add3A_750 : vector<16xf32>
        %swap3A_779 = arith.constant 0 : i32
        %swap3A_780 = arith.index_cast %swap3A_779 : i32 to index
        %swap3A_781 = arith.constant 48 : index
        %swap3A_782 = tpu.vector_load %arg28[%swap3A_780, %swap3A_781] {strides = array<i32>} : memref<8x64xf32, #tpu.memory_space<vmem>>, vector<16xf32>,
        tpu.vector_store %arg28[%swap3A_780, %swap3A_781], %add3A_778 {strides = array<i32>} : memref<8x64xf32, #tpu.memory_space<vmem>>, vector<16xf32>,
        %get3A_783 = arith.constant 1 : i32
        %get3A_784 = arith.index_cast %get3A_783 : i32 to index
        %get3A_785 = arith.constant 48 : index
        %get3A_786 = tpu.vector_load %arg28[%get3A_784, %get3A_785] {strides = array<i32>} : memref<8x64xf32, #tpu.memory_space<vmem>>, vector<16xf32>,
        %mul3A_787 = arith.mulf %add3A_750, %add3A_750 : vector<16xf32>
        %add3A_788 = arith.addf %get3A_786, %mul3A_787 : vector<16xf32>
        %swap3A_789 = arith.constant 1 : i32
        %swap3A_790 = arith.index_cast %swap3A_789 : i32 to index
        %swap3A_791 = arith.constant 48 : index
        %swap3A_792 = tpu.vector_load %arg28[%swap3A_790, %swap3A_791] {strides = array<i32>} : memref<8x64xf32, #tpu.memory_space<vmem>>, vector<16xf32>,
        tpu.vector_store %arg28[%swap3A_790, %swap3A_791], %add3A_788 {strides = array<i32>} : memref<8x64xf32, #tpu.memory_space<vmem>>, vector<16xf32>,
      }
      %scan3A_452 = arith.constant 80 : i32
      %dma_start3A_453 = arith.constant 0 : i32
      %dma_start3A_454 = arith.constant 0 : i32
      %dma_start3A_455 = tpu.memref_slice %arg29[%dma_start3A_453, %dma_start3A_454] : memref<3352x128xf32, #tpu.memory_space<vmem_shared>> -> memref<3352x128xf32, #tpu.memory_space<vmem_shared>>
      tpu.enqueue_indirect_dma source(%arg26 : memref<80x128xf32, #tpu.memory_space<vmem>>) target(%dma_start3A_455 : memref<3352x128xf32, #tpu.memory_space<vmem_shared>>) offsets(%arg16 : memref<80xi32, #tpu.memory_space<vmem>>) semaphore(%arg32 : memref<!tpu.dma_semaphore, #tpu.memory_space<semaphore_mem>>) {add = true}
      %mul3A_456 = arith.constant 80 : i32
      %mul3A_457 = arith.muli %mul3A_309, %mul3A_456 : i32
      %add3A_458 = arith.addi %mul3A_3, %mul3A_457 : i32
      %mul3A_459 = arith.constant 320000 : i32
      %mul3A_460 = arith.muli %arg0, %mul3A_459 : i32
      %add3A_461 = arith.addi %mul3A_460, %add3A_458 : i32
      %dma_start3A_462 = arith.constant 0 : i32
      %dma_start3A_463 = tpu.memref_slice %arg8[%add3A_461, %dma_start3A_462] : memref<640000x64xf32, #tpu.memory_space<hbm>> -> memref<80x64xf32, #tpu.memory_space<hbm>>
      %dma_start3A_464 = arith.constant 0 : i32
      %dma_start3A_465 = tpu.memref_slice %arg8[%add3A_461, %dma_start3A_464] : memref<640000x64xf32, #tpu.memory_space<hbm>> -> memref<80x64xf32, #tpu.memory_space<hbm>>
      tpu.enqueue_dma source(%arg24 : memref<80x64xf32, #tpu.memory_space<vmem>>) target(%dma_start3A_465 : memref<80x64xf32, #tpu.memory_space<hbm>>) target_semaphore(%arg34 : memref<!tpu.dma_semaphore, #tpu.memory_space<semaphore_mem>>)
      %mul3A_466 = arith.constant 320000 : i32
      %mul3A_467 = arith.muli %arg0, %mul3A_466 : i32
      %add3A_468 = arith.addi %mul3A_467, %add3A_458 : i32
      %dma_start3A_469 = arith.constant 0 : i32
      %dma_start3A_470 = tpu.memref_slice %arg9[%add3A_468, %dma_start3A_469] : memref<640000x128xf32, #tpu.memory_space<hbm>> -> memref<80x128xf32, #tpu.memory_space<hbm>>
      %dma_start3A_471 = arith.constant 0 : i32
      %dma_start3A_472 = tpu.memref_slice %arg9[%add3A_468, %dma_start3A_471] : memref<640000x128xf32, #tpu.memory_space<hbm>> -> memref<80x128xf32, #tpu.memory_space<hbm>>
      tpu.enqueue_dma source(%arg26 : memref<80x128xf32, #tpu.memory_space<vmem>>) target(%dma_start3A_472 : memref<80x128xf32, #tpu.memory_space<hbm>>) target_semaphore(%arg34 : memref<!tpu.dma_semaphore, #tpu.memory_space<semaphore_mem>>)
      %add3A_473 = arith.constant 2 : i32
      %add3A_474 = arith.addi %mul3A_309, %add3A_473 : i32
      %lt3A_475 = arith.constant 250 : i32
      %lt3A_476 = arith.cmpi slt, %add3A_474, %lt3A_475 : i32
      %convert_element_type3A_477 = arith.extui %lt3A_476 : i1 to i32
      %cond3A_478 = arith.constant 0 : i32
      %cond3A_479 = arith.cmpi ne, %convert_element_type3A_477, %cond3A_478 : i32
      scf.if %cond3A_479 {
        %add3A_575 = arith.constant 2 : i32
        %add3A_576 = arith.addi %mul3A_309, %add3A_575 : i32
        %mul3A_577 = arith.constant 80 : i32
        %mul3A_578 = arith.muli %add3A_576, %mul3A_577 : i32
        %add3A_579 = arith.addi %mul3A_3, %mul3A_578 : i32
        %dma_start3A_580 = tpu.memref_slice %arg5[%add3A_579] : memref<320000xi32, #tpu.memory_space<hbm>> -> memref<80xi32, #tpu.memory_space<hbm>>
        %dma_start3A_581 = tpu.memref_slice %arg5[%add3A_579] : memref<320000xi32, #tpu.memory_space<hbm>> -> memref<80xi32, #tpu.memory_space<hbm>>
        tpu.enqueue_dma source(%dma_start3A_581 : memref<80xi32, #tpu.memory_space<hbm>>) target(%arg12 : memref<80xi32, #tpu.memory_space<vmem>>) target_semaphore(%arg30 : memref<!tpu.dma_semaphore, #tpu.memory_space<semaphore_mem>>)
        %mul3A_582 = arith.constant 320000 : i32
        %mul3A_583 = arith.muli %arg0, %mul3A_582 : i32
        %add3A_584 = arith.addi %mul3A_583, %add3A_579 : i32
        %dma_start3A_585 = tpu.memref_slice %arg6[%add3A_584] : memref<640000xi32, #tpu.memory_space<hbm>> -> memref<80xi32, #tpu.memory_space<hbm>>
        %dma_start3A_586 = tpu.memref_slice %arg6[%add3A_584] : memref<640000xi32, #tpu.memory_space<hbm>> -> memref<80xi32, #tpu.memory_space<hbm>>
        tpu.enqueue_dma source(%dma_start3A_586 : memref<80xi32, #tpu.memory_space<hbm>>) target(%arg14 : memref<80xi32, #tpu.memory_space<vmem>>) target_semaphore(%arg30 : memref<!tpu.dma_semaphore, #tpu.memory_space<semaphore_mem>>)
        %mul3A_587 = arith.constant 320000 : i32
        %mul3A_588 = arith.muli %arg0, %mul3A_587 : i32
        %add3A_589 = arith.addi %mul3A_588, %add3A_579 : i32
        %dma_start3A_590 = arith.constant 0 : i32
        %dma_start3A_591 = tpu.memref_slice %arg4[%add3A_589, %dma_start3A_590] : memref<640000x64xf32, #tpu.memory_space<hbm>> -> memref<80x64xf32, #tpu.memory_space<hbm>>
        %dma_start3A_592 = arith.constant 0 : i32
        %dma_start3A_593 = tpu.memref_slice %arg4[%add3A_589, %dma_start3A_592] : memref<640000x64xf32, #tpu.memory_space<hbm>> -> memref<80x64xf32, #tpu.memory_space<hbm>>
        tpu.enqueue_dma source(%dma_start3A_593 : memref<80x64xf32, #tpu.memory_space<hbm>>) target(%arg22 : memref<80x64xf32, #tpu.memory_space<vmem>>) target_semaphore(%arg30 : memref<!tpu.dma_semaphore, #tpu.memory_space<semaphore_mem>>)
      } else {
      }
      %mul3A_480 = arith.constant 80 : i32
      %mul3A_481 = arith.muli %mul3A_309, %mul3A_480 : i32
      %add3A_482 = arith.addi %mul3A_3, %mul3A_481 : i32
      %mul3A_483 = arith.constant 320000 : i32
      %mul3A_484 = arith.muli %arg0, %mul3A_483 : i32
      %add3A_485 = arith.addi %mul3A_484, %add3A_482 : i32
      %dma_wait3A_486 = arith.constant 0 : i32
      %dma_wait3A_487 = tpu.memref_slice %arg8[%add3A_485, %dma_wait3A_486] : memref<640000x64xf32, #tpu.memory_space<hbm>> -> memref<80x64xf32, #tpu.memory_space<hbm>>
      %dma_wait3A_488 = arith.constant 0 : i32
      %dma_wait3A_489 = tpu.memref_slice %arg8[%add3A_485, %dma_wait3A_488] : memref<640000x64xf32, #tpu.memory_space<hbm>> -> memref<80x64xf32, #tpu.memory_space<hbm>>
      tpu.wait_dma2 semaphore(%arg34 : memref<!tpu.dma_semaphore, #tpu.memory_space<semaphore_mem>>) src(%arg24 : memref<80x64xf32, #tpu.memory_space<vmem>>) dst(%dma_wait3A_489 : memref<80x64xf32, #tpu.memory_space<hbm>>)
      %mul3A_490 = arith.constant 320000 : i32
      %mul3A_491 = arith.muli %arg0, %mul3A_490 : i32
      %add3A_492 = arith.addi %mul3A_491, %add3A_482 : i32
      %dma_wait3A_493 = arith.constant 0 : i32
      %dma_wait3A_494 = tpu.memref_slice %arg9[%add3A_492, %dma_wait3A_493] : memref<640000x128xf32, #tpu.memory_space<hbm>> -> memref<80x128xf32, #tpu.memory_space<hbm>>
      %dma_wait3A_495 = arith.constant 0 : i32
      %dma_wait3A_496 = tpu.memref_slice %arg9[%add3A_492, %dma_wait3A_495] : memref<640000x128xf32, #tpu.memory_space<hbm>> -> memref<80x128xf32, #tpu.memory_space<hbm>>
      tpu.wait_dma2 semaphore(%arg34 : memref<!tpu.dma_semaphore, #tpu.memory_space<semaphore_mem>>) src(%arg26 : memref<80x128xf32, #tpu.memory_space<vmem>>) dst(%dma_wait3A_496 : memref<80x128xf32, #tpu.memory_space<hbm>>)
      %dma_wait3A_497 = arith.constant 0 : i32
      %dma_wait3A_498 = arith.constant 0 : i32
      %dma_wait3A_499 = tpu.memref_slice %arg29[%dma_wait3A_497, %dma_wait3A_498] : memref<3352x128xf32, #tpu.memory_space<vmem_shared>> -> memref<3352x128xf32, #tpu.memory_space<vmem_shared>>
      tpu.wait_indirect_dma semaphore(%arg32 : memref<!tpu.dma_semaphore, #tpu.memory_space<semaphore_mem>>) src(%arg26 : memref<80x128xf32, #tpu.memory_space<vmem>>) dst(%dma_wait3A_499 : memref<3352x128xf32, #tpu.memory_space<vmem_shared>>)
      %add3A_500 = arith.constant 1 : i32
      %add3A_501 = arith.addi %add3A_311, %add3A_500 : i32
      %lt3A_502 = arith.constant 250 : i32
      %lt3A_503 = arith.cmpi slt, %add3A_501, %lt3A_502 : i32
      %convert_element_type3A_504 = arith.extui %lt3A_503 : i1 to i32
      %cond3A_505 = arith.constant 0 : i32
      %cond3A_506 = arith.cmpi ne, %convert_element_type3A_504, %cond3A_505 : i32
      scf.if %cond3A_506 {
        %add3A_575 = arith.constant 1 : i32
        %add3A_576 = arith.addi %add3A_311, %add3A_575 : i32
        %mul3A_577 = arith.constant 80 : i32
        %mul3A_578 = arith.muli %add3A_576, %mul3A_577 : i32
        %add3A_579 = arith.addi %mul3A_3, %mul3A_578 : i32
        %dma_wait3A_580 = tpu.memref_slice %arg5[%add3A_579] : memref<320000xi32, #tpu.memory_space<hbm>> -> memref<80xi32, #tpu.memory_space<hbm>>
        %dma_wait3A_581 = tpu.memref_slice %arg5[%add3A_579] : memref<320000xi32, #tpu.memory_space<hbm>> -> memref<80xi32, #tpu.memory_space<hbm>>
        tpu.wait_dma2 semaphore(%arg30 : memref<!tpu.dma_semaphore, #tpu.memory_space<semaphore_mem>>) src(%dma_wait3A_581 : memref<80xi32, #tpu.memory_space<hbm>>) dst(%arg12 : memref<80xi32, #tpu.memory_space<vmem>>)
        %mul3A_582 = arith.constant 320000 : i32
        %mul3A_583 = arith.muli %arg0, %mul3A_582 : i32
        %add3A_584 = arith.addi %mul3A_583, %add3A_579 : i32
        %dma_wait3A_585 = tpu.memref_slice %arg6[%add3A_584] : memref<640000xi32, #tpu.memory_space<hbm>> -> memref<80xi32, #tpu.memory_space<hbm>>
        %dma_wait3A_586 = tpu.memref_slice %arg6[%add3A_584] : memref<640000xi32, #tpu.memory_space<hbm>> -> memref<80xi32, #tpu.memory_space<hbm>>
        tpu.wait_dma2 semaphore(%arg30 : memref<!tpu.dma_semaphore, #tpu.memory_space<semaphore_mem>>) src(%dma_wait3A_586 : memref<80xi32, #tpu.memory_space<hbm>>) dst(%arg14 : memref<80xi32, #tpu.memory_space<vmem>>)
        %mul3A_587 = arith.constant 320000 : i32
        %mul3A_588 = arith.muli %arg0, %mul3A_587 : i32
        %add3A_589 = arith.addi %mul3A_588, %add3A_579 : i32
        %dma_wait3A_590 = arith.constant 0 : i32
        %dma_wait3A_591 = tpu.memref_slice %arg4[%add3A_589, %dma_wait3A_590] : memref<640000x64xf32, #tpu.memory_space<hbm>> -> memref<80x64xf32, #tpu.memory_space<hbm>>
        %dma_wait3A_592 = arith.constant 0 : i32
        %dma_wait3A_593 = tpu.memref_slice %arg4[%add3A_589, %dma_wait3A_592] : memref<640000x64xf32, #tpu.memory_space<hbm>> -> memref<80x64xf32, #tpu.memory_space<hbm>>
        tpu.wait_dma2 semaphore(%arg30 : memref<!tpu.dma_semaphore, #tpu.memory_space<semaphore_mem>>) src(%dma_wait3A_593 : memref<80x64xf32, #tpu.memory_space<hbm>>) dst(%arg22 : memref<80x64xf32, #tpu.memory_space<vmem>>)
        %get3A_594 = arith.constant 0 : index
        %get3A_595 = tpu.vector_load %arg12[%get3A_594] {strides = array<i32>} : memref<80xi32, #tpu.memory_space<vmem>>, vector<16xi32>,
        %lt3A_596 = arith.constant 3344 : i32
        %lt3A_597 = vector.broadcast %lt3A_596 : i32 to vector<16xi32>
        %lt3A_598 = arith.cmpi slt, %get3A_595, %lt3A_597 : vector<16xi32>
        %jit3A_599 = arith.constant 3344 : i32
        %broadcast_in_dim3A_600 = vector.broadcast %jit3A_599 : i32 to vector<16xi32>
        %select_n3A_601 = arith.select %lt3A_598, %get3A_595, %broadcast_in_dim3A_600 : vector<16xi1>, vector<16xi32>
        %swap3A_602 = arith.constant 0 : index
        %swap3A_603 = tpu.vector_load %arg16[%swap3A_602] {strides = array<i32>} : memref<80xi32, #tpu.memory_space<vmem>>, vector<16xi32>,
        tpu.vector_store %arg16[%swap3A_602], %select_n3A_601 {strides = array<i32>} : memref<80xi32, #tpu.memory_space<vmem>>, vector<16xi32>,
        %get3A_604 = arith.constant 16 : index
        %get3A_605 = tpu.vector_load %arg12[%get3A_604] {strides = array<i32>} : memref<80xi32, #tpu.memory_space<vmem>>, vector<16xi32>,
        %lt3A_606 = arith.constant 3344 : i32
        %lt3A_607 = vector.broadcast %lt3A_606 : i32 to vector<16xi32>
        %lt3A_608 = arith.cmpi slt, %get3A_605, %lt3A_607 : vector<16xi32>
        %jit3A_609 = arith.constant 3344 : i32
        %broadcast_in_dim3A_610 = vector.broadcast %jit3A_609 : i32 to vector<16xi32>
        %select_n3A_611 = arith.select %lt3A_608, %get3A_605, %broadcast_in_dim3A_610 : vector<16xi1>, vector<16xi32>
        %swap3A_612 = arith.constant 16 : index
        %swap3A_613 = tpu.vector_load %arg16[%swap3A_612] {strides = array<i32>} : memref<80xi32, #tpu.memory_space<vmem>>, vector<16xi32>,
        tpu.vector_store %arg16[%swap3A_612], %select_n3A_611 {strides = array<i32>} : memref<80xi32, #tpu.memory_space<vmem>>, vector<16xi32>,
        %get3A_614 = arith.constant 32 : index
        %get3A_615 = tpu.vector_load %arg12[%get3A_614] {strides = array<i32>} : memref<80xi32, #tpu.memory_space<vmem>>, vector<16xi32>,
        %lt3A_616 = arith.constant 3344 : i32
        %lt3A_617 = vector.broadcast %lt3A_616 : i32 to vector<16xi32>
        %lt3A_618 = arith.cmpi slt, %get3A_615, %lt3A_617 : vector<16xi32>
        %jit3A_619 = arith.constant 3344 : i32
        %broadcast_in_dim3A_620 = vector.broadcast %jit3A_619 : i32 to vector<16xi32>
        %select_n3A_621 = arith.select %lt3A_618, %get3A_615, %broadcast_in_dim3A_620 : vector<16xi1>, vector<16xi32>
        %swap3A_622 = arith.constant 32 : index
        %swap3A_623 = tpu.vector_load %arg16[%swap3A_622] {strides = array<i32>} : memref<80xi32, #tpu.memory_space<vmem>>, vector<16xi32>,
        tpu.vector_store %arg16[%swap3A_622], %select_n3A_621 {strides = array<i32>} : memref<80xi32, #tpu.memory_space<vmem>>, vector<16xi32>,
        %get3A_624 = arith.constant 48 : index
        %get3A_625 = tpu.vector_load %arg12[%get3A_624] {strides = array<i32>} : memref<80xi32, #tpu.memory_space<vmem>>, vector<16xi32>,
        %lt3A_626 = arith.constant 3344 : i32
        %lt3A_627 = vector.broadcast %lt3A_626 : i32 to vector<16xi32>
        %lt3A_628 = arith.cmpi slt, %get3A_625, %lt3A_627 : vector<16xi32>
        %jit3A_629 = arith.constant 3344 : i32
        %broadcast_in_dim3A_630 = vector.broadcast %jit3A_629 : i32 to vector<16xi32>
        %select_n3A_631 = arith.select %lt3A_628, %get3A_625, %broadcast_in_dim3A_630 : vector<16xi1>, vector<16xi32>
        %swap3A_632 = arith.constant 48 : index
        %swap3A_633 = tpu.vector_load %arg16[%swap3A_632] {strides = array<i32>} : memref<80xi32, #tpu.memory_space<vmem>>, vector<16xi32>,
        tpu.vector_store %arg16[%swap3A_632], %select_n3A_631 {strides = array<i32>} : memref<80xi32, #tpu.memory_space<vmem>>, vector<16xi32>,
        %get3A_634 = arith.constant 64 : index
        %get3A_635 = tpu.vector_load %arg12[%get3A_634] {strides = array<i32>} : memref<80xi32, #tpu.memory_space<vmem>>, vector<16xi32>,
        %lt3A_636 = arith.constant 3344 : i32
        %lt3A_637 = vector.broadcast %lt3A_636 : i32 to vector<16xi32>
        %lt3A_638 = arith.cmpi slt, %get3A_635, %lt3A_637 : vector<16xi32>
        %jit3A_639 = arith.constant 3344 : i32
        %broadcast_in_dim3A_640 = vector.broadcast %jit3A_639 : i32 to vector<16xi32>
        %select_n3A_641 = arith.select %lt3A_638, %get3A_635, %broadcast_in_dim3A_640 : vector<16xi1>, vector<16xi32>
        %swap3A_642 = arith.constant 64 : index
        %swap3A_643 = tpu.vector_load %arg16[%swap3A_642] {strides = array<i32>} : memref<80xi32, #tpu.memory_space<vmem>>, vector<16xi32>,
        tpu.vector_store %arg16[%swap3A_642], %select_n3A_641 {strides = array<i32>} : memref<80xi32, #tpu.memory_space<vmem>>, vector<16xi32>,
        %dma_start3A_644 = arith.constant 0 : i32
        %dma_start3A_645 = arith.constant 0 : i32
        %dma_start3A_646 = tpu.memref_slice %arg18[%dma_start3A_644, %dma_start3A_645] : memref<80x128xf32, #tpu.memory_space<vmem>> -> memref<40x128xf32, #tpu.memory_space<vmem>>
        %dma_start3A_647 = arith.constant 0 : i32
        %dma_start3A_648 = tpu.memref_slice %arg12[%dma_start3A_647] : memref<80xi32, #tpu.memory_space<vmem>> -> memref<40xi32, #tpu.memory_space<vmem>>
        %dma_start3A_649 = arith.constant 0 : i32
        %dma_start3A_650 = arith.constant 0 : i32
        %dma_start3A_651 = tpu.memref_slice %arg2[%dma_start3A_649, %dma_start3A_650] : memref<10000x128xf32, #tpu.memory_space<hbm>> -> memref<10000x128xf32, #tpu.memory_space<hbm>>
        tpu.enqueue_indirect_dma source(%dma_start3A_651 : memref<10000x128xf32, #tpu.memory_space<hbm>>) target(%dma_start3A_646 : memref<40x128xf32, #tpu.memory_space<vmem>>) offsets(%dma_start3A_648 : memref<40xi32, #tpu.memory_space<vmem>>) semaphore(%arg32 : memref<!tpu.dma_semaphore, #tpu.memory_space<semaphore_mem>>)
        %dma_start3A_652 = arith.constant 0 : i32
        %dma_start3A_653 = arith.constant 0 : i32
        %dma_start3A_654 = tpu.memref_slice %arg20[%dma_start3A_652, %dma_start3A_653] : memref<80x128xf32, #tpu.memory_space<vmem>> -> memref<40x128xf32, #tpu.memory_space<vmem>>
        %dma_start3A_655 = arith.constant 0 : i32
        %dma_start3A_656 = tpu.memref_slice %arg14[%dma_start3A_655] : memref<80xi32, #tpu.memory_space<vmem>> -> memref<40xi32, #tpu.memory_space<vmem>>
        %dma_start3A_657 = arith.constant 0 : i32
        %dma_start3A_658 = arith.constant 0 : i32
        %dma_start3A_659 = tpu.memref_slice %arg3[%dma_start3A_657, %dma_start3A_658] : memref<20000x128xf32, #tpu.memory_space<hbm>> -> memref<20000x128xf32, #tpu.memory_space<hbm>>
        tpu.enqueue_indirect_dma source(%dma_start3A_659 : memref<20000x128xf32, #tpu.memory_space<hbm>>) target(%dma_start3A_654 : memref<40x128xf32, #tpu.memory_space<vmem>>) offsets(%dma_start3A_656 : memref<40xi32, #tpu.memory_space<vmem>>) semaphore(%arg32 : memref<!tpu.dma_semaphore, #tpu.memory_space<semaphore_mem>>)
        %dma_start3A_660 = arith.constant 40 : i32
        %dma_start3A_661 = arith.constant 0 : i32
        %dma_start3A_662 = tpu.memref_slice %arg18[%dma_start3A_660, %dma_start3A_661] : memref<80x128xf32, #tpu.memory_space<vmem>> -> memref<40x128xf32, #tpu.memory_space<vmem>>
        %dma_start3A_663 = arith.constant 40 : i32
        %dma_start3A_664 = tpu.memref_slice %arg12[%dma_start3A_663] : memref<80xi32, #tpu.memory_space<vmem>> -> memref<40xi32, #tpu.memory_space<vmem>>
        %dma_start3A_665 = arith.constant 0 : i32
        %dma_start3A_666 = arith.constant 0 : i32
        %dma_start3A_667 = tpu.memref_slice %arg2[%dma_start3A_665, %dma_start3A_666] : memref<10000x128xf32, #tpu.memory_space<hbm>> -> memref<10000x128xf32, #tpu.memory_space<hbm>>
        tpu.enqueue_indirect_dma source(%dma_start3A_667 : memref<10000x128xf32, #tpu.memory_space<hbm>>) target(%dma_start3A_662 : memref<40x128xf32, #tpu.memory_space<vmem>>) offsets(%dma_start3A_664 : memref<40xi32, #tpu.memory_space<vmem>>) semaphore(%arg32 : memref<!tpu.dma_semaphore, #tpu.memory_space<semaphore_mem>>)
        %dma_start3A_668 = arith.constant 40 : i32
        %dma_start3A_669 = arith.constant 0 : i32
        %dma_start3A_670 = tpu.memref_slice %arg20[%dma_start3A_668, %dma_start3A_669] : memref<80x128xf32, #tpu.memory_space<vmem>> -> memref<40x128xf32, #tpu.memory_space<vmem>>
        %dma_start3A_671 = arith.constant 40 : i32
        %dma_start3A_672 = tpu.memref_slice %arg14[%dma_start3A_671] : memref<80xi32, #tpu.memory_space<vmem>> -> memref<40xi32, #tpu.memory_space<vmem>>
        %dma_start3A_673 = arith.constant 0 : i32
        %dma_start3A_674 = arith.constant 0 : i32
        %dma_start3A_675 = tpu.memref_slice %arg3[%dma_start3A_673, %dma_start3A_674] : memref<20000x128xf32, #tpu.memory_space<hbm>> -> memref<20000x128xf32, #tpu.memory_space<hbm>>
        tpu.enqueue_indirect_dma source(%dma_start3A_675 : memref<20000x128xf32, #tpu.memory_space<hbm>>) target(%dma_start3A_670 : memref<40x128xf32, #tpu.memory_space<vmem>>) offsets(%dma_start3A_672 : memref<40xi32, #tpu.memory_space<vmem>>) semaphore(%arg32 : memref<!tpu.dma_semaphore, #tpu.memory_space<semaphore_mem>>)
      } else {
      }
      %dma_wait3A_507 = arith.constant 0 : i32
      %dma_wait3A_508 = arith.constant 0 : i32
      %dma_wait3A_509 = tpu.memref_slice %arg19[%dma_wait3A_507, %dma_wait3A_508] : memref<80x128xf32, #tpu.memory_space<vmem>> -> memref<40x128xf32, #tpu.memory_space<vmem>>
      %dma_wait3A_510 = arith.constant 0 : i32
      %dma_wait3A_511 = tpu.memref_slice %arg13[%dma_wait3A_510] : memref<80xi32, #tpu.memory_space<vmem>> -> memref<40xi32, #tpu.memory_space<vmem>>
      %dma_wait3A_512 = arith.constant 0 : i32
      %dma_wait3A_513 = arith.constant 0 : i32
      %dma_wait3A_514 = tpu.memref_slice %arg2[%dma_wait3A_512, %dma_wait3A_513] : memref<10000x128xf32, #tpu.memory_space<hbm>> -> memref<10000x128xf32, #tpu.memory_space<hbm>>
      tpu.wait_indirect_dma semaphore(%arg33 : memref<!tpu.dma_semaphore, #tpu.memory_space<semaphore_mem>>) src(%dma_wait3A_514 : memref<10000x128xf32, #tpu.memory_space<hbm>>) dst(%dma_wait3A_509 : memref<40x128xf32, #tpu.memory_space<vmem>>)
      %dma_wait3A_515 = arith.constant 0 : i32
      %dma_wait3A_516 = arith.constant 0 : i32
      %dma_wait3A_517 = tpu.memref_slice %arg21[%dma_wait3A_515, %dma_wait3A_516] : memref<80x128xf32, #tpu.memory_space<vmem>> -> memref<40x128xf32, #tpu.memory_space<vmem>>
      %dma_wait3A_518 = arith.constant 0 : i32
      %dma_wait3A_519 = tpu.memref_slice %arg15[%dma_wait3A_518] : memref<80xi32, #tpu.memory_space<vmem>> -> memref<40xi32, #tpu.memory_space<vmem>>
      %dma_wait3A_520 = arith.constant 0 : i32
      %dma_wait3A_521 = arith.constant 0 : i32
      %dma_wait3A_522 = tpu.memref_slice %arg3[%dma_wait3A_520, %dma_wait3A_521] : memref<20000x128xf32, #tpu.memory_space<hbm>> -> memref<20000x128xf32, #tpu.memory_space<hbm>>
      tpu.wait_indirect_dma semaphore(%arg33 : memref<!tpu.dma_semaphore, #tpu.memory_space<semaphore_mem>>) src(%dma_wait3A_522 : memref<20000x128xf32, #tpu.memory_space<hbm>>) dst(%dma_wait3A_517 : memref<40x128xf32, #tpu.memory_space<vmem>>)
      %dma_wait3A_523 = arith.constant 40 : i32
      %dma_wait3A_524 = arith.constant 0 : i32
      %dma_wait3A_525 = tpu.memref_slice %arg19[%dma_wait3A_523, %dma_wait3A_524] : memref<80x128xf32, #tpu.memory_space<vmem>> -> memref<40x128xf32, #tpu.memory_space<vmem>>
      %dma_wait3A_526 = arith.constant 40 : i32
      %dma_wait3A_527 = tpu.memref_slice %arg13[%dma_wait3A_526] : memref<80xi32, #tpu.memory_space<vmem>> -> memref<40xi32, #tpu.memory_space<vmem>>
      %dma_wait3A_528 = arith.constant 0 : i32
      %dma_wait3A_529 = arith.constant 0 : i32
      %dma_wait3A_530 = tpu.memref_slice %arg2[%dma_wait3A_528, %dma_wait3A_529] : memref<10000x128xf32, #tpu.memory_space<hbm>> -> memref<10000x128xf32, #tpu.memory_space<hbm>>
      tpu.wait_indirect_dma semaphore(%arg33 : memref<!tpu.dma_semaphore, #tpu.memory_space<semaphore_mem>>) src(%dma_wait3A_530 : memref<10000x128xf32, #tpu.memory_space<hbm>>) dst(%dma_wait3A_525 : memref<40x128xf32, #tpu.memory_space<vmem>>)
      %dma_wait3A_531 = arith.constant 40 : i32
      %dma_wait3A_532 = arith.constant 0 : i32
      %dma_wait3A_533 = tpu.memref_slice %arg21[%dma_wait3A_531, %dma_wait3A_532] : memref<80x128xf32, #tpu.memory_space<vmem>> -> memref<40x128xf32, #tpu.memory_space<vmem>>
      %dma_wait3A_534 = arith.constant 40 : i32
      %dma_wait3A_535 = tpu.memref_slice %arg15[%dma_wait3A_534] : memref<80xi32, #tpu.memory_space<vmem>> -> memref<40xi32, #tpu.memory_space<vmem>>
      %dma_wait3A_536 = arith.constant 0 : i32
      %dma_wait3A_537 = arith.constant 0 : i32
      %dma_wait3A_538 = tpu.memref_slice %arg3[%dma_wait3A_536, %dma_wait3A_537] : memref<20000x128xf32, #tpu.memory_space<hbm>> -> memref<20000x128xf32, #tpu.memory_space<hbm>>
      tpu.wait_indirect_dma semaphore(%arg33 : memref<!tpu.dma_semaphore, #tpu.memory_space<semaphore_mem>>) src(%dma_wait3A_538 : memref<20000x128xf32, #tpu.memory_space<hbm>>) dst(%dma_wait3A_533 : memref<40x128xf32, #tpu.memory_space<vmem>>)
      %scan3A_539 = arith.constant 0 : i32
      %scan3A_540 = arith.constant 0 : i32
      %scan3A_541 = arith.constant 80 : i32
      %scan3A_542 = arith.addi %scan3A_540, %scan3A_541 : i32
      %scan3A_543 = arith.constant 1 : i32
      scf.for %scan3A_575 = %scan3A_540 to %scan3A_542 step %scan3A_543  : i32 {
        %add3A_576 = arith.constant 0 : i32
        %add3A_577 = arith.addi %mul3A_0, %add3A_576 : i32
        %get3A_578 = arith.index_cast %scan3A_575 : i32 to index
        %get3A_579 = arith.index_cast %add3A_577 : i32 to index
        %get3A_580 = tpu.vector_load %arg19[%get3A_578, %get3A_579] {strides = array<i32>} : memref<80x128xf32, #tpu.memory_space<vmem>>, vector<16xf32>,
        %get3A_581 = arith.index_cast %scan3A_575 : i32 to index
        %get3A_582 = arith.constant 0 : index
        %get3A_583 = tpu.vector_load %arg21[%get3A_581, %get3A_582] {strides = array<i32>} : memref<80x128xf32, #tpu.memory_space<vmem>>, vector<16xf32>,
        %add3A_584 = arith.addf %get3A_580, %get3A_583 : vector<16xf32>
        %get3A_585 = arith.index_cast %scan3A_575 : i32 to index
        %get3A_586 = arith.constant 0 : index
        %get3A_587 = tpu.vector_load %arg23[%get3A_585, %get3A_586] {strides = array<i32>} : memref<80x64xf32, #tpu.memory_space<vmem>>, vector<16xf32>,
        %add3A_588 = arith.addf %add3A_584, %get3A_587 : vector<16xf32>
        %swap3A_589 = arith.index_cast %scan3A_575 : i32 to index
        %swap3A_590 = arith.constant 0 : index
        %swap3A_591 = tpu.vector_load %arg25[%swap3A_589, %swap3A_590] {strides = array<i32>} : memref<80x64xf32, #tpu.memory_space<vmem>>, vector<16xf32>,
        tpu.vector_store %arg25[%swap3A_589, %swap3A_590], %add3A_588 {strides = array<i32>} : memref<80x64xf32, #tpu.memory_space<vmem>>, vector<16xf32>,
        %neg3A = arith.constant 0.000000e+00 : f32
        %neg3A_592 = vector.broadcast %neg3A : f32 to vector<16xf32>
        %neg3A_593 = arith.subf %neg3A_592, %add3A_588 : vector<16xf32>
        %exp3A = math.exp %neg3A_593 : vector<16xf32>
        %add3A_594 = arith.constant 1.000000e+00 : f32
        %add3A_595 = vector.broadcast %add3A_594 : f32 to vector<16xf32>
        %add3A_596 = arith.addf %add3A_595, %exp3A : vector<16xf32>
        %div3A = arith.constant 1.000000e+00 : f32
        %div3A_597 = vector.broadcast %div3A : f32 to vector<16xf32>
        %div3A_598 = arith.divf %div3A_597, %add3A_596 : vector<16xf32>
        %get3A_599 = arith.index_cast %scan3A_575 : i32 to index
        %get3A_600 = arith.constant 64 : index
        %get3A_601 = tpu.vector_load %arg21[%get3A_599, %get3A_600] {strides = array<i32>} : memref<80x128xf32, #tpu.memory_space<vmem>>, vector<16xf32>,
        %mul3A_602 = arith.mulf %get3A_601, %div3A_598 : vector<16xf32>
        %swap3A_603 = arith.index_cast %scan3A_575 : i32 to index
        %swap3A_604 = arith.constant 0 : index
        %swap3A_605 = tpu.vector_load %arg27[%swap3A_603, %swap3A_604] {strides = array<i32>} : memref<80x128xf32, #tpu.memory_space<vmem>>, vector<16xf32>,
        tpu.vector_store %arg27[%swap3A_603, %swap3A_604], %mul3A_602 {strides = array<i32>} : memref<80x128xf32, #tpu.memory_space<vmem>>, vector<16xf32>,
        %swap3A_606 = arith.index_cast %scan3A_575 : i32 to index
        %swap3A_607 = arith.constant 64 : index
        %swap3A_608 = tpu.vector_load %arg27[%swap3A_606, %swap3A_607] {strides = array<i32>} : memref<80x128xf32, #tpu.memory_space<vmem>>, vector<16xf32>,
        tpu.vector_store %arg27[%swap3A_606, %swap3A_607], %div3A_598 {strides = array<i32>} : memref<80x128xf32, #tpu.memory_space<vmem>>, vector<16xf32>,
        %get3A_609 = arith.constant 0 : i32
        %get3A_610 = arith.index_cast %get3A_609 : i32 to index
        %get3A_611 = arith.constant 0 : index
        %get3A_612 = tpu.vector_load %arg28[%get3A_610, %get3A_611] {strides = array<i32>} : memref<8x64xf32, #tpu.memory_space<vmem>>, vector<16xf32>,
        %add3A_613 = arith.addf %get3A_612, %add3A_588 : vector<16xf32>
        %swap3A_614 = arith.constant 0 : i32
        %swap3A_615 = arith.index_cast %swap3A_614 : i32 to index
        %swap3A_616 = arith.constant 0 : index
        %swap3A_617 = tpu.vector_load %arg28[%swap3A_615, %swap3A_616] {strides = array<i32>} : memref<8x64xf32, #tpu.memory_space<vmem>>, vector<16xf32>,
        tpu.vector_store %arg28[%swap3A_615, %swap3A_616], %add3A_613 {strides = array<i32>} : memref<8x64xf32, #tpu.memory_space<vmem>>, vector<16xf32>,
        %get3A_618 = arith.constant 1 : i32
        %get3A_619 = arith.index_cast %get3A_618 : i32 to index
        %get3A_620 = arith.constant 0 : index
        %get3A_621 = tpu.vector_load %arg28[%get3A_619, %get3A_620] {strides = array<i32>} : memref<8x64xf32, #tpu.memory_space<vmem>>, vector<16xf32>,
        %mul3A_622 = arith.mulf %add3A_588, %add3A_588 : vector<16xf32>
        %add3A_623 = arith.addf %get3A_621, %mul3A_622 : vector<16xf32>
        %swap3A_624 = arith.constant 1 : i32
        %swap3A_625 = arith.index_cast %swap3A_624 : i32 to index
        %swap3A_626 = arith.constant 0 : index
        %swap3A_627 = tpu.vector_load %arg28[%swap3A_625, %swap3A_626] {strides = array<i32>} : memref<8x64xf32, #tpu.memory_space<vmem>>, vector<16xf32>,
        tpu.vector_store %arg28[%swap3A_625, %swap3A_626], %add3A_623 {strides = array<i32>} : memref<8x64xf32, #tpu.memory_space<vmem>>, vector<16xf32>,
        %add3A_628 = arith.constant 16 : i32
        %add3A_629 = arith.addi %mul3A_0, %add3A_628 : i32
        %get3A_630 = arith.index_cast %scan3A_575 : i32 to index
        %get3A_631 = arith.index_cast %add3A_629 : i32 to index
        %get3A_632 = tpu.vector_load %arg19[%get3A_630, %get3A_631] {strides = array<i32>} : memref<80x128xf32, #tpu.memory_space<vmem>>, vector<16xf32>,
        %get3A_633 = arith.index_cast %scan3A_575 : i32 to index
        %get3A_634 = arith.constant 16 : index
        %get3A_635 = tpu.vector_load %arg21[%get3A_633, %get3A_634] {strides = array<i32>} : memref<80x128xf32, #tpu.memory_space<vmem>>, vector<16xf32>,
        %add3A_636 = arith.addf %get3A_632, %get3A_635 : vector<16xf32>
        %get3A_637 = arith.index_cast %scan3A_575 : i32 to index
        %get3A_638 = arith.constant 16 : index
        %get3A_639 = tpu.vector_load %arg23[%get3A_637, %get3A_638] {strides = array<i32>} : memref<80x64xf32, #tpu.memory_space<vmem>>, vector<16xf32>,
        %add3A_640 = arith.addf %add3A_636, %get3A_639 : vector<16xf32>
        %swap3A_641 = arith.index_cast %scan3A_575 : i32 to index
        %swap3A_642 = arith.constant 16 : index
        %swap3A_643 = tpu.vector_load %arg25[%swap3A_641, %swap3A_642] {strides = array<i32>} : memref<80x64xf32, #tpu.memory_space<vmem>>, vector<16xf32>,
        tpu.vector_store %arg25[%swap3A_641, %swap3A_642], %add3A_640 {strides = array<i32>} : memref<80x64xf32, #tpu.memory_space<vmem>>, vector<16xf32>,
        %neg3A_644 = arith.constant 0.000000e+00 : f32
        %neg3A_645 = vector.broadcast %neg3A_644 : f32 to vector<16xf32>
        %neg3A_646 = arith.subf %neg3A_645, %add3A_640 : vector<16xf32>
        %exp3A_647 = math.exp %neg3A_646 : vector<16xf32>
        %add3A_648 = arith.constant 1.000000e+00 : f32
        %add3A_649 = vector.broadcast %add3A_648 : f32 to vector<16xf32>
        %add3A_650 = arith.addf %add3A_649, %exp3A_647 : vector<16xf32>
        %div3A_651 = arith.constant 1.000000e+00 : f32
        %div3A_652 = vector.broadcast %div3A_651 : f32 to vector<16xf32>
        %div3A_653 = arith.divf %div3A_652, %add3A_650 : vector<16xf32>
        %get3A_654 = arith.index_cast %scan3A_575 : i32 to index
        %get3A_655 = arith.constant 80 : index
        %get3A_656 = tpu.vector_load %arg21[%get3A_654, %get3A_655] {strides = array<i32>} : memref<80x128xf32, #tpu.memory_space<vmem>>, vector<16xf32>,
        %mul3A_657 = arith.mulf %get3A_656, %div3A_653 : vector<16xf32>
        %swap3A_658 = arith.index_cast %scan3A_575 : i32 to index
        %swap3A_659 = arith.constant 16 : index
        %swap3A_660 = tpu.vector_load %arg27[%swap3A_658, %swap3A_659] {strides = array<i32>} : memref<80x128xf32, #tpu.memory_space<vmem>>, vector<16xf32>,
        tpu.vector_store %arg27[%swap3A_658, %swap3A_659], %mul3A_657 {strides = array<i32>} : memref<80x128xf32, #tpu.memory_space<vmem>>, vector<16xf32>,
        %swap3A_661 = arith.index_cast %scan3A_575 : i32 to index
        %swap3A_662 = arith.constant 80 : index
        %swap3A_663 = tpu.vector_load %arg27[%swap3A_661, %swap3A_662] {strides = array<i32>} : memref<80x128xf32, #tpu.memory_space<vmem>>, vector<16xf32>,
        tpu.vector_store %arg27[%swap3A_661, %swap3A_662], %div3A_653 {strides = array<i32>} : memref<80x128xf32, #tpu.memory_space<vmem>>, vector<16xf32>,
        %get3A_664 = arith.constant 0 : i32
        %get3A_665 = arith.index_cast %get3A_664 : i32 to index
        %get3A_666 = arith.constant 16 : index
        %get3A_667 = tpu.vector_load %arg28[%get3A_665, %get3A_666] {strides = array<i32>} : memref<8x64xf32, #tpu.memory_space<vmem>>, vector<16xf32>,
        %add3A_668 = arith.addf %get3A_667, %add3A_640 : vector<16xf32>
        %swap3A_669 = arith.constant 0 : i32
        %swap3A_670 = arith.index_cast %swap3A_669 : i32 to index
        %swap3A_671 = arith.constant 16 : index
        %swap3A_672 = tpu.vector_load %arg28[%swap3A_670, %swap3A_671] {strides = array<i32>} : memref<8x64xf32, #tpu.memory_space<vmem>>, vector<16xf32>,
        tpu.vector_store %arg28[%swap3A_670, %swap3A_671], %add3A_668 {strides = array<i32>} : memref<8x64xf32, #tpu.memory_space<vmem>>, vector<16xf32>,
        %get3A_673 = arith.constant 1 : i32
        %get3A_674 = arith.index_cast %get3A_673 : i32 to index
        %get3A_675 = arith.constant 16 : index
        %get3A_676 = tpu.vector_load %arg28[%get3A_674, %get3A_675] {strides = array<i32>} : memref<8x64xf32, #tpu.memory_space<vmem>>, vector<16xf32>,
        %mul3A_677 = arith.mulf %add3A_640, %add3A_640 : vector<16xf32>
        %add3A_678 = arith.addf %get3A_676, %mul3A_677 : vector<16xf32>
        %swap3A_679 = arith.constant 1 : i32
        %swap3A_680 = arith.index_cast %swap3A_679 : i32 to index
        %swap3A_681 = arith.constant 16 : index
        %swap3A_682 = tpu.vector_load %arg28[%swap3A_680, %swap3A_681] {strides = array<i32>} : memref<8x64xf32, #tpu.memory_space<vmem>>, vector<16xf32>,
        tpu.vector_store %arg28[%swap3A_680, %swap3A_681], %add3A_678 {strides = array<i32>} : memref<8x64xf32, #tpu.memory_space<vmem>>, vector<16xf32>,
        %add3A_683 = arith.constant 32 : i32
        %add3A_684 = arith.addi %mul3A_0, %add3A_683 : i32
        %get3A_685 = arith.index_cast %scan3A_575 : i32 to index
        %get3A_686 = arith.index_cast %add3A_684 : i32 to index
        %get3A_687 = tpu.vector_load %arg19[%get3A_685, %get3A_686] {strides = array<i32>} : memref<80x128xf32, #tpu.memory_space<vmem>>, vector<16xf32>,
        %get3A_688 = arith.index_cast %scan3A_575 : i32 to index
        %get3A_689 = arith.constant 32 : index
        %get3A_690 = tpu.vector_load %arg21[%get3A_688, %get3A_689] {strides = array<i32>} : memref<80x128xf32, #tpu.memory_space<vmem>>, vector<16xf32>,
        %add3A_691 = arith.addf %get3A_687, %get3A_690 : vector<16xf32>
        %get3A_692 = arith.index_cast %scan3A_575 : i32 to index
        %get3A_693 = arith.constant 32 : index
        %get3A_694 = tpu.vector_load %arg23[%get3A_692, %get3A_693] {strides = array<i32>} : memref<80x64xf32, #tpu.memory_space<vmem>>, vector<16xf32>,
        %add3A_695 = arith.addf %add3A_691, %get3A_694 : vector<16xf32>
        %swap3A_696 = arith.index_cast %scan3A_575 : i32 to index
        %swap3A_697 = arith.constant 32 : index
        %swap3A_698 = tpu.vector_load %arg25[%swap3A_696, %swap3A_697] {strides = array<i32>} : memref<80x64xf32, #tpu.memory_space<vmem>>, vector<16xf32>,
        tpu.vector_store %arg25[%swap3A_696, %swap3A_697], %add3A_695 {strides = array<i32>} : memref<80x64xf32, #tpu.memory_space<vmem>>, vector<16xf32>,
        %neg3A_699 = arith.constant 0.000000e+00 : f32
        %neg3A_700 = vector.broadcast %neg3A_699 : f32 to vector<16xf32>
        %neg3A_701 = arith.subf %neg3A_700, %add3A_695 : vector<16xf32>
        %exp3A_702 = math.exp %neg3A_701 : vector<16xf32>
        %add3A_703 = arith.constant 1.000000e+00 : f32
        %add3A_704 = vector.broadcast %add3A_703 : f32 to vector<16xf32>
        %add3A_705 = arith.addf %add3A_704, %exp3A_702 : vector<16xf32>
        %div3A_706 = arith.constant 1.000000e+00 : f32
        %div3A_707 = vector.broadcast %div3A_706 : f32 to vector<16xf32>
        %div3A_708 = arith.divf %div3A_707, %add3A_705 : vector<16xf32>
        %get3A_709 = arith.index_cast %scan3A_575 : i32 to index
        %get3A_710 = arith.constant 96 : index
        %get3A_711 = tpu.vector_load %arg21[%get3A_709, %get3A_710] {strides = array<i32>} : memref<80x128xf32, #tpu.memory_space<vmem>>, vector<16xf32>,
        %mul3A_712 = arith.mulf %get3A_711, %div3A_708 : vector<16xf32>
        %swap3A_713 = arith.index_cast %scan3A_575 : i32 to index
        %swap3A_714 = arith.constant 32 : index
        %swap3A_715 = tpu.vector_load %arg27[%swap3A_713, %swap3A_714] {strides = array<i32>} : memref<80x128xf32, #tpu.memory_space<vmem>>, vector<16xf32>,
        tpu.vector_store %arg27[%swap3A_713, %swap3A_714], %mul3A_712 {strides = array<i32>} : memref<80x128xf32, #tpu.memory_space<vmem>>, vector<16xf32>,
        %swap3A_716 = arith.index_cast %scan3A_575 : i32 to index
        %swap3A_717 = arith.constant 96 : index
        %swap3A_718 = tpu.vector_load %arg27[%swap3A_716, %swap3A_717] {strides = array<i32>} : memref<80x128xf32, #tpu.memory_space<vmem>>, vector<16xf32>,
        tpu.vector_store %arg27[%swap3A_716, %swap3A_717], %div3A_708 {strides = array<i32>} : memref<80x128xf32, #tpu.memory_space<vmem>>, vector<16xf32>,
        %get3A_719 = arith.constant 0 : i32
        %get3A_720 = arith.index_cast %get3A_719 : i32 to index
        %get3A_721 = arith.constant 32 : index
        %get3A_722 = tpu.vector_load %arg28[%get3A_720, %get3A_721] {strides = array<i32>} : memref<8x64xf32, #tpu.memory_space<vmem>>, vector<16xf32>,
        %add3A_723 = arith.addf %get3A_722, %add3A_695 : vector<16xf32>
        %swap3A_724 = arith.constant 0 : i32
        %swap3A_725 = arith.index_cast %swap3A_724 : i32 to index
        %swap3A_726 = arith.constant 32 : index
        %swap3A_727 = tpu.vector_load %arg28[%swap3A_725, %swap3A_726] {strides = array<i32>} : memref<8x64xf32, #tpu.memory_space<vmem>>, vector<16xf32>,
        tpu.vector_store %arg28[%swap3A_725, %swap3A_726], %add3A_723 {strides = array<i32>} : memref<8x64xf32, #tpu.memory_space<vmem>>, vector<16xf32>,
        %get3A_728 = arith.constant 1 : i32
        %get3A_729 = arith.index_cast %get3A_728 : i32 to index
        %get3A_730 = arith.constant 32 : index
        %get3A_731 = tpu.vector_load %arg28[%get3A_729, %get3A_730] {strides = array<i32>} : memref<8x64xf32, #tpu.memory_space<vmem>>, vector<16xf32>,
        %mul3A_732 = arith.mulf %add3A_695, %add3A_695 : vector<16xf32>
        %add3A_733 = arith.addf %get3A_731, %mul3A_732 : vector<16xf32>
        %swap3A_734 = arith.constant 1 : i32
        %swap3A_735 = arith.index_cast %swap3A_734 : i32 to index
        %swap3A_736 = arith.constant 32 : index
        %swap3A_737 = tpu.vector_load %arg28[%swap3A_735, %swap3A_736] {strides = array<i32>} : memref<8x64xf32, #tpu.memory_space<vmem>>, vector<16xf32>,
        tpu.vector_store %arg28[%swap3A_735, %swap3A_736], %add3A_733 {strides = array<i32>} : memref<8x64xf32, #tpu.memory_space<vmem>>, vector<16xf32>,
        %add3A_738 = arith.constant 48 : i32
        %add3A_739 = arith.addi %mul3A_0, %add3A_738 : i32
        %get3A_740 = arith.index_cast %scan3A_575 : i32 to index
        %get3A_741 = arith.index_cast %add3A_739 : i32 to index
        %get3A_742 = tpu.vector_load %arg19[%get3A_740, %get3A_741] {strides = array<i32>} : memref<80x128xf32, #tpu.memory_space<vmem>>, vector<16xf32>,
        %get3A_743 = arith.index_cast %scan3A_575 : i32 to index
        %get3A_744 = arith.constant 48 : index
        %get3A_745 = tpu.vector_load %arg21[%get3A_743, %get3A_744] {strides = array<i32>} : memref<80x128xf32, #tpu.memory_space<vmem>>, vector<16xf32>,
        %add3A_746 = arith.addf %get3A_742, %get3A_745 : vector<16xf32>
        %get3A_747 = arith.index_cast %scan3A_575 : i32 to index
        %get3A_748 = arith.constant 48 : index
        %get3A_749 = tpu.vector_load %arg23[%get3A_747, %get3A_748] {strides = array<i32>} : memref<80x64xf32, #tpu.memory_space<vmem>>, vector<16xf32>,
        %add3A_750 = arith.addf %add3A_746, %get3A_749 : vector<16xf32>
        %swap3A_751 = arith.index_cast %scan3A_575 : i32 to index
        %swap3A_752 = arith.constant 48 : index
        %swap3A_753 = tpu.vector_load %arg25[%swap3A_751, %swap3A_752] {strides = array<i32>} : memref<80x64xf32, #tpu.memory_space<vmem>>, vector<16xf32>,
        tpu.vector_store %arg25[%swap3A_751, %swap3A_752], %add3A_750 {strides = array<i32>} : memref<80x64xf32, #tpu.memory_space<vmem>>, vector<16xf32>,
        %neg3A_754 = arith.constant 0.000000e+00 : f32
        %neg3A_755 = vector.broadcast %neg3A_754 : f32 to vector<16xf32>
        %neg3A_756 = arith.subf %neg3A_755, %add3A_750 : vector<16xf32>
        %exp3A_757 = math.exp %neg3A_756 : vector<16xf32>
        %add3A_758 = arith.constant 1.000000e+00 : f32
        %add3A_759 = vector.broadcast %add3A_758 : f32 to vector<16xf32>
        %add3A_760 = arith.addf %add3A_759, %exp3A_757 : vector<16xf32>
        %div3A_761 = arith.constant 1.000000e+00 : f32
        %div3A_762 = vector.broadcast %div3A_761 : f32 to vector<16xf32>
        %div3A_763 = arith.divf %div3A_762, %add3A_760 : vector<16xf32>
        %get3A_764 = arith.index_cast %scan3A_575 : i32 to index
        %get3A_765 = arith.constant 112 : index
        %get3A_766 = tpu.vector_load %arg21[%get3A_764, %get3A_765] {strides = array<i32>} : memref<80x128xf32, #tpu.memory_space<vmem>>, vector<16xf32>,
        %mul3A_767 = arith.mulf %get3A_766, %div3A_763 : vector<16xf32>
        %swap3A_768 = arith.index_cast %scan3A_575 : i32 to index
        %swap3A_769 = arith.constant 48 : index
        %swap3A_770 = tpu.vector_load %arg27[%swap3A_768, %swap3A_769] {strides = array<i32>} : memref<80x128xf32, #tpu.memory_space<vmem>>, vector<16xf32>,
        tpu.vector_store %arg27[%swap3A_768, %swap3A_769], %mul3A_767 {strides = array<i32>} : memref<80x128xf32, #tpu.memory_space<vmem>>, vector<16xf32>,
        %swap3A_771 = arith.index_cast %scan3A_575 : i32 to index
        %swap3A_772 = arith.constant 112 : index
        %swap3A_773 = tpu.vector_load %arg27[%swap3A_771, %swap3A_772] {strides = array<i32>} : memref<80x128xf32, #tpu.memory_space<vmem>>, vector<16xf32>,
        tpu.vector_store %arg27[%swap3A_771, %swap3A_772], %div3A_763 {strides = array<i32>} : memref<80x128xf32, #tpu.memory_space<vmem>>, vector<16xf32>,
        %get3A_774 = arith.constant 0 : i32
        %get3A_775 = arith.index_cast %get3A_774 : i32 to index
        %get3A_776 = arith.constant 48 : index
        %get3A_777 = tpu.vector_load %arg28[%get3A_775, %get3A_776] {strides = array<i32>} : memref<8x64xf32, #tpu.memory_space<vmem>>, vector<16xf32>,
        %add3A_778 = arith.addf %get3A_777, %add3A_750 : vector<16xf32>
        %swap3A_779 = arith.constant 0 : i32
        %swap3A_780 = arith.index_cast %swap3A_779 : i32 to index
        %swap3A_781 = arith.constant 48 : index
        %swap3A_782 = tpu.vector_load %arg28[%swap3A_780, %swap3A_781] {strides = array<i32>} : memref<8x64xf32, #tpu.memory_space<vmem>>, vector<16xf32>,
        tpu.vector_store %arg28[%swap3A_780, %swap3A_781], %add3A_778 {strides = array<i32>} : memref<8x64xf32, #tpu.memory_space<vmem>>, vector<16xf32>,
        %get3A_783 = arith.constant 1 : i32
        %get3A_784 = arith.index_cast %get3A_783 : i32 to index
        %get3A_785 = arith.constant 48 : index
        %get3A_786 = tpu.vector_load %arg28[%get3A_784, %get3A_785] {strides = array<i32>} : memref<8x64xf32, #tpu.memory_space<vmem>>, vector<16xf32>,
        %mul3A_787 = arith.mulf %add3A_750, %add3A_750 : vector<16xf32>
        %add3A_788 = arith.addf %get3A_786, %mul3A_787 : vector<16xf32>
        %swap3A_789 = arith.constant 1 : i32
        %swap3A_790 = arith.index_cast %swap3A_789 : i32 to index
        %swap3A_791 = arith.constant 48 : index
        %swap3A_792 = tpu.vector_load %arg28[%swap3A_790, %swap3A_791] {strides = array<i32>} : memref<8x64xf32, #tpu.memory_space<vmem>>, vector<16xf32>,
        tpu.vector_store %arg28[%swap3A_790, %swap3A_791], %add3A_788 {strides = array<i32>} : memref<8x64xf32, #tpu.memory_space<vmem>>, vector<16xf32>,
      }
      %scan3A_544 = arith.constant 80 : i32
      %dma_start3A_545 = arith.constant 0 : i32
      %dma_start3A_546 = arith.constant 0 : i32
      %dma_start3A_547 = tpu.memref_slice %arg29[%dma_start3A_545, %dma_start3A_546] : memref<3352x128xf32, #tpu.memory_space<vmem_shared>> -> memref<3352x128xf32, #tpu.memory_space<vmem_shared>>
      tpu.enqueue_indirect_dma source(%arg27 : memref<80x128xf32, #tpu.memory_space<vmem>>) target(%dma_start3A_547 : memref<3352x128xf32, #tpu.memory_space<vmem_shared>>) offsets(%arg17 : memref<80xi32, #tpu.memory_space<vmem>>) semaphore(%arg33 : memref<!tpu.dma_semaphore, #tpu.memory_space<semaphore_mem>>) {add = true}
      %mul3A_548 = arith.constant 80 : i32
      %mul3A_549 = arith.muli %add3A_311, %mul3A_548 : i32
      %add3A_550 = arith.addi %mul3A_3, %mul3A_549 : i32
      %mul3A_551 = arith.constant 320000 : i32
      %mul3A_552 = arith.muli %arg0, %mul3A_551 : i32
      %add3A_553 = arith.addi %mul3A_552, %add3A_550 : i32
      %dma_start3A_554 = arith.constant 0 : i32
      %dma_start3A_555 = tpu.memref_slice %arg8[%add3A_553, %dma_start3A_554] : memref<640000x64xf32, #tpu.memory_space<hbm>> -> memref<80x64xf32, #tpu.memory_space<hbm>>
      %dma_start3A_556 = arith.constant 0 : i32
      %dma_start3A_557 = tpu.memref_slice %arg8[%add3A_553, %dma_start3A_556] : memref<640000x64xf32, #tpu.memory_space<hbm>> -> memref<80x64xf32, #tpu.memory_space<hbm>>
      tpu.enqueue_dma source(%arg25 : memref<80x64xf32, #tpu.memory_space<vmem>>) target(%dma_start3A_557 : memref<80x64xf32, #tpu.memory_space<hbm>>) target_semaphore(%arg35 : memref<!tpu.dma_semaphore, #tpu.memory_space<semaphore_mem>>)
      %mul3A_558 = arith.constant 320000 : i32
      %mul3A_559 = arith.muli %arg0, %mul3A_558 : i32
      %add3A_560 = arith.addi %mul3A_559, %add3A_550 : i32
      %dma_start3A_561 = arith.constant 0 : i32
      %dma_start3A_562 = tpu.memref_slice %arg9[%add3A_560, %dma_start3A_561] : memref<640000x128xf32, #tpu.memory_space<hbm>> -> memref<80x128xf32, #tpu.memory_space<hbm>>
      %dma_start3A_563 = arith.constant 0 : i32
      %dma_start3A_564 = tpu.memref_slice %arg9[%add3A_560, %dma_start3A_563] : memref<640000x128xf32, #tpu.memory_space<hbm>> -> memref<80x128xf32, #tpu.memory_space<hbm>>
      tpu.enqueue_dma source(%arg27 : memref<80x128xf32, #tpu.memory_space<vmem>>) target(%dma_start3A_564 : memref<80x128xf32, #tpu.memory_space<hbm>>) target_semaphore(%arg35 : memref<!tpu.dma_semaphore, #tpu.memory_space<semaphore_mem>>)
      %add3A_565 = arith.constant 2 : i32
      %add3A_566 = arith.addi %add3A_311, %add3A_565 : i32
      %lt3A_567 = arith.constant 250 : i32
      %lt3A_568 = arith.cmpi slt, %add3A_566, %lt3A_567 : i32
      %convert_element_type3A_569 = arith.extui %lt3A_568 : i1 to i32
      %cond3A_570 = arith.constant 0 : i32
      %cond3A_571 = arith.cmpi ne, %convert_element_type3A_569, %cond3A_570 : i32
      scf.if %cond3A_571 {
        %add3A_575 = arith.constant 2 : i32
        %add3A_576 = arith.addi %add3A_311, %add3A_575 : i32
        %mul3A_577 = arith.constant 80 : i32
        %mul3A_578 = arith.muli %add3A_576, %mul3A_577 : i32
        %add3A_579 = arith.addi %mul3A_3, %mul3A_578 : i32
        %dma_start3A_580 = tpu.memref_slice %arg5[%add3A_579] : memref<320000xi32, #tpu.memory_space<hbm>> -> memref<80xi32, #tpu.memory_space<hbm>>
        %dma_start3A_581 = tpu.memref_slice %arg5[%add3A_579] : memref<320000xi32, #tpu.memory_space<hbm>> -> memref<80xi32, #tpu.memory_space<hbm>>
        tpu.enqueue_dma source(%dma_start3A_581 : memref<80xi32, #tpu.memory_space<hbm>>) target(%arg13 : memref<80xi32, #tpu.memory_space<vmem>>) target_semaphore(%arg31 : memref<!tpu.dma_semaphore, #tpu.memory_space<semaphore_mem>>)
        %mul3A_582 = arith.constant 320000 : i32
        %mul3A_583 = arith.muli %arg0, %mul3A_582 : i32
        %add3A_584 = arith.addi %mul3A_583, %add3A_579 : i32
        %dma_start3A_585 = tpu.memref_slice %arg6[%add3A_584] : memref<640000xi32, #tpu.memory_space<hbm>> -> memref<80xi32, #tpu.memory_space<hbm>>
        %dma_start3A_586 = tpu.memref_slice %arg6[%add3A_584] : memref<640000xi32, #tpu.memory_space<hbm>> -> memref<80xi32, #tpu.memory_space<hbm>>
        tpu.enqueue_dma source(%dma_start3A_586 : memref<80xi32, #tpu.memory_space<hbm>>) target(%arg15 : memref<80xi32, #tpu.memory_space<vmem>>) target_semaphore(%arg31 : memref<!tpu.dma_semaphore, #tpu.memory_space<semaphore_mem>>)
        %mul3A_587 = arith.constant 320000 : i32
        %mul3A_588 = arith.muli %arg0, %mul3A_587 : i32
        %add3A_589 = arith.addi %mul3A_588, %add3A_579 : i32
        %dma_start3A_590 = arith.constant 0 : i32
        %dma_start3A_591 = tpu.memref_slice %arg4[%add3A_589, %dma_start3A_590] : memref<640000x64xf32, #tpu.memory_space<hbm>> -> memref<80x64xf32, #tpu.memory_space<hbm>>
        %dma_start3A_592 = arith.constant 0 : i32
        %dma_start3A_593 = tpu.memref_slice %arg4[%add3A_589, %dma_start3A_592] : memref<640000x64xf32, #tpu.memory_space<hbm>> -> memref<80x64xf32, #tpu.memory_space<hbm>>
        tpu.enqueue_dma source(%dma_start3A_593 : memref<80x64xf32, #tpu.memory_space<hbm>>) target(%arg23 : memref<80x64xf32, #tpu.memory_space<vmem>>) target_semaphore(%arg31 : memref<!tpu.dma_semaphore, #tpu.memory_space<semaphore_mem>>)
      } else {
      }
      %dma_wait3A_572 = arith.constant 0 : i32
      %dma_wait3A_573 = arith.constant 0 : i32
      %dma_wait3A_574 = tpu.memref_slice %arg29[%dma_wait3A_572, %dma_wait3A_573] : memref<3352x128xf32, #tpu.memory_space<vmem_shared>> -> memref<3352x128xf32, #tpu.memory_space<vmem_shared>>
      tpu.wait_indirect_dma semaphore(%arg33 : memref<!tpu.dma_semaphore, #tpu.memory_space<semaphore_mem>>) src(%arg27 : memref<80x128xf32, #tpu.memory_space<vmem>>) dst(%dma_wait3A_574 : memref<3352x128xf32, #tpu.memory_space<vmem_shared>>)
    }
    %scan3A_272 = arith.constant 125 : i32
    %add3A_273 = arith.constant 19920 : i32
    %add3A_274 = arith.addi %mul3A_3, %add3A_273 : i32
    %mul3A_275 = arith.constant 320000 : i32
    %mul3A_276 = arith.muli %arg0, %mul3A_275 : i32
    %add3A_277 = arith.addi %mul3A_276, %add3A_274 : i32
    %dma_wait3A_278 = arith.constant 0 : i32
    %dma_wait3A_279 = tpu.memref_slice %arg8[%add3A_277, %dma_wait3A_278] : memref<640000x64xf32, #tpu.memory_space<hbm>> -> memref<80x64xf32, #tpu.memory_space<hbm>>
    %dma_wait3A_280 = arith.constant 0 : i32
    %dma_wait3A_281 = tpu.memref_slice %arg8[%add3A_277, %dma_wait3A_280] : memref<640000x64xf32, #tpu.memory_space<hbm>> -> memref<80x64xf32, #tpu.memory_space<hbm>>
    tpu.wait_dma2 semaphore(%arg35 : memref<!tpu.dma_semaphore, #tpu.memory_space<semaphore_mem>>) src(%arg25 : memref<80x64xf32, #tpu.memory_space<vmem>>) dst(%dma_wait3A_281 : memref<80x64xf32, #tpu.memory_space<hbm>>)
    %mul3A_282 = arith.constant 320000 : i32
    %mul3A_283 = arith.muli %arg0, %mul3A_282 : i32
    %add3A_284 = arith.addi %mul3A_283, %add3A_274 : i32
    %dma_wait3A_285 = arith.constant 0 : i32
    %dma_wait3A_286 = tpu.memref_slice %arg9[%add3A_284, %dma_wait3A_285] : memref<640000x128xf32, #tpu.memory_space<hbm>> -> memref<80x128xf32, #tpu.memory_space<hbm>>
    %dma_wait3A_287 = arith.constant 0 : i32
    %dma_wait3A_288 = tpu.memref_slice %arg9[%add3A_284, %dma_wait3A_287] : memref<640000x128xf32, #tpu.memory_space<hbm>> -> memref<80x128xf32, #tpu.memory_space<hbm>>
    tpu.wait_dma2 semaphore(%arg35 : memref<!tpu.dma_semaphore, #tpu.memory_space<semaphore_mem>>) src(%arg27 : memref<80x128xf32, #tpu.memory_space<vmem>>) dst(%dma_wait3A_288 : memref<80x128xf32, #tpu.memory_space<hbm>>)
    %mul3A_289 = arith.constant 16 : i32
    %mul3A_290 = arith.muli %arg0, %mul3A_289 : i32
    %add3A_291 = arith.addi %mul3A_290, %arg1 : i32
    %mul3A_292 = arith.constant 8 : i32
    %mul3A_293 = arith.muli %add3A_291, %mul3A_292 : i32
    "tpu.region"() ({
      %run_scoped3A = tpu.sem_alloc : memref<!tpu.dma_semaphore, #tpu.memory_space<semaphore_mem>>
      %dma_start3A_307 = arith.constant 0 : i32
      %dma_start3A_308 = tpu.memref_slice %arg11[%mul3A_293, %dma_start3A_307] : memref<256x64xf32, #tpu.memory_space<hbm>> -> memref<8x64xf32, #tpu.memory_space<hbm>>
      %dma_start3A_309 = arith.constant 0 : i32
      %dma_start3A_310 = tpu.memref_slice %arg11[%mul3A_293, %dma_start3A_309] : memref<256x64xf32, #tpu.memory_space<hbm>> -> memref<8x64xf32, #tpu.memory_space<hbm>>
      tpu.enqueue_dma source(%arg28 : memref<8x64xf32, #tpu.memory_space<vmem>>) target(%dma_start3A_310 : memref<8x64xf32, #tpu.memory_space<hbm>>) target_semaphore(%run_scoped3A : memref<!tpu.dma_semaphore, #tpu.memory_space<semaphore_mem>>)
      %dma_wait3A_311 = arith.constant 0 : i32
      %dma_wait3A_312 = tpu.memref_slice %arg11[%mul3A_293, %dma_wait3A_311] : memref<256x64xf32, #tpu.memory_space<hbm>> -> memref<8x64xf32, #tpu.memory_space<hbm>>
      %dma_wait3A_313 = arith.constant 0 : i32
      %dma_wait3A_314 = tpu.memref_slice %arg11[%mul3A_293, %dma_wait3A_313] : memref<256x64xf32, #tpu.memory_space<hbm>> -> memref<8x64xf32, #tpu.memory_space<hbm>>
      tpu.wait_dma2 semaphore(%run_scoped3A : memref<!tpu.dma_semaphore, #tpu.memory_space<semaphore_mem>>) src(%arg28 : memref<8x64xf32, #tpu.memory_space<vmem>>) dst(%dma_wait3A_314 : memref<8x64xf32, #tpu.memory_space<hbm>>)
      tpu.yield
    }) : () -> ()
    %barrier3A_294 = arith.constant 0 : index
    tpu.barrier barrier_id(%barrier3A_294)
    %mul3A_295 = arith.constant 3344 : i32
    %mul3A_296 = arith.muli %arg0, %mul3A_295 : i32
    %mul3A_297 = arith.constant 208 : i32
    %mul3A_298 = arith.muli %arg1, %mul3A_297 : i32
    %mul3A_299 = arith.constant 208 : i32
    %mul3A_300 = arith.muli %arg1, %mul3A_299 : i32
    %add3A_301 = arith.addi %mul3A_296, %mul3A_300 : i32
    "tpu.region"() ({
      %run_scoped3A = tpu.sem_alloc : memref<!tpu.dma_semaphore, #tpu.memory_space<semaphore_mem>>
      %dma_start3A_307 = arith.constant 0 : i32
      %dma_start3A_308 = tpu.memref_slice %arg10[%add3A_301, %dma_start3A_307] : memref<6688x128xf32, #tpu.memory_space<hbm>> -> memref<208x128xf32, #tpu.memory_space<hbm>>
      %dma_start3A_309 = arith.constant 0 : i32
      %dma_start3A_310 = tpu.memref_slice %arg29[%mul3A_298, %dma_start3A_309] : memref<3352x128xf32, #tpu.memory_space<vmem_shared>> -> memref<208x128xf32, #tpu.memory_space<vmem_shared>>
      tpu.enqueue_dma source(%dma_start3A_310 : memref<208x128xf32, #tpu.memory_space<vmem_shared>>) target(%dma_start3A_308 : memref<208x128xf32, #tpu.memory_space<hbm>>) target_semaphore(%run_scoped3A : memref<!tpu.dma_semaphore, #tpu.memory_space<semaphore_mem>>)
      %dma_wait3A_311 = arith.constant 0 : i32
      %dma_wait3A_312 = tpu.memref_slice %arg10[%add3A_301, %dma_wait3A_311] : memref<6688x128xf32, #tpu.memory_space<hbm>> -> memref<208x128xf32, #tpu.memory_space<hbm>>
      %dma_wait3A_313 = arith.constant 0 : i32
      %dma_wait3A_314 = tpu.memref_slice %arg29[%mul3A_298, %dma_wait3A_313] : memref<3352x128xf32, #tpu.memory_space<vmem_shared>> -> memref<208x128xf32, #tpu.memory_space<vmem_shared>>
      tpu.wait_dma2 semaphore(%run_scoped3A : memref<!tpu.dma_semaphore, #tpu.memory_space<semaphore_mem>>) src(%dma_wait3A_314 : memref<208x128xf32, #tpu.memory_space<vmem_shared>>) dst(%dma_wait3A_312 : memref<208x128xf32, #tpu.memory_space<hbm>>)
      tpu.yield
    }) : () -> ()
    %eq3A_302 = arith.constant 15 : i32
    %eq3A_303 = arith.cmpi eq, %arg1, %eq3A_302 : i32
    %convert_element_type3A_304 = arith.extui %eq3A_303 : i1 to i32
    %cond3A_305 = arith.constant 0 : i32
    %cond3A_306 = arith.cmpi ne, %convert_element_type3A_304, %cond3A_305 : i32
    scf.if %cond3A_306 {
      %add3A_307 = arith.constant 3328 : i32
      %add3A_308 = arith.addi %mul3A_296, %add3A_307 : i32
      "tpu.region"() ({
        %run_scoped3A = tpu.sem_alloc : memref<!tpu.dma_semaphore, #tpu.memory_space<semaphore_mem>>
        %dma_start3A_309 = arith.constant 0 : i32
        %dma_start3A_310 = tpu.memref_slice %arg10[%add3A_308, %dma_start3A_309] : memref<6688x128xf32, #tpu.memory_space<hbm>> -> memref<16x128xf32, #tpu.memory_space<hbm>>
        %dma_start3A_311 = arith.constant 3328 : i32
        %dma_start3A_312 = arith.constant 0 : i32
        %dma_start3A_313 = tpu.memref_slice %arg29[%dma_start3A_311, %dma_start3A_312] : memref<3352x128xf32, #tpu.memory_space<vmem_shared>> -> memref<16x128xf32, #tpu.memory_space<vmem_shared>>
        tpu.enqueue_dma source(%dma_start3A_313 : memref<16x128xf32, #tpu.memory_space<vmem_shared>>) target(%dma_start3A_310 : memref<16x128xf32, #tpu.memory_space<hbm>>) target_semaphore(%run_scoped3A : memref<!tpu.dma_semaphore, #tpu.memory_space<semaphore_mem>>)
        %dma_wait3A_314 = arith.constant 0 : i32
        %dma_wait3A_315 = tpu.memref_slice %arg10[%add3A_308, %dma_wait3A_314] : memref<6688x128xf32, #tpu.memory_space<hbm>> -> memref<16x128xf32, #tpu.memory_space<hbm>>
        %dma_wait3A_316 = arith.constant 3328 : i32
        %dma_wait3A_317 = arith.constant 0 : i32
        %dma_wait3A_318 = tpu.memref_slice %arg29[%dma_wait3A_316, %dma_wait3A_317] : memref<3352x128xf32, #tpu.memory_space<vmem_shared>> -> memref<16x128xf32, #tpu.memory_space<vmem_shared>>
        tpu.wait_dma2 semaphore(%run_scoped3A : memref<!tpu.dma_semaphore, #tpu.memory_space<semaphore_mem>>) src(%dma_wait3A_318 : memref<16x128xf32, #tpu.memory_space<vmem_shared>>) dst(%dma_wait3A_315 : memref<16x128xf32, #tpu.memory_space<hbm>>)
        tpu.yield
      }) : () -> ()
    } else {
    }
    return
  }
}

module attributes {stable_mosaic.version = 14 : i64} {
  func.func @_edge_prep_body(%arg0: i32, %arg1: memref<2000x128xf32, #tpu.memory_space<vmem>>, %arg2: memref<128x128xf32, #tpu.memory_space<vmem>>, %arg3: memref<1x128xf32, #tpu.memory_space<vmem>>, %arg4: memref<2x2000x64xf32, #tpu.memory_space<vmem>>) attributes {dimension_semantics = [#tpu.dimension_semantics<arbitrary>], iteration_bounds = array<i64: 160>, scalar_prefetch = 0 : i64, scratch_operands = 0 : i64, tpu.core_type = #tpu.core_type<tc>, window_params = [{transform_indices = @transform_0, window_bounds = array<i64: 2000, 128>}, {pipeline_mode = #tpu.pipeline_mode<synchronous>, transform_indices = @transform_1, window_bounds = array<i64: 128, 128>}, {pipeline_mode = #tpu.pipeline_mode<synchronous>, transform_indices = @transform_2, window_bounds = array<i64: 1, 128>}, {transform_indices = @transform_3, window_bounds = array<i64: 2, 2000, 64>}]} {
    %get3A = arith.constant 0 : index
    %get3A_0 = arith.constant 0 : index
    %get3A_1 = vector.load %arg1[%get3A, %get3A_0] : memref<2000x128xf32, #tpu.memory_space<vmem>>, vector<2000x128xf32>
    %get3A_2 = arith.constant 0 : index
    %get3A_3 = arith.constant 0 : index
    %get3A_4 = vector.load %arg2[%get3A_2, %get3A_3] : memref<128x128xf32, #tpu.memory_space<vmem>>, vector<128x128xf32>
    %dot_general3A = arith.constant dense<0.000000e+00> : vector<2000x128xf32>
    %dot_general3A_5 = tpu.matmul %get3A_1, %get3A_4, %dot_general3A {dimension_numbers = #tpu.dot_dimension_numbers<[1], [1], [0], [0], [0, 0, 1, 0], [], []>, transpose_lhs_hint = false} : vector<2000x128xf32>, vector<128x128xf32>, vector<2000x128xf32> -> vector<2000x128xf32>
    %get3A_6 = arith.constant 0 : index
    %get3A_7 = arith.constant 0 : index
    %get3A_8 = vector.load %arg3[%get3A_6, %get3A_7] : memref<1x128xf32, #tpu.memory_space<vmem>>, vector<1x128xf32>
    %add3A = vector.broadcast %get3A_8 : vector<1x128xf32> to vector<2000x128xf32>
    %add3A_9 = arith.addf %dot_general3A_5, %add3A : vector<2000x128xf32>
    %slice3A = vector.extract_strided_slice %add3A_9 {offsets = [0, 0], sizes = [2000, 64], strides = [1, 1]} : vector<2000x128xf32> to vector<2000x64xf32>
    %swap3A = arith.constant 0 : index
    %swap3A_10 = arith.constant 0 : index
    %swap3A_11 = arith.constant 0 : index
    %swap3A_12 = vector.load %arg4[%swap3A, %swap3A_10, %swap3A_11] : memref<2x2000x64xf32, #tpu.memory_space<vmem>>, vector<1x2000x64xf32>
    %swap3A_13 = vector.shape_cast %swap3A_12 : vector<1x2000x64xf32> to vector<2000x64xf32>
    %swap3A_14 = vector.shape_cast %slice3A : vector<2000x64xf32> to vector<1x2000x64xf32>
    tpu.vector_store %arg4[%swap3A, %swap3A_10, %swap3A_11], %swap3A_14 {strides = array<i32>} : memref<2x2000x64xf32, #tpu.memory_space<vmem>>, vector<1x2000x64xf32>,
    %slice3A_15 = vector.extract_strided_slice %add3A_9 {offsets = [0, 64], sizes = [2000, 64], strides = [1, 1]} : vector<2000x128xf32> to vector<2000x64xf32>
    %swap3A_16 = arith.constant 1 : index
    %swap3A_17 = arith.constant 0 : index
    %swap3A_18 = arith.constant 0 : index
    %swap3A_19 = vector.load %arg4[%swap3A_16, %swap3A_17, %swap3A_18] : memref<2x2000x64xf32, #tpu.memory_space<vmem>>, vector<1x2000x64xf32>
    %swap3A_20 = vector.shape_cast %swap3A_19 : vector<1x2000x64xf32> to vector<2000x64xf32>
    %swap3A_21 = vector.shape_cast %slice3A_15 : vector<2000x64xf32> to vector<1x2000x64xf32>
    tpu.vector_store %arg4[%swap3A_16, %swap3A_17, %swap3A_18], %swap3A_21 {strides = array<i32>} : memref<2x2000x64xf32, #tpu.memory_space<vmem>>, vector<1x2000x64xf32>,
    return
  }
  func.func @transform_0(%arg0: i32) -> (i32, i32) {
    %c0_i32 = arith.constant 0 : i32
    %c0_i32_0 = arith.constant 0 : i32
    return %arg0, %c0_i32 : i32, i32
  }
  func.func @transform_1(%arg0: i32) -> (i32, i32) {
    %c0_i32 = arith.constant 0 : i32
    %c0_i32_0 = arith.constant 0 : i32
    %c0_i32_1 = arith.constant 0 : i32
    return %c0_i32, %c0_i32_0 : i32, i32
  }
  func.func @transform_2(%arg0: i32) -> (i32, i32) {
    %c0_i32 = arith.constant 0 : i32
    %c0_i32_0 = arith.constant 0 : i32
    %c0_i32_1 = arith.constant 0 : i32
    return %c0_i32, %c0_i32_0 : i32, i32
  }
  func.func @transform_3(%arg0: i32) -> (i32, i32, i32) {
    %c0_i32 = arith.constant 0 : i32
    %c0_i32_0 = arith.constant 0 : i32
    %c0_i32_1 = arith.constant 0 : i32
    return %c0_i32, %arg0, %c0_i32_0 : i32, i32, i32
  }
}

module attributes {stable_mosaic.version = 14 : i64} {
  func.func @_node_prep_body(%arg0: i32, %arg1: memref<1000x128xf32, #tpu.memory_space<vmem>>, %arg2: memref<128x128xf32, #tpu.memory_space<vmem>>, %arg3: memref<128x128xf32, #tpu.memory_space<vmem>>, %arg4: memref<128x128xf32, #tpu.memory_space<vmem>>, %arg5: memref<128x128xf32, #tpu.memory_space<vmem>>, %arg6: memref<1x128xf32, #tpu.memory_space<vmem>>, %arg7: memref<1x128xf32, #tpu.memory_space<vmem>>, %arg8: memref<1x128xf32, #tpu.memory_space<vmem>>, %arg9: memref<1x128xf32, #tpu.memory_space<vmem>>, %arg10: memref<1000x128xf32, #tpu.memory_space<vmem>>, %arg11: memref<2x1000x128xf32, #tpu.memory_space<vmem>>, %arg12: memref<1000x128xf32, #tpu.memory_space<vmem>>) attributes {dimension_semantics = [#tpu.dimension_semantics<arbitrary>], iteration_bounds = array<i64: 10>, scalar_prefetch = 0 : i64, scratch_operands = 0 : i64, tpu.core_type = #tpu.core_type<tc>, window_params = [{transform_indices = @transform_0, window_bounds = array<i64: 1000, 128>}, {pipeline_mode = #tpu.pipeline_mode<synchronous>, transform_indices = @transform_1, window_bounds = array<i64: 128, 128>}, {pipeline_mode = #tpu.pipeline_mode<synchronous>, transform_indices = @transform_2, window_bounds = array<i64: 128, 128>}, {pipeline_mode = #tpu.pipeline_mode<synchronous>, transform_indices = @transform_3, window_bounds = array<i64: 128, 128>}, {pipeline_mode = #tpu.pipeline_mode<synchronous>, transform_indices = @transform_4, window_bounds = array<i64: 128, 128>}, {pipeline_mode = #tpu.pipeline_mode<synchronous>, transform_indices = @transform_5, window_bounds = array<i64: 1, 128>}, {pipeline_mode = #tpu.pipeline_mode<synchronous>, transform_indices = @transform_6, window_bounds = array<i64: 1, 128>}, {pipeline_mode = #tpu.pipeline_mode<synchronous>, transform_indices = @transform_7, window_bounds = array<i64: 1, 128>}, {pipeline_mode = #tpu.pipeline_mode<synchronous>, transform_indices = @transform_8, window_bounds = array<i64: 1, 128>}, {transform_indices = @transform_9, window_bounds = array<i64: 1000, 128>}, {transform_indices = @transform_10, window_bounds = array<i64: 2, 1000, 128>}, {transform_indices = @transform_11, window_bounds = array<i64: 1000, 128>}]} {
    %get3A = arith.constant 0 : index
    %get3A_0 = arith.constant 0 : index
    %get3A_1 = vector.load %arg1[%get3A, %get3A_0] : memref<1000x128xf32, #tpu.memory_space<vmem>>, vector<1000x128xf32>
    %get3A_2 = arith.constant 0 : index
    %get3A_3 = arith.constant 0 : index
    %get3A_4 = vector.load %arg2[%get3A_2, %get3A_3] : memref<128x128xf32, #tpu.memory_space<vmem>>, vector<128x128xf32>
    %dot_general3A = arith.constant dense<0.000000e+00> : vector<1000x128xf32>
    %dot_general3A_5 = tpu.matmul %get3A_1, %get3A_4, %dot_general3A {dimension_numbers = #tpu.dot_dimension_numbers<[1], [1], [0], [0], [0, 0, 1, 0], [], []>, transpose_lhs_hint = false} : vector<1000x128xf32>, vector<128x128xf32>, vector<1000x128xf32> -> vector<1000x128xf32>
    %get3A_6 = arith.constant 0 : index
    %get3A_7 = arith.constant 0 : index
    %get3A_8 = vector.load %arg6[%get3A_6, %get3A_7] : memref<1x128xf32, #tpu.memory_space<vmem>>, vector<1x128xf32>
    %add3A = vector.broadcast %get3A_8 : vector<1x128xf32> to vector<1000x128xf32>
    %add3A_9 = arith.addf %dot_general3A_5, %add3A : vector<1000x128xf32>
    %get3A_10 = arith.constant 0 : index
    %get3A_11 = arith.constant 0 : index
    %get3A_12 = vector.load %arg3[%get3A_10, %get3A_11] : memref<128x128xf32, #tpu.memory_space<vmem>>, vector<128x128xf32>
    %dot_general3A_13 = arith.constant dense<0.000000e+00> : vector<1000x128xf32>
    %dot_general3A_14 = tpu.matmul %get3A_1, %get3A_12, %dot_general3A_13 {dimension_numbers = #tpu.dot_dimension_numbers<[1], [1], [0], [0], [0, 0, 1, 0], [], []>, transpose_lhs_hint = false} : vector<1000x128xf32>, vector<128x128xf32>, vector<1000x128xf32> -> vector<1000x128xf32>
    %get3A_15 = arith.constant 0 : index
    %get3A_16 = arith.constant 0 : index
    %get3A_17 = vector.load %arg7[%get3A_15, %get3A_16] : memref<1x128xf32, #tpu.memory_space<vmem>>, vector<1x128xf32>
    %add3A_18 = vector.broadcast %get3A_17 : vector<1x128xf32> to vector<1000x128xf32>
    %add3A_19 = arith.addf %dot_general3A_14, %add3A_18 : vector<1000x128xf32>
    %get3A_20 = arith.constant 0 : index
    %get3A_21 = arith.constant 0 : index
    %get3A_22 = vector.load %arg4[%get3A_20, %get3A_21] : memref<128x128xf32, #tpu.memory_space<vmem>>, vector<128x128xf32>
    %dot_general3A_23 = arith.constant dense<0.000000e+00> : vector<1000x128xf32>
    %dot_general3A_24 = tpu.matmul %get3A_1, %get3A_22, %dot_general3A_23 {dimension_numbers = #tpu.dot_dimension_numbers<[1], [1], [0], [0], [0, 0, 1, 0], [], []>, transpose_lhs_hint = false} : vector<1000x128xf32>, vector<128x128xf32>, vector<1000x128xf32> -> vector<1000x128xf32>
    %get3A_25 = arith.constant 0 : index
    %get3A_26 = arith.constant 0 : index
    %get3A_27 = vector.load %arg8[%get3A_25, %get3A_26] : memref<1x128xf32, #tpu.memory_space<vmem>>, vector<1x128xf32>
    %add3A_28 = vector.broadcast %get3A_27 : vector<1x128xf32> to vector<1000x128xf32>
    %add3A_29 = arith.addf %dot_general3A_24, %add3A_28 : vector<1000x128xf32>
    %get3A_30 = arith.constant 0 : index
    %get3A_31 = arith.constant 0 : index
    %get3A_32 = vector.load %arg5[%get3A_30, %get3A_31] : memref<128x128xf32, #tpu.memory_space<vmem>>, vector<128x128xf32>
    %dot_general3A_33 = arith.constant dense<0.000000e+00> : vector<1000x128xf32>
    %dot_general3A_34 = tpu.matmul %get3A_1, %get3A_32, %dot_general3A_33 {dimension_numbers = #tpu.dot_dimension_numbers<[1], [1], [0], [0], [0, 0, 1, 0], [], []>, transpose_lhs_hint = false} : vector<1000x128xf32>, vector<128x128xf32>, vector<1000x128xf32> -> vector<1000x128xf32>
    %get3A_35 = arith.constant 0 : index
    %get3A_36 = arith.constant 0 : index
    %get3A_37 = vector.load %arg9[%get3A_35, %get3A_36] : memref<1x128xf32, #tpu.memory_space<vmem>>, vector<1x128xf32>
    %add3A_38 = vector.broadcast %get3A_37 : vector<1x128xf32> to vector<1000x128xf32>
    %add3A_39 = arith.addf %dot_general3A_34, %add3A_38 : vector<1000x128xf32>
    %swap3A = arith.constant 0 : index
    %swap3A_40 = arith.constant 0 : index
    %swap3A_41 = vector.load %arg10[%swap3A, %swap3A_40] : memref<1000x128xf32, #tpu.memory_space<vmem>>, vector<1000x128xf32>
    tpu.vector_store %arg10[%swap3A, %swap3A_40], %add3A_9 {strides = array<i32>} : memref<1000x128xf32, #tpu.memory_space<vmem>>, vector<1000x128xf32>,
    %slice3A = vector.extract_strided_slice %add3A_19 {offsets = [0, 0], sizes = [1000, 64], strides = [1, 1]} : vector<1000x128xf32> to vector<1000x64xf32>
    %slice3A_42 = vector.extract_strided_slice %add3A_29 {offsets = [0, 0], sizes = [1000, 64], strides = [1, 1]} : vector<1000x128xf32> to vector<1000x64xf32>
    %concatenate3A = tpu.concatenate %slice3A, %slice3A_42 in 1 : vector<1000x64xf32>, vector<1000x64xf32> -> vector<1000x128xf32>
    %swap3A_43 = arith.constant 0 : index
    %swap3A_44 = arith.constant 0 : index
    %swap3A_45 = arith.constant 0 : index
    %swap3A_46 = vector.load %arg11[%swap3A_43, %swap3A_44, %swap3A_45] : memref<2x1000x128xf32, #tpu.memory_space<vmem>>, vector<1x1000x128xf32>
    %swap3A_47 = vector.shape_cast %swap3A_46 : vector<1x1000x128xf32> to vector<1000x128xf32>
    %swap3A_48 = vector.shape_cast %concatenate3A : vector<1000x128xf32> to vector<1x1000x128xf32>
    tpu.vector_store %arg11[%swap3A_43, %swap3A_44, %swap3A_45], %swap3A_48 {strides = array<i32>} : memref<2x1000x128xf32, #tpu.memory_space<vmem>>, vector<1x1000x128xf32>,
    %slice3A_49 = vector.extract_strided_slice %add3A_19 {offsets = [0, 64], sizes = [1000, 64], strides = [1, 1]} : vector<1000x128xf32> to vector<1000x64xf32>
    %slice3A_50 = vector.extract_strided_slice %add3A_29 {offsets = [0, 64], sizes = [1000, 64], strides = [1, 1]} : vector<1000x128xf32> to vector<1000x64xf32>
    %concatenate3A_51 = tpu.concatenate %slice3A_49, %slice3A_50 in 1 : vector<1000x64xf32>, vector<1000x64xf32> -> vector<1000x128xf32>
    %swap3A_52 = arith.constant 1 : index
    %swap3A_53 = arith.constant 0 : index
    %swap3A_54 = arith.constant 0 : index
    %swap3A_55 = vector.load %arg11[%swap3A_52, %swap3A_53, %swap3A_54] : memref<2x1000x128xf32, #tpu.memory_space<vmem>>, vector<1x1000x128xf32>
    %swap3A_56 = vector.shape_cast %swap3A_55 : vector<1x1000x128xf32> to vector<1000x128xf32>
    %swap3A_57 = vector.shape_cast %concatenate3A_51 : vector<1000x128xf32> to vector<1x1000x128xf32>
    tpu.vector_store %arg11[%swap3A_52, %swap3A_53, %swap3A_54], %swap3A_57 {strides = array<i32>} : memref<2x1000x128xf32, #tpu.memory_space<vmem>>, vector<1x1000x128xf32>,
    %swap3A_58 = arith.constant 0 : index
    %swap3A_59 = arith.constant 0 : index
    %swap3A_60 = vector.load %arg12[%swap3A_58, %swap3A_59] : memref<1000x128xf32, #tpu.memory_space<vmem>>, vector<1000x128xf32>
    tpu.vector_store %arg12[%swap3A_58, %swap3A_59], %add3A_39 {strides = array<i32>} : memref<1000x128xf32, #tpu.memory_space<vmem>>, vector<1000x128xf32>,
    return
  }
  func.func @transform_0(%arg0: i32) -> (i32, i32) {
    %c0_i32 = arith.constant 0 : i32
    %c0_i32_0 = arith.constant 0 : i32
    return %arg0, %c0_i32 : i32, i32
  }
  func.func @transform_1(%arg0: i32) -> (i32, i32) {
    %c0_i32 = arith.constant 0 : i32
    %c0_i32_0 = arith.constant 0 : i32
    %c0_i32_1 = arith.constant 0 : i32
    return %c0_i32, %c0_i32_0 : i32, i32
  }
  func.func @transform_2(%arg0: i32) -> (i32, i32) {
    %c0_i32 = arith.constant 0 : i32
    %c0_i32_0 = arith.constant 0 : i32
    %c0_i32_1 = arith.constant 0 : i32
    return %c0_i32, %c0_i32_0 : i32, i32
  }
  func.func @transform_3(%arg0: i32) -> (i32, i32) {
    %c0_i32 = arith.constant 0 : i32
    %c0_i32_0 = arith.constant 0 : i32
    %c0_i32_1 = arith.constant 0 : i32
    return %c0_i32, %c0_i32_0 : i32, i32
  }
  func.func @transform_4(%arg0: i32) -> (i32, i32) {
    %c0_i32 = arith.constant 0 : i32
    %c0_i32_0 = arith.constant 0 : i32
    %c0_i32_1 = arith.constant 0 : i32
    return %c0_i32, %c0_i32_0 : i32, i32
  }
  func.func @transform_5(%arg0: i32) -> (i32, i32) {
    %c0_i32 = arith.constant 0 : i32
    %c0_i32_0 = arith.constant 0 : i32
    %c0_i32_1 = arith.constant 0 : i32
    return %c0_i32, %c0_i32_0 : i32, i32
  }
  func.func @transform_6(%arg0: i32) -> (i32, i32) {
    %c0_i32 = arith.constant 0 : i32
    %c0_i32_0 = arith.constant 0 : i32
    %c0_i32_1 = arith.constant 0 : i32
    return %c0_i32, %c0_i32_0 : i32, i32
  }
  func.func @transform_7(%arg0: i32) -> (i32, i32) {
    %c0_i32 = arith.constant 0 : i32
    %c0_i32_0 = arith.constant 0 : i32
    %c0_i32_1 = arith.constant 0 : i32
    return %c0_i32, %c0_i32_0 : i32, i32
  }
  func.func @transform_8(%arg0: i32) -> (i32, i32) {
    %c0_i32 = arith.constant 0 : i32
    %c0_i32_0 = arith.constant 0 : i32
    %c0_i32_1 = arith.constant 0 : i32
    return %c0_i32, %c0_i32_0 : i32, i32
  }
  func.func @transform_9(%arg0: i32) -> (i32, i32) {
    %c0_i32 = arith.constant 0 : i32
    %c0_i32_0 = arith.constant 0 : i32
    return %arg0, %c0_i32 : i32, i32
  }
  func.func @transform_10(%arg0: i32) -> (i32, i32, i32) {
    %c0_i32 = arith.constant 0 : i32
    %c0_i32_0 = arith.constant 0 : i32
    %c0_i32_1 = arith.constant 0 : i32
    return %c0_i32, %arg0, %c0_i32_0 : i32, i32, i32
  }
  func.func @transform_11(%arg0: i32) -> (i32, i32) {
    %c0_i32 = arith.constant 0 : i32
    %c0_i32_0 = arith.constant 0 : i32
    return %arg0, %c0_i32 : i32, i32
  }
}

module attributes {stable_mosaic.version = 14 : i64} {
  func.func @_edge_fin_body(%arg0: i32, %arg1: memref<2x2000x64xf32, #tpu.memory_space<vmem>>, %arg2: memref<2000x128xf32, #tpu.memory_space<vmem>>, %arg3: memref<256x64xf32, #tpu.memory_space<vmem>>, %arg4: memref<1x128xf32, #tpu.memory_space<vmem>>, %arg5: memref<1x128xf32, #tpu.memory_space<vmem>>, %arg6: memref<2000x128xf32, #tpu.memory_space<vmem>>) attributes {dimension_semantics = [#tpu.dimension_semantics<arbitrary>], iteration_bounds = array<i64: 160>, scalar_prefetch = 0 : i64, scratch_operands = 0 : i64, tpu.core_type = #tpu.core_type<tc>, window_params = [{transform_indices = @transform_0, window_bounds = array<i64: 2, 2000, 64>}, {transform_indices = @transform_1, window_bounds = array<i64: 2000, 128>}, {pipeline_mode = #tpu.pipeline_mode<synchronous>, transform_indices = @transform_2, window_bounds = array<i64: 256, 64>}, {pipeline_mode = #tpu.pipeline_mode<synchronous>, transform_indices = @transform_3, window_bounds = array<i64: 1, 128>}, {pipeline_mode = #tpu.pipeline_mode<synchronous>, transform_indices = @transform_4, window_bounds = array<i64: 1, 128>}, {transform_indices = @transform_5, window_bounds = array<i64: 2000, 128>}]} {
    %get3A = arith.constant 0 : index
    %get3A_0 = arith.constant 0 : index
    %get3A_1 = vector.load %arg3[%get3A, %get3A_0] : memref<256x64xf32, #tpu.memory_space<vmem>>, vector<256x64xf32>
    %reshape3A = vector.shape_cast %get3A_1 : vector<256x64xf32> to vector<2x16x8x64xf32>
    %reduce_sum3A = arith.constant dense<0.000000e+00> : vector<2x8x64xf32>
    %reduce_sum3A_2 = vector.multi_reduction <add>, %reshape3A, %reduce_sum3A [1] : vector<2x16x8x64xf32> to vector<2x8x64xf32>
    %slice3A = vector.extract_strided_slice %reduce_sum3A_2 {offsets = [0, 0, 0], sizes = [1, 1, 64], strides = [1, 1, 1]} : vector<2x8x64xf32> to vector<1x1x64xf32>
    %squeeze3A = vector.shape_cast %slice3A : vector<1x1x64xf32> to vector<64xf32>
    %div3A = arith.constant 3.200000e+05 : f32
    %div3A_3 = vector.broadcast %div3A : f32 to vector<64xf32>
    %div3A_4 = arith.divf %squeeze3A, %div3A_3 : vector<64xf32>
    %reshape3A_5 = vector.shape_cast %div3A_4 : vector<64xf32> to vector<1x64xf32>
    %slice3A_6 = vector.extract_strided_slice %reduce_sum3A_2 {offsets = [0, 1, 0], sizes = [1, 1, 64], strides = [1, 1, 1]} : vector<2x8x64xf32> to vector<1x1x64xf32>
    %squeeze3A_7 = vector.shape_cast %slice3A_6 : vector<1x1x64xf32> to vector<64xf32>
    %div3A_8 = arith.constant 3.200000e+05 : f32
    %div3A_9 = vector.broadcast %div3A_8 : f32 to vector<64xf32>
    %div3A_10 = arith.divf %squeeze3A_7, %div3A_9 : vector<64xf32>
    %reshape3A_11 = vector.shape_cast %div3A_10 : vector<64xf32> to vector<1x64xf32>
    %mul3A = arith.mulf %reshape3A_5, %reshape3A_5 : vector<1x64xf32>
    %sub3A = arith.subf %reshape3A_11, %mul3A : vector<1x64xf32>
    %get3A_12 = arith.constant 0 : index
    %get3A_13 = arith.constant 0 : index
    %get3A_14 = arith.constant 0 : index
    %get3A_15 = vector.load %arg1[%get3A_12, %get3A_13, %get3A_14] : memref<2x2000x64xf32, #tpu.memory_space<vmem>>, vector<1x2000x64xf32>
    %get3A_16 = vector.shape_cast %get3A_15 : vector<1x2000x64xf32> to vector<2000x64xf32>
    %get3A_17 = arith.constant 0 : index
    %get3A_18 = arith.constant 0 : index
    %get3A_19 = vector.load %arg4[%get3A_17, %get3A_18] : memref<1x128xf32, #tpu.memory_space<vmem>>, vector<1x64xf32>
    %get3A_20 = arith.constant 0 : index
    %get3A_21 = arith.constant 0 : index
    %get3A_22 = vector.load %arg5[%get3A_20, %get3A_21] : memref<1x128xf32, #tpu.memory_space<vmem>>, vector<1x64xf32>
    %sub3A_23 = vector.broadcast %reshape3A_5 : vector<1x64xf32> to vector<2000x64xf32>
    %sub3A_24 = arith.subf %get3A_16, %sub3A_23 : vector<2000x64xf32>
    %add3A = arith.constant 9.99999974E-6 : f32
    %add3A_25 = vector.broadcast %add3A : f32 to vector<1x64xf32>
    %add3A_26 = arith.addf %sub3A, %add3A_25 : vector<1x64xf32>
    %rsqrt3A = math.rsqrt %add3A_26 : vector<1x64xf32>
    %mul3A_27 = vector.broadcast %rsqrt3A : vector<1x64xf32> to vector<2000x64xf32>
    %mul3A_28 = arith.mulf %sub3A_24, %mul3A_27 : vector<2000x64xf32>
    %mul3A_29 = vector.broadcast %get3A_19 : vector<1x64xf32> to vector<2000x64xf32>
    %mul3A_30 = arith.mulf %mul3A_28, %mul3A_29 : vector<2000x64xf32>
    %add3A_31 = vector.broadcast %get3A_22 : vector<1x64xf32> to vector<2000x64xf32>
    %add3A_32 = arith.addf %mul3A_30, %add3A_31 : vector<2000x64xf32>
    %logistic3A = arith.negf %add3A_32 : vector<2000x64xf32>
    %logistic3A_33 = math.exp %logistic3A : vector<2000x64xf32>
    %logistic3A_34 = arith.constant 1.000000e+00 : f32
    %logistic3A_35 = vector.broadcast %logistic3A_34 : f32 to vector<2000x64xf32>
    %logistic3A_36 = arith.addf %logistic3A_35, %logistic3A_33 : vector<2000x64xf32>
    %logistic3A_37 = arith.divf %logistic3A_35, %logistic3A_36 : vector<2000x64xf32>
    %mul3A_38 = arith.mulf %add3A_32, %logistic3A_37 : vector<2000x64xf32>
    %slice3A_39 = vector.extract_strided_slice %reduce_sum3A_2 {offsets = [1, 0, 0], sizes = [1, 1, 64], strides = [1, 1, 1]} : vector<2x8x64xf32> to vector<1x1x64xf32>
    %squeeze3A_40 = vector.shape_cast %slice3A_39 : vector<1x1x64xf32> to vector<64xf32>
    %div3A_41 = arith.constant 3.200000e+05 : f32
    %div3A_42 = vector.broadcast %div3A_41 : f32 to vector<64xf32>
    %div3A_43 = arith.divf %squeeze3A_40, %div3A_42 : vector<64xf32>
    %reshape3A_44 = vector.shape_cast %div3A_43 : vector<64xf32> to vector<1x64xf32>
    %slice3A_45 = vector.extract_strided_slice %reduce_sum3A_2 {offsets = [1, 1, 0], sizes = [1, 1, 64], strides = [1, 1, 1]} : vector<2x8x64xf32> to vector<1x1x64xf32>
    %squeeze3A_46 = vector.shape_cast %slice3A_45 : vector<1x1x64xf32> to vector<64xf32>
    %div3A_47 = arith.constant 3.200000e+05 : f32
    %div3A_48 = vector.broadcast %div3A_47 : f32 to vector<64xf32>
    %div3A_49 = arith.divf %squeeze3A_46, %div3A_48 : vector<64xf32>
    %reshape3A_50 = vector.shape_cast %div3A_49 : vector<64xf32> to vector<1x64xf32>
    %mul3A_51 = arith.mulf %reshape3A_44, %reshape3A_44 : vector<1x64xf32>
    %sub3A_52 = arith.subf %reshape3A_50, %mul3A_51 : vector<1x64xf32>
    %get3A_53 = arith.constant 1 : index
    %get3A_54 = arith.constant 0 : index
    %get3A_55 = arith.constant 0 : index
    %get3A_56 = vector.load %arg1[%get3A_53, %get3A_54, %get3A_55] : memref<2x2000x64xf32, #tpu.memory_space<vmem>>, vector<1x2000x64xf32>
    %get3A_57 = vector.shape_cast %get3A_56 : vector<1x2000x64xf32> to vector<2000x64xf32>
    %get3A_58 = arith.constant 0 : index
    %get3A_59 = arith.constant 64 : index
    %get3A_60 = vector.load %arg4[%get3A_58, %get3A_59] : memref<1x128xf32, #tpu.memory_space<vmem>>, vector<1x64xf32>
    %get3A_61 = arith.constant 0 : index
    %get3A_62 = arith.constant 64 : index
    %get3A_63 = vector.load %arg5[%get3A_61, %get3A_62] : memref<1x128xf32, #tpu.memory_space<vmem>>, vector<1x64xf32>
    %sub3A_64 = vector.broadcast %reshape3A_44 : vector<1x64xf32> to vector<2000x64xf32>
    %sub3A_65 = arith.subf %get3A_57, %sub3A_64 : vector<2000x64xf32>
    %add3A_66 = arith.constant 9.99999974E-6 : f32
    %add3A_67 = vector.broadcast %add3A_66 : f32 to vector<1x64xf32>
    %add3A_68 = arith.addf %sub3A_52, %add3A_67 : vector<1x64xf32>
    %rsqrt3A_69 = math.rsqrt %add3A_68 : vector<1x64xf32>
    %mul3A_70 = vector.broadcast %rsqrt3A_69 : vector<1x64xf32> to vector<2000x64xf32>
    %mul3A_71 = arith.mulf %sub3A_65, %mul3A_70 : vector<2000x64xf32>
    %mul3A_72 = vector.broadcast %get3A_60 : vector<1x64xf32> to vector<2000x64xf32>
    %mul3A_73 = arith.mulf %mul3A_71, %mul3A_72 : vector<2000x64xf32>
    %add3A_74 = vector.broadcast %get3A_63 : vector<1x64xf32> to vector<2000x64xf32>
    %add3A_75 = arith.addf %mul3A_73, %add3A_74 : vector<2000x64xf32>
    %logistic3A_76 = arith.negf %add3A_75 : vector<2000x64xf32>
    %logistic3A_77 = math.exp %logistic3A_76 : vector<2000x64xf32>
    %logistic3A_78 = arith.constant 1.000000e+00 : f32
    %logistic3A_79 = vector.broadcast %logistic3A_78 : f32 to vector<2000x64xf32>
    %logistic3A_80 = arith.addf %logistic3A_79, %logistic3A_77 : vector<2000x64xf32>
    %logistic3A_81 = arith.divf %logistic3A_79, %logistic3A_80 : vector<2000x64xf32>
    %mul3A_82 = arith.mulf %add3A_75, %logistic3A_81 : vector<2000x64xf32>
    %get3A_83 = arith.constant 0 : index
    %get3A_84 = arith.constant 0 : index
    %get3A_85 = vector.load %arg2[%get3A_83, %get3A_84] : memref<2000x128xf32, #tpu.memory_space<vmem>>, vector<2000x128xf32>
    %concatenate3A = tpu.concatenate %mul3A_38, %mul3A_82 in 1 : vector<2000x64xf32>, vector<2000x64xf32> -> vector<2000x128xf32>
    %add3A_86 = arith.addf %get3A_85, %concatenate3A : vector<2000x128xf32>
    %swap3A = arith.constant 0 : index
    %swap3A_87 = arith.constant 0 : index
    %swap3A_88 = vector.load %arg6[%swap3A, %swap3A_87] : memref<2000x128xf32, #tpu.memory_space<vmem>>, vector<2000x128xf32>
    tpu.vector_store %arg6[%swap3A, %swap3A_87], %add3A_86 {strides = array<i32>} : memref<2000x128xf32, #tpu.memory_space<vmem>>, vector<2000x128xf32>,
    return
  }
  func.func @transform_0(%arg0: i32) -> (i32, i32, i32) {
    %c0_i32 = arith.constant 0 : i32
    %c0_i32_0 = arith.constant 0 : i32
    %c0_i32_1 = arith.constant 0 : i32
    return %c0_i32, %arg0, %c0_i32_0 : i32, i32, i32
  }
  func.func @transform_1(%arg0: i32) -> (i32, i32) {
    %c0_i32 = arith.constant 0 : i32
    %c0_i32_0 = arith.constant 0 : i32
    return %arg0, %c0_i32 : i32, i32
  }
  func.func @transform_2(%arg0: i32) -> (i32, i32) {
    %c0_i32 = arith.constant 0 : i32
    %c0_i32_0 = arith.constant 0 : i32
    %c0_i32_1 = arith.constant 0 : i32
    return %c0_i32, %c0_i32_0 : i32, i32
  }
  func.func @transform_3(%arg0: i32) -> (i32, i32) {
    %c0_i32 = arith.constant 0 : i32
    %c0_i32_0 = arith.constant 0 : i32
    %c0_i32_1 = arith.constant 0 : i32
    return %c0_i32, %c0_i32_0 : i32, i32
  }
  func.func @transform_4(%arg0: i32) -> (i32, i32) {
    %c0_i32 = arith.constant 0 : i32
    %c0_i32_0 = arith.constant 0 : i32
    %c0_i32_1 = arith.constant 0 : i32
    return %c0_i32, %c0_i32_0 : i32, i32
  }
  func.func @transform_5(%arg0: i32) -> (i32, i32) {
    %c0_i32 = arith.constant 0 : i32
    %c0_i32_0 = arith.constant 0 : i32
    return %arg0, %c0_i32 : i32, i32
  }
}

module attributes {stable_mosaic.version = 14 : i64} {
  func.func @_node_fin1_body(%arg0: i32, %arg1: memref<1000x128xf32, #tpu.memory_space<vmem>>, %arg2: memref<1000x128xf32, #tpu.memory_space<vmem>>, %arg3: memref<1000x128xf32, #tpu.memory_space<vmem>>, %arg4: memref<1000x128xf32, #tpu.memory_space<vmem>>, %arg5: memref<2x128xf32, #tpu.memory_space<vmem>>, %arg6: memref<2x128xf32, #tpu.memory_space<vmem>>) attributes {dimension_semantics = [#tpu.dimension_semantics<arbitrary>], iteration_bounds = array<i64: 10>, scalar_prefetch = 0 : i64, scratch_operands = 1 : i64, tpu.core_type = #tpu.core_type<tc>, window_params = [{transform_indices = @transform_0, window_bounds = array<i64: 1000, 128>}, {transform_indices = @transform_1, window_bounds = array<i64: 1000, 128>}, {transform_indices = @transform_2, window_bounds = array<i64: 1000, 128>}, {transform_indices = @transform_3, window_bounds = array<i64: 1000, 128>}, {pipeline_mode = #tpu.pipeline_mode<synchronous>, transform_indices = @transform_4, window_bounds = array<i64: 2, 128>}]} {
    %eq3A = arith.constant 0 : i32
    %eq3A_0 = arith.cmpi eq, %arg0, %eq3A : i32
    %convert_element_type3A = arith.extui %eq3A_0 : i1 to i32
    %cond3A = arith.constant 0 : i32
    %cond3A_1 = arith.cmpi ne, %convert_element_type3A, %cond3A : i32
    scf.if %cond3A_1 {
      %broadcast_in_dim3A_39 = arith.constant 0.000000e+00 : f32
      %broadcast_in_dim3A_40 = vector.broadcast %broadcast_in_dim3A_39 : f32 to vector<2x128xf32>
      %swap3A_41 = arith.constant 0 : index
      %swap3A_42 = arith.constant 0 : index
      %swap3A_43 = vector.load %arg6[%swap3A_41, %swap3A_42] : memref<2x128xf32, #tpu.memory_space<vmem>>, vector<2x128xf32>
      tpu.vector_store %arg6[%swap3A_41, %swap3A_42], %broadcast_in_dim3A_40 {strides = array<i32>} : memref<2x128xf32, #tpu.memory_space<vmem>>, vector<2x128xf32>,
    } else {
    }
    %get3A = arith.constant 0 : index
    %get3A_2 = arith.constant 0 : index
    %get3A_3 = vector.load %arg3[%get3A, %get3A_2] : memref<1000x128xf32, #tpu.memory_space<vmem>>, vector<1000x128xf32>
    %get3A_4 = arith.constant 0 : index
    %get3A_5 = arith.constant 0 : index
    %get3A_6 = vector.load %arg1[%get3A_4, %get3A_5] : memref<1000x128xf32, #tpu.memory_space<vmem>>, vector<1000x128xf32>
    %get3A_7 = arith.constant 0 : index
    %get3A_8 = arith.constant 0 : index
    %get3A_9 = vector.load %arg2[%get3A_7, %get3A_8] : memref<1000x128xf32, #tpu.memory_space<vmem>>, vector<1000x128xf32>
    %add3A = arith.constant 9.99999997E-7 : f32
    %add3A_10 = vector.broadcast %add3A : f32 to vector<1000x128xf32>
    %add3A_11 = arith.addf %get3A_9, %add3A_10 : vector<1000x128xf32>
    %div3A = arith.divf %get3A_6, %add3A_11 : vector<1000x128xf32>
    %add3A_12 = arith.addf %get3A_3, %div3A : vector<1000x128xf32>
    %swap3A = arith.constant 0 : index
    %swap3A_13 = arith.constant 0 : index
    %swap3A_14 = vector.load %arg4[%swap3A, %swap3A_13] : memref<1000x128xf32, #tpu.memory_space<vmem>>, vector<1000x128xf32>
    tpu.vector_store %arg4[%swap3A, %swap3A_13], %add3A_12 {strides = array<i32>} : memref<1000x128xf32, #tpu.memory_space<vmem>>, vector<1000x128xf32>,
    %get3A_15 = arith.constant 0 : index
    %get3A_16 = arith.constant 0 : index
    %get3A_17 = vector.load %arg6[%get3A_15, %get3A_16] : memref<2x128xf32, #tpu.memory_space<vmem>>, vector<1x128xf32>
    %reduce_sum3A = arith.constant dense<0.000000e+00> : vector<128xf32>
    %reduce_sum3A_18 = vector.multi_reduction <add>, %add3A_12, %reduce_sum3A [0] : vector<1000x128xf32> to vector<128xf32>
    %broadcast_in_dim3A = vector.shape_cast %reduce_sum3A_18 : vector<128xf32> to vector<1x128xf32>
    %add3A_19 = arith.addf %get3A_17, %broadcast_in_dim3A : vector<1x128xf32>
    %swap3A_20 = arith.constant 0 : index
    %swap3A_21 = arith.constant 0 : index
    %swap3A_22 = vector.load %arg6[%swap3A_20, %swap3A_21] : memref<2x128xf32, #tpu.memory_space<vmem>>, vector<1x128xf32>
    tpu.vector_store %arg6[%swap3A_20, %swap3A_21], %add3A_19 {strides = array<i32>} : memref<2x128xf32, #tpu.memory_space<vmem>>, vector<1x128xf32>,
    %get3A_23 = arith.constant 1 : index
    %get3A_24 = arith.constant 0 : index
    %get3A_25 = vector.load %arg6[%get3A_23, %get3A_24] : memref<2x128xf32, #tpu.memory_space<vmem>>, vector<1x128xf32>
    %mul3A = arith.mulf %add3A_12, %add3A_12 : vector<1000x128xf32>
    %reduce_sum3A_26 = arith.constant dense<0.000000e+00> : vector<128xf32>
    %reduce_sum3A_27 = vector.multi_reduction <add>, %mul3A, %reduce_sum3A_26 [0] : vector<1000x128xf32> to vector<128xf32>
    %broadcast_in_dim3A_28 = vector.shape_cast %reduce_sum3A_27 : vector<128xf32> to vector<1x128xf32>
    %add3A_29 = arith.addf %get3A_25, %broadcast_in_dim3A_28 : vector<1x128xf32>
    %swap3A_30 = arith.constant 1 : index
    %swap3A_31 = arith.constant 0 : index
    %swap3A_32 = vector.load %arg6[%swap3A_30, %swap3A_31] : memref<2x128xf32, #tpu.memory_space<vmem>>, vector<1x128xf32>
    tpu.vector_store %arg6[%swap3A_30, %swap3A_31], %add3A_29 {strides = array<i32>} : memref<2x128xf32, #tpu.memory_space<vmem>>, vector<1x128xf32>,
    %get3A_33 = arith.constant 0 : index
    %get3A_34 = arith.constant 0 : index
    %get3A_35 = vector.load %arg6[%get3A_33, %get3A_34] : memref<2x128xf32, #tpu.memory_space<vmem>>, vector<2x128xf32>
    %swap3A_36 = arith.constant 0 : index
    %swap3A_37 = arith.constant 0 : index
    %swap3A_38 = vector.load %arg5[%swap3A_36, %swap3A_37] : memref<2x128xf32, #tpu.memory_space<vmem>>, vector<2x128xf32>
    tpu.vector_store %arg5[%swap3A_36, %swap3A_37], %get3A_35 {strides = array<i32>} : memref<2x128xf32, #tpu.memory_space<vmem>>, vector<2x128xf32>,
    return
  }
  func.func @transform_0(%arg0: i32) -> (i32, i32) {
    %c0_i32 = arith.constant 0 : i32
    %c0_i32_0 = arith.constant 0 : i32
    return %arg0, %c0_i32 : i32, i32
  }
  func.func @transform_1(%arg0: i32) -> (i32, i32) {
    %c0_i32 = arith.constant 0 : i32
    %c0_i32_0 = arith.constant 0 : i32
    return %arg0, %c0_i32 : i32, i32
  }
  func.func @transform_2(%arg0: i32) -> (i32, i32) {
    %c0_i32 = arith.constant 0 : i32
    %c0_i32_0 = arith.constant 0 : i32
    return %arg0, %c0_i32 : i32, i32
  }
  func.func @transform_3(%arg0: i32) -> (i32, i32) {
    %c0_i32 = arith.constant 0 : i32
    %c0_i32_0 = arith.constant 0 : i32
    return %arg0, %c0_i32 : i32, i32
  }
  func.func @transform_4(%arg0: i32) -> (i32, i32) {
    %c0_i32 = arith.constant 0 : i32
    %c0_i32_0 = arith.constant 0 : i32
    %c0_i32_1 = arith.constant 0 : i32
    return %c0_i32, %c0_i32_0 : i32, i32
  }
}

module attributes {stable_mosaic.version = 14 : i64} {
  func.func @_node_fin2_body(%arg0: i32, %arg1: memref<1000x128xf32, #tpu.memory_space<vmem>>, %arg2: memref<1000x128xf32, #tpu.memory_space<vmem>>, %arg3: memref<2x128xf32, #tpu.memory_space<vmem>>, %arg4: memref<1x128xf32, #tpu.memory_space<vmem>>, %arg5: memref<1x128xf32, #tpu.memory_space<vmem>>, %arg6: memref<1000x128xf32, #tpu.memory_space<vmem>>) attributes {dimension_semantics = [#tpu.dimension_semantics<arbitrary>], iteration_bounds = array<i64: 10>, scalar_prefetch = 0 : i64, scratch_operands = 0 : i64, tpu.core_type = #tpu.core_type<tc>, window_params = [{transform_indices = @transform_0, window_bounds = array<i64: 1000, 128>}, {transform_indices = @transform_1, window_bounds = array<i64: 1000, 128>}, {pipeline_mode = #tpu.pipeline_mode<synchronous>, transform_indices = @transform_2, window_bounds = array<i64: 2, 128>}, {pipeline_mode = #tpu.pipeline_mode<synchronous>, transform_indices = @transform_3, window_bounds = array<i64: 1, 128>}, {pipeline_mode = #tpu.pipeline_mode<synchronous>, transform_indices = @transform_4, window_bounds = array<i64: 1, 128>}, {transform_indices = @transform_5, window_bounds = array<i64: 1000, 128>}]} {
    %get3A = arith.constant 0 : index
    %get3A_0 = arith.constant 0 : index
    %get3A_1 = vector.load %arg3[%get3A, %get3A_0] : memref<2x128xf32, #tpu.memory_space<vmem>>, vector<1x128xf32>
    %div3A = arith.constant 1.000000e+04 : f32
    %div3A_2 = vector.broadcast %div3A : f32 to vector<1x128xf32>
    %div3A_3 = arith.divf %get3A_1, %div3A_2 : vector<1x128xf32>
    %get3A_4 = arith.constant 1 : index
    %get3A_5 = arith.constant 0 : index
    %get3A_6 = vector.load %arg3[%get3A_4, %get3A_5] : memref<2x128xf32, #tpu.memory_space<vmem>>, vector<1x128xf32>
    %div3A_7 = arith.constant 1.000000e+04 : f32
    %div3A_8 = vector.broadcast %div3A_7 : f32 to vector<1x128xf32>
    %div3A_9 = arith.divf %get3A_6, %div3A_8 : vector<1x128xf32>
    %mul3A = arith.mulf %div3A_3, %div3A_3 : vector<1x128xf32>
    %sub3A = arith.subf %div3A_9, %mul3A : vector<1x128xf32>
    %get3A_10 = arith.constant 0 : index
    %get3A_11 = arith.constant 0 : index
    %get3A_12 = vector.load %arg1[%get3A_10, %get3A_11] : memref<1000x128xf32, #tpu.memory_space<vmem>>, vector<1000x128xf32>
    %sub3A_13 = vector.broadcast %div3A_3 : vector<1x128xf32> to vector<1000x128xf32>
    %sub3A_14 = arith.subf %get3A_12, %sub3A_13 : vector<1000x128xf32>
    %add3A = arith.constant 9.99999974E-6 : f32
    %add3A_15 = vector.broadcast %add3A : f32 to vector<1x128xf32>
    %add3A_16 = arith.addf %sub3A, %add3A_15 : vector<1x128xf32>
    %rsqrt3A = math.rsqrt %add3A_16 : vector<1x128xf32>
    %mul3A_17 = vector.broadcast %rsqrt3A : vector<1x128xf32> to vector<1000x128xf32>
    %mul3A_18 = arith.mulf %sub3A_14, %mul3A_17 : vector<1000x128xf32>
    %get3A_19 = arith.constant 0 : index
    %get3A_20 = arith.constant 0 : index
    %get3A_21 = vector.load %arg4[%get3A_19, %get3A_20] : memref<1x128xf32, #tpu.memory_space<vmem>>, vector<1x128xf32>
    %mul3A_22 = vector.broadcast %get3A_21 : vector<1x128xf32> to vector<1000x128xf32>
    %mul3A_23 = arith.mulf %mul3A_18, %mul3A_22 : vector<1000x128xf32>
    %get3A_24 = arith.constant 0 : index
    %get3A_25 = arith.constant 0 : index
    %get3A_26 = vector.load %arg5[%get3A_24, %get3A_25] : memref<1x128xf32, #tpu.memory_space<vmem>>, vector<1x128xf32>
    %add3A_27 = vector.broadcast %get3A_26 : vector<1x128xf32> to vector<1000x128xf32>
    %add3A_28 = arith.addf %mul3A_23, %add3A_27 : vector<1000x128xf32>
    %get3A_29 = arith.constant 0 : index
    %get3A_30 = arith.constant 0 : index
    %get3A_31 = vector.load %arg2[%get3A_29, %get3A_30] : memref<1000x128xf32, #tpu.memory_space<vmem>>, vector<1000x128xf32>
    %logistic3A = arith.negf %add3A_28 : vector<1000x128xf32>
    %logistic3A_32 = math.exp %logistic3A : vector<1000x128xf32>
    %logistic3A_33 = arith.constant 1.000000e+00 : f32
    %logistic3A_34 = vector.broadcast %logistic3A_33 : f32 to vector<1000x128xf32>
    %logistic3A_35 = arith.addf %logistic3A_34, %logistic3A_32 : vector<1000x128xf32>
    %logistic3A_36 = arith.divf %logistic3A_34, %logistic3A_35 : vector<1000x128xf32>
    %mul3A_37 = arith.mulf %add3A_28, %logistic3A_36 : vector<1000x128xf32>
    %add3A_38 = arith.addf %get3A_31, %mul3A_37 : vector<1000x128xf32>
    %swap3A = arith.constant 0 : index
    %swap3A_39 = arith.constant 0 : index
    %swap3A_40 = vector.load %arg6[%swap3A, %swap3A_39] : memref<1000x128xf32, #tpu.memory_space<vmem>>, vector<1000x128xf32>
    tpu.vector_store %arg6[%swap3A, %swap3A_39], %add3A_38 {strides = array<i32>} : memref<1000x128xf32, #tpu.memory_space<vmem>>, vector<1000x128xf32>,
    return
  }
  func.func @transform_0(%arg0: i32) -> (i32, i32) {
    %c0_i32 = arith.constant 0 : i32
    %c0_i32_0 = arith.constant 0 : i32
    return %arg0, %c0_i32 : i32, i32
  }
  func.func @transform_1(%arg0: i32) -> (i32, i32) {
    %c0_i32 = arith.constant 0 : i32
    %c0_i32_0 = arith.constant 0 : i32
    return %arg0, %c0_i32 : i32, i32
  }
  func.func @transform_2(%arg0: i32) -> (i32, i32) {
    %c0_i32 = arith.constant 0 : i32
    %c0_i32_0 = arith.constant 0 : i32
    %c0_i32_1 = arith.constant 0 : i32
    return %c0_i32, %c0_i32_0 : i32, i32
  }
  func.func @transform_3(%arg0: i32) -> (i32, i32) {
    %c0_i32 = arith.constant 0 : i32
    %c0_i32_0 = arith.constant 0 : i32
    %c0_i32_1 = arith.constant 0 : i32
    return %c0_i32, %c0_i32_0 : i32, i32
  }
  func.func @transform_4(%arg0: i32) -> (i32, i32) {
    %c0_i32 = arith.constant 0 : i32
    %c0_i32_0 = arith.constant 0 : i32
    %c0_i32_1 = arith.constant 0 : i32
    return %c0_i32, %c0_i32_0 : i32, i32
  }
  func.func @transform_5(%arg0: i32) -> (i32, i32) {
    %c0_i32 = arith.constant 0 : i32
    %c0_i32_0 = arith.constant 0 : i32
    return %arg0, %c0_i32 : i32, i32
  }
}

</mosaic_0001>

<sc_bundles>
// kernel: kernel.12.cloned.1.call-start
scs
__scs_entry_jumppad:
0x0: {  	(pc) =	sbr.rel $0x88, $3  }
0x1: {  	(tag) =	ssettag $0x0;
	lr =	simm.s32 $0x1  }
0x2: {  	[smem:$0x3F90] =	sst lr;
	_ =	strace $0xD0000000  }
0x3: {  	_ = 	snop  }
0x4: {  	_ = 	snop  }
0x5: {  	_ = 	snop  }
0x6: {  	_ = 	snop  }
0x7: {  	_ = 	snop  }
__scs_overlays_trampoline_lowered:
0x8: {  	[smem:$0x3F9F] =	sst s0  }
0x9: {  	[smem:$0x3FA0] =	sst s1  }
0xa: {  	[smem:$0x3FA1] =	sst s2  }
0xb: {  	[smem:$0x3FA2] =	sst s3  }
0xc: {  	[smem:$0x3FA3] =	sst s4  }
0xd: {  	[smem:$0x3FA4] =	sst s5  }
0xe: {  	[smem:$0x3FA5] =	sst s6  }
0xf: {  	[smem:$0x3FA6] =	sst s7  }
0x10: {  	[smem:$0x3FA7] =	sst s8  }
0x11: {  	[smem:$0x3FA8] =	sst s9;
	s0 =	simm.s32 @!p0 $0x0  }
0x12: {  	s1 =	sld [smem:$0x3F8E];
	s0 =	simm.s32 @p0 $0x1  }
0x13: {  	[smem:$0x3FA9] =	sst s0;
	s0 =	simm.s32 @!p1 $0x0  }
0x14: {  	s2 =	sld [smem:$0x3F8D];
	s0 =	simm.s32 @p1 $0x1  }
0x15: {  	[smem:$0x3FAA] =	sst s0;
	s0 =	simm.s32 @!p2 $0x0  }
0x16: {  	s3 =	sld [smem:$0x3FDB];
	s0 =	simm.s32 @p2 $0x1  }
0x17: {  	s4 =	simm.s32 $0x1BF5;
	[smem:$0x3FAC] =	sst s0  }
0x18: {  	s0 =	sld [smem:$0x3F8F];
	_ =	swait.ge [sflag:s4], $0x0  }
0x19: {  	s7 =	sld [smem:$0x3F90]  }
0x1a: {  	s8 =	sadd.s32 $0xFFFFE003, lr  }
0x1b: {  	s9 =	sadd.s32 $0xFFFFFEF7, lr;
	s5 =	simm.s32 $0xFFFFFFFF;
	p2 =	slt.u32 s8, $0xFFFFF086  }
0x1c: {  	p1 =	slt.u32 s9, $0xF7A;
	s5 =	simm.s32 @!p2 $0x0  }
0x1d: {  	s5 =	simm.s32 @p1 $0x1;
	p0 =	seq.s32 s7, s2  }
0x1e: {  	s7 =	smul.u32 @!p0 $0xF7A, s2;
	p2 =	seq.s32 @!p0 s5, $0x0  }
0x1f: {  	s9 =	smul.u32 $0xF7A, s1;
	s8 =	simm.s32 @!p0 $0x1BF5;
	p2 =	por !p2, p0  }
0x20: {  	[sflag:s8] =	ssyncset.s32 @!p0 $0xFFFFF086;
	s6 =	sadd.s32 @!p0 s3, s7;
	s7 =	simm.s32 @!p0 $0x108  }
0x21: {  	s3 =	sadd.s32 s3, s9;
	s6 =	sadd.s32 @!p0 $0x88, s6;
	s7 =	simm.s32 @p2 $0x1082  }
0x22: {  	[simem:s7], [sflag:s8] =	dma.local @!p0 [hbm:s6], $0xF7A  }
0x23: {  	s9 =	sor.u32 $0xD0000000, s2;
	s6 =	simm.s32 $0x108;
	_ =	swait.ge @!p0 [sflag:s8], $0x0  }
0x24: {  	s3 =	sadd.s32 $0x88, s3;
	s6 =	simm.s32 @!p1 $0x1082;
	[sflag:s4] =	ssyncset.s32 $0xFFFFF086  }
0x25: {  	[simem:s6], [sflag:s4] =	dma.local [hbm:s3], $0xF7A  }
0x26: {  	[smem:$0x3F90] =	sst s1;
	(tag) =	ssettag s2;
	_ =	strace s9  }
0x27: {  	s1 =	sld [smem:$0x3FA0]  }
0x28: {  	s2 =	sld [smem:$0x3FA1]  }
0x29: {  	s4 =	sld [smem:$0x3FA3]  }
0x2a: {  	p0 =	seq.s32 s5, $0x0;
	s5 =	sld [smem:$0x3FA4]  }
0x2b: {  	s6 =	sld [smem:$0x3FA5]  }
0x2c: {  	s7 =	sld [smem:$0x3FA6]  }
0x2d: {  	s3 =	simm.s32 $0x108;
	s8 =	sld [smem:$0x3FA7]  }
0x2e: {  	s3 =	simm.s32 @!p0 $0x1082;
	s9 =	sld [smem:$0x3FA8]  }
0x2f: {  	lr =	sadd.s32 s0, s3;
	s0 =	sld [smem:$0x3F9F]  }
0x30: {  	s3 =	sld [smem:$0x3FA2]  }
0x31: {  	[smem:$0x3FAB] =	sst s10  }
0x32: {  	s10 =	sld [smem:$0x3FA9];
	_ =	sdelay $0x3  }
0x33: {  	p0 =	seq.s32 s10, $0x1;
	s10 =	sld [smem:$0x3FAB];
	_ =	sdelay $0x3  }
0x34: {  	[smem:$0x3FAB] =	sst s10  }
0x35: {  	s10 =	sld [smem:$0x3FAA];
	_ =	sdelay $0x3  }
0x36: {  	p1 =	seq.s32 s10, $0x1;
	s10 =	sld [smem:$0x3FAB];
	_ =	sdelay $0x3  }
0x37: {  	[smem:$0x3FAB] =	sst s10  }
0x38: {  	s10 =	sld [smem:$0x3FAC]  }
0x39: {  	_ = 	snop;
	(pc) =	sbr.ind lr, $3  }
0x3a: {  	_ = 	snop  }
0x3b: {  	_ = 	snop  }
0x3c: {  	p2 =	seq.s32 s10, $0x1;
	s10 =	sld [smem:$0x3FAB]  }
0x3d: {  	_ =	shalt  }
0x3e: {  	_ =	shalt  }
0x3f: {  	_ =	shalt  }
0x40: {  	_ =	shalt  }
0x41: {  	_ =	shalt  }
0x42: {  	_ =	shalt  }
0x43: {  	_ =	shalt  }
0x44: {  	_ =	shalt  }
0x45: {  	_ =	shalt  }
0x46: {  	_ =	shalt  }
0x47: {  	_ =	shalt  }
0x48: {  	_ =	shalt  }
0x49: {  	_ =	shalt  }
0x4a: {  	_ =	shalt  }
0x4b: {  	_ =	shalt  }
0x4c: {  	_ =	shalt  }
0x4d: {  	_ =	shalt  }
0x4e: {  	_ =	shalt  }
0x4f: {  	_ =	shalt  }
0x50: {  	_ =	shalt  }
0x51: {  	_ =	shalt  }
0x52: {  	_ =	shalt  }
0x53: {  	_ =	shalt  }
0x54: {  	_ =	shalt  }
0x55: {  	_ =	shalt  }
0x56: {  	_ =	shalt  }
0x57: {  	_ =	shalt  }
0x58: {  	_ =	shalt  }
0x59: {  	_ =	shalt  }
0x5a: {  	_ =	shalt  }
0x5b: {  	_ =	shalt  }
0x5c: {  	_ =	shalt  }
0x5d: {  	_ =	shalt  }
0x5e: {  	_ =	shalt  }
0x5f: {  	_ =	shalt  }
0x60: {  	_ =	shalt  }
0x61: {  	_ =	shalt  }
0x62: {  	_ =	shalt  }
0x63: {  	_ =	shalt  }
0x64: {  	_ =	shalt  }
0x65: {  	_ =	shalt  }
0x66: {  	_ =	shalt  }
0x67: {  	_ =	shalt  }
0x68: {  	_ =	shalt  }
0x69: {  	_ =	shalt  }
0x6a: {  	_ =	shalt  }
0x6b: {  	_ =	shalt  }
0x6c: {  	_ =	shalt  }
0x6d: {  	_ =	shalt  }
0x6e: {  	_ =	shalt  }
0x6f: {  	_ =	shalt  }
0x70: {  	_ =	shalt  }
0x71: {  	_ =	shalt  }
0x72: {  	_ =	shalt  }
0x73: {  	_ =	shalt  }
0x74: {  	_ =	shalt  }
0x75: {  	_ =	shalt  }
0x76: {  	_ =	shalt  }
0x77: {  	_ =	shalt  }
0x78: {  	_ =	shalt  }
0x79: {  	_ =	shalt  }
0x7a: {  	_ =	shalt  }
0x7b: {  	_ =	shalt  }
0x7c: {  	_ =	shalt  }
0x7d: {  	_ =	shalt  }
0x7e: {  	_ =	shalt  }
0x7f: {  	_ =	shalt  }
0x80: {  	_ =	shalt  }
0x81: {  	_ =	shalt  }
0x82: {  	_ =	shalt  }
0x83: {  	_ =	shalt  }
0x84: {  	_ =	shalt  }
0x85: {  	_ =	shalt  }
0x86: {  	_ =	shalt  }
0x87: {  	_ =	shalt  }
.Lfunc_end0:
.L_simem_size_0:
called_computation.1_lowered:
.L_overlay_start_0:
0x88: {  	s2 =	sld [smem:$0x3FD9]  }
0x89: {  	s3 =	sld [smem:$0x3FFE];
	_ =	sdelay $0x1  }
0x8a: {  	s1 =	srdreg.scid  }
0x8b: {  	s0 =	sand.u32 $0x1, s1  }
0x8c: {  	s16 =	sshll.u32 s0, $0xA;
	s2 =	sadd.s32 s3, s2  }
0x8d: {  	s2 =	sadd.s32 s2, s16  }
0x8e: {  	[smem:$0x3FB7] =	sst s2  }
0x8f: {  	_ = 	snop  }
0x90: {  	(tm) =	ssettm $0x1  }
0x91: {  	s17 =	sld [smem:$0x3FFB];
	_ =	sdelay $0x3  }
0x92: {  	_ =	strace s17  }
0x93: {  	s2 =	sld [smem:$0x3FFC];
	_ =	sdelay $0x3  }
0x94: {  	_ =	strace s2  }
0x95: {  	s2 =	sld [smem:$0x3FFD];
	_ =	sdelay $0x3  }
0x96: {  	_ =	strace s2  }
0x97: {  	_ =	strace $0x8FFFFFFF  }
0x98: {  	s18 =	sld [smem:$0x3FDB];
	_ =	sdelay $0x1  }
0x99: {  	s19 =	simm.s32 $_scs_section_size  }
0x9a: {  	s4 =	simm.s32 $_size__tile_overlayer_lowered;
	s5 =	simm.s32 $_tile_overlayer_lowered  }
0x9b: {  	s22 =	simm.s32 $0x1BFF;
	s21 =	sshll.u32 s5, $0x1;
	s2 =	sadd.s32 s19, s18  }
0x9c: {  	s6 =	simm.s32 $0x0;
	s20 =	sshll.u32 s4, $0x1;
	s4 =	sadd.s32 s21, s2  }
0x9d: {  	[timem:s6], [sflag:s22] =	dma.local [hbm:s4], s20  }
0x9e: {  	_ =	swait.ge [sflag:s22], s20  }
0x9f: {  	s3 =	ssub.s32 $0x0, s20;
	[sflag:s22] =	ssyncset.done $0x0  }
0xa0: {  	[sflag:s22] =	ssyncadd.s32 s3;
	_ =	sdelay $0x1  }
0xa1: {  	s23 =	simm.s32 $0x1B8B  }
0xa2: {  	_ =	swait.ge [sflag:s23], $0x1  }
0xa3: {  	[sflag:s23] =	ssyncset.done $0x0  }
0xa4: {  	s25 =	simm.s32 $0x1B8E;
	s24 =	sld [smem:$0x3FFE];
	[sflag:s23] =	ssyncadd.s32 $0xFFFFFFFF  }
0xa5: {  	s26 =	simm.s32 $execute0_lowered;
	[smem:$0x3FD2] =	sst s25  }
0xa6: {  	s4 =	sshll.u32 s26, $0x1;
	_ =	strace $0x80000049;
	[dreg:$0x1] =	wrdreg $0xFFFFFFFF  }
0xa7: {  	s28 =	simm.s32 $_size_execute0_lowered;
	s2 =	sadd.s32 s2, s4;
	[dreg:$0x0] =	wrdreg $0x0  }
0xa8: {  	s4 =	sshll.u32 s28, $0x1;
	[dreg:$0x2] =	wrdreg s2  }
0xa9: {  	[dreg:$0x3] =	wrdreg s4  }
0xaa: {  	[dreg:$0x4] =	wrdreg $0xC0  }
0xab: {  	_ =	task [dreg:s6], $0x5FFFF  }
0xac: {  	[dreg:$0x1] =	wrdreg $0xFFFFFFFF  }
0xad: {  	[dreg:$0x0] =	wrdreg $0x60  }
0xae: {  	[dreg:$0x2] =	wrdreg s24  }
0xaf: {  	[dreg:$0x3] =	wrdreg $0x79000  }
0xb0: {  	[dreg:$0x4] =	wrdreg $0x9  }
0xb1: {  	_ =	task.clear_ibuf [dreg:s6], $0x5FFFF;
	_ =	strace $0x90000049  }
0xb2: {  	s29 =	simm.s32 $0x9;
	_ =	strace $0x8000004B  }
0xb3: {  	_ =	swait.ge [sflag:s29], $0x1  }
0xb4: {  	[sflag:s29] =	ssyncadd.s32 $0xFFFFFFFF  }
0xb5: {  	_ =	strace $0x9000004B  }
0xb6: {  	_ =	sfence  }
0xb7: {  	s30 =	sld [smem:$0x0];
	_ =	sdelay $0x2  }
0xb8: {  	s31 =	sshll.u32 s1, $0xD;
	s1 =	sshrl.u32 s1, $0x2  }
0xb9: {  	s3 =	sand.u32 $0x4000, s31;
	s1 =	sadd.s32 s1, s30  }
0xba: {  	s0 =	sor.u32 s3, s0;
	s1 =	sshll.u32 s1, $0x11  }
0xbb: {  	s0 =	sor.u32 s1, s0  }
0xbc: {  	s0 =	sadd.s32 $0x8F2B, s0  }
0xbd: {  	[sflag:s0] =	ssyncadd.remote.s32 $0x1  }
0xbe: {  	_ =	sfence.sel $0xFFFF  }
0xbf: {  	[dreg:$0x0] =	wrdreg $0xFFFFFFFF;
	(pc) =	sbr.abs _section_cstart, $3  }
0xc0: {  	[dreg:$0x1] =	wrdreg $0xFFFFFFFF  }
0xc1: {  	_ =	task.clear_ibuf [dreg:s6], $0x2FFFF;
	_ =	strace $0x9FFFFFFF  }
0xc2: {  	(tm) =	ssettm $0x7FFFFFFF  }
0xc3: {  	_ =	shalt  }
tec
execute0_lowered:
.L_overlay_start_1:
0x0: {  	(tag) =	ssettag $0x1  }
0x1: {  	s17 =	stileid.u32  }
0x2: {  	s0 =	rddreg [dreg:$0x0];
	s4 =	smul.u32 $0x1A000, s17  }
0x3: {  	s1 =	rddreg [dreg:$0x1];
	s3 =	simm.s32 $0x0;
	s9 =	smul.u32 $0x4E20, s17  }
0x4: {  	s2 =	srdreg.scid;
	s28 =	simm.s32 $0x2900;
	s12 =	smul.u32 $0xD0, s17  }
0x5: {  	s29 =	simm.s32 $0x1;
	s30 =	simm.s32 $0x50;
	s23 =	smul.u32 $0x9C4, s17  }
0x6: {  	s31 =	simm.s32 $0x2;
	s2 =	sand.u32 $0x1, s2;
	s25 =	smul.u32 $0x4E200, s17  }
0x7: {  	[smem:$0x7FF] =	sst s3;
	s8 =	sadd.s32 $0x13E5E00, s0;
	s11 =	smul.u32 $0x4E200, s2  }
0x8: {  	s10 =	sadd.s32 $0x22200, s0;
	s0 =	sadd.s32 $0x35C00, s0;
	s21 =	smul.u32 $0x1A20, s2  }
0x9: {  	s7 =	sadd.s32 $0x68000, s1;
	p0 =	sne.s32 s17, $0xF;
	s16 =	smul.u32 $0xD1000, s2  }
0xa: {  	_ =	strace $0x8000004A;
	s5 =	ssub.s32 $0x2, s2;
	s2 =	smul.u32 $0x4E2000, s2  }
0xb: {  	s6 =	sshrl.u32 s5, $0x1;
	s4 =	sshrl.u32 s4, $0x2;
	s14 =	sshrl.u32 s9, $0x3  }
0xc: {  	s20 =	sadd.s32 $0x50, s9;
	s13 =	ssub.s32 s5, s6;
	s4 =	sadd.s32 s4, s1  }
0xd: {  	s15 =	sadd.s32 s9, s11;
	s18 =	sadd.s32 s10, s14;
	s11 =	sadd.s32 s11, s20  }
0xe: {  	s12 =	sadd.s32 s12, s21;
	s22 =	sshrl.u32 s16, $0x3;
	s2 =	sadd.s32 s2, s8  }
0xf: {  	s5 =	sadd.s32 $0x2800, s4;
	s6 =	sadd.s32 $0x5000, s4;
	s19 =	sshll.u32 s15, $0x4  }
0x10: {  	s15 =	sshrl.u32 s20, $0x3;
	s11 =	sshll.u32 s11, $0x4;
	s12 =	sshll.u32 s12, $0x4  }
0x11: {  	s24 =	sadd.s32 $0x9C40, s18;
	[dreg:$0x3] =	wrdreg s18;
	s26 =	sadd.s32 $0x9C4A, s18  }
0x12: {  	s18 =	sadd.s32 s23, s10;
	s20 =	smax.u32 s13, $0x1;
	s23 =	simm.s32 $0x5100  }
0x13: {  	s9 =	sadd.s32 s8, s19;
	s15 =	sadd.s32 s10, s15;
	s11 =	sadd.s32 s8, s11  }
0x14: {  	s12 =	sadd.s32 s0, s12;
	s0 =	sadd.s32 s0, s22;
	[dreg:$0x7] =	wrdreg s24  }
0x15: {  	[dreg:$0x8] =	wrdreg s26;
	s19 =	sadd.s32 s25, s2;
	s22 =	sadd.s32 $0x9C5E, s18  }
0x16: {  	s24 =	simm.s32 $0x5;
	s25 =	simm.s32 $0x100;
	[dreg:$0x4] =	wrdreg s15  }
0x17: {  	s26 =	simm.s32 $0x80;
	s14 =	sadd.s32 $0xD000, s0;
	[dreg:$0x5] =	wrdreg s12  }
0x18: {  	s2 =	simm.s32 $0x4;
	s12 =	sadd.s32 $0xD100, s12;
	[dreg:$0x6] =	wrdreg s14  }
0x19: {  	s10 =	simm.s32 $0x0;
	s0 =	sadd.s32 $0x1A100, s0;
	[dreg:$0x9] =	wrdreg s12  }
0x1a: {  	v0 =	vimm.f32 $0.0e+00;
	s21 =	sadd.s32 $0xF00, s19;
	[dreg:$0xa] =	wrdreg s0;
	s0 =	simm.s32 $0x3  }
.LBB2_1:
0x1b: {  	s8 =	simm.s32 $0x0;
	s13 =	simm.s32 $0x200  }
.LBB2_2:
0x1c: {  	p1 =	sne.s32 s13, $0x9E00;
	[tilespmem:s8+$0x5170] =	vst v0  }
0x1d: {  	[tilespmem:s8+$0x5100] =	vst v0  }
0x1e: {  	[tilespmem:s8+$0x5110] =	vst v0  }
.Ltmp0:
0x1f: {  	[tilespmem:s8+$0x5120] =	vst v0;
	(pc) =	sbr.rel @p1 .LBB2_2-.Ltmp0, $4  }
0x20: {  	[tilespmem:s8+$0x5130] =	vst v0  }
0x21: {  	[tilespmem:s8+$0x5140] =	vst v0  }
0x22: {  	[tilespmem:s8+$0x5150] =	vst v0  }
0x23: {  	[tilespmem:s8+$0x5160] =	vst v0;
	s8 =	sshra.s32 s13, $0x2;
	s13 =	sadd.s32 $0x200, s13  }
0x24: {  	[tilespmem:s8+$0x5170] =	vst v0  }
0x25: {  	[tilespmem:s8+$0x5100] =	vst v0  }
0x26: {  	[tilespmem:s8+$0x5110] =	vst v0  }
0x27: {  	[tilespmem:s8+$0x5120] =	vst v0  }
0x28: {  	[tilespmem:s8+$0x5130] =	vst v0  }
0x29: {  	[tilespmem:s8+$0x5140] =	vst v0  }
0x2a: {  	[tilespmem:s8+$0x5150] =	vst v0  }
0x2b: {  	[tilespmem:s8+$0x5160] =	vst v0  }
0x2c: {  	[spmem:s4] =	stream.linear.scatter [tilespmem:s23], [sflag:$0x5], $0x2800, $0x38;
	[tilespmem:$0xE1C0] =	vst v63  }
0x2d: {  	_ =	swait.ge [sflag:s24], $0x2800  }
0x2e: {  	[sflag:s24] =	ssyncset.done $0x0  }
0x2f: {  	[sflag:s24] =	ssyncadd.s32 $0xFFFFD800  }
0x30: {  	[spmem:s5] =	stream.linear.scatter [tilespmem:s23], [sflag:$0x5], $0x2800, $0x38;
	[tilespmem:$0xE1C0] =	vst v63  }
0x31: {  	_ =	swait.ge [sflag:s24], $0x2800  }
0x32: {  	[sflag:s24] =	ssyncset.done $0x0  }
0x33: {  	[sflag:s24] =	ssyncadd.s32 $0xFFFFD800  }
0x34: {  	[spmem:s6] =	stream.linear.scatter [tilespmem:s23], [sflag:$0x5], $0x1800, $0x38;
	[tilespmem:$0xE1C0] =	vst v63  }
0x35: {  	_ =	swait.ge [sflag:s24], $0x1800  }
0x36: {  	[sflag:s24] =	ssyncset.done $0x0  }
0x37: {  	s8 =	simm.s32 @!p0 $0x5100;
	[sflag:s24] =	ssyncadd.s32 $0xFFFFE800  }
0x38: {  	[spmem:s7] =	stream.linear.scatter @!p0 [tilespmem:s8], [sflag:$0x5], $0xC00, $0x38;
	[tilespmem:$0xE1C0] =	vst v63  }
0x39: {  	s8 =	simm.s32 @!p0 $0x5  }
0x3a: {  	_ =	swait.ge @!p0 [sflag:s8], $0xC00  }
0x3b: {  	[sflag:s8] =	ssyncset.done @!p0 $0x0  }
0x3c: {  	[sflag:s8] =	ssyncadd.s32 @!p0 $0xFFFFF400  }
0x3d: {  	[bflag:$0x0] =	sbarrier.arrive $0xFFFF  }
0x3e: {  	s14 =	simm.s32 $0x0;
	s12 =	rddreg [dreg:$0x3]  }
0x3f: {  	[tilespmem:s14], [sflag:$0x1] =	stream.linear.gather [hbm4b:s12+s14], $0x50, $0x38;
	[tilespmem:$0xE1C0] =	vst v63  }
0x40: {  	_ = 	snop  }
0x41: {  	[tilespmem:s25], [sflag:$0x1] =	stream.linear.gather [hbm4b:s9+s14], $0x2800, $0x38;
	[tilespmem:$0xE1C0] =	vst v63  }
0x42: {  	s15 =	rddreg [dreg:$0x4]  }
0x43: {  	[tilespmem:s26], [sflag:$0x2] =	stream.linear.gather [hbm4b:s15+s14], $0x50, $0x38;
	[tilespmem:$0xE1C0] =	vst v63  }
0x44: {  	_ = 	snop  }
0x45: {  	[tilespmem:s28], [sflag:$0x2] =	stream.linear.gather [hbm4b:s11+s14], $0x2800, $0x38;
	[tilespmem:$0xE1C0] =	vst v63  }
0x46: {  	_ =	swait.ge [sflag:s29], $0x50  }
0x47: {  	[sflag:s29] =	ssyncset.done $0x0  }
0x48: {  	[sflag:s29] =	ssyncadd.s32 $0xFFFFFFB0  }
0x49: {  	_ =	swait.ge [sflag:s29], $0x2800  }
0x4a: {  	[sflag:s29] =	ssyncset.done $0x0  }
0x4b: {  	[sflag:s29] =	ssyncadd.s32 $0xFFFFD800  }
0x4c: {  	[spmem:s1] =	stream.indirect.scatter.add.f32 [tilespmem:s25], [sflag:$0x3], $0x80, s3, s30, $0xb8;
	[tilespmem:$0xE1C0] =	vst v63  }
0x4d: {  	_ =	swait.ge [sflag:s31], $0x50  }
0x4e: {  	[sflag:s31] =	ssyncset.done $0x0  }
0x4f: {  	[sflag:s31] =	ssyncadd.s32 $0xFFFFFFB0  }
0x50: {  	_ =	swait.ge [sflag:s31], $0x2800  }
0x51: {  	[sflag:s31] =	ssyncset.done $0x0  }
0x52: {  	[sflag:s31] =	ssyncadd.s32 $0xFFFFD800  }
0x53: {  	[spmem:s1] =	stream.indirect.scatter.add.f32 [tilespmem:s28], [sflag:$0x4], $0x80, s26, s30, $0xb8;
	[tilespmem:$0xE1C0] =	vst v63  }
0x54: {  	_ =	swait.ge [sflag:s0], $0x2800  }
0x55: {  	s16 =	sadd.s32 $0x0, s18;
	[sflag:s0] =	ssyncset.done $0x0  }
0x56: {  	s13 =	sadd.s32 $0x14, s16;
	[sflag:s0] =	ssyncadd.s32 $0xFFFFD800  }
0x57: {  	[tilespmem:s3], [sflag:$0x1] =	stream.linear.gather [hbm4b:s13+s3], $0x50, $0x38;
	[tilespmem:$0xE1C0] =	vst v63  }
0x58: {  	s17 =	sadd.s32 $0xFFFFFB00, s21  }
0x59: {  	[tilespmem:s25], [sflag:$0x1] =	stream.linear.gather [hbm4b:s17+s3], $0x2800, $0x38;
	[tilespmem:$0xE1C0] =	vst v63  }
0x5a: {  	_ =	swait.ge [sflag:s2], $0x2800  }
0x5b: {  	s8 =	sadd.s32 $0x1E, s16;
	s15 =	smov.u32 s21;
	[sflag:s2] =	ssyncset.done $0x0  }
0x5c: {  	s14 =	sadd.s32 $0xA00, s21;
	s13 =	simm.s32 $0x14;
	[sflag:s2] =	ssyncadd.s32 $0xFFFFD800  }
0x5d: {  	[tilespmem:s26], [sflag:$0x2] =	stream.linear.gather [hbm4b:s8+s3], $0x50, $0x38;
	[tilespmem:$0xE1C0] =	vst v63  }
.LBB2_4:
0x5e: {  	[tilespmem:s28], [sflag:$0x2] =	stream.linear.gather [hbm4b:s15+s3], $0x2800, $0x38;
	[tilespmem:$0xE1C0] =	vst v63  }
0x5f: {  	s8 =	smov.u32 s13;
	s15 =	smov.u32 s14  }
0x60: {  	p1 =	sne.s32 s13, $0x99C;
	s13 =	sadd.s32 $0x14, s13;
	_ =	swait.ge [sflag:s29], $0x50  }
0x61: {  	[sflag:s29] =	ssyncset.done $0x0  }
0x62: {  	[sflag:s29] =	ssyncadd.s32 $0xFFFFFFB0  }
0x63: {  	_ =	swait.ge [sflag:s29], $0x2800  }
0x64: {  	[sflag:s29] =	ssyncset.done $0x0  }
0x65: {  	[sflag:s29] =	ssyncadd.s32 $0xFFFFD800  }
0x66: {  	[spmem:s1] =	stream.indirect.scatter.add.f32 [tilespmem:s25], [sflag:$0x3], $0x80, s3, s30, $0xb8;
	[tilespmem:$0xE1C0] =	vst v63  }
0x67: {  	_ =	swait.ge [sflag:s31], $0x50  }
0x68: {  	[sflag:s31] =	ssyncset.done $0x0  }
0x69: {  	[sflag:s31] =	ssyncadd.s32 $0xFFFFFFB0  }
0x6a: {  	_ =	swait.ge [sflag:s31], $0x2800  }
0x6b: {  	[sflag:s31] =	ssyncset.done $0x0  }
0x6c: {  	[sflag:s31] =	ssyncadd.s32 $0xFFFFD800  }
0x6d: {  	[spmem:s1] =	stream.indirect.scatter.add.f32 [tilespmem:s28], [sflag:$0x4], $0x80, s26, s30, $0xb8;
	[tilespmem:$0xE1C0] =	vst v63  }
0x6e: {  	_ =	swait.ge [sflag:s0], $0x2800  }
0x6f: {  	s8 =	sadd.s32 s8, s18;
	[sflag:s0] =	ssyncset.done $0x0  }
0x70: {  	s16 =	sadd.s32 $0x14, s8;
	[sflag:s0] =	ssyncadd.s32 $0xFFFFD800  }
0x71: {  	[tilespmem:s3], [sflag:$0x1] =	stream.linear.gather [hbm4b:s16+s3], $0x50, $0x38;
	[tilespmem:$0xE1C0] =	vst v63  }
0x72: {  	s16 =	sadd.s32 $0xFFFFFB00, s14  }
0x73: {  	[tilespmem:s25], [sflag:$0x1] =	stream.linear.gather [hbm4b:s16+s3], $0x2800, $0x38;
	[tilespmem:$0xE1C0] =	vst v63  }
.Ltmp1:
0x74: {  	_ =	swait.ge [sflag:s2], $0x2800;
	(pc) =	sbr.rel @p1 .LBB2_4-.Ltmp1, $4  }
0x75: {  	[sflag:s2] =	ssyncset.done $0x0  }
0x76: {  	s8 =	sadd.s32 $0x1E, s8;
	[sflag:s2] =	ssyncadd.s32 $0xFFFFD800  }
0x77: {  	[tilespmem:s26], [sflag:$0x2] =	stream.linear.gather [hbm4b:s8+s3], $0x50, $0x38;
	[tilespmem:$0xE1C0] =	vst v63  }
0x78: {  	s14 =	sadd.s32 $0xA00, s14  }
0x79: {  	[tilespmem:s28], [sflag:$0x2] =	stream.linear.gather [hbm4b:s15+s3], $0x2800, $0x38;
	[tilespmem:$0xE1C0] =	vst v63  }
0x7a: {  	_ =	swait.ge [sflag:s29], $0x50  }
0x7b: {  	[sflag:s29] =	ssyncset.done $0x0  }
0x7c: {  	[sflag:s29] =	ssyncadd.s32 $0xFFFFFFB0  }
0x7d: {  	_ =	swait.ge [sflag:s29], $0x2800  }
0x7e: {  	[sflag:s29] =	ssyncset.done $0x0  }
0x7f: {  	[sflag:s29] =	ssyncadd.s32 $0xFFFFD800  }
0x80: {  	[spmem:s1] =	stream.indirect.scatter.add.f32 [tilespmem:s25], [sflag:$0x3], $0x80, s3, s30, $0xb8;
	[tilespmem:$0xE1C0] =	vst v63  }
0x81: {  	_ =	swait.ge [sflag:s31], $0x50  }
0x82: {  	[sflag:s31] =	ssyncset.done $0x0  }
0x83: {  	[sflag:s31] =	ssyncadd.s32 $0xFFFFFFB0  }
0x84: {  	_ =	swait.ge [sflag:s31], $0x2800  }
0x85: {  	[sflag:s31] =	ssyncset.done $0x0  }
0x86: {  	[sflag:s31] =	ssyncadd.s32 $0xFFFFD800  }
0x87: {  	[spmem:s1] =	stream.indirect.scatter.add.f32 [tilespmem:s28], [sflag:$0x4], $0x80, s26, s30, $0xb8;
	[tilespmem:$0xE1C0] =	vst v63  }
0x88: {  	_ =	swait.ge [sflag:s0], $0x2800  }
0x89: {  	[sflag:s0] =	ssyncset.done $0x0  }
0x8a: {  	[sflag:s0] =	ssyncadd.s32 $0xFFFFD800  }
0x8b: {  	_ =	swait.ge [sflag:s2], $0x2800  }
0x8c: {  	[sflag:s2] =	ssyncset.done $0x0  }
0x8d: {  	s8 =	stileid.u32;
	[sflag:s2] =	ssyncadd.s32 $0xFFFFD800  }
0x8e: {  	s8 =	sshll.u32 s8, $0x6;
	[bflag:$0x0] =	sbarrier.arrive $0xFFFF  }
0x8f: {  	s14 =	sshrl.u32 s4, $0x3;
	s13 =	sor.u32 $0x1C05, s8;
	s15 =	rddreg [dreg:$0x5]  }
0x90: {  	[hbm:s15], [sflag:s13] =	dma.local [spmem:s14], $0xD00  }
0x91: {  	_ =	swait.ge [sflag:s24], $0xD00  }
0x92: {  	[sflag:s24] =	ssyncset.done $0x0  }
0x93: {  	s15 =	sshrl.u32 @!p0 s7, $0x3;
	s8 =	rddreg [dreg:$0x6];
	[sflag:s24] =	ssyncadd.s32 $0xFFFFF300  }
0x94: {  	[hbm:s8], [sflag:s13] =	dma.local @!p0 [spmem:s15], $0x100  }
0x95: {  	s8 =	simm.s32 @!p0 $0x5  }
0x96: {  	_ =	swait.ge @!p0 [sflag:s8], $0x100  }
0x97: {  	[sflag:s8] =	ssyncset.done @!p0 $0x0  }
0x98: {  	[sflag:s8] =	ssyncadd.s32 @!p0 $0xFFFFFF00  }
0x99: {  	[bflag:$0x0] =	sbarrier.arrive $0xFFFF  }
0x9a: {  	[spmem:s4] =	stream.linear.scatter [tilespmem:s23], [sflag:$0x5], $0x2800, $0x38;
	[tilespmem:$0xE1C0] =	vst v63  }
0x9b: {  	_ =	swait.ge [sflag:s24], $0x2800  }
0x9c: {  	[sflag:s24] =	ssyncset.done $0x0  }
0x9d: {  	[sflag:s24] =	ssyncadd.s32 $0xFFFFD800  }
0x9e: {  	[spmem:s5] =	stream.linear.scatter [tilespmem:s23], [sflag:$0x5], $0x2800, $0x38;
	[tilespmem:$0xE1C0] =	vst v63  }
0x9f: {  	_ =	swait.ge [sflag:s24], $0x2800  }
0xa0: {  	[sflag:s24] =	ssyncset.done $0x0  }
0xa1: {  	[sflag:s24] =	ssyncadd.s32 $0xFFFFD800  }
0xa2: {  	[spmem:s6] =	stream.linear.scatter [tilespmem:s23], [sflag:$0x5], $0x1800, $0x38;
	[tilespmem:$0xE1C0] =	vst v63  }
0xa3: {  	_ =	swait.ge [sflag:s24], $0x1800  }
0xa4: {  	[sflag:s24] =	ssyncset.done $0x0  }
0xa5: {  	s16 =	simm.s32 @!p0 $0x5100;
	[sflag:s24] =	ssyncadd.s32 $0xFFFFE800  }
0xa6: {  	[spmem:s7] =	stream.linear.scatter @!p0 [tilespmem:s16], [sflag:$0x5], $0xC00, $0x38;
	[tilespmem:$0xE1C0] =	vst v63  }
0xa7: {  	_ =	swait.ge @!p0 [sflag:s8], $0xC00  }
0xa8: {  	[sflag:s8] =	ssyncset.done @!p0 $0x0  }
0xa9: {  	[sflag:s8] =	ssyncadd.s32 @!p0 $0xFFFFF400  }
0xaa: {  	[bflag:$0x0] =	sbarrier.arrive $0xFFFF  }
0xab: {  	s16 =	simm.s32 $0x0;
	s12 =	rddreg [dreg:$0x7]  }
0xac: {  	[tilespmem:s16], [sflag:$0x1] =	stream.linear.gather [hbm4b:s12+s16], $0x50, $0x38;
	[tilespmem:$0xE1C0] =	vst v63  }
0xad: {  	_ = 	snop  }
0xae: {  	[tilespmem:s25], [sflag:$0x1] =	stream.linear.gather [hbm4b:s9+s16], $0x2800, $0x38;
	[tilespmem:$0xE1C0] =	vst v63  }
0xaf: {  	s17 =	rddreg [dreg:$0x8]  }
0xb0: {  	[tilespmem:s26], [sflag:$0x2] =	stream.linear.gather [hbm4b:s17+s16], $0x50, $0x38;
	[tilespmem:$0xE1C0] =	vst v63  }
0xb1: {  	_ = 	snop  }
0xb2: {  	[tilespmem:s28], [sflag:$0x2] =	stream.linear.gather [hbm4b:s11+s16], $0x2800, $0x38;
	[tilespmem:$0xE1C0] =	vst v63  }
0xb3: {  	_ =	swait.ge [sflag:s29], $0x50  }
0xb4: {  	[sflag:s29] =	ssyncset.done $0x0  }
0xb5: {  	[sflag:s29] =	ssyncadd.s32 $0xFFFFFFB0  }
0xb6: {  	_ =	swait.ge [sflag:s29], $0x2800  }
0xb7: {  	[sflag:s29] =	ssyncset.done $0x0  }
0xb8: {  	[sflag:s29] =	ssyncadd.s32 $0xFFFFD800  }
0xb9: {  	[spmem:s1] =	stream.indirect.scatter.add.f32 [tilespmem:s25], [sflag:$0x3], $0x80, s3, s30, $0xb8;
	[tilespmem:$0xE1C0] =	vst v63  }
0xba: {  	_ =	swait.ge [sflag:s31], $0x50  }
0xbb: {  	[sflag:s31] =	ssyncset.done $0x0  }
0xbc: {  	[sflag:s31] =	ssyncadd.s32 $0xFFFFFFB0  }
0xbd: {  	_ =	swait.ge [sflag:s31], $0x2800  }
0xbe: {  	[sflag:s31] =	ssyncset.done $0x0  }
0xbf: {  	[sflag:s31] =	ssyncadd.s32 $0xFFFFD800  }
0xc0: {  	[spmem:s1] =	stream.indirect.scatter.add.f32 [tilespmem:s28], [sflag:$0x4], $0x80, s26, s30, $0xb8;
	[tilespmem:$0xE1C0] =	vst v63  }
0xc1: {  	_ =	swait.ge [sflag:s0], $0x2800  }
0xc2: {  	[sflag:s0] =	ssyncset.done $0x0  }
0xc3: {  	s12 =	sadd.s32 $0xFFFFFFF6, s22;
	s17 =	sadd.s32 $0x0, s19;
	[sflag:s0] =	ssyncadd.s32 $0xFFFFD800  }
0xc4: {  	[tilespmem:s3], [sflag:$0x1] =	stream.linear.gather [hbm4b:s12+s3], $0x50, $0x38;
	[tilespmem:$0xE1C0] =	vst v63  }
0xc5: {  	s16 =	sadd.s32 $0xA00, s17  }
0xc6: {  	[tilespmem:s25], [sflag:$0x1] =	stream.linear.gather [hbm4b:s16+s3], $0x2800, $0x38;
	[tilespmem:$0xE1C0] =	vst v63  }
0xc7: {  	_ =	swait.ge [sflag:s2], $0x2800  }
0xc8: {  	s8 =	sadd.s32 $0x14, s22;
	[sflag:s2] =	ssyncset.done $0x0  }
0xc9: {  	s17 =	sadd.s32 $0xF00, s17;
	s16 =	simm.s32 $0xA00;
	[sflag:s2] =	ssyncadd.s32 $0xFFFFD800  }
0xca: {  	[tilespmem:s26], [sflag:$0x2] =	stream.linear.gather [hbm4b:s22+s3], $0x50, $0x38;
	[tilespmem:$0xE1C0] =	vst v63  }
.LBB2_6:
0xcb: {  	[tilespmem:s28], [sflag:$0x2] =	stream.linear.gather [hbm4b:s17+s3], $0x2800, $0x38;
	[tilespmem:$0xE1C0] =	vst v63  }
0xcc: {  	s17 =	smov.u32 s16  }
0xcd: {  	p1 =	sne.s32 s16, $0x4CE00;
	s16 =	sadd.s32 $0xA00, s16;
	_ =	swait.ge [sflag:s29], $0x50  }
0xce: {  	[sflag:s29] =	ssyncset.done $0x0  }
0xcf: {  	[sflag:s29] =	ssyncadd.s32 $0xFFFFFFB0  }
0xd0: {  	_ =	swait.ge [sflag:s29], $0x2800  }
0xd1: {  	[sflag:s29] =	ssyncset.done $0x0  }
0xd2: {  	[sflag:s29] =	ssyncadd.s32 $0xFFFFD800  }
0xd3: {  	[spmem:s1] =	stream.indirect.scatter.add.f32 [tilespmem:s25], [sflag:$0x3], $0x80, s3, s30, $0xb8;
	[tilespmem:$0xE1C0] =	vst v63  }
0xd4: {  	_ =	swait.ge [sflag:s31], $0x50  }
0xd5: {  	[sflag:s31] =	ssyncset.done $0x0  }
0xd6: {  	[sflag:s31] =	ssyncadd.s32 $0xFFFFFFB0  }
0xd7: {  	_ =	swait.ge [sflag:s31], $0x2800  }
0xd8: {  	[sflag:s31] =	ssyncset.done $0x0  }
0xd9: {  	[sflag:s31] =	ssyncadd.s32 $0xFFFFD800  }
0xda: {  	[spmem:s1] =	stream.indirect.scatter.add.f32 [tilespmem:s28], [sflag:$0x4], $0x80, s26, s30, $0xb8;
	[tilespmem:$0xE1C0] =	vst v63  }
0xdb: {  	_ =	swait.ge [sflag:s0], $0x2800  }
0xdc: {  	[sflag:s0] =	ssyncset.done $0x0  }
0xdd: {  	s12 =	sadd.s32 $0xFFFFFFF6, s8;
	s17 =	sadd.s32 s17, s19;
	[sflag:s0] =	ssyncadd.s32 $0xFFFFD800  }
0xde: {  	[tilespmem:s3], [sflag:$0x1] =	stream.linear.gather [hbm4b:s12+s3], $0x50, $0x38;
	[tilespmem:$0xE1C0] =	vst v63  }
0xdf: {  	s12 =	sadd.s32 $0xA00, s17  }
0xe0: {  	[tilespmem:s25], [sflag:$0x1] =	stream.linear.gather [hbm4b:s12+s3], $0x2800, $0x38;
	[tilespmem:$0xE1C0] =	vst v63  }
.Ltmp2:
0xe1: {  	_ =	swait.ge [sflag:s2], $0x2800;
	(pc) =	sbr.rel @p1 .LBB2_6-.Ltmp2, $4  }
0xe2: {  	[sflag:s2] =	ssyncset.done $0x0  }
0xe3: {  	[sflag:s2] =	ssyncadd.s32 $0xFFFFD800  }
0xe4: {  	[tilespmem:s26], [sflag:$0x2] =	stream.linear.gather [hbm4b:s8+s3], $0x50, $0x38;
	[tilespmem:$0xE1C0] =	vst v63  }
0xe5: {  	s17 =	sadd.s32 $0xF00, s17;
	s8 =	sadd.s32 $0x14, s8  }
0xe6: {  	[tilespmem:s28], [sflag:$0x2] =	stream.linear.gather [hbm4b:s17+s3], $0x2800, $0x38;
	[tilespmem:$0xE1C0] =	vst v63  }
0xe7: {  	_ =	swait.ge [sflag:s29], $0x50  }
0xe8: {  	[sflag:s29] =	ssyncset.done $0x0  }
0xe9: {  	[sflag:s29] =	ssyncadd.s32 $0xFFFFFFB0  }
0xea: {  	_ =	swait.ge [sflag:s29], $0x2800  }
0xeb: {  	[sflag:s29] =	ssyncset.done $0x0  }
0xec: {  	[sflag:s29] =	ssyncadd.s32 $0xFFFFD800  }
0xed: {  	[spmem:s1] =	stream.indirect.scatter.add.f32 [tilespmem:s25], [sflag:$0x3], $0x80, s3, s30, $0xb8;
	[tilespmem:$0xE1C0] =	vst v63  }
0xee: {  	_ =	swait.ge [sflag:s31], $0x50  }
0xef: {  	[sflag:s31] =	ssyncset.done $0x0  }
0xf0: {  	[sflag:s31] =	ssyncadd.s32 $0xFFFFFFB0  }
0xf1: {  	_ =	swait.ge [sflag:s31], $0x2800  }
0xf2: {  	[sflag:s31] =	ssyncset.done $0x0  }
0xf3: {  	[sflag:s31] =	ssyncadd.s32 $0xFFFFD800  }
0xf4: {  	[spmem:s1] =	stream.indirect.scatter.add.f32 [tilespmem:s28], [sflag:$0x4], $0x80, s26, s30, $0xb8;
	[tilespmem:$0xE1C0] =	vst v63  }
0xf5: {  	_ =	swait.ge [sflag:s0], $0x2800  }
0xf6: {  	[sflag:s0] =	ssyncset.done $0x0  }
0xf7: {  	[sflag:s0] =	ssyncadd.s32 $0xFFFFD800  }
0xf8: {  	_ =	swait.ge [sflag:s2], $0x2800  }
0xf9: {  	[sflag:s2] =	ssyncset.done $0x0  }
0xfa: {  	[sflag:s2] =	ssyncadd.s32 $0xFFFFD800  }
0xfb: {  	[bflag:$0x0] =	sbarrier.arrive $0xFFFF  }
0xfc: {  	s8 =	rddreg [dreg:$0x9]  }
0xfd: {  	[hbm:s8], [sflag:s13] =	dma.local [spmem:s14], $0xD00  }
0xfe: {  	_ =	swait.ge [sflag:s24], $0xD00  }
0xff: {  	s10 =	sadd.s32 $0x1, s10;
	[sflag:s24] =	ssyncset.done $0x0  }
0x100: {  	p1 =	sne.s32 s10, s20;
	s8 =	rddreg [dreg:$0xa];
	[sflag:s24] =	ssyncadd.s32 $0xFFFFF300  }
0x101: {  	[hbm:s8], [sflag:s13] =	dma.local @!p0 [spmem:s15], $0x100  }
.Ltmp3:
0x102: {  	_ = 	snop;
	(pc) =	sbr.rel @p1 .LBB2_1-.Ltmp3, $4  }
0x103: {  	s8 =	simm.s32 @!p0 $0x5  }
0x104: {  	_ =	swait.ge @!p0 [sflag:s8], $0x100  }
0x105: {  	[sflag:s8] =	ssyncset.done @!p0 $0x0  }
0x106: {  	[sflag:s8] =	ssyncadd.s32 @!p0 $0xFFFFFF00  }
0x107: {  	_ =	sfence.sel $0x180000  }
0x108: {  	[bflag:$0x0] =	sbarrier.arrive $0xFFFF  }
0x109: {  	_ =	strace $0x9000004A  }
0x10a: {  	s0 =	stileid.u32;
	[bflag:$0x2] =	sbarrier.arrive $0xFFFF  }
0x10b: {  	p0 =	sne.s32 s0, $0x0;
	s0 =	rddreg [dreg:$0x2]  }
0x10c: {  	s0 =	sadd.s32 @!p0 $0x100000, s0  }
0x10d: {  	[sflag:s0] =	ssyncadd.tile.s32 @!p0 $0x1;
	_ =	shalt  }
.Lfunc_end2:
_tile_overlayer_lowered:
.L_overlay_start_2:
0x10e: {  	(tag) =	ssettag $0x2  }
0x10f: {  	s0 =	rddreg [dreg:$0x0];
	s2 =	stileid.u32  }
0x110: {  	s1 =	rddreg [dreg:$0x1];
	p0 =	sne.s32 s2, $0x0  }
0x111: {  	s3 =	rddreg [dreg:$0x2];
	[bflag:$0x3] =	sbarrier.arrive $0xFFFF;
	s2 =	simm.s32 @!p0 $0x1C05  }
0x112: {  	[timem:s3], [sflag:s2] =	dma.local @!p0 [hbm:s0], s1  }
0x113: {  	s0 =	simm.s32 @!p0 $0x5  }
0x114: {  	_ =	swait.ge @!p0 [sflag:s0], s1  }
0x115: {  	s1 =	ssub.s32 @!p0 $0x0, s1;
	[sflag:s0] =	ssyncset.done @!p0 $0x0  }
0x116: {  	[sflag:s0] =	ssyncadd.s32 @!p0 s1  }
0x117: {  	[bflag:$0x3] =	sbarrier.arrive $0xFFFF  }
0x118: {  	_ =	shalt  }

// kernel: kernel.9.cloned.1.call-start
scs
__scs_entry_jumppad:
0x0: {  	(pc) =	sbr.rel $0x88, $3  }
0x1: {  	(tag) =	ssettag $0x0;
	lr =	simm.s32 $0x1  }
0x2: {  	[smem:$0x3F90] =	sst lr;
	_ =	strace $0xD0000000  }
0x3: {  	_ = 	snop  }
0x4: {  	_ = 	snop  }
0x5: {  	_ = 	snop  }
0x6: {  	_ = 	snop  }
0x7: {  	_ = 	snop  }
__scs_overlays_trampoline_lowered:
0x8: {  	[smem:$0x3F9F] =	sst s0  }
0x9: {  	[smem:$0x3FA0] =	sst s1  }
0xa: {  	[smem:$0x3FA1] =	sst s2  }
0xb: {  	[smem:$0x3FA2] =	sst s3  }
0xc: {  	[smem:$0x3FA3] =	sst s4  }
0xd: {  	[smem:$0x3FA4] =	sst s5  }
0xe: {  	[smem:$0x3FA5] =	sst s6  }
0xf: {  	[smem:$0x3FA6] =	sst s7  }
0x10: {  	[smem:$0x3FA7] =	sst s8  }
0x11: {  	[smem:$0x3FA8] =	sst s9;
	s0 =	simm.s32 @!p0 $0x0  }
0x12: {  	s1 =	sld [smem:$0x3F8E];
	s0 =	simm.s32 @p0 $0x1  }
0x13: {  	[smem:$0x3FA9] =	sst s0;
	s0 =	simm.s32 @!p1 $0x0  }
0x14: {  	s2 =	sld [smem:$0x3F8D];
	s0 =	simm.s32 @p1 $0x1  }
0x15: {  	[smem:$0x3FAA] =	sst s0;
	s0 =	simm.s32 @!p2 $0x0  }
0x16: {  	s3 =	sld [smem:$0x3FDB];
	s0 =	simm.s32 @p2 $0x1  }
0x17: {  	s4 =	simm.s32 $0x1BF5;
	[smem:$0x3FAC] =	sst s0  }
0x18: {  	s0 =	sld [smem:$0x3F8F];
	_ =	swait.ge [sflag:s4], $0x0  }
0x19: {  	s7 =	sld [smem:$0x3F90]  }
0x1a: {  	s8 =	sadd.s32 $0xFFFFE003, lr  }
0x1b: {  	s9 =	sadd.s32 $0xFFFFFEF7, lr;
	s5 =	simm.s32 $0xFFFFFFFF;
	p2 =	slt.u32 s8, $0xFFFFF086  }
0x1c: {  	p1 =	slt.u32 s9, $0xF7A;
	s5 =	simm.s32 @!p2 $0x0  }
0x1d: {  	s5 =	simm.s32 @p1 $0x1;
	p0 =	seq.s32 s7, s2  }
0x1e: {  	s7 =	smul.u32 @!p0 $0xF7A, s2;
	p2 =	seq.s32 @!p0 s5, $0x0  }
0x1f: {  	s9 =	smul.u32 $0xF7A, s1;
	s8 =	simm.s32 @!p0 $0x1BF5;
	p2 =	por !p2, p0  }
0x20: {  	[sflag:s8] =	ssyncset.s32 @!p0 $0xFFFFF086;
	s6 =	sadd.s32 @!p0 s3, s7;
	s7 =	simm.s32 @!p0 $0x108  }
0x21: {  	s3 =	sadd.s32 s3, s9;
	s6 =	sadd.s32 @!p0 $0x88, s6;
	s7 =	simm.s32 @p2 $0x1082  }
0x22: {  	[simem:s7], [sflag:s8] =	dma.local @!p0 [hbm:s6], $0xF7A  }
0x23: {  	s9 =	sor.u32 $0xD0000000, s2;
	s6 =	simm.s32 $0x108;
	_ =	swait.ge @!p0 [sflag:s8], $0x0  }
0x24: {  	s3 =	sadd.s32 $0x88, s3;
	s6 =	simm.s32 @!p1 $0x1082;
	[sflag:s4] =	ssyncset.s32 $0xFFFFF086  }
0x25: {  	[simem:s6], [sflag:s4] =	dma.local [hbm:s3], $0xF7A  }
0x26: {  	[smem:$0x3F90] =	sst s1;
	(tag) =	ssettag s2;
	_ =	strace s9  }
0x27: {  	s1 =	sld [smem:$0x3FA0]  }
0x28: {  	s2 =	sld [smem:$0x3FA1]  }
0x29: {  	s4 =	sld [smem:$0x3FA3]  }
0x2a: {  	p0 =	seq.s32 s5, $0x0;
	s5 =	sld [smem:$0x3FA4]  }
0x2b: {  	s6 =	sld [smem:$0x3FA5]  }
0x2c: {  	s7 =	sld [smem:$0x3FA6]  }
0x2d: {  	s3 =	simm.s32 $0x108;
	s8 =	sld [smem:$0x3FA7]  }
0x2e: {  	s3 =	simm.s32 @!p0 $0x1082;
	s9 =	sld [smem:$0x3FA8]  }
0x2f: {  	lr =	sadd.s32 s0, s3;
	s0 =	sld [smem:$0x3F9F]  }
0x30: {  	s3 =	sld [smem:$0x3FA2]  }
0x31: {  	[smem:$0x3FAB] =	sst s10  }
0x32: {  	s10 =	sld [smem:$0x3FA9];
	_ =	sdelay $0x3  }
0x33: {  	p0 =	seq.s32 s10, $0x1;
	s10 =	sld [smem:$0x3FAB];
	_ =	sdelay $0x3  }
0x34: {  	[smem:$0x3FAB] =	sst s10  }
0x35: {  	s10 =	sld [smem:$0x3FAA];
	_ =	sdelay $0x3  }
0x36: {  	p1 =	seq.s32 s10, $0x1;
	s10 =	sld [smem:$0x3FAB];
	_ =	sdelay $0x3  }
0x37: {  	[smem:$0x3FAB] =	sst s10  }
0x38: {  	s10 =	sld [smem:$0x3FAC]  }
0x39: {  	_ = 	snop;
	(pc) =	sbr.ind lr, $3  }
0x3a: {  	_ = 	snop  }
0x3b: {  	_ = 	snop  }
0x3c: {  	p2 =	seq.s32 s10, $0x1;
	s10 =	sld [smem:$0x3FAB]  }
0x3d: {  	_ =	shalt  }
0x3e: {  	_ =	shalt  }
0x3f: {  	_ =	shalt  }
0x40: {  	_ =	shalt  }
0x41: {  	_ =	shalt  }
0x42: {  	_ =	shalt  }
0x43: {  	_ =	shalt  }
0x44: {  	_ =	shalt  }
0x45: {  	_ =	shalt  }
0x46: {  	_ =	shalt  }
0x47: {  	_ =	shalt  }
0x48: {  	_ =	shalt  }
0x49: {  	_ =	shalt  }
0x4a: {  	_ =	shalt  }
0x4b: {  	_ =	shalt  }
0x4c: {  	_ =	shalt  }
0x4d: {  	_ =	shalt  }
0x4e: {  	_ =	shalt  }
0x4f: {  	_ =	shalt  }
0x50: {  	_ =	shalt  }
0x51: {  	_ =	shalt  }
0x52: {  	_ =	shalt  }
0x53: {  	_ =	shalt  }
0x54: {  	_ =	shalt  }
0x55: {  	_ =	shalt  }
0x56: {  	_ =	shalt  }
0x57: {  	_ =	shalt  }
0x58: {  	_ =	shalt  }
0x59: {  	_ =	shalt  }
0x5a: {  	_ =	shalt  }
0x5b: {  	_ =	shalt  }
0x5c: {  	_ =	shalt  }
0x5d: {  	_ =	shalt  }
0x5e: {  	_ =	shalt  }
0x5f: {  	_ =	shalt  }
0x60: {  	_ =	shalt  }
0x61: {  	_ =	shalt  }
0x62: {  	_ =	shalt  }
0x63: {  	_ =	shalt  }
0x64: {  	_ =	shalt  }
0x65: {  	_ =	shalt  }
0x66: {  	_ =	shalt  }
0x67: {  	_ =	shalt  }
0x68: {  	_ =	shalt  }
0x69: {  	_ =	shalt  }
0x6a: {  	_ =	shalt  }
0x6b: {  	_ =	shalt  }
0x6c: {  	_ =	shalt  }
0x6d: {  	_ =	shalt  }
0x6e: {  	_ =	shalt  }
0x6f: {  	_ =	shalt  }
0x70: {  	_ =	shalt  }
0x71: {  	_ =	shalt  }
0x72: {  	_ =	shalt  }
0x73: {  	_ =	shalt  }
0x74: {  	_ =	shalt  }
0x75: {  	_ =	shalt  }
0x76: {  	_ =	shalt  }
0x77: {  	_ =	shalt  }
0x78: {  	_ =	shalt  }
0x79: {  	_ =	shalt  }
0x7a: {  	_ =	shalt  }
0x7b: {  	_ =	shalt  }
0x7c: {  	_ =	shalt  }
0x7d: {  	_ =	shalt  }
0x7e: {  	_ =	shalt  }
0x7f: {  	_ =	shalt  }
0x80: {  	_ =	shalt  }
0x81: {  	_ =	shalt  }
0x82: {  	_ =	shalt  }
0x83: {  	_ =	shalt  }
0x84: {  	_ =	shalt  }
0x85: {  	_ =	shalt  }
0x86: {  	_ =	shalt  }
0x87: {  	_ =	shalt  }
.Lfunc_end0:
.L_simem_size_0:
called_computation_lowered:
.L_overlay_start_0:
0x88: {  	s2 =	sld [smem:$0x3FD9]  }
0x89: {  	s3 =	sld [smem:$0x3FFE];
	_ =	sdelay $0x1  }
0x8a: {  	s1 =	srdreg.scid  }
0x8b: {  	s0 =	sand.u32 $0x1, s1  }
0x8c: {  	s14 =	sshll.u32 s0, $0xA;
	s2 =	sadd.s32 s3, s2  }
0x8d: {  	s2 =	sadd.s32 s2, s14  }
0x8e: {  	[smem:$0x3FB7] =	sst s2  }
0x8f: {  	_ = 	snop  }
0x90: {  	s2 =	sld [smem:$0x3FD0];
	_ =	sdelay $0x2  }
0x91: {  	s15 =	simm.s32 $0xA;
	s4 =	simm.s32 $0x10  }
0x92: {  	[smem:s4], [sflag:s15] =	dma.local [hbm:s2], $0x1  }
0x93: {  	_ =	swait.eq [sflag:s15], $0x1  }
0x94: {  	[sflag:s15] =	ssyncset.done $0x0  }
0x95: {  	s16 =	sld [smem:$0x10];
	[sflag:s15] =	ssyncadd.s32 $0xFFFFFFFF  }
0x96: {  	s17 =	sld [smem:$0x11];
	(tm) =	ssettm $0x1  }
0x97: {  	s18 =	sld [smem:$0x3FFB];
	_ =	sdelay $0x3  }
0x98: {  	_ =	strace s18  }
0x99: {  	s4 =	sld [smem:$0x3FFC];
	_ =	sdelay $0x3  }
0x9a: {  	_ =	strace s4  }
0x9b: {  	s4 =	sld [smem:$0x3FFD];
	_ =	sdelay $0x3  }
0x9c: {  	_ =	strace s4  }
0x9d: {  	_ =	strace $0x8FFFFFFF  }
0x9e: {  	s19 =	sld [smem:$0x3FDB];
	_ =	sdelay $0x1  }
0x9f: {  	s5 =	simm.s32 $_scs_section_size  }
0xa0: {  	s6 =	simm.s32 $_size__tile_overlayer_lowered;
	s7 =	simm.s32 $_tile_overlayer_lowered  }
0xa1: {  	s22 =	simm.s32 $0x1BFF;
	s21 =	sshll.u32 s7, $0x1;
	s4 =	sadd.s32 s5, s19  }
0xa2: {  	s8 =	simm.s32 $0x0;
	s20 =	sshll.u32 s6, $0x1;
	s6 =	sadd.s32 s21, s4  }
0xa3: {  	[timem:s8], [sflag:s22] =	dma.local [hbm:s6], s20  }
0xa4: {  	_ =	swait.ge [sflag:s22], s20  }
0xa5: {  	s5 =	ssub.s32 $0x0, s20;
	[sflag:s22] =	ssyncset.done $0x0  }
0xa6: {  	[sflag:s22] =	ssyncadd.s32 s5;
	_ =	sdelay $0x1  }
0xa7: {  	s23 =	simm.s32 $0x1B8B  }
0xa8: {  	_ =	swait.ge [sflag:s23], $0x1  }
0xa9: {  	[sflag:s23] =	ssyncset.done $0x0  }
0xaa: {  	s25 =	simm.s32 $0x1B8E;
	s24 =	sld [smem:$0x3FFE];
	[sflag:s23] =	ssyncadd.s32 $0xFFFFFFFF  }
0xab: {  	s26 =	simm.s32 $execute0_lowered;
	[smem:$0x3FD2] =	sst s25  }
0xac: {  	s6 =	sshll.u32 s26, $0x1;
	_ =	strace $0x80000046;
	[dreg:$0x1] =	wrdreg $0xFFFFFFFF  }
0xad: {  	s28 =	simm.s32 $_size_execute0_lowered;
	s4 =	sadd.s32 s4, s6;
	[dreg:$0x0] =	wrdreg $0x0  }
0xae: {  	s6 =	sshll.u32 s28, $0x1;
	[dreg:$0x2] =	wrdreg s4  }
0xaf: {  	[dreg:$0x3] =	wrdreg s6  }
0xb0: {  	[dreg:$0x4] =	wrdreg $0xC0  }
0xb1: {  	_ =	task [dreg:s8], $0x5FFFF  }
0xb2: {  	[dreg:$0x1] =	wrdreg $0xFFFFFFFF  }
0xb3: {  	[dreg:$0x0] =	wrdreg $0x60  }
0xb4: {  	[dreg:$0x2] =	wrdreg s16  }
0xb5: {  	[dreg:$0x3] =	wrdreg s17  }
0xb6: {  	[dreg:$0x4] =	wrdreg s24  }
0xb7: {  	[dreg:$0x5] =	wrdreg $0x197000  }
0xb8: {  	[dreg:$0x6] =	wrdreg $0x9  }
0xb9: {  	_ =	task.clear_ibuf [dreg:s8], $0x7FFFF;
	_ =	strace $0x90000046  }
0xba: {  	s29 =	simm.s32 $0x9;
	_ =	strace $0x80000048  }
0xbb: {  	_ =	swait.ge [sflag:s29], $0x1  }
0xbc: {  	[sflag:s29] =	ssyncadd.s32 $0xFFFFFFFF  }
0xbd: {  	_ =	strace $0x90000048  }
0xbe: {  	_ =	sfence  }
0xbf: {  	s30 =	sld [smem:$0x0];
	_ =	sdelay $0x2  }
0xc0: {  	s31 =	sshll.u32 s1, $0xD;
	s1 =	sshrl.u32 s1, $0x2  }
0xc1: {  	s3 =	sand.u32 $0x4000, s31;
	s1 =	sadd.s32 s1, s30  }
0xc2: {  	s0 =	sor.u32 s3, s0;
	s1 =	sshll.u32 s1, $0x11  }
0xc3: {  	s0 =	sor.u32 s1, s0  }
0xc4: {  	s0 =	sadd.s32 $0x8F2B, s0  }
0xc5: {  	[sflag:s0] =	ssyncadd.remote.s32 $0x1  }
0xc6: {  	_ =	sfence.sel $0xFFFF  }
0xc7: {  	[dreg:$0x0] =	wrdreg $0xFFFFFFFF;
	(pc) =	sbr.abs _section_cstart, $3  }
0xc8: {  	[dreg:$0x1] =	wrdreg $0xFFFFFFFF  }
0xc9: {  	_ =	task.clear_ibuf [dreg:s8], $0x2FFFF;
	_ =	strace $0x9FFFFFFF  }
0xca: {  	(tm) =	ssettm $0x7FFFFFFF  }
0xcb: {  	_ =	shalt  }
tec
execute0_lowered:
.L_overlay_start_1:
0x0: {  	(tag) =	ssettag $0x1  }
0x1: {  	s1 =	rddreg [dreg:$0x0]  }
0x2: {  	s2 =	rddreg [dreg:$0x1]  }
0x3: {  	s0 =	rddreg [dreg:$0x2]  }
0x4: {  	s3 =	rddreg [dreg:$0x3]  }
0x5: {  	s4 =	simm.s32 $0x0;
	s21 =	stileid.u32;
	s6 =	srdreg.scid  }
0x6: {  	s31 =	simm.s32 $0x14300;
	s28 =	simm.s32 $0x2;
	s29 =	simm.s32 $0x4  }
0x7: {  	[smem:$0x7FF] =	sst s4;
	s5 =	sadd.s32 $0x35C00, s0;
	s9 =	sadd.s32 $0xA21E00, s0  }
0x8: {  	s7 =	sadd.s32 $0x4A00, s0;
	s10 =	sadd.s32 $0x13E5E00, s0;
	s14 =	smul.u32 $0x4E20, s21  }
0x9: {  	s8 =	sadd.s32 $0xE800, s0;
	s13 =	sadd.s32 $0x1DA9E00, s0;
	s16 =	smul.u32 $0x1A000, s21  }
0xa: {  	s6 =	sand.u32 $0x1, s6;
	s12 =	sshll.u32 s21, $0x7;
	s17 =	smul.u32 $0xD00, s21  }
0xb: {  	p0 =	sne.s32 s21, $0xF;
	s21 =	simm.s32 $0x0;
	s11 =	smul.u32 $0x4E200, s6  }
0xc: {  	_ =	strace $0x80000047;
	s15 =	ssub.s32 $0x2, s6;
	s26 =	smul.u32 $0xD100, s6  }
0xd: {  	s0 =	sadd.s32 s12, s0;
	s25 =	sshll.u32 s6, $0xB;
	s30 =	smul.u32 $0x68800, s6  }
0xe: {  	s19 =	sshrl.u32 s15, $0x1;
	s16 =	sshrl.u32 s16, $0x2;
	s18 =	sshrl.u32 s14, $0x3  }
0xf: {  	s0 =	sadd.s32 s25, s0;
	s15 =	ssub.s32 s15, s19;
	s20 =	sadd.s32 s7, s18  }
0x10: {  	s12 =	sadd.s32 s14, s11;
	s18 =	sadd.s32 $0xA0, s14;
	[dreg:$0x6] =	wrdreg s20  }
0x11: {  	s24 =	sadd.s32 s16, s3;
	s0 =	sadd.s32 $0xA20E00, s0;
	[dreg:$0xd] =	wrdreg s18  }
0x12: {  	s19 =	sshrl.u32 s12, $0x3;
	s23 =	sshll.u32 s12, $0x4;
	[dreg:$0xe] =	wrdreg s0  }
0x13: {  	s20 =	sadd.s32 $0x50, s14;
	s0 =	simm.s32 $0x11B00;
	[dreg:$0x5] =	wrdreg s24  }
0x14: {  	s22 =	sadd.s32 s8, s19;
	s16 =	sadd.s32 s5, s23;
	s19 =	sadd.s32 s17, s26  }
0x15: {  	s17 =	sadd.s32 s11, s20;
	s23 =	sshrl.u32 s30, $0x3;
	[dreg:$0x7] =	wrdreg s22  }
0x16: {  	[dreg:$0x8] =	wrdreg s16;
	s22 =	sshrl.u32 s20, $0x3;
	s16 =	sadd.s32 s13, s19  }
0x17: {  	s13 =	sadd.s32 s13, s23;
	s25 =	sshrl.u32 s17, $0x3;
	s26 =	sshll.u32 s17, $0x4  }
0x18: {  	s23 =	sadd.s32 $0xF0, s14;
	s20 =	smax.u32 s15, $0x1;
	[dreg:$0x9] =	wrdreg s16  }
0x19: {  	s15 =	simm.s32 $0x1;
	s19 =	sadd.s32 s7, s22;
	[dreg:$0x10] =	wrdreg s20  }
0x1a: {  	s16 =	sadd.s32 s8, s25;
	s30 =	sadd.s32 s5, s26;
	[dreg:$0xa] =	wrdreg s19  }
0x1b: {  	s22 =	sshll.u32 s6, $0x6;
	s25 =	sadd.s32 $0x2800, s24;
	[dreg:$0xb] =	wrdreg s16  }
0x1c: {  	s26 =	sadd.s32 $0x5000, s24;
	s6 =	simm.s32 $0x100;
	[dreg:$0xc] =	wrdreg s30  }
0x1d: {  	s20 =	simm.s32 $0x50;
	s19 =	sadd.s32 $0xD000, s13;
	[dreg:$0x11] =	wrdreg s25  }
0x1e: {  	s14 =	sor.u32 $0x330, s22;
	s18 =	sor.u32 $0x2B30, s22;
	[dreg:$0x12] =	wrdreg s26  }
0x1f: {  	s30 =	sadd.s32 $0x68000, s3;
	s16 =	simm.s32 $0x28;
	s25 =	simm.s32 $0x80  }
0x20: {  	s26 =	simm.s32 $0x180;
	s22 =	simm.s32 $0x5;
	[dreg:$0xf] =	wrdreg s19  }
0x21: {  	v2 =	vimm.f32 $0.0e+00;
	s13 =	simm.s32 $0x16B00;
	[dreg:$0x13] =	wrdreg s30;
	s19 =	simm.s32 $0x3;
	v0 =	vmov s14;
	v1 =	vmov s18  }
.LBB2_1:
0x22: {  	[dreg:$0x14] =	wrdreg s21;
	s14 =	simm.s32 $0x0;
	s18 =	simm.s32 $0x200  }
.LBB2_2:
0x23: {  	p1 =	sne.s32 s18, $0x9E00;
	[tilespmem:s14+$0x14370] =	vst v2  }
0x24: {  	[tilespmem:s14+$0x14300] =	vst v2  }
0x25: {  	[tilespmem:s14+$0x14310] =	vst v2  }
.Ltmp0:
0x26: {  	[tilespmem:s14+$0x14320] =	vst v2;
	(pc) =	sbr.rel @p1 .LBB2_2-.Ltmp0, $4  }
0x27: {  	[tilespmem:s14+$0x14330] =	vst v2  }
0x28: {  	[tilespmem:s14+$0x14340] =	vst v2  }
0x29: {  	[tilespmem:s14+$0x14350] =	vst v2  }
0x2a: {  	[tilespmem:s14+$0x14360] =	vst v2;
	s14 =	sshra.s32 s18, $0x2;
	s18 =	sadd.s32 $0x200, s18  }
0x2b: {  	[tilespmem:s14+$0x14370] =	vst v2  }
0x2c: {  	[tilespmem:s14+$0x14300] =	vst v2  }
0x2d: {  	[tilespmem:s14+$0x14310] =	vst v2  }
0x2e: {  	[tilespmem:s14+$0x14320] =	vst v2  }
0x2f: {  	[tilespmem:s14+$0x14330] =	vst v2  }
0x30: {  	[tilespmem:s14+$0x14340] =	vst v2  }
0x31: {  	[tilespmem:s14+$0x14350] =	vst v2  }
0x32: {  	[tilespmem:s14+$0x14360] =	vst v2  }
0x33: {  	[tilespmem:$0x19300] =	vst v2  }
0x34: {  	[tilespmem:$0x19310] =	vst v2  }
0x35: {  	[tilespmem:$0x19320] =	vst v2  }
0x36: {  	[tilespmem:$0x19330] =	vst v2  }
0x37: {  	[tilespmem:$0x19380] =	vst v2  }
0x38: {  	[tilespmem:$0x19390] =	vst v2  }
0x39: {  	[tilespmem:$0x193A0] =	vst v2  }
0x3a: {  	[tilespmem:$0x193B0] =	vst v2  }
0x3b: {  	[tilespmem:$0x19400] =	vst v2  }
0x3c: {  	[tilespmem:$0x19410] =	vst v2  }
0x3d: {  	[tilespmem:$0x19420] =	vst v2  }
0x3e: {  	[tilespmem:$0x19430] =	vst v2  }
0x3f: {  	[tilespmem:$0x19480] =	vst v2  }
0x40: {  	[tilespmem:$0x19490] =	vst v2  }
0x41: {  	[tilespmem:$0x194A0] =	vst v2  }
0x42: {  	[tilespmem:$0x194B0] =	vst v2  }
0x43: {  	[tilespmem:$0x19500] =	vst v2  }
0x44: {  	[tilespmem:$0x19510] =	vst v2  }
0x45: {  	[tilespmem:$0x19520] =	vst v2  }
0x46: {  	[tilespmem:$0x19530] =	vst v2  }
0x47: {  	[tilespmem:$0x19580] =	vst v2  }
0x48: {  	[tilespmem:$0x19590] =	vst v2  }
0x49: {  	[tilespmem:$0x195A0] =	vst v2  }
0x4a: {  	[tilespmem:$0x195B0] =	vst v2  }
0x4b: {  	[tilespmem:$0x19600] =	vst v2  }
0x4c: {  	[tilespmem:$0x19610] =	vst v2  }
0x4d: {  	[tilespmem:$0x19620] =	vst v2  }
0x4e: {  	[tilespmem:$0x19630] =	vst v2  }
0x4f: {  	[tilespmem:$0x19680] =	vst v2  }
0x50: {  	[tilespmem:$0x19690] =	vst v2  }
0x51: {  	[tilespmem:$0x196A0] =	vst v2  }
0x52: {  	s18 =	simm.s32 $0x7;
	[tilespmem:$0x196B0] =	vst v2  }
0x53: {  	[spmem:s24] =	stream.linear.scatter [tilespmem:s31], [sflag:$0x7], $0x2800, $0x38;
	v63 =	vld [tilespmem:$0x0]  }
0x54: {  	_ =	swait.ge [sflag:s18], $0x2800  }
0x55: {  	[sflag:s18] =	ssyncset.done $0x0  }
0x56: {  	s24 =	rddreg [dreg:$0x11];
	[sflag:s18] =	ssyncadd.s32 $0xFFFFD800  }
0x57: {  	[spmem:s24] =	stream.linear.scatter [tilespmem:s31], [sflag:$0x7], $0x2800, $0x38;
	v63 =	vld [tilespmem:$0x0]  }
0x58: {  	_ =	swait.ge [sflag:s18], $0x2800  }
0x59: {  	[sflag:s18] =	ssyncset.done $0x0  }
0x5a: {  	s30 =	rddreg [dreg:$0x12];
	[sflag:s18] =	ssyncadd.s32 $0xFFFFD800  }
0x5b: {  	[spmem:s30] =	stream.linear.scatter [tilespmem:s31], [sflag:$0x7], $0x1800, $0x38;
	v63 =	vld [tilespmem:$0x0]  }
0x5c: {  	_ =	swait.ge [sflag:s18], $0x1800  }
0x5d: {  	[sflag:s18] =	ssyncset.done $0x0  }
0x5e: {  	s14 =	simm.s32 @!p0 $0x14300;
	[sflag:s18] =	ssyncadd.s32 $0xFFFFE800;
	s18 =	rddreg [dreg:$0x13]  }
0x5f: {  	[spmem:s18] =	stream.linear.scatter @!p0 [tilespmem:s14], [sflag:$0x7], $0xC00, $0x38;
	v63 =	vld [tilespmem:$0x0]  }
0x60: {  	s14 =	simm.s32 @!p0 $0x7  }
0x61: {  	_ =	swait.ge @!p0 [sflag:s14], $0xC00  }
0x62: {  	[sflag:s14] =	ssyncset.done @!p0 $0x0  }
0x63: {  	[sflag:s14] =	ssyncadd.s32 @!p0 $0xFFFFF400  }
0x64: {  	[bflag:$0x0] =	sbarrier.arrive $0xFFFF  }
0x65: {  	s14 =	simm.s32 $0x0;
	s21 =	rddreg [dreg:$0x6]  }
0x66: {  	[tilespmem:s14], [sflag:$0x1] =	stream.linear.gather [hbm4b:s21+s14], $0x50, $0x38;
	v63 =	vld [tilespmem:$0x0]  }
0x67: {  	s24 =	rddreg [dreg:$0x7]  }
0x68: {  	[tilespmem:s6], [sflag:$0x1] =	stream.linear.gather [hbm4b:s24+s14], $0x50, $0x38;
	v63 =	vld [tilespmem:$0x0]  }
0x69: {  	s30 =	rddreg [dreg:$0x8];
	s21 =	simm.s32 $0xA300  }
0x6a: {  	[tilespmem:s21], [sflag:$0x1] =	stream.linear.gather [hbm4b:s30+s14], $0x2800, $0x38;
	v63 =	vld [tilespmem:$0x0]  }
0x6b: {  	_ =	swait.ge [sflag:s15], $0x50  }
0x6c: {  	[sflag:s15] =	ssyncset.done $0x0  }
0x6d: {  	[sflag:s15] =	ssyncadd.s32 $0xFFFFFFB0  }
0x6e: {  	_ =	swait.ge [sflag:s15], $0x50  }
0x6f: {  	[sflag:s15] =	ssyncset.done $0x0  }
0x70: {  	[sflag:s15] =	ssyncadd.s32 $0xFFFFFFB0  }
0x71: {  	_ =	swait.ge [sflag:s15], $0x2800  }
0x72: {  	[sflag:s15] =	ssyncset.done $0x0  }
0x73: {  	[sflag:s15] =	ssyncadd.s32 $0xFFFFD800  }
0x74: {  	v3 =	vld [tilespmem:$0x0]  }
0x75: {  	v4 =	vld [tilespmem:$0x10]  }
0x76: {  	v5 =	vld [tilespmem:$0x20]  }
0x77: {  	v6 =	vld [tilespmem:$0x30]  }
0x78: {  	v7 =	vld [tilespmem:$0x40]  }
0x79: {  	vm0 =	vlt.s32 v3, $0xD10  }
0x7a: {  	vm12 =	vlt.s32 v4, $0xD10;
	v3 =	vnsel vm0, $0xD10, v3  }
0x7b: {  	vm13 =	vlt.s32 v5, $0xD10;
	[tilespmem:$0x200] =	vst v3;
	v3 =	vnsel vm12, $0xD10, v4  }
0x7c: {  	vm14 =	vlt.s32 v6, $0xD10;
	[tilespmem:$0x210] =	vst v3;
	v3 =	vnsel vm13, $0xD10, v5  }
0x7d: {  	vm15 =	vlt.s32 v7, $0xD10;
	[tilespmem:$0x220] =	vst v3;
	v3 =	vnsel vm14, $0xD10, v6  }
0x7e: {  	[tilespmem:$0x230] =	vst v3;
	v3 =	vnsel vm15, $0xD10, v7  }
0x7f: {  	s21 =	simm.s32 $0x300;
	[tilespmem:$0x240] =	vst v3  }
0x80: {  	[tilespmem:s21], [sflag:$0x3] =	stream.indirect.gather [hbm4b:s1+s16], $0x80, s14, s16, $0xb8;
	v63 =	vld [tilespmem:$0x0]  }
0x81: {  	s24 =	simm.s32 $0x5300  }
0x82: {  	[tilespmem:s24], [sflag:$0x3] =	stream.indirect.gather [hbm4b:s2+s16], $0x80, s6, s16, $0xb8;
	v63 =	vld [tilespmem:$0x0]  }
0x83: {  	s30 =	simm.s32 $0x1700  }
0x84: {  	[tilespmem:s30], [sflag:$0x3] =	stream.indirect.gather [hbm4b:s1+s16], $0x80, s16, s16, $0xb8;
	v63 =	vld [tilespmem:$0x0]  }
0x85: {  	s21 =	simm.s32 $0x128;
	s24 =	simm.s32 $0x6700  }
0x86: {  	[tilespmem:s24], [sflag:$0x3] =	stream.indirect.gather [hbm4b:s2+s16], $0x80, s21, s16, $0xb8;
	v63 =	vld [tilespmem:$0x0]  }
0x87: {  	s30 =	rddreg [dreg:$0xa]  }
0x88: {  	[tilespmem:s25], [sflag:$0x2] =	stream.linear.gather [hbm4b:s30+s14], $0x50, $0x38;
	v63 =	vld [tilespmem:$0x0]  }
0x89: {  	s21 =	rddreg [dreg:$0xb]  }
0x8a: {  	[tilespmem:s26], [sflag:$0x2] =	stream.linear.gather [hbm4b:s21+s14], $0x50, $0x38;
	v63 =	vld [tilespmem:$0x0]  }
0x8b: {  	s24 =	rddreg [dreg:$0xc];
	s30 =	simm.s32 $0xCB00  }
0x8c: {  	[tilespmem:s30], [sflag:$0x2] =	stream.linear.gather [hbm4b:s24+s14], $0x2800, $0x38;
	v63 =	vld [tilespmem:$0x0]  }
.LBB2_4:
0x8d: {  	p1 =	seq.s32 s14, $0x0  }
0x8e: {  	s18 =	simm.s32 @!p1 $0x6  }
0x8f: {  	_ =	swait.ge @!p1 [sflag:s18], $0x2800  }
0x90: {  	[sflag:s18] =	ssyncset.done @!p1 $0x0  }
0x91: {  	[sflag:s18] =	ssyncadd.s32 @!p1 $0xFFFFD800  }
0x92: {  	_ =	swait.ge @!p1 [sflag:s18], $0x2800  }
0x93: {  	[sflag:s18] =	ssyncset.done @!p1 $0x0  }
0x94: {  	[sflag:s18] =	ssyncadd.s32 @!p1 $0xFFFFD800  }
0x95: {  	_ =	swait.ge [sflag:s28], $0x50  }
0x96: {  	[sflag:s28] =	ssyncset.done $0x0  }
0x97: {  	[sflag:s28] =	ssyncadd.s32 $0xFFFFFFB0  }
0x98: {  	_ =	swait.ge [sflag:s28], $0x50  }
0x99: {  	[sflag:s28] =	ssyncset.done $0x0  }
0x9a: {  	[sflag:s28] =	ssyncadd.s32 $0xFFFFFFB0  }
0x9b: {  	_ =	swait.ge [sflag:s28], $0x2800  }
0x9c: {  	[sflag:s28] =	ssyncset.done $0x0  }
0x9d: {  	[sflag:s28] =	ssyncadd.s32 $0xFFFFD800  }
0x9e: {  	v3 =	vld [tilespmem:$0x80]  }
0x9f: {  	v4 =	vld [tilespmem:$0x90]  }
0xa0: {  	v5 =	vld [tilespmem:$0xA0]  }
0xa1: {  	v6 =	vld [tilespmem:$0xB0]  }
0xa2: {  	v7 =	vld [tilespmem:$0xC0]  }
0xa3: {  	vm0 =	vlt.s32 v3, $0xD10  }
0xa4: {  	vm12 =	vlt.s32 v4, $0xD10;
	v3 =	vnsel vm0, $0xD10, v3  }
0xa5: {  	vm13 =	vlt.s32 v5, $0xD10;
	[tilespmem:$0x280] =	vst v3;
	v3 =	vnsel vm12, $0xD10, v4  }
0xa6: {  	vm14 =	vlt.s32 v6, $0xD10;
	[tilespmem:$0x290] =	vst v3;
	v3 =	vnsel vm13, $0xD10, v5  }
0xa7: {  	vm15 =	vlt.s32 v7, $0xD10;
	[tilespmem:$0x2A0] =	vst v3;
	v3 =	vnsel vm14, $0xD10, v6  }
0xa8: {  	[tilespmem:$0x2B0] =	vst v3;
	v3 =	vnsel vm15, $0xD10, v7  }
0xa9: {  	s21 =	simm.s32 $0x2B00;
	[tilespmem:$0x2C0] =	vst v3  }
0xaa: {  	[tilespmem:s21], [sflag:$0x4] =	stream.indirect.gather [hbm4b:s1+s16], $0x80, s25, s16, $0xb8;
	v63 =	vld [tilespmem:$0x0]  }
0xab: {  	s24 =	simm.s32 $0x7B00  }
0xac: {  	[tilespmem:s24], [sflag:$0x4] =	stream.indirect.gather [hbm4b:s2+s16], $0x80, s26, s16, $0xb8;
	v63 =	vld [tilespmem:$0x0]  }
0xad: {  	s30 =	simm.s32 $0xA8;
	s21 =	simm.s32 $0x3F00  }
0xae: {  	[tilespmem:s21], [sflag:$0x4] =	stream.indirect.gather [hbm4b:s1+s16], $0x80, s30, s16, $0xb8;
	v63 =	vld [tilespmem:$0x0]  }
0xaf: {  	s24 =	simm.s32 $0x8F00;
	s21 =	simm.s32 $0x1A8  }
0xb0: {  	[tilespmem:s24], [sflag:$0x4] =	stream.indirect.gather [hbm4b:s2+s16], $0x80, s21, s16, $0xb8;
	v63 =	vld [tilespmem:$0x0]  }
0xb1: {  	_ =	swait.ge [sflag:s19], $0x1400  }
0xb2: {  	[sflag:s19] =	ssyncset.done $0x0  }
0xb3: {  	[sflag:s19] =	ssyncadd.s32 $0xFFFFEC00  }
0xb4: {  	_ =	swait.ge [sflag:s19], $0x1400  }
0xb5: {  	[sflag:s19] =	ssyncset.done $0x0  }
0xb6: {  	[sflag:s19] =	ssyncadd.s32 $0xFFFFEC00  }
0xb7: {  	_ =	swait.ge [sflag:s19], $0x1400  }
0xb8: {  	[sflag:s19] =	ssyncset.done $0x0  }
0xb9: {  	[sflag:s19] =	ssyncadd.s32 $0xFFFFEC00  }
0xba: {  	_ =	swait.ge [sflag:s19], $0x1400  }
0xbb: {  	[sflag:s19] =	ssyncset.done $0x0  }
0xbc: {  	s30 =	simm.s32 $0x0;
	[sflag:s19] =	ssyncadd.s32 $0xFFFFEC00  }
0xbd: {  	v3 =	vld.idx.msk [tilespmem:v0+s30+$0xFFFFFFD0 ss:$0x1], $0xffff  }
0xbe: {  	v4 =	vld [tilespmem:s30+$0x5300];
	_ =	sdelay $0x1  }
0xbf: {  	v5 =	vld [tilespmem:s30+$0xA300];
	_ =	sdelay $0x2  }
0xc0: {  	v3 =	vadd.f32 v4, v3;
	_ =	sdelay $0x1  }
0xc1: {  	v3 =	vadd.f32 v5, v3;
	_ =	sdelay $0x1  }
0xc2: {  	v4 =	vsub.f32 $0.0e+00, v3;
	_ =	sdelay $0x1  }
0xc3: {  	v4 =	vmul.f32 $1.442695020e+00, v4;
	_ =	sdelay $0x1  }
0xc4: {  	(erf) = vpow2.f32 v4;
	_ =	sdelay $0x8  }
0xc5: {  	v4 =	vpop (erf)  }
0xc6: {  	v4 =	vadd.f32 $1.000000000e+00, v4;
	_ =	sdelay $0x1  }
0xc7: {  	(erf) = vrcp.f32 v4;
	_ =	sdelay $0x4  }
0xc8: {  	v4 =	vld [tilespmem:s30+$0x5340];
	_ =	sdelay $0x3  }
0xc9: {  	v5 =	vpop (erf)  }
0xca: {  	[tilespmem:s30+$0xF300] =	vst v3;
	v4 =	vmul.f32 v5, v4  }
0xcb: {  	[tilespmem:s30+$0x14340] =	vst v5  }
0xcc: {  	[tilespmem:s30+$0x14300] =	vst v4  }
0xcd: {  	v4 =	vld [tilespmem:$0x19300]  }
0xce: {  	v5 =	vld [tilespmem:$0x19380];
	_ =	sdelay $0x2  }
0xcf: {  	v6 =	vmul.f32 v3, v3  }
0xd0: {  	v3 =	vadd.f32 v4, v3  }
0xd1: {  	v4 =	vadd.f32 v5, v6  }
0xd2: {  	[tilespmem:$0x19300] =	vst v3  }
0xd3: {  	[tilespmem:$0x19380] =	vst v4  }
0xd4: {  	v3 =	vld.idx.msk [tilespmem:v0+s30+$0xFFFFFFE0 ss:$0x1], $0xffff  }
0xd5: {  	v4 =	vld [tilespmem:s30+$0x5310];
	_ =	sdelay $0x1  }
0xd6: {  	v5 =	vld [tilespmem:s30+$0xA310];
	_ =	sdelay $0x2  }
0xd7: {  	v3 =	vadd.f32 v4, v3;
	_ =	sdelay $0x1  }
0xd8: {  	v3 =	vadd.f32 v5, v3;
	_ =	sdelay $0x1  }
0xd9: {  	v4 =	vsub.f32 $0.0e+00, v3;
	_ =	sdelay $0x1  }
0xda: {  	v4 =	vmul.f32 $1.442695020e+00, v4;
	_ =	sdelay $0x1  }
0xdb: {  	(erf) = vpow2.f32 v4;
	_ =	sdelay $0x8  }
0xdc: {  	v4 =	vpop (erf)  }
0xdd: {  	v4 =	vadd.f32 $1.000000000e+00, v4;
	_ =	sdelay $0x1  }
0xde: {  	(erf) = vrcp.f32 v4;
	_ =	sdelay $0x4  }
0xdf: {  	v4 =	vld [tilespmem:s30+$0x5350];
	_ =	sdelay $0x3  }
0xe0: {  	v5 =	vpop (erf)  }
0xe1: {  	[tilespmem:s30+$0xF310] =	vst v3;
	v4 =	vmul.f32 v5, v4  }
0xe2: {  	[tilespmem:s30+$0x14350] =	vst v5  }
0xe3: {  	[tilespmem:s30+$0x14310] =	vst v4  }
0xe4: {  	v4 =	vld [tilespmem:$0x19310]  }
0xe5: {  	v5 =	vld [tilespmem:$0x19390];
	_ =	sdelay $0x2  }
0xe6: {  	v6 =	vmul.f32 v3, v3  }
0xe7: {  	v3 =	vadd.f32 v4, v3  }
0xe8: {  	v4 =	vadd.f32 v5, v6  }
0xe9: {  	[tilespmem:$0x19310] =	vst v3  }
0xea: {  	[tilespmem:$0x19390] =	vst v4  }
0xeb: {  	v3 =	vld.idx.msk [tilespmem:v0+s30+$0xFFFFFFF0 ss:$0x1], $0xffff  }
0xec: {  	v4 =	vld [tilespmem:s30+$0x5320];
	_ =	sdelay $0x1  }
0xed: {  	v5 =	vld [tilespmem:s30+$0xA320];
	_ =	sdelay $0x2  }
0xee: {  	v3 =	vadd.f32 v4, v3;
	_ =	sdelay $0x1  }
0xef: {  	v3 =	vadd.f32 v5, v3;
	_ =	sdelay $0x1  }
0xf0: {  	v4 =	vsub.f32 $0.0e+00, v3;
	_ =	sdelay $0x1  }
0xf1: {  	v4 =	vmul.f32 $1.442695020e+00, v4;
	_ =	sdelay $0x1  }
0xf2: {  	(erf) = vpow2.f32 v4;
	_ =	sdelay $0x8  }
0xf3: {  	v4 =	vpop (erf)  }
0xf4: {  	v4 =	vadd.f32 $1.000000000e+00, v4;
	_ =	sdelay $0x1  }
0xf5: {  	(erf) = vrcp.f32 v4;
	_ =	sdelay $0x4  }
0xf6: {  	v4 =	vld [tilespmem:s30+$0x5360];
	_ =	sdelay $0x3  }
0xf7: {  	v5 =	vpop (erf)  }
0xf8: {  	[tilespmem:s30+$0xF320] =	vst v3;
	v4 =	vmul.f32 v5, v4  }
0xf9: {  	[tilespmem:s30+$0x14360] =	vst v5  }
0xfa: {  	[tilespmem:s30+$0x14320] =	vst v4  }
0xfb: {  	v4 =	vld [tilespmem:$0x19320]  }
0xfc: {  	v5 =	vld [tilespmem:$0x193A0];
	_ =	sdelay $0x2  }
0xfd: {  	v6 =	vmul.f32 v3, v3  }
0xfe: {  	v3 =	vadd.f32 v4, v3  }
0xff: {  	v4 =	vadd.f32 v5, v6  }
0x100: {  	[tilespmem:$0x19320] =	vst v3  }
0x101: {  	[tilespmem:$0x193A0] =	vst v4  }
0x102: {  	v3 =	vld.idx.msk [tilespmem:v0+s30+$0x0 ss:$0x1], $0xffff  }
0x103: {  	v4 =	vld [tilespmem:s30+$0x5330];
	_ =	sdelay $0x1  }
0x104: {  	v5 =	vld [tilespmem:s30+$0xA330];
	_ =	sdelay $0x2  }
0x105: {  	v3 =	vadd.f32 v4, v3;
	_ =	sdelay $0x1  }
0x106: {  	v3 =	vadd.f32 v5, v3;
	_ =	sdelay $0x1  }
0x107: {  	v4 =	vsub.f32 $0.0e+00, v3;
	_ =	sdelay $0x1  }
0x108: {  	v4 =	vmul.f32 $1.442695020e+00, v4;
	_ =	sdelay $0x1  }
0x109: {  	(erf) = vpow2.f32 v4;
	_ =	sdelay $0x8  }
0x10a: {  	v4 =	vpop (erf)  }
0x10b: {  	v4 =	vadd.f32 $1.000000000e+00, v4;
	_ =	sdelay $0x1  }
0x10c: {  	(erf) = vrcp.f32 v4;
	_ =	sdelay $0x4  }
0x10d: {  	v4 =	vld [tilespmem:s30+$0x5370];
	_ =	sdelay $0x3  }
0x10e: {  	v5 =	vpop (erf)  }
0x10f: {  	[tilespmem:s30+$0xF330] =	vst v3;
	v4 =	vmul.f32 v5, v4  }
0x110: {  	[tilespmem:s30+$0x14370] =	vst v5  }
0x111: {  	[tilespmem:s30+$0x14330] =	vst v4  }
0x112: {  	v5 =	vld [tilespmem:$0x19330]  }
0x113: {  	s18 =	simm.s32 $0x200;
	v4 =	vmul.f32 v3, v3;
	v6 =	vld [tilespmem:$0x193B0]  }
.LBB2_5:
0x114: {  	_ = 	snop  }
0x115: {  	p1 =	sne.s32 s18, $0x9E00;
	s21 =	smov.u32 s18;
	s18 =	sadd.s32 $0x200, s18  }
0x116: {  	_ = 	snop  }
0x117: {  	v3 =	vadd.f32 v5, v3  }
0x118: {  	v4 =	vadd.f32 v6, v4  }
0x119: {  	s21 =	sshra.s32 s21, $0x2;
	[tilespmem:$0x19330] =	vst v3  }
0x11a: {  	[tilespmem:$0x193B0] =	vst v4  }
0x11b: {  	v3 =	vld.idx.msk [tilespmem:v0+s21+$0xFFFFFFD0 ss:$0x1], $0xffff  }
0x11c: {  	v4 =	vld [tilespmem:s21+$0x5300];
	_ =	sdelay $0x1  }
0x11d: {  	v5 =	vld [tilespmem:s21+$0xA300];
	_ =	sdelay $0x2  }
0x11e: {  	v3 =	vadd.f32 v4, v3;
	_ =	sdelay $0x1  }
0x11f: {  	v3 =	vadd.f32 v5, v3;
	_ =	sdelay $0x1  }
0x120: {  	v4 =	vsub.f32 $0.0e+00, v3;
	_ =	sdelay $0x1  }
0x121: {  	v4 =	vmul.f32 $1.442695020e+00, v4;
	_ =	sdelay $0x1  }
0x122: {  	(erf) = vpow2.f32 v4;
	_ =	sdelay $0x8  }
0x123: {  	v4 =	vpop (erf)  }
0x124: {  	v4 =	vadd.f32 $1.000000000e+00, v4;
	_ =	sdelay $0x1  }
0x125: {  	(erf) = vrcp.f32 v4;
	_ =	sdelay $0x4  }
0x126: {  	v4 =	vld [tilespmem:s21+$0x5340];
	_ =	sdelay $0x3  }
0x127: {  	v5 =	vpop (erf)  }
0x128: {  	v4 =	vmul.f32 v5, v4;
	[tilespmem:s21+$0x14340] =	vst v5  }
0x129: {  	[tilespmem:s21+$0xF300] =	vst v3  }
0x12a: {  	[tilespmem:s21+$0x14300] =	vst v4  }
0x12b: {  	v4 =	vld [tilespmem:$0x19300]  }
0x12c: {  	v5 =	vld [tilespmem:$0x19380];
	_ =	sdelay $0x2  }
0x12d: {  	v6 =	vmul.f32 v3, v3  }
0x12e: {  	v3 =	vadd.f32 v4, v3  }
0x12f: {  	v4 =	vadd.f32 v5, v6  }
0x130: {  	[tilespmem:$0x19300] =	vst v3  }
0x131: {  	[tilespmem:$0x19380] =	vst v4  }
0x132: {  	v3 =	vld.idx.msk [tilespmem:v0+s21+$0xFFFFFFE0 ss:$0x1], $0xffff  }
0x133: {  	v4 =	vld [tilespmem:s21+$0x5310];
	_ =	sdelay $0x1  }
0x134: {  	v5 =	vld [tilespmem:s21+$0xA310];
	_ =	sdelay $0x2  }
0x135: {  	v3 =	vadd.f32 v4, v3;
	_ =	sdelay $0x1  }
0x136: {  	v3 =	vadd.f32 v5, v3;
	_ =	sdelay $0x1  }
0x137: {  	v4 =	vsub.f32 $0.0e+00, v3;
	_ =	sdelay $0x1  }
0x138: {  	v4 =	vmul.f32 $1.442695020e+00, v4;
	_ =	sdelay $0x1  }
0x139: {  	(erf) = vpow2.f32 v4;
	_ =	sdelay $0x8  }
0x13a: {  	v4 =	vpop (erf)  }
0x13b: {  	v4 =	vadd.f32 $1.000000000e+00, v4;
	_ =	sdelay $0x1  }
0x13c: {  	(erf) = vrcp.f32 v4;
	_ =	sdelay $0x4  }
0x13d: {  	v4 =	vld [tilespmem:s21+$0x5350];
	_ =	sdelay $0x3  }
0x13e: {  	v5 =	vpop (erf)  }
0x13f: {  	[tilespmem:s21+$0xF310] =	vst v3;
	v4 =	vmul.f32 v5, v4  }
0x140: {  	[tilespmem:s21+$0x14350] =	vst v5  }
0x141: {  	[tilespmem:s21+$0x14310] =	vst v4  }
0x142: {  	v4 =	vld [tilespmem:$0x19310]  }
0x143: {  	v5 =	vld [tilespmem:$0x19390];
	_ =	sdelay $0x2  }
0x144: {  	v6 =	vmul.f32 v3, v3  }
0x145: {  	v3 =	vadd.f32 v4, v3  }
0x146: {  	v4 =	vadd.f32 v5, v6  }
0x147: {  	[tilespmem:$0x19310] =	vst v3  }
0x148: {  	[tilespmem:$0x19390] =	vst v4  }
0x149: {  	v3 =	vld.idx.msk [tilespmem:v0+s21+$0xFFFFFFF0 ss:$0x1], $0xffff  }
0x14a: {  	v4 =	vld [tilespmem:s21+$0x5320];
	_ =	sdelay $0x1  }
0x14b: {  	v5 =	vld [tilespmem:s21+$0xA320];
	_ =	sdelay $0x2  }
0x14c: {  	v3 =	vadd.f32 v4, v3;
	_ =	sdelay $0x1  }
0x14d: {  	v3 =	vadd.f32 v5, v3;
	_ =	sdelay $0x1  }
0x14e: {  	[tilespmem:s21+$0xF320] =	vst v3;
	v4 =	vsub.f32 $0.0e+00, v3;
	_ =	sdelay $0x1  }
0x14f: {  	v4 =	vmul.f32 $1.442695020e+00, v4;
	_ =	sdelay $0x1  }
0x150: {  	(erf) = vpow2.f32 v4;
	_ =	sdelay $0x8  }
0x151: {  	v4 =	vpop (erf)  }
0x152: {  	v4 =	vadd.f32 $1.000000000e+00, v4;
	_ =	sdelay $0x1  }
0x153: {  	(erf) = vrcp.f32 v4;
	_ =	sdelay $0x4  }
0x154: {  	v4 =	vld [tilespmem:s21+$0x5360];
	_ =	sdelay $0x3  }
0x155: {  	v5 =	vpop (erf)  }
0x156: {  	v4 =	vmul.f32 v5, v4;
	[tilespmem:s21+$0x14360] =	vst v5;
	_ =	sdelay $0x1  }
0x157: {  	[tilespmem:s21+$0x14320] =	vst v4  }
0x158: {  	v4 =	vld [tilespmem:$0x19320]  }
0x159: {  	v5 =	vld [tilespmem:$0x193A0];
	_ =	sdelay $0x2  }
0x15a: {  	v6 =	vmul.f32 v3, v3  }
0x15b: {  	v3 =	vadd.f32 v4, v3  }
0x15c: {  	v4 =	vadd.f32 v5, v6  }
0x15d: {  	[tilespmem:$0x19320] =	vst v3  }
0x15e: {  	[tilespmem:$0x193A0] =	vst v4  }
0x15f: {  	v3 =	vld.idx.msk [tilespmem:v0+s21+$0x0 ss:$0x1], $0xffff  }
0x160: {  	v4 =	vld [tilespmem:s21+$0x5330]  }
0x161: {  	v5 =	vld [tilespmem:s21+$0xA330]  }
0x162: {  	v6 =	vld [tilespmem:s21+$0x5370];
	_ =	sdelay $0x2  }
0x163: {  	v3 =	vadd.f32 v4, v3;
	_ =	sdelay $0x1  }
0x164: {  	v3 =	vadd.f32 v5, v3;
	_ =	sdelay $0x1  }
0x165: {  	[tilespmem:s21+$0xF330] =	vst v3;
	v4 =	vsub.f32 $0.0e+00, v3;
	_ =	sdelay $0x1  }
0x166: {  	v4 =	vmul.f32 $1.442695020e+00, v4;
	_ =	sdelay $0x1  }
0x167: {  	(erf) = vpow2.f32 v4;
	_ =	sdelay $0x8  }
0x168: {  	v4 =	vpop (erf)  }
0x169: {  	v4 =	vadd.f32 $1.000000000e+00, v4;
	_ =	sdelay $0x1  }
0x16a: {  	(erf) = vrcp.f32 v4;
	_ =	sdelay $0x8  }
0x16b: {  	v4 =	vpop (erf)  }
.Ltmp1:
0x16c: {  	v5 =	vmul.f32 v4, v6;
	[tilespmem:s21+$0x14370] =	vst v4;
	(pc) =	sbr.rel @p1 .LBB2_5-.Ltmp1, $4  }
0x16d: {  	_ = 	snop  }
0x16e: {  	v4 =	vmul.f32 v3, v3;
	[tilespmem:s21+$0x14330] =	vst v5  }
0x16f: {  	v5 =	vld [tilespmem:$0x19330]  }
0x170: {  	v6 =	vld [tilespmem:$0x193B0]  }
0x171: {  	_ =	sdelay $0x2  }
0x172: {  	v3 =	vadd.f32 v5, v3  }
0x173: {  	s18 =	smul.u32 $0xA0, s14;
	v4 =	vadd.f32 v6, v4  }
0x174: {  	[tilespmem:$0x19330] =	vst v3  }
0x175: {  	s21 =	simm.s32 $0x200;
	p1 =	seq.s32 s14, $0x7C;
	s30 =	sadd.s32 s18, s12;
	[tilespmem:$0x193B0] =	vst v4  }
0x176: {  	[spmem:s3] =	stream.indirect.scatter.add.f32 [tilespmem:s31], [sflag:$0x3], $0x80, s21, s20, $0xb8;
	v63 =	vld [tilespmem:$0x0]  }
.Ltmp2:
0x177: {  	s21 =	sshll.u32 s30, $0x4;
	(pc) =	sbr.rel @!p1 .LBB2_7-.Ltmp2, $4  }
0x178: {  	s30 =	simm.s32 $0xF300;
	s24 =	sadd.s32 s9, s21  }
0x179: {  	[hbm4b:s24+s4] =	stream.linear.scatter [tilespmem:s30], [sflag:$0x5], $0x2800, $0x38;
	v63 =	vld [tilespmem:$0x0]  }
0x17a: {  	s21 =	sadd.s32 s10, s21  }
0x17b: {  	[hbm4b:s21+s4] =	stream.linear.scatter [tilespmem:s31], [sflag:$0x5], $0x2800, $0x38;
	v63 =	vld [tilespmem:$0x0]  }
0x17c: {  	_ =	swait.ge [sflag:s22], $0x2800  }
0x17d: {  	[sflag:s22] =	ssyncset.done $0x0  }
0x17e: {  	[sflag:s22] =	ssyncadd.s32 $0xFFFFD800  }
0x17f: {  	_ =	swait.ge [sflag:s22], $0x2800  }
.Ltmp3:
0x180: {  	[sflag:s22] =	ssyncset.done $0x0;
	(pc) =	sbr.rel .LBB2_9-.Ltmp3, $4  }
0x181: {  	[sflag:s22] =	ssyncadd.s32 $0xFFFFD800  }
0x182: {  	_ =	swait.ge [sflag:s19], $0x2800  }
0x183: {  	[sflag:s19] =	ssyncset.done $0x0  }
0x184: {  	[sflag:s19] =	ssyncadd.s32 $0xFFFFD800  }
.LBB2_7:
0x185: {  	s21 =	rddreg [dreg:$0xd]  }
0x186: {  	s21 =	sadd.s32 s18, s21  }
0x187: {  	s24 =	sshrl.u32 s21, $0x3;
	s21 =	sadd.s32 s11, s21  }
0x188: {  	s24 =	sadd.s32 s7, s24;
	s30 =	sshrl.u32 s21, $0x3  }
0x189: {  	[tilespmem:s4], [sflag:$0x1] =	stream.linear.gather [hbm4b:s24+s4], $0x50, $0x38;
	v63 =	vld [tilespmem:$0x0]  }
0x18a: {  	s21 =	sshll.u32 s21, $0x4;
	s24 =	sadd.s32 s8, s30  }
0x18b: {  	[tilespmem:s6], [sflag:$0x1] =	stream.linear.gather [hbm4b:s24+s4], $0x50, $0x38;
	v63 =	vld [tilespmem:$0x0]  }
0x18c: {  	s21 =	sadd.s32 s5, s21;
	s30 =	simm.s32 $0xA300  }
0x18d: {  	[tilespmem:s30], [sflag:$0x1] =	stream.linear.gather [hbm4b:s21+s4], $0x2800, $0x38;
	v63 =	vld [tilespmem:$0x0]  }
0x18e: {  	_ =	swait.ge [sflag:s22], $0x2800  }
0x18f: {  	[sflag:s22] =	ssyncset.done $0x0  }
0x190: {  	[sflag:s22] =	ssyncadd.s32 $0xFFFFD800  }
0x191: {  	_ =	swait.ge [sflag:s22], $0x2800  }
0x192: {  	[sflag:s22] =	ssyncset.done $0x0  }
0x193: {  	[sflag:s22] =	ssyncadd.s32 $0xFFFFD800  }
0x194: {  	_ =	swait.ge [sflag:s19], $0x2800  }
0x195: {  	[sflag:s19] =	ssyncset.done $0x0  }
0x196: {  	[sflag:s19] =	ssyncadd.s32 $0xFFFFD800  }
0x197: {  	_ =	swait.ge [sflag:s15], $0x50  }
0x198: {  	[sflag:s15] =	ssyncset.done $0x0  }
0x199: {  	[sflag:s15] =	ssyncadd.s32 $0xFFFFFFB0  }
0x19a: {  	_ =	swait.ge [sflag:s15], $0x50  }
0x19b: {  	[sflag:s15] =	ssyncset.done $0x0  }
0x19c: {  	[sflag:s15] =	ssyncadd.s32 $0xFFFFFFB0  }
0x19d: {  	_ =	swait.ge [sflag:s15], $0x2800  }
0x19e: {  	[sflag:s15] =	ssyncset.done $0x0  }
0x19f: {  	[sflag:s15] =	ssyncadd.s32 $0xFFFFD800  }
0x1a0: {  	v3 =	vld [tilespmem:$0x0]  }
0x1a1: {  	v4 =	vld [tilespmem:$0x10]  }
0x1a2: {  	v5 =	vld [tilespmem:$0x20]  }
0x1a3: {  	v6 =	vld [tilespmem:$0x30]  }
0x1a4: {  	v7 =	vld [tilespmem:$0x40]  }
0x1a5: {  	vm0 =	vlt.s32 v3, $0xD10  }
0x1a6: {  	vm12 =	vlt.s32 v4, $0xD10;
	v3 =	vnsel vm0, $0xD10, v3  }
0x1a7: {  	vm13 =	vlt.s32 v5, $0xD10;
	[tilespmem:$0x200] =	vst v3;
	v3 =	vnsel vm12, $0xD10, v4  }
0x1a8: {  	vm14 =	vlt.s32 v6, $0xD10;
	[tilespmem:$0x210] =	vst v3;
	v3 =	vnsel vm13, $0xD10, v5  }
0x1a9: {  	vm15 =	vlt.s32 v7, $0xD10;
	[tilespmem:$0x220] =	vst v3;
	v3 =	vnsel vm14, $0xD10, v6  }
0x1aa: {  	[tilespmem:$0x230] =	vst v3;
	v3 =	vnsel vm15, $0xD10, v7  }
0x1ab: {  	s30 =	simm.s32 $0x300;
	[tilespmem:$0x240] =	vst v3  }
0x1ac: {  	[tilespmem:s30], [sflag:$0x3] =	stream.indirect.gather [hbm4b:s1+s16], $0x80, s4, s16, $0xb8;
	v63 =	vld [tilespmem:$0x0]  }
0x1ad: {  	s24 =	simm.s32 $0x5300  }
0x1ae: {  	[tilespmem:s24], [sflag:$0x3] =	stream.indirect.gather [hbm4b:s2+s16], $0x80, s6, s16, $0xb8;
	v63 =	vld [tilespmem:$0x0]  }
0x1af: {  	s30 =	simm.s32 $0x1700  }
0x1b0: {  	[tilespmem:s30], [sflag:$0x3] =	stream.indirect.gather [hbm4b:s1+s16], $0x80, s16, s16, $0xb8;
	v63 =	vld [tilespmem:$0x0]  }
0x1b1: {  	s24 =	simm.s32 $0x128;
	s30 =	simm.s32 $0x6700  }
0x1b2: {  	[tilespmem:s30], [sflag:$0x3] =	stream.indirect.gather [hbm4b:s2+s16], $0x80, s24, s16, $0xb8;
	v63 =	vld [tilespmem:$0x0]  }
.LBB2_9:
0x1b3: {  	_ =	swait.ge [sflag:s29], $0x1400  }
0x1b4: {  	[sflag:s29] =	ssyncset.done $0x0  }
0x1b5: {  	[sflag:s29] =	ssyncadd.s32 $0xFFFFEC00  }
0x1b6: {  	_ =	swait.ge [sflag:s29], $0x1400  }
0x1b7: {  	[sflag:s29] =	ssyncset.done $0x0  }
0x1b8: {  	[sflag:s29] =	ssyncadd.s32 $0xFFFFEC00  }
0x1b9: {  	_ =	swait.ge [sflag:s29], $0x1400  }
0x1ba: {  	[sflag:s29] =	ssyncset.done $0x0  }
0x1bb: {  	[sflag:s29] =	ssyncadd.s32 $0xFFFFEC00  }
0x1bc: {  	_ =	swait.ge [sflag:s29], $0x1400  }
0x1bd: {  	[sflag:s29] =	ssyncset.done $0x0  }
0x1be: {  	s21 =	simm.s32 $0x0;
	[sflag:s29] =	ssyncadd.s32 $0xFFFFEC00  }
0x1bf: {  	v3 =	vld.idx.msk [tilespmem:v1+s21+$0xFFFFFFD0 ss:$0x1], $0xffff  }
0x1c0: {  	v4 =	vld [tilespmem:s21+$0x7B00];
	_ =	sdelay $0x1  }
0x1c1: {  	v5 =	vld [tilespmem:s21+$0xCB00];
	_ =	sdelay $0x2  }
0x1c2: {  	v3 =	vadd.f32 v4, v3;
	_ =	sdelay $0x1  }
0x1c3: {  	v3 =	vadd.f32 v5, v3;
	_ =	sdelay $0x1  }
0x1c4: {  	v4 =	vsub.f32 $0.0e+00, v3;
	_ =	sdelay $0x1  }
0x1c5: {  	v4 =	vmul.f32 $1.442695020e+00, v4;
	_ =	sdelay $0x1  }
0x1c6: {  	(erf) = vpow2.f32 v4;
	_ =	sdelay $0x8  }
0x1c7: {  	v4 =	vpop (erf)  }
0x1c8: {  	v4 =	vadd.f32 $1.000000000e+00, v4;
	_ =	sdelay $0x1  }
0x1c9: {  	(erf) = vrcp.f32 v4;
	_ =	sdelay $0x4  }
0x1ca: {  	v4 =	vld [tilespmem:s21+$0x7B40];
	_ =	sdelay $0x3  }
0x1cb: {  	v5 =	vpop (erf)  }
0x1cc: {  	[tilespmem:s21+$0x11B00] =	vst v3;
	v4 =	vmul.f32 v5, v4  }
0x1cd: {  	[tilespmem:s21+$0x16B40] =	vst v5  }
0x1ce: {  	[tilespmem:s21+$0x16B00] =	vst v4  }
0x1cf: {  	v4 =	vld [tilespmem:$0x19300]  }
0x1d0: {  	v5 =	vld [tilespmem:$0x19380];
	_ =	sdelay $0x2  }
0x1d1: {  	v6 =	vmul.f32 v3, v3  }
0x1d2: {  	v3 =	vadd.f32 v4, v3  }
0x1d3: {  	v4 =	vadd.f32 v5, v6  }
0x1d4: {  	[tilespmem:$0x19300] =	vst v3  }
0x1d5: {  	[tilespmem:$0x19380] =	vst v4  }
0x1d6: {  	v3 =	vld.idx.msk [tilespmem:v1+s21+$0xFFFFFFE0 ss:$0x1], $0xffff  }
0x1d7: {  	v4 =	vld [tilespmem:s21+$0x7B10];
	_ =	sdelay $0x1  }
0x1d8: {  	v5 =	vld [tilespmem:s21+$0xCB10];
	_ =	sdelay $0x2  }
0x1d9: {  	v3 =	vadd.f32 v4, v3;
	_ =	sdelay $0x1  }
0x1da: {  	v3 =	vadd.f32 v5, v3;
	_ =	sdelay $0x1  }
0x1db: {  	v4 =	vsub.f32 $0.0e+00, v3;
	_ =	sdelay $0x1  }
0x1dc: {  	v4 =	vmul.f32 $1.442695020e+00, v4;
	_ =	sdelay $0x1  }
0x1dd: {  	(erf) = vpow2.f32 v4;
	_ =	sdelay $0x8  }
0x1de: {  	v4 =	vpop (erf)  }
0x1df: {  	v4 =	vadd.f32 $1.000000000e+00, v4;
	_ =	sdelay $0x1  }
0x1e0: {  	(erf) = vrcp.f32 v4;
	_ =	sdelay $0x4  }
0x1e1: {  	v4 =	vld [tilespmem:s21+$0x7B50];
	_ =	sdelay $0x3  }
0x1e2: {  	v5 =	vpop (erf)  }
0x1e3: {  	[tilespmem:s21+$0x11B10] =	vst v3;
	v4 =	vmul.f32 v5, v4  }
0x1e4: {  	[tilespmem:s21+$0x16B50] =	vst v5  }
0x1e5: {  	[tilespmem:s21+$0x16B10] =	vst v4  }
0x1e6: {  	v4 =	vld [tilespmem:$0x19310]  }
0x1e7: {  	v5 =	vld [tilespmem:$0x19390];
	_ =	sdelay $0x2  }
0x1e8: {  	v6 =	vmul.f32 v3, v3  }
0x1e9: {  	v3 =	vadd.f32 v4, v3  }
0x1ea: {  	v4 =	vadd.f32 v5, v6  }
0x1eb: {  	[tilespmem:$0x19310] =	vst v3  }
0x1ec: {  	[tilespmem:$0x19390] =	vst v4  }
0x1ed: {  	v3 =	vld.idx.msk [tilespmem:v1+s21+$0xFFFFFFF0 ss:$0x1], $0xffff  }
0x1ee: {  	v4 =	vld [tilespmem:s21+$0x7B20];
	_ =	sdelay $0x1  }
0x1ef: {  	v5 =	vld [tilespmem:s21+$0xCB20];
	_ =	sdelay $0x2  }
0x1f0: {  	v3 =	vadd.f32 v4, v3;
	_ =	sdelay $0x1  }
0x1f1: {  	v3 =	vadd.f32 v5, v3;
	_ =	sdelay $0x1  }
0x1f2: {  	v4 =	vsub.f32 $0.0e+00, v3;
	_ =	sdelay $0x1  }
0x1f3: {  	v4 =	vmul.f32 $1.442695020e+00, v4;
	_ =	sdelay $0x1  }
0x1f4: {  	(erf) = vpow2.f32 v4;
	_ =	sdelay $0x8  }
0x1f5: {  	v4 =	vpop (erf)  }
0x1f6: {  	v4 =	vadd.f32 $1.000000000e+00, v4;
	_ =	sdelay $0x1  }
0x1f7: {  	(erf) = vrcp.f32 v4;
	_ =	sdelay $0x4  }
0x1f8: {  	v4 =	vld [tilespmem:s21+$0x7B60];
	_ =	sdelay $0x3  }
0x1f9: {  	v5 =	vpop (erf)  }
0x1fa: {  	[tilespmem:s21+$0x11B20] =	vst v3;
	v4 =	vmul.f32 v5, v4  }
0x1fb: {  	[tilespmem:s21+$0x16B60] =	vst v5  }
0x1fc: {  	[tilespmem:s21+$0x16B20] =	vst v4  }
0x1fd: {  	v4 =	vld [tilespmem:$0x19320]  }
0x1fe: {  	v5 =	vld [tilespmem:$0x193A0];
	_ =	sdelay $0x2  }
0x1ff: {  	v6 =	vmul.f32 v3, v3  }
0x200: {  	v3 =	vadd.f32 v4, v3  }
0x201: {  	v4 =	vadd.f32 v5, v6  }
0x202: {  	[tilespmem:$0x19320] =	vst v3  }
0x203: {  	[tilespmem:$0x193A0] =	vst v4  }
0x204: {  	v3 =	vld.idx.msk [tilespmem:v1+s21+$0x0 ss:$0x1], $0xffff  }
0x205: {  	v4 =	vld [tilespmem:s21+$0x7B30];
	_ =	sdelay $0x1  }
0x206: {  	v5 =	vld [tilespmem:s21+$0xCB30];
	_ =	sdelay $0x2  }
0x207: {  	v3 =	vadd.f32 v4, v3;
	_ =	sdelay $0x1  }
0x208: {  	v3 =	vadd.f32 v5, v3;
	_ =	sdelay $0x1  }
0x209: {  	v4 =	vsub.f32 $0.0e+00, v3;
	_ =	sdelay $0x1  }
0x20a: {  	v4 =	vmul.f32 $1.442695020e+00, v4;
	_ =	sdelay $0x1  }
0x20b: {  	(erf) = vpow2.f32 v4;
	_ =	sdelay $0x8  }
0x20c: {  	v4 =	vpop (erf)  }
0x20d: {  	v4 =	vadd.f32 $1.000000000e+00, v4;
	_ =	sdelay $0x1  }
0x20e: {  	(erf) = vrcp.f32 v4;
	_ =	sdelay $0x4  }
0x20f: {  	v4 =	vld [tilespmem:s21+$0x7B70];
	_ =	sdelay $0x3  }
0x210: {  	v5 =	vpop (erf)  }
0x211: {  	[tilespmem:s21+$0x11B30] =	vst v3;
	v4 =	vmul.f32 v5, v4  }
0x212: {  	[tilespmem:s21+$0x16B70] =	vst v5  }
0x213: {  	[tilespmem:s21+$0x16B30] =	vst v4  }
0x214: {  	v5 =	vld [tilespmem:$0x19330]  }
0x215: {  	s24 =	simm.s32 $0x200;
	s21 =	sadd.s32 s18, s17;
	v4 =	vmul.f32 v3, v3;
	v6 =	vld [tilespmem:$0x193B0]  }
.LBB2_10:
0x216: {  	_ = 	snop  }
0x217: {  	p2 =	sne.s32 s24, $0x9E00;
	s30 =	smov.u32 s24;
	s24 =	sadd.s32 $0x200, s24  }
0x218: {  	_ = 	snop  }
0x219: {  	v3 =	vadd.f32 v5, v3  }
0x21a: {  	v4 =	vadd.f32 v6, v4  }
0x21b: {  	s30 =	sshra.s32 s30, $0x2;
	[tilespmem:$0x19330] =	vst v3  }
0x21c: {  	[tilespmem:$0x193B0] =	vst v4  }
0x21d: {  	v3 =	vld.idx.msk [tilespmem:v1+s30+$0xFFFFFFD0 ss:$0x1], $0xffff  }
0x21e: {  	v4 =	vld [tilespmem:s30+$0x7B00];
	_ =	sdelay $0x1  }
0x21f: {  	v5 =	vld [tilespmem:s30+$0xCB00];
	_ =	sdelay $0x2  }
0x220: {  	v3 =	vadd.f32 v4, v3;
	_ =	sdelay $0x1  }
0x221: {  	v3 =	vadd.f32 v5, v3;
	_ =	sdelay $0x1  }
0x222: {  	v4 =	vsub.f32 $0.0e+00, v3;
	_ =	sdelay $0x1  }
0x223: {  	v4 =	vmul.f32 $1.442695020e+00, v4;
	_ =	sdelay $0x1  }
0x224: {  	(erf) = vpow2.f32 v4;
	_ =	sdelay $0x8  }
0x225: {  	v4 =	vpop (erf)  }
0x226: {  	v4 =	vadd.f32 $1.000000000e+00, v4;
	_ =	sdelay $0x1  }
0x227: {  	(erf) = vrcp.f32 v4;
	_ =	sdelay $0x4  }
0x228: {  	v4 =	vld [tilespmem:s30+$0x7B40];
	_ =	sdelay $0x3  }
0x229: {  	v5 =	vpop (erf)  }
0x22a: {  	v4 =	vmul.f32 v5, v4;
	[tilespmem:s30+$0x16B40] =	vst v5  }
0x22b: {  	[tilespmem:s30+$0x11B00] =	vst v3  }
0x22c: {  	[tilespmem:s30+$0x16B00] =	vst v4  }
0x22d: {  	v4 =	vld [tilespmem:$0x19300]  }
0x22e: {  	v5 =	vld [tilespmem:$0x19380];
	_ =	sdelay $0x2  }
0x22f: {  	v6 =	vmul.f32 v3, v3  }
0x230: {  	v3 =	vadd.f32 v4, v3  }
0x231: {  	v4 =	vadd.f32 v5, v6  }
0x232: {  	[tilespmem:$0x19300] =	vst v3  }
0x233: {  	[tilespmem:$0x19380] =	vst v4  }
0x234: {  	v3 =	vld.idx.msk [tilespmem:v1+s30+$0xFFFFFFE0 ss:$0x1], $0xffff  }
0x235: {  	v4 =	vld [tilespmem:s30+$0x7B10];
	_ =	sdelay $0x1  }
0x236: {  	v5 =	vld [tilespmem:s30+$0xCB10];
	_ =	sdelay $0x2  }
0x237: {  	v3 =	vadd.f32 v4, v3;
	_ =	sdelay $0x1  }
0x238: {  	v3 =	vadd.f32 v5, v3;
	_ =	sdelay $0x1  }
0x239: {  	v4 =	vsub.f32 $0.0e+00, v3;
	_ =	sdelay $0x1  }
0x23a: {  	v4 =	vmul.f32 $1.442695020e+00, v4;
	_ =	sdelay $0x1  }
0x23b: {  	(erf) = vpow2.f32 v4;
	_ =	sdelay $0x8  }
0x23c: {  	v4 =	vpop (erf)  }
0x23d: {  	v4 =	vadd.f32 $1.000000000e+00, v4;
	_ =	sdelay $0x1  }
0x23e: {  	(erf) = vrcp.f32 v4;
	_ =	sdelay $0x4  }
0x23f: {  	v4 =	vld [tilespmem:s30+$0x7B50];
	_ =	sdelay $0x3  }
0x240: {  	v5 =	vpop (erf)  }
0x241: {  	[tilespmem:s30+$0x11B10] =	vst v3;
	v4 =	vmul.f32 v5, v4  }
0x242: {  	[tilespmem:s30+$0x16B50] =	vst v5  }
0x243: {  	[tilespmem:s30+$0x16B10] =	vst v4  }
0x244: {  	v4 =	vld [tilespmem:$0x19310]  }
0x245: {  	v5 =	vld [tilespmem:$0x19390];
	_ =	sdelay $0x2  }
0x246: {  	v6 =	vmul.f32 v3, v3  }
0x247: {  	v3 =	vadd.f32 v4, v3  }
0x248: {  	v4 =	vadd.f32 v5, v6  }
0x249: {  	[tilespmem:$0x19310] =	vst v3  }
0x24a: {  	[tilespmem:$0x19390] =	vst v4  }
0x24b: {  	v3 =	vld.idx.msk [tilespmem:v1+s30+$0xFFFFFFF0 ss:$0x1], $0xffff  }
0x24c: {  	v4 =	vld [tilespmem:s30+$0x7B20];
	_ =	sdelay $0x1  }
0x24d: {  	v5 =	vld [tilespmem:s30+$0xCB20];
	_ =	sdelay $0x2  }
0x24e: {  	v3 =	vadd.f32 v4, v3;
	_ =	sdelay $0x1  }
0x24f: {  	v3 =	vadd.f32 v5, v3;
	_ =	sdelay $0x1  }
0x250: {  	[tilespmem:s30+$0x11B20] =	vst v3;
	v4 =	vsub.f32 $0.0e+00, v3;
	_ =	sdelay $0x1  }
0x251: {  	v4 =	vmul.f32 $1.442695020e+00, v4;
	_ =	sdelay $0x1  }
0x252: {  	(erf) = vpow2.f32 v4;
	_ =	sdelay $0x8  }
0x253: {  	v4 =	vpop (erf)  }
0x254: {  	v4 =	vadd.f32 $1.000000000e+00, v4;
	_ =	sdelay $0x1  }
0x255: {  	(erf) = vrcp.f32 v4;
	_ =	sdelay $0x4  }
0x256: {  	v4 =	vld [tilespmem:s30+$0x7B60];
	_ =	sdelay $0x3  }
0x257: {  	v5 =	vpop (erf)  }
0x258: {  	v4 =	vmul.f32 v5, v4;
	[tilespmem:s30+$0x16B60] =	vst v5;
	_ =	sdelay $0x1  }
0x259: {  	[tilespmem:s30+$0x16B20] =	vst v4  }
0x25a: {  	v4 =	vld [tilespmem:$0x19320]  }
0x25b: {  	v5 =	vld [tilespmem:$0x193A0];
	_ =	sdelay $0x2  }
0x25c: {  	v6 =	vmul.f32 v3, v3  }
0x25d: {  	v3 =	vadd.f32 v4, v3  }
0x25e: {  	v4 =	vadd.f32 v5, v6  }
0x25f: {  	[tilespmem:$0x19320] =	vst v3  }
0x260: {  	[tilespmem:$0x193A0] =	vst v4  }
0x261: {  	v3 =	vld.idx.msk [tilespmem:v1+s30+$0x0 ss:$0x1], $0xffff  }
0x262: {  	v4 =	vld [tilespmem:s30+$0x7B30]  }
0x263: {  	v5 =	vld [tilespmem:s30+$0xCB30]  }
0x264: {  	v6 =	vld [tilespmem:s30+$0x7B70];
	_ =	sdelay $0x2  }
0x265: {  	v3 =	vadd.f32 v4, v3;
	_ =	sdelay $0x1  }
0x266: {  	v3 =	vadd.f32 v5, v3;
	_ =	sdelay $0x1  }
0x267: {  	[tilespmem:s30+$0x11B30] =	vst v3;
	v4 =	vsub.f32 $0.0e+00, v3;
	_ =	sdelay $0x1  }
0x268: {  	v4 =	vmul.f32 $1.442695020e+00, v4;
	_ =	sdelay $0x1  }
0x269: {  	(erf) = vpow2.f32 v4;
	_ =	sdelay $0x8  }
0x26a: {  	v4 =	vpop (erf)  }
0x26b: {  	v4 =	vadd.f32 $1.000000000e+00, v4;
	_ =	sdelay $0x1  }
0x26c: {  	(erf) = vrcp.f32 v4;
	_ =	sdelay $0x8  }
0x26d: {  	v4 =	vpop (erf)  }
.Ltmp4:
0x26e: {  	v5 =	vmul.f32 v4, v6;
	[tilespmem:s30+$0x16B70] =	vst v4;
	(pc) =	sbr.rel @p2 .LBB2_10-.Ltmp4, $4  }
0x26f: {  	_ = 	snop  }
0x270: {  	v4 =	vmul.f32 v3, v3;
	[tilespmem:s30+$0x16B30] =	vst v5  }
0x271: {  	v5 =	vld [tilespmem:$0x19330]  }
0x272: {  	v6 =	vld [tilespmem:$0x193B0]  }
0x273: {  	_ =	sdelay $0x2  }
0x274: {  	v3 =	vadd.f32 v5, v3  }
0x275: {  	v4 =	vadd.f32 v6, v4  }
0x276: {  	[tilespmem:$0x19330] =	vst v3  }
0x277: {  	s24 =	simm.s32 $0x280;
	s21 =	sshll.u32 s21, $0x4;
	[tilespmem:$0x193B0] =	vst v4  }
0x278: {  	[spmem:s3] =	stream.indirect.scatter.add.f32 [tilespmem:s13], [sflag:$0x4], $0x80, s24, s20, $0xb8;
	v63 =	vld [tilespmem:$0x0]  }
0x279: {  	s30 =	sadd.s32 s9, s21  }
0x27a: {  	[hbm4b:s30+s4] =	stream.linear.scatter [tilespmem:s0], [sflag:$0x6], $0x2800, $0x38;
	v63 =	vld [tilespmem:$0x0]  }
0x27b: {  	s18 =	sadd.s32 @!p1 s18, s23;
	s21 =	sadd.s32 s10, s21  }
0x27c: {  	[hbm4b:s21+s4] =	stream.linear.scatter [tilespmem:s13], [sflag:$0x6], $0x2800, $0x38;
	v63 =	vld [tilespmem:$0x0]  }
0x27d: {  	s24 =	simm.s32 @!p1 $0x0;
	s21 =	sshrl.u32 @!p1 s18, $0x3  }
0x27e: {  	s30 =	simm.s32 @!p1 $0x80;
	s18 =	sadd.s32 @!p1 s11, s18;
	s21 =	sadd.s32 @!p1 s7, s21  }
0x27f: {  	[tilespmem:s30], [sflag:$0x2] =	stream.linear.gather @!p1 [hbm4b:s21+s24], $0x50, $0x38;
	v63 =	vld [tilespmem:$0x0]  }
0x280: {  	s21 =	sshrl.u32 @!p1 s18, $0x3  }
0x281: {  	s30 =	simm.s32 @!p1 $0x180;
	s18 =	sshll.u32 @!p1 s18, $0x4;
	s21 =	sadd.s32 @!p1 s8, s21  }
0x282: {  	[tilespmem:s30], [sflag:$0x2] =	stream.linear.gather @!p1 [hbm4b:s21+s24], $0x50, $0x38;
	v63 =	vld [tilespmem:$0x0]  }
0x283: {  	s14 =	sadd.s32 $0x1, s14;
	s18 =	sadd.s32 @!p1 s5, s18;
	s21 =	simm.s32 @!p1 $0xCB00  }
0x284: {  	[tilespmem:s21], [sflag:$0x2] =	stream.linear.gather @!p1 [hbm4b:s18+s24], $0x2800, $0x38;
	v63 =	vld [tilespmem:$0x0]  }
0x285: {  	p1 =	sne.s32 s14, $0x7D  }
.Ltmp5:
0x286: {  	_ = 	snop;
	(pc) =	sbr.rel @p1 .LBB2_4-.Ltmp5, $4  }
0x287: {  	_ = 	snop  }
0x288: {  	_ =	swait.ge [sflag:s29], $0x2800  }
0x289: {  	[sflag:s29] =	ssyncset.done $0x0  }
0x28a: {  	[sflag:s29] =	ssyncadd.s32 $0xFFFFD800  }
0x28b: {  	s14 =	simm.s32 $0x6  }
0x28c: {  	_ =	swait.ge [sflag:s14], $0x2800  }
0x28d: {  	[sflag:s14] =	ssyncset.done $0x0  }
0x28e: {  	[sflag:s14] =	ssyncadd.s32 $0xFFFFD800  }
0x28f: {  	_ =	swait.ge [sflag:s14], $0x2800  }
0x290: {  	s18 =	simm.s32 $0x19300;
	[sflag:s14] =	ssyncset.done $0x0  }
0x291: {  	s30 =	simm.s32 $0x7;
	s21 =	rddreg [dreg:$0xe];
	[sflag:s14] =	ssyncadd.s32 $0xFFFFD800  }
0x292: {  	[hbm4b:s21+s4] =	stream.linear.scatter [tilespmem:s18], [sflag:$0x7], $0x400, $0x38;
	v63 =	vld [tilespmem:$0x0]  }
0x293: {  	_ =	swait.ge [sflag:s30], $0x400  }
0x294: {  	[sflag:s30] =	ssyncset.done $0x0  }
0x295: {  	[sflag:s30] =	ssyncadd.s32 $0xFFFFFC00  }
0x296: {  	s24 =	stileid.u32;
	[bflag:$0x0] =	sbarrier.arrive $0xFFFF  }
0x297: {  	s14 =	sshll.u32 s24, $0x6;
	s24 =	rddreg [dreg:$0x5]  }
0x298: {  	s14 =	sor.u32 $0x1C07, s14;
	s21 =	rddreg [dreg:$0x9];
	s18 =	sshrl.u32 s24, $0x3  }
0x299: {  	[hbm:s21], [sflag:s14] =	dma.local [spmem:s18], $0xD00  }
0x29a: {  	_ =	swait.ge [sflag:s30], $0xD00  }
0x29b: {  	[sflag:s30] =	ssyncset.done $0x0;
	s18 =	rddreg [dreg:$0x13]  }
0x29c: {  	s21 =	rddreg [dreg:$0xf];
	[sflag:s30] =	ssyncadd.s32 $0xFFFFF300;
	s18 =	sshrl.u32 @!p0 s18, $0x3  }
0x29d: {  	[hbm:s21], [sflag:s14] =	dma.local @!p0 [spmem:s18], $0x100  }
0x29e: {  	s14 =	simm.s32 @!p0 $0x7  }
0x29f: {  	_ =	swait.ge @!p0 [sflag:s14], $0x100  }
0x2a0: {  	s18 =	rddreg [dreg:$0x14]  }
0x2a1: {  	s30 =	rddreg [dreg:$0x10];
	s21 =	sadd.s32 $0x1, s18  }
0x2a2: {  	p1 =	sne.s32 s21, s30  }
.Ltmp6:
0x2a3: {  	_ = 	snop;
	(pc) =	sbr.rel @p1 .LBB2_1-.Ltmp6, $3  }
0x2a4: {  	_ =	sdelay $0x1  }
0x2a5: {  	[sflag:s14] =	ssyncset.done @!p0 $0x0  }
0x2a6: {  	[sflag:s14] =	ssyncadd.s32 @!p0 $0xFFFFFF00  }
0x2a7: {  	_ =	sfence.sel $0x180000  }
0x2a8: {  	[bflag:$0x0] =	sbarrier.arrive $0xFFFF  }
0x2a9: {  	_ =	strace $0x90000047  }
0x2aa: {  	s0 =	stileid.u32;
	[bflag:$0x2] =	sbarrier.arrive $0xFFFF  }
0x2ab: {  	p0 =	sne.s32 s0, $0x0;
	s0 =	rddreg [dreg:$0x4]  }
0x2ac: {  	s0 =	sadd.s32 @!p0 $0x100000, s0  }
0x2ad: {  	[sflag:s0] =	ssyncadd.tile.s32 @!p0 $0x1;
	_ =	shalt  }
.Lfunc_end2:
_tile_overlayer_lowered:
.L_overlay_start_2:
0x2ae: {  	(tag) =	ssettag $0x2  }
0x2af: {  	s0 =	rddreg [dreg:$0x0];
	s2 =	stileid.u32  }
0x2b0: {  	s1 =	rddreg [dreg:$0x1];
	p0 =	sne.s32 s2, $0x0  }
0x2b1: {  	s3 =	rddreg [dreg:$0x2];
	[bflag:$0x3] =	sbarrier.arrive $0xFFFF;
	s2 =	simm.s32 @!p0 $0x1C07  }
0x2b2: {  	[timem:s3], [sflag:s2] =	dma.local @!p0 [hbm:s0], s1  }
0x2b3: {  	s0 =	simm.s32 @!p0 $0x7  }
0x2b4: {  	_ =	swait.ge @!p0 [sflag:s0], s1  }
0x2b5: {  	s1 =	ssub.s32 @!p0 $0x0, s1;
	[sflag:s0] =	ssyncset.done @!p0 $0x0  }
0x2b6: {  	[sflag:s0] =	ssyncadd.s32 @!p0 s1  }
0x2b7: {  	[bflag:$0x3] =	sbarrier.arrive $0xFFFF  }
0x2b8: {  	_ =	shalt  }

</sc_bundles>
